<compile_context>
chip_gen: v7x
topology: tpu7x:2x2x1
jax: 0.10.2.dev20260603
libtpu: 0.0.44.dev20260713+nightly
codegen_flags: <defaults>
</compile_context>

<pallas_src>
import jax
import jax.numpy as jnp
from jax import lax
from jax.experimental import pallas as pl
from jax.experimental.pallas import tpu as pltpu
from jax.experimental.pallas import tpu_sc as plsc

N = 10000
NP = 10240
E = 320000
D = 128
DW = 8
NW = 32
EPW = E // NW
C = 80
NCHUNK = EPW // C
NBUF = 3
G = 25
NGROUP = NCHUNK // G
STRIPE = NP // 16


def _tc_prep(f_ref, ww_ref, wb_ref, aw_ref, ab_ref, h_ref, as_ref, ad_ref, m_ref):
    h = lax.dot_general(f_ref[...], ww_ref[...], (((1,), (1,)), ((), ())),
                        preferred_element_type=jnp.float32)
    h = h + wb_ref[...]
    h_ref[...] = h
    a_s = lax.dot_general(aw_ref[0:1], h, (((1,), (1,)), ((), ())),
                          preferred_element_type=jnp.float32) + ab_ref[0, 0]
    a_d = lax.dot_general(aw_ref[1:2], h, (((1,), (1,)), ((), ())),
                          preferred_element_type=jnp.float32)
    as_ref[...] = a_s
    ad_ref[...] = a_d
    pre_max = jnp.max(a_s) + jnp.max(a_d)
    m = jnp.where(pre_max > 0, pre_max, 0.2 * pre_max)
    m_ref[...] = jnp.full((1, 128), m, jnp.float32)


def _sc_edges(h_hbm, as_hbm, ad_hbm, m_hbm, src_hbm, dst_hbm, acc_hbm, den_hbm,
              src_g, dst_g, asv, adv, m_v, rows_v, dstage_v, ex_v,
              acc_sh, den_sh, gsem0, gsem1, gsem2, ssem0, ssem1, ssem2,
              isem0, isem1):
    c = lax.axis_index("c")
    s = lax.axis_index("s")
    w = s * 2 + c
    gsem = (gsem0, gsem1, gsem2)
    ssem = (ssem0, ssem1, ssem2)

    pltpu.sync_copy(m_hbm.at[pl.ds(0, 16)], m_v)
    pltpu.sync_copy(src_hbm.at[pl.ds(w * NCHUNK, G)], src_g.at[0])
    pltpu.sync_copy(dst_hbm.at[pl.ds(w * NCHUNK, G)], dst_g.at[0])

    def issue_group(gn):
        sl = lax.rem(gn, 2)
        start = w * NCHUNK + gn * G
        pltpu.async_copy(src_hbm.at[pl.ds(start, G)], src_g.at[sl], isem0)
        pltpu.async_copy(dst_hbm.at[pl.ds(start, G)], dst_g.at[sl], isem1)

    def wait_group(gn):
        sl = lax.rem(gn, 2)
        start = w * NCHUNK + gn * G
        pltpu.make_async_copy(src_hbm.at[pl.ds(start, G)], src_g.at[sl],
                              isem0).wait()
        pltpu.make_async_copy(dst_hbm.at[pl.ds(start, G)], dst_g.at[sl],
                              isem1).wait()

    zero16 = jnp.zeros((16,), jnp.float32)
    zeros_i = jnp.zeros((16,), jnp.int32)
    lane = lax.iota(jnp.int32, 16)
    lane_div8 = lane >> 3
    lane_mod8 = lane & 7

    def zrow(r, carry):
        for d in range(D // 16):
            rows_v[0, r, pl.ds(d * 16, 16)] = zero16
        return carry

    lax.fori_loop(0, C, zrow, 0)

    def zden(r, carry):
        for b in range(NBUF):
            plsc.store_scatter(dstage_v, [zeros_i + b, r * 2 + lane_div8,
                                          lane_mod8], zero16)
        return carry

    lax.fori_loop(0, C // 2, zden, 0)

    base = s * STRIPE
    for k in range(STRIPE // C):
        pltpu.async_copy(rows_v.at[0], acc_sh.at[pl.ds(base + k * C, C)], ssem0)
        pltpu.async_copy(dstage_v.at[0], den_sh.at[pl.ds(base + k * C, C)], ssem1)
    for k in range(STRIPE // C):
        pltpu.make_async_copy(rows_v.at[0], acc_sh.at[pl.ds(base + k * C, C)],
                              ssem0).wait()
        pltpu.make_async_copy(dstage_v.at[0], den_sh.at[pl.ds(base + k * C, C)],
                              ssem1).wait()
    plsc.subcore_barrier()

    mvec = m_v[...]

    def idx_ref(g_ref, j):
        return g_ref.at[lax.rem(lax.div(j, G), 2), lax.rem(j, G)]

    def issue_gather(j, b):
        pltpu.async_copy(h_hbm.at[idx_ref(src_g, j)], rows_v.at[b], gsem[b])
        pltpu.async_copy(as_hbm.at[idx_ref(src_g, j)], asv.at[b], gsem[b])
        pltpu.async_copy(ad_hbm.at[idx_ref(dst_g, j)], adv.at[b], gsem[b])

    def wait_gather(j, b):
        pltpu.make_async_copy(h_hbm.at[idx_ref(src_g, j)], rows_v.at[b],
                              gsem[b]).wait()
        pltpu.make_async_copy(as_hbm.at[idx_ref(src_g, j)], asv.at[b],
                              gsem[b]).wait()
        pltpu.make_async_copy(ad_hbm.at[idx_ref(dst_g, j)], adv.at[b],
                              gsem[b]).wait()

    def issue_scatter(j, b):
        pltpu.async_copy(rows_v.at[b], acc_sh.at[idx_ref(dst_g, j)],
                         ssem[b], add=True)
        pltpu.async_copy(dstage_v.at[b], den_sh.at[idx_ref(dst_g, j)],
                         ssem[b], add=True)

    def wait_scatter(b):
        pltpu.make_async_copy(rows_v.at[b], acc_sh.at[pl.ds(0, C)], ssem[b]).wait()
        pltpu.make_async_copy(dstage_v.at[b], den_sh.at[pl.ds(0, C)], ssem[b]).wait()

    def compute(j, b):
        def exblk(k, carry):
            sl = pl.ds(k * 16, 16)
            pre = asv[b, sl] + adv[b, sl]
            sc = jnp.where(pre > 0, pre, 0.2 * pre)
            ex = jnp.exp(sc - mvec)
            ex_v[sl] = ex
            plsc.store_scatter(dstage_v, [zeros_i + b, lane + k * 16, zeros_i], ex)
            return carry

        lax.fori_loop(0, C // 16, exblk, 0)

        def scale(r2, carry):
            for u in range(2):
                r = r2 * 2 + u
                exs = plsc.load_gather(ex_v, [zeros_i + r])
                for d in range(D // 16):
                    sl = pl.ds(d * 16, 16)
                    rows_v[b, r, sl] = rows_v[b, r, sl] * exs
            return carry

        lax.fori_loop(0, C // 2, scale, 0)

    issue_gather(0, 0)
    issue_gather(1, 1)

    def tbody(t, carry):
        for b in range(NBUF):
            j = t * NBUF + b
            b2 = (b + 2) % NBUF

            @pl.when(j < NCHUNK)
            def _():
                wait_gather(j, b)
                compute(j, b)
                issue_scatter(j, b)

                @pl.when(j >= 1)
                def _():
                    wait_scatter(b2)

                @pl.when((lax.rem(j, G) == 0) & (j + G < NCHUNK))
                def _():
                    issue_group(lax.div(j, G) + 1)

                @pl.when(j + 2 < NCHUNK)
                def _():
                    @pl.when((lax.rem(j + 2, G) == 0) & (j + 2 > 0))
                    def _():
                        wait_group(lax.div(j + 2, G))

                    issue_gather(j + 2, b2)

        return carry

    lax.fori_loop(0, (NCHUNK + NBUF - 1) // NBUF, tbody, 0)
    wait_scatter((NCHUNK - 1) % NBUF)

    plsc.subcore_barrier()
    pltpu.async_copy(acc_sh.at[pl.ds(base, STRIPE)],
                     acc_hbm.at[c, pl.ds(base, STRIPE)], ssem0)
    pltpu.async_copy(den_sh.at[pl.ds(base, STRIPE)],
                     den_hbm.at[c, pl.ds(base, STRIPE)], ssem1)
    pltpu.make_async_copy(acc_sh.at[pl.ds(base, STRIPE)],
                          acc_hbm.at[c, pl.ds(base, STRIPE)], ssem0).wait()
    pltpu.make_async_copy(den_sh.at[pl.ds(base, STRIPE)],
                          den_hbm.at[c, pl.ds(base, STRIPE)], ssem1).wait()


def _tc_combine(acc_ref, den_ref, out_ref):
    num = acc_ref[0, :N] + acc_ref[1, :N]
    den = den_ref[0, :N, 0:1] + den_ref[1, :N, 0:1]
    out_ref[...] = jnp.where(den != 0.0, num / den, 0.0)


def kernel(features, edge_index, W_w, W_b, attn_w, attn_b):
    aw = attn_w.reshape(2, D)
    wb = W_b.reshape(1, D)
    ab = attn_b.reshape(1, 1)
    src = edge_index[0].reshape(NW * NCHUNK, C)
    dst = edge_index[1].reshape(NW * NCHUNK, C)

    h, as_row, ad_row, m_row = pl.pallas_call(
        _tc_prep,
        out_shape=[
            jax.ShapeDtypeStruct((N, D), jnp.float32),
            jax.ShapeDtypeStruct((1, N), jnp.float32),
            jax.ShapeDtypeStruct((1, N), jnp.float32),
            jax.ShapeDtypeStruct((1, 128), jnp.float32),
        ],
    )(features, W_w, wb, aw, ab)

    a_s = as_row.reshape(N)
    a_d = ad_row.reshape(N)
    m16 = m_row.reshape(128)[:16]

    sc_call = pl.kernel(
        _sc_edges,
        out_type=[
            jax.ShapeDtypeStruct((2, NP, D), jnp.float32),
            jax.ShapeDtypeStruct((2, NP, DW), jnp.float32),
        ],
        mesh=plsc.VectorSubcoreMesh(core_axis_name="c", subcore_axis_name="s"),
        compiler_params=pltpu.CompilerParams(
            use_tc_tiling_on_sc=False, needs_layout_passes=False),
        scratch_types=[
            pltpu.VMEM((2, G, C), jnp.int32),
            pltpu.VMEM((2, G, C), jnp.int32),
            pltpu.VMEM((NBUF, C), jnp.float32),
            pltpu.VMEM((NBUF, C), jnp.float32),
            pltpu.VMEM((16,), jnp.float32),
            pltpu.VMEM((NBUF, C, D), jnp.float32),
            pltpu.VMEM((NBUF, C, DW), jnp.float32),
            pltpu.VMEM((C,), jnp.float32),
            pltpu.VMEM_SHARED((NP, D), jnp.float32),
            pltpu.VMEM_SHARED((NP, DW), jnp.float32),
            pltpu.SemaphoreType.DMA,
            pltpu.SemaphoreType.DMA,
            pltpu.SemaphoreType.DMA,
            pltpu.SemaphoreType.DMA,
            pltpu.SemaphoreType.DMA,
            pltpu.SemaphoreType.DMA,
            pltpu.SemaphoreType.DMA,
            pltpu.SemaphoreType.DMA,
        ],
    )
    acc, den = sc_call(h, a_s, a_d, m16, src, dst)

    out = pl.pallas_call(
        _tc_combine,
        out_shape=jax.ShapeDtypeStruct((N, D), jnp.float32),
    )(acc, den)
    return out

# --- scband reference (transcript-rebuilt; emitter-appended) ---
"""Pipeline reference for scband-global-attention-layer-88862873354915 (READ-ONLY COPY).

The authoritative reference and input builder live on the scoring server;
editing this copy changes nothing except your own understanding.
"""

import jax, jax.numpy as jnp
import numpy as np

N_NODES = 10000
N_EDGES = 320000
D_IN = 128
D_OUT = 128


def _xavier_uniform(key, shape):
    fan_in, fan_out = shape[1], shape[0]
    limit = float(np.sqrt(6.0 / (fan_in + fan_out)))
    return jax.random.uniform(key, shape, dtype=jnp.float32, minval=-limit, maxval=limit)


def setup_inputs(seed: int = 0) -> dict:
    key = jax.random.key(seed)
    k1, k2, k3, k4 = jax.random.split(key, 4)
    features = jax.random.normal(k1, (N_NODES, D_IN), dtype=jnp.float32)
    edge_index = jax.random.randint(k2, (2, N_EDGES), 0, N_NODES, dtype=jnp.int32)
    W_w = _xavier_uniform(k3, (D_OUT, D_IN))          # nn.Linear weight [out, in]
    W_b = jnp.zeros((D_OUT,), dtype=jnp.float32)      # nn.Linear bias
    attn_w = _xavier_uniform(k4, (2 * D_OUT, 1))      # attention weight
    attn_b = jnp.zeros((1,), dtype=jnp.float32)       # attention bias
    return {"features": features, "edge_index": edge_index, "W_w": W_w, "W_b": W_b, "attn_w": attn_w, "attn_b": attn_b}


def reference(features, edge_index, W_w, W_b, attn_w, attn_b):
    # transformed_features = self.W(features)
    h = features @ W_w.T + W_b                                   # [N, D_OUT]
    src = edge_index[0]
    dst = edge_index[1]
    src_f = h[src]                                               # [E, D_OUT] gather
    dst_f = h[dst]                                               # [E, D_OUT] gather
    scores = jnp.concatenate([src_f, dst_f], axis=-1)            # [E, 2*D_OUT]
    scores = (scores @ attn_w).squeeze(-1)                       # [E]
    scores = scores + attn_b[0]
    scores = jnp.where(scores > 0, scores, 0.2 * scores)         # leaky_relu(0.2)
    # edge_softmax over destination nodes (DGL semantics)
    seg_max = jax.ops.segment_max(scores, dst, num_segments=N_NODES)
    seg_max = jnp.where(jnp.isfinite(seg_max), seg_max, 0.0)
    ex = jnp.exp(scores - seg_max[dst])
    denom = jax.ops.segment_sum(ex, dst, num_segments=N_NODES)
    attention = ex / denom[dst]                                  # [E]
    # update_all: m = h[src] * attention ; h = sum over incoming edges
    msgs = src_f * attention[:, None]                            # [E, D_OUT]
    out = jax.ops.segment_sum(msgs, dst, num_segments=N_NODES)   # [N, D_OUT] scatter-add
    return out

if __name__ == "__main__":
    import jax
    _d = setup_inputs()
    print(jax.jit(kernel)(*tuple(_d.values())))

</pallas_src>

<mosaic_0001>
#map = affine_map<(d0, d1) -> (0, 0)>
#map1 = affine_map<(d0, d1) -> (0)>
#map2 = affine_map<(d0, d1) -> (0, 0, 0)>
module attributes {stable_mosaic.version = 14 : i64} {
  func.func @_sc_edges(%arg0: i32, %arg1: i32, %arg2: memref<10000x128xf32, #tpu.memory_space<hbm>>, %arg3: memref<10000xf32, #tpu.memory_space<hbm>>, %arg4: memref<10000xf32, #tpu.memory_space<hbm>>, %arg5: memref<16xf32, #tpu.memory_space<hbm>>, %arg6: memref<4000x80xi32, #tpu.memory_space<hbm>>, %arg7: memref<4000x80xi32, #tpu.memory_space<hbm>>, %arg8: memref<2x10240x128xf32, #tpu.memory_space<hbm>>, %arg9: memref<2x10240x8xf32, #tpu.memory_space<hbm>>, %arg10: memref<2x25x80xi32, #tpu.memory_space<vmem>>, %arg11: memref<2x25x80xi32, #tpu.memory_space<vmem>>, %arg12: memref<3x80xf32, #tpu.memory_space<vmem>>, %arg13: memref<3x80xf32, #tpu.memory_space<vmem>>, %arg14: memref<16xf32, #tpu.memory_space<vmem>>, %arg15: memref<3x80x128xf32, #tpu.memory_space<vmem>>, %arg16: memref<3x80x8xf32, #tpu.memory_space<vmem>>, %arg17: memref<80xf32, #tpu.memory_space<vmem>>, %arg18: memref<10240x128xf32, #tpu.memory_space<vmem_shared>>, %arg19: memref<10240x8xf32, #tpu.memory_space<vmem_shared>>, %arg20: memref<!tpu.dma_semaphore, #tpu.memory_space<semaphore_mem>>, %arg21: memref<!tpu.dma_semaphore, #tpu.memory_space<semaphore_mem>>, %arg22: memref<!tpu.dma_semaphore, #tpu.memory_space<semaphore_mem>>, %arg23: memref<!tpu.dma_semaphore, #tpu.memory_space<semaphore_mem>>, %arg24: memref<!tpu.dma_semaphore, #tpu.memory_space<semaphore_mem>>, %arg25: memref<!tpu.dma_semaphore, #tpu.memory_space<semaphore_mem>>, %arg26: memref<!tpu.dma_semaphore, #tpu.memory_space<semaphore_mem>>, %arg27: memref<!tpu.dma_semaphore, #tpu.memory_space<semaphore_mem>>) attributes {dimension_semantics = [#tpu.dimension_semantics<core_parallel>, #tpu.dimension_semantics<subcore_parallel>], iteration_bounds = array<i64: 2, 16>, scalar_prefetch = 0 : i64, scratch_operands = 18 : i64, tpu.core_type = #tpu.core_type<sc_vector_subcore>, window_params = [{transform_indices = #map}, {transform_indices = #map1}, {transform_indices = #map1}, {transform_indices = #map1}, {transform_indices = #map}, {transform_indices = #map}, {transform_indices = #map2}, {transform_indices = #map2}]} {
    %mul3A = arith.constant 2 : i32
    %mul3A_0 = arith.muli %arg1, %mul3A : i32
    %add3A = arith.addi %mul3A_0, %arg0 : i32
    "tpu.region"() ({
      %run_scoped3A_666 = tpu.sem_alloc : memref<!tpu.dma_semaphore, #tpu.memory_space<semaphore_mem>>
      %dma_start3A_667 = arith.constant 0 : i32
      %dma_start3A_668 = tpu.memref_slice %arg5[%dma_start3A_667] : memref<16xf32, #tpu.memory_space<hbm>> -> memref<16xf32, #tpu.memory_space<hbm>>
      %dma_start3A_669 = arith.constant 0 : i32
      %dma_start3A_670 = tpu.memref_slice %arg5[%dma_start3A_669] : memref<16xf32, #tpu.memory_space<hbm>> -> memref<16xf32, #tpu.memory_space<hbm>>
      tpu.enqueue_dma source(%dma_start3A_670 : memref<16xf32, #tpu.memory_space<hbm>>) target(%arg14 : memref<16xf32, #tpu.memory_space<vmem>>) target_semaphore(%run_scoped3A_666 : memref<!tpu.dma_semaphore, #tpu.memory_space<semaphore_mem>>)
      %dma_wait3A_671 = arith.constant 0 : i32
      %dma_wait3A_672 = tpu.memref_slice %arg5[%dma_wait3A_671] : memref<16xf32, #tpu.memory_space<hbm>> -> memref<16xf32, #tpu.memory_space<hbm>>
      %dma_wait3A_673 = arith.constant 0 : i32
      %dma_wait3A_674 = tpu.memref_slice %arg5[%dma_wait3A_673] : memref<16xf32, #tpu.memory_space<hbm>> -> memref<16xf32, #tpu.memory_space<hbm>>
      tpu.wait_dma2 semaphore(%run_scoped3A_666 : memref<!tpu.dma_semaphore, #tpu.memory_space<semaphore_mem>>) src(%dma_wait3A_674 : memref<16xf32, #tpu.memory_space<hbm>>) dst(%arg14 : memref<16xf32, #tpu.memory_space<vmem>>)
      tpu.yield
    }) : () -> ()
    %mul3A_1 = arith.constant 125 : i32
    %mul3A_2 = arith.muli %add3A, %mul3A_1 : i32
    %run_scoped3A = arith.constant 0 : i32
    "tpu.region"() ({
      %run_scoped3A_666 = tpu.sem_alloc : memref<!tpu.dma_semaphore, #tpu.memory_space<semaphore_mem>>
      %dma_start3A_667 = arith.constant 0 : i32
      %dma_start3A_668 = arith.constant 0 : i32
      %dma_start3A_669 = tpu.memref_slice %arg10[%run_scoped3A, %dma_start3A_667, %dma_start3A_668] : memref<2x25x80xi32, #tpu.memory_space<vmem>> -> memref<1x25x80xi32, #tpu.memory_space<vmem>>
      %dma_start3A_670 = tpu.memref_squeeze %dma_start3A_669 : memref<1x25x80xi32, #tpu.memory_space<vmem>> -> memref<25x80xi32, #tpu.memory_space<vmem>>
      %dma_start3A_671 = arith.constant 0 : i32
      %dma_start3A_672 = tpu.memref_slice %arg6[%mul3A_2, %dma_start3A_671] : memref<4000x80xi32, #tpu.memory_space<hbm>> -> memref<25x80xi32, #tpu.memory_space<hbm>>
      %dma_start3A_673 = arith.constant 0 : i32
      %dma_start3A_674 = arith.constant 0 : i32
      %dma_start3A_675 = tpu.memref_slice %arg10[%run_scoped3A, %dma_start3A_673, %dma_start3A_674] : memref<2x25x80xi32, #tpu.memory_space<vmem>> -> memref<1x25x80xi32, #tpu.memory_space<vmem>>
      %dma_start3A_676 = tpu.memref_squeeze %dma_start3A_675 : memref<1x25x80xi32, #tpu.memory_space<vmem>> -> memref<25x80xi32, #tpu.memory_space<vmem>>
      %dma_start3A_677 = arith.constant 0 : i32
      %dma_start3A_678 = tpu.memref_slice %arg6[%mul3A_2, %dma_start3A_677] : memref<4000x80xi32, #tpu.memory_space<hbm>> -> memref<25x80xi32, #tpu.memory_space<hbm>>
      tpu.enqueue_dma source(%dma_start3A_678 : memref<25x80xi32, #tpu.memory_space<hbm>>) target(%dma_start3A_676 : memref<25x80xi32, #tpu.memory_space<vmem>>) target_semaphore(%run_scoped3A_666 : memref<!tpu.dma_semaphore, #tpu.memory_space<semaphore_mem>>)
      %dma_wait3A_679 = arith.constant 0 : i32
      %dma_wait3A_680 = arith.constant 0 : i32
      %dma_wait3A_681 = tpu.memref_slice %arg10[%run_scoped3A, %dma_wait3A_679, %dma_wait3A_680] : memref<2x25x80xi32, #tpu.memory_space<vmem>> -> memref<1x25x80xi32, #tpu.memory_space<vmem>>
      %dma_wait3A_682 = tpu.memref_squeeze %dma_wait3A_681 : memref<1x25x80xi32, #tpu.memory_space<vmem>> -> memref<25x80xi32, #tpu.memory_space<vmem>>
      %dma_wait3A_683 = arith.constant 0 : i32
      %dma_wait3A_684 = tpu.memref_slice %arg6[%mul3A_2, %dma_wait3A_683] : memref<4000x80xi32, #tpu.memory_space<hbm>> -> memref<25x80xi32, #tpu.memory_space<hbm>>
      %dma_wait3A_685 = arith.constant 0 : i32
      %dma_wait3A_686 = arith.constant 0 : i32
      %dma_wait3A_687 = tpu.memref_slice %arg10[%run_scoped3A, %dma_wait3A_685, %dma_wait3A_686] : memref<2x25x80xi32, #tpu.memory_space<vmem>> -> memref<1x25x80xi32, #tpu.memory_space<vmem>>
      %dma_wait3A_688 = tpu.memref_squeeze %dma_wait3A_687 : memref<1x25x80xi32, #tpu.memory_space<vmem>> -> memref<25x80xi32, #tpu.memory_space<vmem>>
      %dma_wait3A_689 = arith.constant 0 : i32
      %dma_wait3A_690 = tpu.memref_slice %arg6[%mul3A_2, %dma_wait3A_689] : memref<4000x80xi32, #tpu.memory_space<hbm>> -> memref<25x80xi32, #tpu.memory_space<hbm>>
      tpu.wait_dma2 semaphore(%run_scoped3A_666 : memref<!tpu.dma_semaphore, #tpu.memory_space<semaphore_mem>>) src(%dma_wait3A_690 : memref<25x80xi32, #tpu.memory_space<hbm>>) dst(%dma_wait3A_688 : memref<25x80xi32, #tpu.memory_space<vmem>>)
      tpu.yield
    }) : () -> ()
    %mul3A_3 = arith.constant 125 : i32
    %mul3A_4 = arith.muli %add3A, %mul3A_3 : i32
    %run_scoped3A_5 = arith.constant 0 : i32
    "tpu.region"() ({
      %run_scoped3A_666 = tpu.sem_alloc : memref<!tpu.dma_semaphore, #tpu.memory_space<semaphore_mem>>
      %dma_start3A_667 = arith.constant 0 : i32
      %dma_start3A_668 = arith.constant 0 : i32
      %dma_start3A_669 = tpu.memref_slice %arg11[%run_scoped3A_5, %dma_start3A_667, %dma_start3A_668] : memref<2x25x80xi32, #tpu.memory_space<vmem>> -> memref<1x25x80xi32, #tpu.memory_space<vmem>>
      %dma_start3A_670 = tpu.memref_squeeze %dma_start3A_669 : memref<1x25x80xi32, #tpu.memory_space<vmem>> -> memref<25x80xi32, #tpu.memory_space<vmem>>
      %dma_start3A_671 = arith.constant 0 : i32
      %dma_start3A_672 = tpu.memref_slice %arg7[%mul3A_4, %dma_start3A_671] : memref<4000x80xi32, #tpu.memory_space<hbm>> -> memref<25x80xi32, #tpu.memory_space<hbm>>
      %dma_start3A_673 = arith.constant 0 : i32
      %dma_start3A_674 = arith.constant 0 : i32
      %dma_start3A_675 = tpu.memref_slice %arg11[%run_scoped3A_5, %dma_start3A_673, %dma_start3A_674] : memref<2x25x80xi32, #tpu.memory_space<vmem>> -> memref<1x25x80xi32, #tpu.memory_space<vmem>>
      %dma_start3A_676 = tpu.memref_squeeze %dma_start3A_675 : memref<1x25x80xi32, #tpu.memory_space<vmem>> -> memref<25x80xi32, #tpu.memory_space<vmem>>
      %dma_start3A_677 = arith.constant 0 : i32
      %dma_start3A_678 = tpu.memref_slice %arg7[%mul3A_4, %dma_start3A_677] : memref<4000x80xi32, #tpu.memory_space<hbm>> -> memref<25x80xi32, #tpu.memory_space<hbm>>
      tpu.enqueue_dma source(%dma_start3A_678 : memref<25x80xi32, #tpu.memory_space<hbm>>) target(%dma_start3A_676 : memref<25x80xi32, #tpu.memory_space<vmem>>) target_semaphore(%run_scoped3A_666 : memref<!tpu.dma_semaphore, #tpu.memory_space<semaphore_mem>>)
      %dma_wait3A_679 = arith.constant 0 : i32
      %dma_wait3A_680 = arith.constant 0 : i32
      %dma_wait3A_681 = tpu.memref_slice %arg11[%run_scoped3A_5, %dma_wait3A_679, %dma_wait3A_680] : memref<2x25x80xi32, #tpu.memory_space<vmem>> -> memref<1x25x80xi32, #tpu.memory_space<vmem>>
      %dma_wait3A_682 = tpu.memref_squeeze %dma_wait3A_681 : memref<1x25x80xi32, #tpu.memory_space<vmem>> -> memref<25x80xi32, #tpu.memory_space<vmem>>
      %dma_wait3A_683 = arith.constant 0 : i32
      %dma_wait3A_684 = tpu.memref_slice %arg7[%mul3A_4, %dma_wait3A_683] : memref<4000x80xi32, #tpu.memory_space<hbm>> -> memref<25x80xi32, #tpu.memory_space<hbm>>
      %dma_wait3A_685 = arith.constant 0 : i32
      %dma_wait3A_686 = arith.constant 0 : i32
      %dma_wait3A_687 = tpu.memref_slice %arg11[%run_scoped3A_5, %dma_wait3A_685, %dma_wait3A_686] : memref<2x25x80xi32, #tpu.memory_space<vmem>> -> memref<1x25x80xi32, #tpu.memory_space<vmem>>
      %dma_wait3A_688 = tpu.memref_squeeze %dma_wait3A_687 : memref<1x25x80xi32, #tpu.memory_space<vmem>> -> memref<25x80xi32, #tpu.memory_space<vmem>>
      %dma_wait3A_689 = arith.constant 0 : i32
      %dma_wait3A_690 = tpu.memref_slice %arg7[%mul3A_4, %dma_wait3A_689] : memref<4000x80xi32, #tpu.memory_space<hbm>> -> memref<25x80xi32, #tpu.memory_space<hbm>>
      tpu.wait_dma2 semaphore(%run_scoped3A_666 : memref<!tpu.dma_semaphore, #tpu.memory_space<semaphore_mem>>) src(%dma_wait3A_690 : memref<25x80xi32, #tpu.memory_space<hbm>>) dst(%dma_wait3A_688 : memref<25x80xi32, #tpu.memory_space<vmem>>)
      tpu.yield
    }) : () -> ()
    %broadcast_in_dim3A = arith.constant 0.000000e+00 : f32
    %broadcast_in_dim3A_6 = vector.broadcast %broadcast_in_dim3A : f32 to vector<16xf32>
    %broadcast_in_dim3A_7 = arith.constant 0 : i32
    %broadcast_in_dim3A_8 = vector.broadcast %broadcast_in_dim3A_7 : i32 to vector<16xi32>
    %iota3A = tpu.iota {dimensions = array<i32: 0>} : vector<16xi32>
    %shift_right_arithmetic3A = arith.constant 3 : i32
    %shift_right_arithmetic3A_9 = vector.broadcast %shift_right_arithmetic3A : i32 to vector<16xi32>
    %shift_right_arithmetic3A_10 = arith.shrsi %iota3A, %shift_right_arithmetic3A_9 : vector<16xi32>
    %and3A = arith.constant 7 : i32
    %and3A_11 = vector.broadcast %and3A : i32 to vector<16xi32>
    %and3A_12 = arith.andi %iota3A, %and3A_11 : vector<16xi32>
    %scan3A = arith.constant 0 : i32
    %scan3A_13 = arith.constant 0 : i32
    %scan3A_14 = arith.constant 80 : i32
    %scan3A_15 = arith.addi %scan3A_13, %scan3A_14 : i32
    %scan3A_16 = arith.constant 1 : i32
    scf.for %scan3A_666 = %scan3A_13 to %scan3A_15 step %scan3A_16  : i32 {
      %swap3A = arith.constant 0 : i32
      %swap3A_667 = arith.index_cast %swap3A : i32 to index
      %swap3A_668 = arith.index_cast %scan3A_666 : i32 to index
      %swap3A_669 = arith.constant 0 : index
      %swap3A_670 = tpu.vector_load %arg15[%swap3A_667, %swap3A_668, %swap3A_669] {strides = array<i32>} : memref<3x80x128xf32, #tpu.memory_space<vmem>>, vector<16xf32>,
      tpu.vector_store %arg15[%swap3A_667, %swap3A_668, %swap3A_669], %broadcast_in_dim3A_6 {strides = array<i32>} : memref<3x80x128xf32, #tpu.memory_space<vmem>>, vector<16xf32>,
      %swap3A_671 = arith.constant 0 : i32
      %swap3A_672 = arith.index_cast %swap3A_671 : i32 to index
      %swap3A_673 = arith.index_cast %scan3A_666 : i32 to index
      %swap3A_674 = arith.constant 16 : index
      %swap3A_675 = tpu.vector_load %arg15[%swap3A_672, %swap3A_673, %swap3A_674] {strides = array<i32>} : memref<3x80x128xf32, #tpu.memory_space<vmem>>, vector<16xf32>,
      tpu.vector_store %arg15[%swap3A_672, %swap3A_673, %swap3A_674], %broadcast_in_dim3A_6 {strides = array<i32>} : memref<3x80x128xf32, #tpu.memory_space<vmem>>, vector<16xf32>,
      %swap3A_676 = arith.constant 0 : i32
      %swap3A_677 = arith.index_cast %swap3A_676 : i32 to index
      %swap3A_678 = arith.index_cast %scan3A_666 : i32 to index
      %swap3A_679 = arith.constant 32 : index
      %swap3A_680 = tpu.vector_load %arg15[%swap3A_677, %swap3A_678, %swap3A_679] {strides = array<i32>} : memref<3x80x128xf32, #tpu.memory_space<vmem>>, vector<16xf32>,
      tpu.vector_store %arg15[%swap3A_677, %swap3A_678, %swap3A_679], %broadcast_in_dim3A_6 {strides = array<i32>} : memref<3x80x128xf32, #tpu.memory_space<vmem>>, vector<16xf32>,
      %swap3A_681 = arith.constant 0 : i32
      %swap3A_682 = arith.index_cast %swap3A_681 : i32 to index
      %swap3A_683 = arith.index_cast %scan3A_666 : i32 to index
      %swap3A_684 = arith.constant 48 : index
      %swap3A_685 = tpu.vector_load %arg15[%swap3A_682, %swap3A_683, %swap3A_684] {strides = array<i32>} : memref<3x80x128xf32, #tpu.memory_space<vmem>>, vector<16xf32>,
      tpu.vector_store %arg15[%swap3A_682, %swap3A_683, %swap3A_684], %broadcast_in_dim3A_6 {strides = array<i32>} : memref<3x80x128xf32, #tpu.memory_space<vmem>>, vector<16xf32>,
      %swap3A_686 = arith.constant 0 : i32
      %swap3A_687 = arith.index_cast %swap3A_686 : i32 to index
      %swap3A_688 = arith.index_cast %scan3A_666 : i32 to index
      %swap3A_689 = arith.constant 64 : index
      %swap3A_690 = tpu.vector_load %arg15[%swap3A_687, %swap3A_688, %swap3A_689] {strides = array<i32>} : memref<3x80x128xf32, #tpu.memory_space<vmem>>, vector<16xf32>,
      tpu.vector_store %arg15[%swap3A_687, %swap3A_688, %swap3A_689], %broadcast_in_dim3A_6 {strides = array<i32>} : memref<3x80x128xf32, #tpu.memory_space<vmem>>, vector<16xf32>,
      %swap3A_691 = arith.constant 0 : i32
      %swap3A_692 = arith.index_cast %swap3A_691 : i32 to index
      %swap3A_693 = arith.index_cast %scan3A_666 : i32 to index
      %swap3A_694 = arith.constant 80 : index
      %swap3A_695 = tpu.vector_load %arg15[%swap3A_692, %swap3A_693, %swap3A_694] {strides = array<i32>} : memref<3x80x128xf32, #tpu.memory_space<vmem>>, vector<16xf32>,
      tpu.vector_store %arg15[%swap3A_692, %swap3A_693, %swap3A_694], %broadcast_in_dim3A_6 {strides = array<i32>} : memref<3x80x128xf32, #tpu.memory_space<vmem>>, vector<16xf32>,
      %swap3A_696 = arith.constant 0 : i32
      %swap3A_697 = arith.index_cast %swap3A_696 : i32 to index
      %swap3A_698 = arith.index_cast %scan3A_666 : i32 to index
      %swap3A_699 = arith.constant 96 : index
      %swap3A_700 = tpu.vector_load %arg15[%swap3A_697, %swap3A_698, %swap3A_699] {strides = array<i32>} : memref<3x80x128xf32, #tpu.memory_space<vmem>>, vector<16xf32>,
      tpu.vector_store %arg15[%swap3A_697, %swap3A_698, %swap3A_699], %broadcast_in_dim3A_6 {strides = array<i32>} : memref<3x80x128xf32, #tpu.memory_space<vmem>>, vector<16xf32>,
      %swap3A_701 = arith.constant 0 : i32
      %swap3A_702 = arith.index_cast %swap3A_701 : i32 to index
      %swap3A_703 = arith.index_cast %scan3A_666 : i32 to index
      %swap3A_704 = arith.constant 112 : index
      %swap3A_705 = tpu.vector_load %arg15[%swap3A_702, %swap3A_703, %swap3A_704] {strides = array<i32>} : memref<3x80x128xf32, #tpu.memory_space<vmem>>, vector<16xf32>,
      tpu.vector_store %arg15[%swap3A_702, %swap3A_703, %swap3A_704], %broadcast_in_dim3A_6 {strides = array<i32>} : memref<3x80x128xf32, #tpu.memory_space<vmem>>, vector<16xf32>,
    }
    %scan3A_17 = arith.constant 80 : i32
    %scan3A_18 = arith.constant 0 : i32
    %scan3A_19 = arith.constant 0 : i32
    %scan3A_20 = arith.constant 40 : i32
    %scan3A_21 = arith.addi %scan3A_19, %scan3A_20 : i32
    %scan3A_22 = arith.constant 1 : i32
    scf.for %scan3A_666 = %scan3A_19 to %scan3A_21 step %scan3A_22  : i32 {
      %add3A_667 = arith.constant 0 : i32
      %add3A_668 = vector.broadcast %add3A_667 : i32 to vector<16xi32>
      %add3A_669 = arith.addi %broadcast_in_dim3A_8, %add3A_668 : vector<16xi32>
      %mul3A_670 = arith.constant 2 : i32
      %mul3A_671 = arith.muli %scan3A_666, %mul3A_670 : i32
      %add3A_672 = vector.broadcast %mul3A_671 : i32 to vector<16xi32>
      %add3A_673 = arith.addi %add3A_672, %shift_right_arithmetic3A_10 : vector<16xi32>
      tpu.vector_store_idx %arg16[%add3A_669, %add3A_673, %and3A_12], %broadcast_in_dim3A_6 : memref<3x80x8xf32, #tpu.memory_space<vmem>>[vector<16xi32>, vector<16xi32>, vector<16xi32>], vector<16xf32>,
      %add3A_674 = arith.constant 1 : i32
      %add3A_675 = vector.broadcast %add3A_674 : i32 to vector<16xi32>
      %add3A_676 = arith.addi %broadcast_in_dim3A_8, %add3A_675 : vector<16xi32>
      %mul3A_677 = arith.constant 2 : i32
      %mul3A_678 = arith.muli %scan3A_666, %mul3A_677 : i32
      %add3A_679 = vector.broadcast %mul3A_678 : i32 to vector<16xi32>
      %add3A_680 = arith.addi %add3A_679, %shift_right_arithmetic3A_10 : vector<16xi32>
      tpu.vector_store_idx %arg16[%add3A_676, %add3A_680, %and3A_12], %broadcast_in_dim3A_6 : memref<3x80x8xf32, #tpu.memory_space<vmem>>[vector<16xi32>, vector<16xi32>, vector<16xi32>], vector<16xf32>,
      %add3A_681 = arith.constant 2 : i32
      %add3A_682 = vector.broadcast %add3A_681 : i32 to vector<16xi32>
      %add3A_683 = arith.addi %broadcast_in_dim3A_8, %add3A_682 : vector<16xi32>
      %mul3A_684 = arith.constant 2 : i32
      %mul3A_685 = arith.muli %scan3A_666, %mul3A_684 : i32
      %add3A_686 = vector.broadcast %mul3A_685 : i32 to vector<16xi32>
      %add3A_687 = arith.addi %add3A_686, %shift_right_arithmetic3A_10 : vector<16xi32>
      tpu.vector_store_idx %arg16[%add3A_683, %add3A_687, %and3A_12], %broadcast_in_dim3A_6 : memref<3x80x8xf32, #tpu.memory_space<vmem>>[vector<16xi32>, vector<16xi32>, vector<16xi32>], vector<16xf32>,
    }
    %scan3A_23 = arith.constant 40 : i32
    %mul3A_24 = arith.constant 640 : i32
    %mul3A_25 = arith.muli %arg1, %mul3A_24 : i32
    %add3A_26 = arith.constant 0 : i32
    %add3A_27 = arith.addi %mul3A_25, %add3A_26 : i32
    %dma_start3A = arith.constant 0 : i32
    %dma_start3A_28 = arith.constant 0 : i32
    %dma_start3A_29 = arith.constant 0 : i32
    %dma_start3A_30 = tpu.memref_slice %arg15[%dma_start3A, %dma_start3A_28, %dma_start3A_29] : memref<3x80x128xf32, #tpu.memory_space<vmem>> -> memref<1x80x128xf32, #tpu.memory_space<vmem>>
    %dma_start3A_31 = tpu.memref_squeeze %dma_start3A_30 : memref<1x80x128xf32, #tpu.memory_space<vmem>> -> memref<80x128xf32, #tpu.memory_space<vmem>>
    %dma_start3A_32 = arith.constant 0 : i32
    %dma_start3A_33 = tpu.memref_slice %arg18[%add3A_27, %dma_start3A_32] : memref<10240x128xf32, #tpu.memory_space<vmem_shared>> -> memref<80x128xf32, #tpu.memory_space<vmem_shared>>
    %dma_start3A_34 = arith.constant 0 : i32
    %dma_start3A_35 = tpu.memref_slice %arg18[%add3A_27, %dma_start3A_34] : memref<10240x128xf32, #tpu.memory_space<vmem_shared>> -> memref<80x128xf32, #tpu.memory_space<vmem_shared>>
    %dma_start3A_36 = arith.constant 0 : i32
    %dma_start3A_37 = arith.constant 0 : i32
    %dma_start3A_38 = tpu.memref_slice %arg15[%dma_start3A, %dma_start3A_36, %dma_start3A_37] : memref<3x80x128xf32, #tpu.memory_space<vmem>> -> memref<1x80x128xf32, #tpu.memory_space<vmem>>
    %dma_start3A_39 = tpu.memref_squeeze %dma_start3A_38 : memref<1x80x128xf32, #tpu.memory_space<vmem>> -> memref<80x128xf32, #tpu.memory_space<vmem>>
    tpu.enqueue_dma source(%dma_start3A_39 : memref<80x128xf32, #tpu.memory_space<vmem>>) target(%dma_start3A_35 : memref<80x128xf32, #tpu.memory_space<vmem_shared>>) target_semaphore(%arg23 : memref<!tpu.dma_semaphore, #tpu.memory_space<semaphore_mem>>)
    %add3A_40 = arith.constant 0 : i32
    %add3A_41 = arith.addi %mul3A_25, %add3A_40 : i32
    %dma_start3A_42 = arith.constant 0 : i32
    %dma_start3A_43 = arith.constant 0 : i32
    %dma_start3A_44 = arith.constant 0 : i32
    %dma_start3A_45 = tpu.memref_slice %arg16[%dma_start3A_42, %dma_start3A_43, %dma_start3A_44] : memref<3x80x8xf32, #tpu.memory_space<vmem>> -> memref<1x80x8xf32, #tpu.memory_space<vmem>>
    %dma_start3A_46 = tpu.memref_squeeze %dma_start3A_45 : memref<1x80x8xf32, #tpu.memory_space<vmem>> -> memref<80x8xf32, #tpu.memory_space<vmem>>
    %dma_start3A_47 = arith.constant 0 : i32
    %dma_start3A_48 = tpu.memref_slice %arg19[%add3A_41, %dma_start3A_47] : memref<10240x8xf32, #tpu.memory_space<vmem_shared>> -> memref<80x8xf32, #tpu.memory_space<vmem_shared>>
    %dma_start3A_49 = arith.constant 0 : i32
    %dma_start3A_50 = tpu.memref_slice %arg19[%add3A_41, %dma_start3A_49] : memref<10240x8xf32, #tpu.memory_space<vmem_shared>> -> memref<80x8xf32, #tpu.memory_space<vmem_shared>>
    %dma_start3A_51 = arith.constant 0 : i32
    %dma_start3A_52 = arith.constant 0 : i32
    %dma_start3A_53 = tpu.memref_slice %arg16[%dma_start3A_42, %dma_start3A_51, %dma_start3A_52] : memref<3x80x8xf32, #tpu.memory_space<vmem>> -> memref<1x80x8xf32, #tpu.memory_space<vmem>>
    %dma_start3A_54 = tpu.memref_squeeze %dma_start3A_53 : memref<1x80x8xf32, #tpu.memory_space<vmem>> -> memref<80x8xf32, #tpu.memory_space<vmem>>
    tpu.enqueue_dma source(%dma_start3A_54 : memref<80x8xf32, #tpu.memory_space<vmem>>) target(%dma_start3A_50 : memref<80x8xf32, #tpu.memory_space<vmem_shared>>) target_semaphore(%arg24 : memref<!tpu.dma_semaphore, #tpu.memory_space<semaphore_mem>>)
    %add3A_55 = arith.constant 80 : i32
    %add3A_56 = arith.addi %mul3A_25, %add3A_55 : i32
    %dma_start3A_57 = arith.constant 0 : i32
    %dma_start3A_58 = arith.constant 0 : i32
    %dma_start3A_59 = arith.constant 0 : i32
    %dma_start3A_60 = tpu.memref_slice %arg15[%dma_start3A_57, %dma_start3A_58, %dma_start3A_59] : memref<3x80x128xf32, #tpu.memory_space<vmem>> -> memref<1x80x128xf32, #tpu.memory_space<vmem>>
    %dma_start3A_61 = tpu.memref_squeeze %dma_start3A_60 : memref<1x80x128xf32, #tpu.memory_space<vmem>> -> memref<80x128xf32, #tpu.memory_space<vmem>>
    %dma_start3A_62 = arith.constant 0 : i32
    %dma_start3A_63 = tpu.memref_slice %arg18[%add3A_56, %dma_start3A_62] : memref<10240x128xf32, #tpu.memory_space<vmem_shared>> -> memref<80x128xf32, #tpu.memory_space<vmem_shared>>
    %dma_start3A_64 = arith.constant 0 : i32
    %dma_start3A_65 = tpu.memref_slice %arg18[%add3A_56, %dma_start3A_64] : memref<10240x128xf32, #tpu.memory_space<vmem_shared>> -> memref<80x128xf32, #tpu.memory_space<vmem_shared>>
    %dma_start3A_66 = arith.constant 0 : i32
    %dma_start3A_67 = arith.constant 0 : i32
    %dma_start3A_68 = tpu.memref_slice %arg15[%dma_start3A_57, %dma_start3A_66, %dma_start3A_67] : memref<3x80x128xf32, #tpu.memory_space<vmem>> -> memref<1x80x128xf32, #tpu.memory_space<vmem>>
    %dma_start3A_69 = tpu.memref_squeeze %dma_start3A_68 : memref<1x80x128xf32, #tpu.memory_space<vmem>> -> memref<80x128xf32, #tpu.memory_space<vmem>>
    tpu.enqueue_dma source(%dma_start3A_69 : memref<80x128xf32, #tpu.memory_space<vmem>>) target(%dma_start3A_65 : memref<80x128xf32, #tpu.memory_space<vmem_shared>>) target_semaphore(%arg23 : memref<!tpu.dma_semaphore, #tpu.memory_space<semaphore_mem>>)
    %add3A_70 = arith.constant 80 : i32
    %add3A_71 = arith.addi %mul3A_25, %add3A_70 : i32
    %dma_start3A_72 = arith.constant 0 : i32
    %dma_start3A_73 = arith.constant 0 : i32
    %dma_start3A_74 = arith.constant 0 : i32
    %dma_start3A_75 = tpu.memref_slice %arg16[%dma_start3A_72, %dma_start3A_73, %dma_start3A_74] : memref<3x80x8xf32, #tpu.memory_space<vmem>> -> memref<1x80x8xf32, #tpu.memory_space<vmem>>
    %dma_start3A_76 = tpu.memref_squeeze %dma_start3A_75 : memref<1x80x8xf32, #tpu.memory_space<vmem>> -> memref<80x8xf32, #tpu.memory_space<vmem>>
    %dma_start3A_77 = arith.constant 0 : i32
    %dma_start3A_78 = tpu.memref_slice %arg19[%add3A_71, %dma_start3A_77] : memref<10240x8xf32, #tpu.memory_space<vmem_shared>> -> memref<80x8xf32, #tpu.memory_space<vmem_shared>>
    %dma_start3A_79 = arith.constant 0 : i32
    %dma_start3A_80 = tpu.memref_slice %arg19[%add3A_71, %dma_start3A_79] : memref<10240x8xf32, #tpu.memory_space<vmem_shared>> -> memref<80x8xf32, #tpu.memory_space<vmem_shared>>
    %dma_start3A_81 = arith.constant 0 : i32
    %dma_start3A_82 = arith.constant 0 : i32
    %dma_start3A_83 = tpu.memref_slice %arg16[%dma_start3A_72, %dma_start3A_81, %dma_start3A_82] : memref<3x80x8xf32, #tpu.memory_space<vmem>> -> memref<1x80x8xf32, #tpu.memory_space<vmem>>
    %dma_start3A_84 = tpu.memref_squeeze %dma_start3A_83 : memref<1x80x8xf32, #tpu.memory_space<vmem>> -> memref<80x8xf32, #tpu.memory_space<vmem>>
    tpu.enqueue_dma source(%dma_start3A_84 : memref<80x8xf32, #tpu.memory_space<vmem>>) target(%dma_start3A_80 : memref<80x8xf32, #tpu.memory_space<vmem_shared>>) target_semaphore(%arg24 : memref<!tpu.dma_semaphore, #tpu.memory_space<semaphore_mem>>)
    %add3A_85 = arith.constant 160 : i32
    %add3A_86 = arith.addi %mul3A_25, %add3A_85 : i32
    %dma_start3A_87 = arith.constant 0 : i32
    %dma_start3A_88 = arith.constant 0 : i32
    %dma_start3A_89 = arith.constant 0 : i32
    %dma_start3A_90 = tpu.memref_slice %arg15[%dma_start3A_87, %dma_start3A_88, %dma_start3A_89] : memref<3x80x128xf32, #tpu.memory_space<vmem>> -> memref<1x80x128xf32, #tpu.memory_space<vmem>>
    %dma_start3A_91 = tpu.memref_squeeze %dma_start3A_90 : memref<1x80x128xf32, #tpu.memory_space<vmem>> -> memref<80x128xf32, #tpu.memory_space<vmem>>
    %dma_start3A_92 = arith.constant 0 : i32
    %dma_start3A_93 = tpu.memref_slice %arg18[%add3A_86, %dma_start3A_92] : memref<10240x128xf32, #tpu.memory_space<vmem_shared>> -> memref<80x128xf32, #tpu.memory_space<vmem_shared>>
    %dma_start3A_94 = arith.constant 0 : i32
    %dma_start3A_95 = tpu.memref_slice %arg18[%add3A_86, %dma_start3A_94] : memref<10240x128xf32, #tpu.memory_space<vmem_shared>> -> memref<80x128xf32, #tpu.memory_space<vmem_shared>>
    %dma_start3A_96 = arith.constant 0 : i32
    %dma_start3A_97 = arith.constant 0 : i32
    %dma_start3A_98 = tpu.memref_slice %arg15[%dma_start3A_87, %dma_start3A_96, %dma_start3A_97] : memref<3x80x128xf32, #tpu.memory_space<vmem>> -> memref<1x80x128xf32, #tpu.memory_space<vmem>>
    %dma_start3A_99 = tpu.memref_squeeze %dma_start3A_98 : memref<1x80x128xf32, #tpu.memory_space<vmem>> -> memref<80x128xf32, #tpu.memory_space<vmem>>
    tpu.enqueue_dma source(%dma_start3A_99 : memref<80x128xf32, #tpu.memory_space<vmem>>) target(%dma_start3A_95 : memref<80x128xf32, #tpu.memory_space<vmem_shared>>) target_semaphore(%arg23 : memref<!tpu.dma_semaphore, #tpu.memory_space<semaphore_mem>>)
    %add3A_100 = arith.constant 160 : i32
    %add3A_101 = arith.addi %mul3A_25, %add3A_100 : i32
    %dma_start3A_102 = arith.constant 0 : i32
    %dma_start3A_103 = arith.constant 0 : i32
    %dma_start3A_104 = arith.constant 0 : i32
    %dma_start3A_105 = tpu.memref_slice %arg16[%dma_start3A_102, %dma_start3A_103, %dma_start3A_104] : memref<3x80x8xf32, #tpu.memory_space<vmem>> -> memref<1x80x8xf32, #tpu.memory_space<vmem>>
    %dma_start3A_106 = tpu.memref_squeeze %dma_start3A_105 : memref<1x80x8xf32, #tpu.memory_space<vmem>> -> memref<80x8xf32, #tpu.memory_space<vmem>>
    %dma_start3A_107 = arith.constant 0 : i32
    %dma_start3A_108 = tpu.memref_slice %arg19[%add3A_101, %dma_start3A_107] : memref<10240x8xf32, #tpu.memory_space<vmem_shared>> -> memref<80x8xf32, #tpu.memory_space<vmem_shared>>
    %dma_start3A_109 = arith.constant 0 : i32
    %dma_start3A_110 = tpu.memref_slice %arg19[%add3A_101, %dma_start3A_109] : memref<10240x8xf32, #tpu.memory_space<vmem_shared>> -> memref<80x8xf32, #tpu.memory_space<vmem_shared>>
    %dma_start3A_111 = arith.constant 0 : i32
    %dma_start3A_112 = arith.constant 0 : i32
    %dma_start3A_113 = tpu.memref_slice %arg16[%dma_start3A_102, %dma_start3A_111, %dma_start3A_112] : memref<3x80x8xf32, #tpu.memory_space<vmem>> -> memref<1x80x8xf32, #tpu.memory_space<vmem>>
    %dma_start3A_114 = tpu.memref_squeeze %dma_start3A_113 : memref<1x80x8xf32, #tpu.memory_space<vmem>> -> memref<80x8xf32, #tpu.memory_space<vmem>>
    tpu.enqueue_dma source(%dma_start3A_114 : memref<80x8xf32, #tpu.memory_space<vmem>>) target(%dma_start3A_110 : memref<80x8xf32, #tpu.memory_space<vmem_shared>>) target_semaphore(%arg24 : memref<!tpu.dma_semaphore, #tpu.memory_space<semaphore_mem>>)
    %add3A_115 = arith.constant 240 : i32
    %add3A_116 = arith.addi %mul3A_25, %add3A_115 : i32
    %dma_start3A_117 = arith.constant 0 : i32
    %dma_start3A_118 = arith.constant 0 : i32
    %dma_start3A_119 = arith.constant 0 : i32
    %dma_start3A_120 = tpu.memref_slice %arg15[%dma_start3A_117, %dma_start3A_118, %dma_start3A_119] : memref<3x80x128xf32, #tpu.memory_space<vmem>> -> memref<1x80x128xf32, #tpu.memory_space<vmem>>
    %dma_start3A_121 = tpu.memref_squeeze %dma_start3A_120 : memref<1x80x128xf32, #tpu.memory_space<vmem>> -> memref<80x128xf32, #tpu.memory_space<vmem>>
    %dma_start3A_122 = arith.constant 0 : i32
    %dma_start3A_123 = tpu.memref_slice %arg18[%add3A_116, %dma_start3A_122] : memref<10240x128xf32, #tpu.memory_space<vmem_shared>> -> memref<80x128xf32, #tpu.memory_space<vmem_shared>>
    %dma_start3A_124 = arith.constant 0 : i32
    %dma_start3A_125 = tpu.memref_slice %arg18[%add3A_116, %dma_start3A_124] : memref<10240x128xf32, #tpu.memory_space<vmem_shared>> -> memref<80x128xf32, #tpu.memory_space<vmem_shared>>
    %dma_start3A_126 = arith.constant 0 : i32
    %dma_start3A_127 = arith.constant 0 : i32
    %dma_start3A_128 = tpu.memref_slice %arg15[%dma_start3A_117, %dma_start3A_126, %dma_start3A_127] : memref<3x80x128xf32, #tpu.memory_space<vmem>> -> memref<1x80x128xf32, #tpu.memory_space<vmem>>
    %dma_start3A_129 = tpu.memref_squeeze %dma_start3A_128 : memref<1x80x128xf32, #tpu.memory_space<vmem>> -> memref<80x128xf32, #tpu.memory_space<vmem>>
    tpu.enqueue_dma source(%dma_start3A_129 : memref<80x128xf32, #tpu.memory_space<vmem>>) target(%dma_start3A_125 : memref<80x128xf32, #tpu.memory_space<vmem_shared>>) target_semaphore(%arg23 : memref<!tpu.dma_semaphore, #tpu.memory_space<semaphore_mem>>)
    %add3A_130 = arith.constant 240 : i32
    %add3A_131 = arith.addi %mul3A_25, %add3A_130 : i32
    %dma_start3A_132 = arith.constant 0 : i32
    %dma_start3A_133 = arith.constant 0 : i32
    %dma_start3A_134 = arith.constant 0 : i32
    %dma_start3A_135 = tpu.memref_slice %arg16[%dma_start3A_132, %dma_start3A_133, %dma_start3A_134] : memref<3x80x8xf32, #tpu.memory_space<vmem>> -> memref<1x80x8xf32, #tpu.memory_space<vmem>>
    %dma_start3A_136 = tpu.memref_squeeze %dma_start3A_135 : memref<1x80x8xf32, #tpu.memory_space<vmem>> -> memref<80x8xf32, #tpu.memory_space<vmem>>
    %dma_start3A_137 = arith.constant 0 : i32
    %dma_start3A_138 = tpu.memref_slice %arg19[%add3A_131, %dma_start3A_137] : memref<10240x8xf32, #tpu.memory_space<vmem_shared>> -> memref<80x8xf32, #tpu.memory_space<vmem_shared>>
    %dma_start3A_139 = arith.constant 0 : i32
    %dma_start3A_140 = tpu.memref_slice %arg19[%add3A_131, %dma_start3A_139] : memref<10240x8xf32, #tpu.memory_space<vmem_shared>> -> memref<80x8xf32, #tpu.memory_space<vmem_shared>>
    %dma_start3A_141 = arith.constant 0 : i32
    %dma_start3A_142 = arith.constant 0 : i32
    %dma_start3A_143 = tpu.memref_slice %arg16[%dma_start3A_132, %dma_start3A_141, %dma_start3A_142] : memref<3x80x8xf32, #tpu.memory_space<vmem>> -> memref<1x80x8xf32, #tpu.memory_space<vmem>>
    %dma_start3A_144 = tpu.memref_squeeze %dma_start3A_143 : memref<1x80x8xf32, #tpu.memory_space<vmem>> -> memref<80x8xf32, #tpu.memory_space<vmem>>
    tpu.enqueue_dma source(%dma_start3A_144 : memref<80x8xf32, #tpu.memory_space<vmem>>) target(%dma_start3A_140 : memref<80x8xf32, #tpu.memory_space<vmem_shared>>) target_semaphore(%arg24 : memref<!tpu.dma_semaphore, #tpu.memory_space<semaphore_mem>>)
    %add3A_145 = arith.constant 320 : i32
    %add3A_146 = arith.addi %mul3A_25, %add3A_145 : i32
    %dma_start3A_147 = arith.constant 0 : i32
    %dma_start3A_148 = arith.constant 0 : i32
    %dma_start3A_149 = arith.constant 0 : i32
    %dma_start3A_150 = tpu.memref_slice %arg15[%dma_start3A_147, %dma_start3A_148, %dma_start3A_149] : memref<3x80x128xf32, #tpu.memory_space<vmem>> -> memref<1x80x128xf32, #tpu.memory_space<vmem>>
    %dma_start3A_151 = tpu.memref_squeeze %dma_start3A_150 : memref<1x80x128xf32, #tpu.memory_space<vmem>> -> memref<80x128xf32, #tpu.memory_space<vmem>>
    %dma_start3A_152 = arith.constant 0 : i32
    %dma_start3A_153 = tpu.memref_slice %arg18[%add3A_146, %dma_start3A_152] : memref<10240x128xf32, #tpu.memory_space<vmem_shared>> -> memref<80x128xf32, #tpu.memory_space<vmem_shared>>
    %dma_start3A_154 = arith.constant 0 : i32
    %dma_start3A_155 = tpu.memref_slice %arg18[%add3A_146, %dma_start3A_154] : memref<10240x128xf32, #tpu.memory_space<vmem_shared>> -> memref<80x128xf32, #tpu.memory_space<vmem_shared>>
    %dma_start3A_156 = arith.constant 0 : i32
    %dma_start3A_157 = arith.constant 0 : i32
    %dma_start3A_158 = tpu.memref_slice %arg15[%dma_start3A_147, %dma_start3A_156, %dma_start3A_157] : memref<3x80x128xf32, #tpu.memory_space<vmem>> -> memref<1x80x128xf32, #tpu.memory_space<vmem>>
    %dma_start3A_159 = tpu.memref_squeeze %dma_start3A_158 : memref<1x80x128xf32, #tpu.memory_space<vmem>> -> memref<80x128xf32, #tpu.memory_space<vmem>>
    tpu.enqueue_dma source(%dma_start3A_159 : memref<80x128xf32, #tpu.memory_space<vmem>>) target(%dma_start3A_155 : memref<80x128xf32, #tpu.memory_space<vmem_shared>>) target_semaphore(%arg23 : memref<!tpu.dma_semaphore, #tpu.memory_space<semaphore_mem>>)
    %add3A_160 = arith.constant 320 : i32
    %add3A_161 = arith.addi %mul3A_25, %add3A_160 : i32
    %dma_start3A_162 = arith.constant 0 : i32
    %dma_start3A_163 = arith.constant 0 : i32
    %dma_start3A_164 = arith.constant 0 : i32
    %dma_start3A_165 = tpu.memref_slice %arg16[%dma_start3A_162, %dma_start3A_163, %dma_start3A_164] : memref<3x80x8xf32, #tpu.memory_space<vmem>> -> memref<1x80x8xf32, #tpu.memory_space<vmem>>
    %dma_start3A_166 = tpu.memref_squeeze %dma_start3A_165 : memref<1x80x8xf32, #tpu.memory_space<vmem>> -> memref<80x8xf32, #tpu.memory_space<vmem>>
    %dma_start3A_167 = arith.constant 0 : i32
    %dma_start3A_168 = tpu.memref_slice %arg19[%add3A_161, %dma_start3A_167] : memref<10240x8xf32, #tpu.memory_space<vmem_shared>> -> memref<80x8xf32, #tpu.memory_space<vmem_shared>>
    %dma_start3A_169 = arith.constant 0 : i32
    %dma_start3A_170 = tpu.memref_slice %arg19[%add3A_161, %dma_start3A_169] : memref<10240x8xf32, #tpu.memory_space<vmem_shared>> -> memref<80x8xf32, #tpu.memory_space<vmem_shared>>
    %dma_start3A_171 = arith.constant 0 : i32
    %dma_start3A_172 = arith.constant 0 : i32
    %dma_start3A_173 = tpu.memref_slice %arg16[%dma_start3A_162, %dma_start3A_171, %dma_start3A_172] : memref<3x80x8xf32, #tpu.memory_space<vmem>> -> memref<1x80x8xf32, #tpu.memory_space<vmem>>
    %dma_start3A_174 = tpu.memref_squeeze %dma_start3A_173 : memref<1x80x8xf32, #tpu.memory_space<vmem>> -> memref<80x8xf32, #tpu.memory_space<vmem>>
    tpu.enqueue_dma source(%dma_start3A_174 : memref<80x8xf32, #tpu.memory_space<vmem>>) target(%dma_start3A_170 : memref<80x8xf32, #tpu.memory_space<vmem_shared>>) target_semaphore(%arg24 : memref<!tpu.dma_semaphore, #tpu.memory_space<semaphore_mem>>)
    %add3A_175 = arith.constant 400 : i32
    %add3A_176 = arith.addi %mul3A_25, %add3A_175 : i32
    %dma_start3A_177 = arith.constant 0 : i32
    %dma_start3A_178 = arith.constant 0 : i32
    %dma_start3A_179 = arith.constant 0 : i32
    %dma_start3A_180 = tpu.memref_slice %arg15[%dma_start3A_177, %dma_start3A_178, %dma_start3A_179] : memref<3x80x128xf32, #tpu.memory_space<vmem>> -> memref<1x80x128xf32, #tpu.memory_space<vmem>>
    %dma_start3A_181 = tpu.memref_squeeze %dma_start3A_180 : memref<1x80x128xf32, #tpu.memory_space<vmem>> -> memref<80x128xf32, #tpu.memory_space<vmem>>
    %dma_start3A_182 = arith.constant 0 : i32
    %dma_start3A_183 = tpu.memref_slice %arg18[%add3A_176, %dma_start3A_182] : memref<10240x128xf32, #tpu.memory_space<vmem_shared>> -> memref<80x128xf32, #tpu.memory_space<vmem_shared>>
    %dma_start3A_184 = arith.constant 0 : i32
    %dma_start3A_185 = tpu.memref_slice %arg18[%add3A_176, %dma_start3A_184] : memref<10240x128xf32, #tpu.memory_space<vmem_shared>> -> memref<80x128xf32, #tpu.memory_space<vmem_shared>>
    %dma_start3A_186 = arith.constant 0 : i32
    %dma_start3A_187 = arith.constant 0 : i32
    %dma_start3A_188 = tpu.memref_slice %arg15[%dma_start3A_177, %dma_start3A_186, %dma_start3A_187] : memref<3x80x128xf32, #tpu.memory_space<vmem>> -> memref<1x80x128xf32, #tpu.memory_space<vmem>>
    %dma_start3A_189 = tpu.memref_squeeze %dma_start3A_188 : memref<1x80x128xf32, #tpu.memory_space<vmem>> -> memref<80x128xf32, #tpu.memory_space<vmem>>
    tpu.enqueue_dma source(%dma_start3A_189 : memref<80x128xf32, #tpu.memory_space<vmem>>) target(%dma_start3A_185 : memref<80x128xf32, #tpu.memory_space<vmem_shared>>) target_semaphore(%arg23 : memref<!tpu.dma_semaphore, #tpu.memory_space<semaphore_mem>>)
    %add3A_190 = arith.constant 400 : i32
    %add3A_191 = arith.addi %mul3A_25, %add3A_190 : i32
    %dma_start3A_192 = arith.constant 0 : i32
    %dma_start3A_193 = arith.constant 0 : i32
    %dma_start3A_194 = arith.constant 0 : i32
    %dma_start3A_195 = tpu.memref_slice %arg16[%dma_start3A_192, %dma_start3A_193, %dma_start3A_194] : memref<3x80x8xf32, #tpu.memory_space<vmem>> -> memref<1x80x8xf32, #tpu.memory_space<vmem>>
    %dma_start3A_196 = tpu.memref_squeeze %dma_start3A_195 : memref<1x80x8xf32, #tpu.memory_space<vmem>> -> memref<80x8xf32, #tpu.memory_space<vmem>>
    %dma_start3A_197 = arith.constant 0 : i32
    %dma_start3A_198 = tpu.memref_slice %arg19[%add3A_191, %dma_start3A_197] : memref<10240x8xf32, #tpu.memory_space<vmem_shared>> -> memref<80x8xf32, #tpu.memory_space<vmem_shared>>
    %dma_start3A_199 = arith.constant 0 : i32
    %dma_start3A_200 = tpu.memref_slice %arg19[%add3A_191, %dma_start3A_199] : memref<10240x8xf32, #tpu.memory_space<vmem_shared>> -> memref<80x8xf32, #tpu.memory_space<vmem_shared>>
    %dma_start3A_201 = arith.constant 0 : i32
    %dma_start3A_202 = arith.constant 0 : i32
    %dma_start3A_203 = tpu.memref_slice %arg16[%dma_start3A_192, %dma_start3A_201, %dma_start3A_202] : memref<3x80x8xf32, #tpu.memory_space<vmem>> -> memref<1x80x8xf32, #tpu.memory_space<vmem>>
    %dma_start3A_204 = tpu.memref_squeeze %dma_start3A_203 : memref<1x80x8xf32, #tpu.memory_space<vmem>> -> memref<80x8xf32, #tpu.memory_space<vmem>>
    tpu.enqueue_dma source(%dma_start3A_204 : memref<80x8xf32, #tpu.memory_space<vmem>>) target(%dma_start3A_200 : memref<80x8xf32, #tpu.memory_space<vmem_shared>>) target_semaphore(%arg24 : memref<!tpu.dma_semaphore, #tpu.memory_space<semaphore_mem>>)
    %add3A_205 = arith.constant 480 : i32
    %add3A_206 = arith.addi %mul3A_25, %add3A_205 : i32
    %dma_start3A_207 = arith.constant 0 : i32
    %dma_start3A_208 = arith.constant 0 : i32
    %dma_start3A_209 = arith.constant 0 : i32
    %dma_start3A_210 = tpu.memref_slice %arg15[%dma_start3A_207, %dma_start3A_208, %dma_start3A_209] : memref<3x80x128xf32, #tpu.memory_space<vmem>> -> memref<1x80x128xf32, #tpu.memory_space<vmem>>
    %dma_start3A_211 = tpu.memref_squeeze %dma_start3A_210 : memref<1x80x128xf32, #tpu.memory_space<vmem>> -> memref<80x128xf32, #tpu.memory_space<vmem>>
    %dma_start3A_212 = arith.constant 0 : i32
    %dma_start3A_213 = tpu.memref_slice %arg18[%add3A_206, %dma_start3A_212] : memref<10240x128xf32, #tpu.memory_space<vmem_shared>> -> memref<80x128xf32, #tpu.memory_space<vmem_shared>>
    %dma_start3A_214 = arith.constant 0 : i32
    %dma_start3A_215 = tpu.memref_slice %arg18[%add3A_206, %dma_start3A_214] : memref<10240x128xf32, #tpu.memory_space<vmem_shared>> -> memref<80x128xf32, #tpu.memory_space<vmem_shared>>
    %dma_start3A_216 = arith.constant 0 : i32
    %dma_start3A_217 = arith.constant 0 : i32
    %dma_start3A_218 = tpu.memref_slice %arg15[%dma_start3A_207, %dma_start3A_216, %dma_start3A_217] : memref<3x80x128xf32, #tpu.memory_space<vmem>> -> memref<1x80x128xf32, #tpu.memory_space<vmem>>
    %dma_start3A_219 = tpu.memref_squeeze %dma_start3A_218 : memref<1x80x128xf32, #tpu.memory_space<vmem>> -> memref<80x128xf32, #tpu.memory_space<vmem>>
    tpu.enqueue_dma source(%dma_start3A_219 : memref<80x128xf32, #tpu.memory_space<vmem>>) target(%dma_start3A_215 : memref<80x128xf32, #tpu.memory_space<vmem_shared>>) target_semaphore(%arg23 : memref<!tpu.dma_semaphore, #tpu.memory_space<semaphore_mem>>)
    %add3A_220 = arith.constant 480 : i32
    %add3A_221 = arith.addi %mul3A_25, %add3A_220 : i32
    %dma_start3A_222 = arith.constant 0 : i32
    %dma_start3A_223 = arith.constant 0 : i32
    %dma_start3A_224 = arith.constant 0 : i32
    %dma_start3A_225 = tpu.memref_slice %arg16[%dma_start3A_222, %dma_start3A_223, %dma_start3A_224] : memref<3x80x8xf32, #tpu.memory_space<vmem>> -> memref<1x80x8xf32, #tpu.memory_space<vmem>>
    %dma_start3A_226 = tpu.memref_squeeze %dma_start3A_225 : memref<1x80x8xf32, #tpu.memory_space<vmem>> -> memref<80x8xf32, #tpu.memory_space<vmem>>
    %dma_start3A_227 = arith.constant 0 : i32
    %dma_start3A_228 = tpu.memref_slice %arg19[%add3A_221, %dma_start3A_227] : memref<10240x8xf32, #tpu.memory_space<vmem_shared>> -> memref<80x8xf32, #tpu.memory_space<vmem_shared>>
    %dma_start3A_229 = arith.constant 0 : i32
    %dma_start3A_230 = tpu.memref_slice %arg19[%add3A_221, %dma_start3A_229] : memref<10240x8xf32, #tpu.memory_space<vmem_shared>> -> memref<80x8xf32, #tpu.memory_space<vmem_shared>>
    %dma_start3A_231 = arith.constant 0 : i32
    %dma_start3A_232 = arith.constant 0 : i32
    %dma_start3A_233 = tpu.memref_slice %arg16[%dma_start3A_222, %dma_start3A_231, %dma_start3A_232] : memref<3x80x8xf32, #tpu.memory_space<vmem>> -> memref<1x80x8xf32, #tpu.memory_space<vmem>>
    %dma_start3A_234 = tpu.memref_squeeze %dma_start3A_233 : memref<1x80x8xf32, #tpu.memory_space<vmem>> -> memref<80x8xf32, #tpu.memory_space<vmem>>
    tpu.enqueue_dma source(%dma_start3A_234 : memref<80x8xf32, #tpu.memory_space<vmem>>) target(%dma_start3A_230 : memref<80x8xf32, #tpu.memory_space<vmem_shared>>) target_semaphore(%arg24 : memref<!tpu.dma_semaphore, #tpu.memory_space<semaphore_mem>>)
    %add3A_235 = arith.constant 560 : i32
    %add3A_236 = arith.addi %mul3A_25, %add3A_235 : i32
    %dma_start3A_237 = arith.constant 0 : i32
    %dma_start3A_238 = arith.constant 0 : i32
    %dma_start3A_239 = arith.constant 0 : i32
    %dma_start3A_240 = tpu.memref_slice %arg15[%dma_start3A_237, %dma_start3A_238, %dma_start3A_239] : memref<3x80x128xf32, #tpu.memory_space<vmem>> -> memref<1x80x128xf32, #tpu.memory_space<vmem>>
    %dma_start3A_241 = tpu.memref_squeeze %dma_start3A_240 : memref<1x80x128xf32, #tpu.memory_space<vmem>> -> memref<80x128xf32, #tpu.memory_space<vmem>>
    %dma_start3A_242 = arith.constant 0 : i32
    %dma_start3A_243 = tpu.memref_slice %arg18[%add3A_236, %dma_start3A_242] : memref<10240x128xf32, #tpu.memory_space<vmem_shared>> -> memref<80x128xf32, #tpu.memory_space<vmem_shared>>
    %dma_start3A_244 = arith.constant 0 : i32
    %dma_start3A_245 = tpu.memref_slice %arg18[%add3A_236, %dma_start3A_244] : memref<10240x128xf32, #tpu.memory_space<vmem_shared>> -> memref<80x128xf32, #tpu.memory_space<vmem_shared>>
    %dma_start3A_246 = arith.constant 0 : i32
    %dma_start3A_247 = arith.constant 0 : i32
    %dma_start3A_248 = tpu.memref_slice %arg15[%dma_start3A_237, %dma_start3A_246, %dma_start3A_247] : memref<3x80x128xf32, #tpu.memory_space<vmem>> -> memref<1x80x128xf32, #tpu.memory_space<vmem>>
    %dma_start3A_249 = tpu.memref_squeeze %dma_start3A_248 : memref<1x80x128xf32, #tpu.memory_space<vmem>> -> memref<80x128xf32, #tpu.memory_space<vmem>>
    tpu.enqueue_dma source(%dma_start3A_249 : memref<80x128xf32, #tpu.memory_space<vmem>>) target(%dma_start3A_245 : memref<80x128xf32, #tpu.memory_space<vmem_shared>>) target_semaphore(%arg23 : memref<!tpu.dma_semaphore, #tpu.memory_space<semaphore_mem>>)
    %add3A_250 = arith.constant 560 : i32
    %add3A_251 = arith.addi %mul3A_25, %add3A_250 : i32
    %dma_start3A_252 = arith.constant 0 : i32
    %dma_start3A_253 = arith.constant 0 : i32
    %dma_start3A_254 = arith.constant 0 : i32
    %dma_start3A_255 = tpu.memref_slice %arg16[%dma_start3A_252, %dma_start3A_253, %dma_start3A_254] : memref<3x80x8xf32, #tpu.memory_space<vmem>> -> memref<1x80x8xf32, #tpu.memory_space<vmem>>
    %dma_start3A_256 = tpu.memref_squeeze %dma_start3A_255 : memref<1x80x8xf32, #tpu.memory_space<vmem>> -> memref<80x8xf32, #tpu.memory_space<vmem>>
    %dma_start3A_257 = arith.constant 0 : i32
    %dma_start3A_258 = tpu.memref_slice %arg19[%add3A_251, %dma_start3A_257] : memref<10240x8xf32, #tpu.memory_space<vmem_shared>> -> memref<80x8xf32, #tpu.memory_space<vmem_shared>>
    %dma_start3A_259 = arith.constant 0 : i32
    %dma_start3A_260 = tpu.memref_slice %arg19[%add3A_251, %dma_start3A_259] : memref<10240x8xf32, #tpu.memory_space<vmem_shared>> -> memref<80x8xf32, #tpu.memory_space<vmem_shared>>
    %dma_start3A_261 = arith.constant 0 : i32
    %dma_start3A_262 = arith.constant 0 : i32
    %dma_start3A_263 = tpu.memref_slice %arg16[%dma_start3A_252, %dma_start3A_261, %dma_start3A_262] : memref<3x80x8xf32, #tpu.memory_space<vmem>> -> memref<1x80x8xf32, #tpu.memory_space<vmem>>
    %dma_start3A_264 = tpu.memref_squeeze %dma_start3A_263 : memref<1x80x8xf32, #tpu.memory_space<vmem>> -> memref<80x8xf32, #tpu.memory_space<vmem>>
    tpu.enqueue_dma source(%dma_start3A_264 : memref<80x8xf32, #tpu.memory_space<vmem>>) target(%dma_start3A_260 : memref<80x8xf32, #tpu.memory_space<vmem_shared>>) target_semaphore(%arg24 : memref<!tpu.dma_semaphore, #tpu.memory_space<semaphore_mem>>)
    %add3A_265 = arith.constant 0 : i32
    %add3A_266 = arith.addi %mul3A_25, %add3A_265 : i32
    %dma_wait3A = arith.constant 0 : i32
    %dma_wait3A_267 = arith.constant 0 : i32
    %dma_wait3A_268 = arith.constant 0 : i32
    %dma_wait3A_269 = tpu.memref_slice %arg15[%dma_wait3A, %dma_wait3A_267, %dma_wait3A_268] : memref<3x80x128xf32, #tpu.memory_space<vmem>> -> memref<1x80x128xf32, #tpu.memory_space<vmem>>
    %dma_wait3A_270 = tpu.memref_squeeze %dma_wait3A_269 : memref<1x80x128xf32, #tpu.memory_space<vmem>> -> memref<80x128xf32, #tpu.memory_space<vmem>>
    %dma_wait3A_271 = arith.constant 0 : i32
    %dma_wait3A_272 = tpu.memref_slice %arg18[%add3A_266, %dma_wait3A_271] : memref<10240x128xf32, #tpu.memory_space<vmem_shared>> -> memref<80x128xf32, #tpu.memory_space<vmem_shared>>
    %dma_wait3A_273 = arith.constant 0 : i32
    %dma_wait3A_274 = tpu.memref_slice %arg18[%add3A_266, %dma_wait3A_273] : memref<10240x128xf32, #tpu.memory_space<vmem_shared>> -> memref<80x128xf32, #tpu.memory_space<vmem_shared>>
    %dma_wait3A_275 = arith.constant 0 : i32
    %dma_wait3A_276 = arith.constant 0 : i32
    %dma_wait3A_277 = tpu.memref_slice %arg15[%dma_wait3A, %dma_wait3A_275, %dma_wait3A_276] : memref<3x80x128xf32, #tpu.memory_space<vmem>> -> memref<1x80x128xf32, #tpu.memory_space<vmem>>
    %dma_wait3A_278 = tpu.memref_squeeze %dma_wait3A_277 : memref<1x80x128xf32, #tpu.memory_space<vmem>> -> memref<80x128xf32, #tpu.memory_space<vmem>>
    tpu.wait_dma2 semaphore(%arg23 : memref<!tpu.dma_semaphore, #tpu.memory_space<semaphore_mem>>) src(%dma_wait3A_278 : memref<80x128xf32, #tpu.memory_space<vmem>>) dst(%dma_wait3A_274 : memref<80x128xf32, #tpu.memory_space<vmem_shared>>)
    %add3A_279 = arith.constant 0 : i32
    %add3A_280 = arith.addi %mul3A_25, %add3A_279 : i32
    %dma_wait3A_281 = arith.constant 0 : i32
    %dma_wait3A_282 = arith.constant 0 : i32
    %dma_wait3A_283 = arith.constant 0 : i32
    %dma_wait3A_284 = tpu.memref_slice %arg16[%dma_wait3A_281, %dma_wait3A_282, %dma_wait3A_283] : memref<3x80x8xf32, #tpu.memory_space<vmem>> -> memref<1x80x8xf32, #tpu.memory_space<vmem>>
    %dma_wait3A_285 = tpu.memref_squeeze %dma_wait3A_284 : memref<1x80x8xf32, #tpu.memory_space<vmem>> -> memref<80x8xf32, #tpu.memory_space<vmem>>
    %dma_wait3A_286 = arith.constant 0 : i32
    %dma_wait3A_287 = tpu.memref_slice %arg19[%add3A_280, %dma_wait3A_286] : memref<10240x8xf32, #tpu.memory_space<vmem_shared>> -> memref<80x8xf32, #tpu.memory_space<vmem_shared>>
    %dma_wait3A_288 = arith.constant 0 : i32
    %dma_wait3A_289 = tpu.memref_slice %arg19[%add3A_280, %dma_wait3A_288] : memref<10240x8xf32, #tpu.memory_space<vmem_shared>> -> memref<80x8xf32, #tpu.memory_space<vmem_shared>>
    %dma_wait3A_290 = arith.constant 0 : i32
    %dma_wait3A_291 = arith.constant 0 : i32
    %dma_wait3A_292 = tpu.memref_slice %arg16[%dma_wait3A_281, %dma_wait3A_290, %dma_wait3A_291] : memref<3x80x8xf32, #tpu.memory_space<vmem>> -> memref<1x80x8xf32, #tpu.memory_space<vmem>>
    %dma_wait3A_293 = tpu.memref_squeeze %dma_wait3A_292 : memref<1x80x8xf32, #tpu.memory_space<vmem>> -> memref<80x8xf32, #tpu.memory_space<vmem>>
    tpu.wait_dma2 semaphore(%arg24 : memref<!tpu.dma_semaphore, #tpu.memory_space<semaphore_mem>>) src(%dma_wait3A_293 : memref<80x8xf32, #tpu.memory_space<vmem>>) dst(%dma_wait3A_289 : memref<80x8xf32, #tpu.memory_space<vmem_shared>>)
    %add3A_294 = arith.constant 80 : i32
    %add3A_295 = arith.addi %mul3A_25, %add3A_294 : i32
    %dma_wait3A_296 = arith.constant 0 : i32
    %dma_wait3A_297 = arith.constant 0 : i32
    %dma_wait3A_298 = arith.constant 0 : i32
    %dma_wait3A_299 = tpu.memref_slice %arg15[%dma_wait3A_296, %dma_wait3A_297, %dma_wait3A_298] : memref<3x80x128xf32, #tpu.memory_space<vmem>> -> memref<1x80x128xf32, #tpu.memory_space<vmem>>
    %dma_wait3A_300 = tpu.memref_squeeze %dma_wait3A_299 : memref<1x80x128xf32, #tpu.memory_space<vmem>> -> memref<80x128xf32, #tpu.memory_space<vmem>>
    %dma_wait3A_301 = arith.constant 0 : i32
    %dma_wait3A_302 = tpu.memref_slice %arg18[%add3A_295, %dma_wait3A_301] : memref<10240x128xf32, #tpu.memory_space<vmem_shared>> -> memref<80x128xf32, #tpu.memory_space<vmem_shared>>
    %dma_wait3A_303 = arith.constant 0 : i32
    %dma_wait3A_304 = tpu.memref_slice %arg18[%add3A_295, %dma_wait3A_303] : memref<10240x128xf32, #tpu.memory_space<vmem_shared>> -> memref<80x128xf32, #tpu.memory_space<vmem_shared>>
    %dma_wait3A_305 = arith.constant 0 : i32
    %dma_wait3A_306 = arith.constant 0 : i32
    %dma_wait3A_307 = tpu.memref_slice %arg15[%dma_wait3A_296, %dma_wait3A_305, %dma_wait3A_306] : memref<3x80x128xf32, #tpu.memory_space<vmem>> -> memref<1x80x128xf32, #tpu.memory_space<vmem>>
    %dma_wait3A_308 = tpu.memref_squeeze %dma_wait3A_307 : memref<1x80x128xf32, #tpu.memory_space<vmem>> -> memref<80x128xf32, #tpu.memory_space<vmem>>
    tpu.wait_dma2 semaphore(%arg23 : memref<!tpu.dma_semaphore, #tpu.memory_space<semaphore_mem>>) src(%dma_wait3A_308 : memref<80x128xf32, #tpu.memory_space<vmem>>) dst(%dma_wait3A_304 : memref<80x128xf32, #tpu.memory_space<vmem_shared>>)
    %add3A_309 = arith.constant 80 : i32
    %add3A_310 = arith.addi %mul3A_25, %add3A_309 : i32
    %dma_wait3A_311 = arith.constant 0 : i32
    %dma_wait3A_312 = arith.constant 0 : i32
    %dma_wait3A_313 = arith.constant 0 : i32
    %dma_wait3A_314 = tpu.memref_slice %arg16[%dma_wait3A_311, %dma_wait3A_312, %dma_wait3A_313] : memref<3x80x8xf32, #tpu.memory_space<vmem>> -> memref<1x80x8xf32, #tpu.memory_space<vmem>>
    %dma_wait3A_315 = tpu.memref_squeeze %dma_wait3A_314 : memref<1x80x8xf32, #tpu.memory_space<vmem>> -> memref<80x8xf32, #tpu.memory_space<vmem>>
    %dma_wait3A_316 = arith.constant 0 : i32
    %dma_wait3A_317 = tpu.memref_slice %arg19[%add3A_310, %dma_wait3A_316] : memref<10240x8xf32, #tpu.memory_space<vmem_shared>> -> memref<80x8xf32, #tpu.memory_space<vmem_shared>>
    %dma_wait3A_318 = arith.constant 0 : i32
    %dma_wait3A_319 = tpu.memref_slice %arg19[%add3A_310, %dma_wait3A_318] : memref<10240x8xf32, #tpu.memory_space<vmem_shared>> -> memref<80x8xf32, #tpu.memory_space<vmem_shared>>
    %dma_wait3A_320 = arith.constant 0 : i32
    %dma_wait3A_321 = arith.constant 0 : i32
    %dma_wait3A_322 = tpu.memref_slice %arg16[%dma_wait3A_311, %dma_wait3A_320, %dma_wait3A_321] : memref<3x80x8xf32, #tpu.memory_space<vmem>> -> memref<1x80x8xf32, #tpu.memory_space<vmem>>
    %dma_wait3A_323 = tpu.memref_squeeze %dma_wait3A_322 : memref<1x80x8xf32, #tpu.memory_space<vmem>> -> memref<80x8xf32, #tpu.memory_space<vmem>>
    tpu.wait_dma2 semaphore(%arg24 : memref<!tpu.dma_semaphore, #tpu.memory_space<semaphore_mem>>) src(%dma_wait3A_323 : memref<80x8xf32, #tpu.memory_space<vmem>>) dst(%dma_wait3A_319 : memref<80x8xf32, #tpu.memory_space<vmem_shared>>)
    %add3A_324 = arith.constant 160 : i32
    %add3A_325 = arith.addi %mul3A_25, %add3A_324 : i32
    %dma_wait3A_326 = arith.constant 0 : i32
    %dma_wait3A_327 = arith.constant 0 : i32
    %dma_wait3A_328 = arith.constant 0 : i32
    %dma_wait3A_329 = tpu.memref_slice %arg15[%dma_wait3A_326, %dma_wait3A_327, %dma_wait3A_328] : memref<3x80x128xf32, #tpu.memory_space<vmem>> -> memref<1x80x128xf32, #tpu.memory_space<vmem>>
    %dma_wait3A_330 = tpu.memref_squeeze %dma_wait3A_329 : memref<1x80x128xf32, #tpu.memory_space<vmem>> -> memref<80x128xf32, #tpu.memory_space<vmem>>
    %dma_wait3A_331 = arith.constant 0 : i32
    %dma_wait3A_332 = tpu.memref_slice %arg18[%add3A_325, %dma_wait3A_331] : memref<10240x128xf32, #tpu.memory_space<vmem_shared>> -> memref<80x128xf32, #tpu.memory_space<vmem_shared>>
    %dma_wait3A_333 = arith.constant 0 : i32
    %dma_wait3A_334 = tpu.memref_slice %arg18[%add3A_325, %dma_wait3A_333] : memref<10240x128xf32, #tpu.memory_space<vmem_shared>> -> memref<80x128xf32, #tpu.memory_space<vmem_shared>>
    %dma_wait3A_335 = arith.constant 0 : i32
    %dma_wait3A_336 = arith.constant 0 : i32
    %dma_wait3A_337 = tpu.memref_slice %arg15[%dma_wait3A_326, %dma_wait3A_335, %dma_wait3A_336] : memref<3x80x128xf32, #tpu.memory_space<vmem>> -> memref<1x80x128xf32, #tpu.memory_space<vmem>>
    %dma_wait3A_338 = tpu.memref_squeeze %dma_wait3A_337 : memref<1x80x128xf32, #tpu.memory_space<vmem>> -> memref<80x128xf32, #tpu.memory_space<vmem>>
    tpu.wait_dma2 semaphore(%arg23 : memref<!tpu.dma_semaphore, #tpu.memory_space<semaphore_mem>>) src(%dma_wait3A_338 : memref<80x128xf32, #tpu.memory_space<vmem>>) dst(%dma_wait3A_334 : memref<80x128xf32, #tpu.memory_space<vmem_shared>>)
    %add3A_339 = arith.constant 160 : i32
    %add3A_340 = arith.addi %mul3A_25, %add3A_339 : i32
    %dma_wait3A_341 = arith.constant 0 : i32
    %dma_wait3A_342 = arith.constant 0 : i32
    %dma_wait3A_343 = arith.constant 0 : i32
    %dma_wait3A_344 = tpu.memref_slice %arg16[%dma_wait3A_341, %dma_wait3A_342, %dma_wait3A_343] : memref<3x80x8xf32, #tpu.memory_space<vmem>> -> memref<1x80x8xf32, #tpu.memory_space<vmem>>
    %dma_wait3A_345 = tpu.memref_squeeze %dma_wait3A_344 : memref<1x80x8xf32, #tpu.memory_space<vmem>> -> memref<80x8xf32, #tpu.memory_space<vmem>>
    %dma_wait3A_346 = arith.constant 0 : i32
    %dma_wait3A_347 = tpu.memref_slice %arg19[%add3A_340, %dma_wait3A_346] : memref<10240x8xf32, #tpu.memory_space<vmem_shared>> -> memref<80x8xf32, #tpu.memory_space<vmem_shared>>
    %dma_wait3A_348 = arith.constant 0 : i32
    %dma_wait3A_349 = tpu.memref_slice %arg19[%add3A_340, %dma_wait3A_348] : memref<10240x8xf32, #tpu.memory_space<vmem_shared>> -> memref<80x8xf32, #tpu.memory_space<vmem_shared>>
    %dma_wait3A_350 = arith.constant 0 : i32
    %dma_wait3A_351 = arith.constant 0 : i32
    %dma_wait3A_352 = tpu.memref_slice %arg16[%dma_wait3A_341, %dma_wait3A_350, %dma_wait3A_351] : memref<3x80x8xf32, #tpu.memory_space<vmem>> -> memref<1x80x8xf32, #tpu.memory_space<vmem>>
    %dma_wait3A_353 = tpu.memref_squeeze %dma_wait3A_352 : memref<1x80x8xf32, #tpu.memory_space<vmem>> -> memref<80x8xf32, #tpu.memory_space<vmem>>
    tpu.wait_dma2 semaphore(%arg24 : memref<!tpu.dma_semaphore, #tpu.memory_space<semaphore_mem>>) src(%dma_wait3A_353 : memref<80x8xf32, #tpu.memory_space<vmem>>) dst(%dma_wait3A_349 : memref<80x8xf32, #tpu.memory_space<vmem_shared>>)
    %add3A_354 = arith.constant 240 : i32
    %add3A_355 = arith.addi %mul3A_25, %add3A_354 : i32
    %dma_wait3A_356 = arith.constant 0 : i32
    %dma_wait3A_357 = arith.constant 0 : i32
    %dma_wait3A_358 = arith.constant 0 : i32
    %dma_wait3A_359 = tpu.memref_slice %arg15[%dma_wait3A_356, %dma_wait3A_357, %dma_wait3A_358] : memref<3x80x128xf32, #tpu.memory_space<vmem>> -> memref<1x80x128xf32, #tpu.memory_space<vmem>>
    %dma_wait3A_360 = tpu.memref_squeeze %dma_wait3A_359 : memref<1x80x128xf32, #tpu.memory_space<vmem>> -> memref<80x128xf32, #tpu.memory_space<vmem>>
    %dma_wait3A_361 = arith.constant 0 : i32
    %dma_wait3A_362 = tpu.memref_slice %arg18[%add3A_355, %dma_wait3A_361] : memref<10240x128xf32, #tpu.memory_space<vmem_shared>> -> memref<80x128xf32, #tpu.memory_space<vmem_shared>>
    %dma_wait3A_363 = arith.constant 0 : i32
    %dma_wait3A_364 = tpu.memref_slice %arg18[%add3A_355, %dma_wait3A_363] : memref<10240x128xf32, #tpu.memory_space<vmem_shared>> -> memref<80x128xf32, #tpu.memory_space<vmem_shared>>
    %dma_wait3A_365 = arith.constant 0 : i32
    %dma_wait3A_366 = arith.constant 0 : i32
    %dma_wait3A_367 = tpu.memref_slice %arg15[%dma_wait3A_356, %dma_wait3A_365, %dma_wait3A_366] : memref<3x80x128xf32, #tpu.memory_space<vmem>> -> memref<1x80x128xf32, #tpu.memory_space<vmem>>
    %dma_wait3A_368 = tpu.memref_squeeze %dma_wait3A_367 : memref<1x80x128xf32, #tpu.memory_space<vmem>> -> memref<80x128xf32, #tpu.memory_space<vmem>>
    tpu.wait_dma2 semaphore(%arg23 : memref<!tpu.dma_semaphore, #tpu.memory_space<semaphore_mem>>) src(%dma_wait3A_368 : memref<80x128xf32, #tpu.memory_space<vmem>>) dst(%dma_wait3A_364 : memref<80x128xf32, #tpu.memory_space<vmem_shared>>)
    %add3A_369 = arith.constant 240 : i32
    %add3A_370 = arith.addi %mul3A_25, %add3A_369 : i32
    %dma_wait3A_371 = arith.constant 0 : i32
    %dma_wait3A_372 = arith.constant 0 : i32
    %dma_wait3A_373 = arith.constant 0 : i32
    %dma_wait3A_374 = tpu.memref_slice %arg16[%dma_wait3A_371, %dma_wait3A_372, %dma_wait3A_373] : memref<3x80x8xf32, #tpu.memory_space<vmem>> -> memref<1x80x8xf32, #tpu.memory_space<vmem>>
    %dma_wait3A_375 = tpu.memref_squeeze %dma_wait3A_374 : memref<1x80x8xf32, #tpu.memory_space<vmem>> -> memref<80x8xf32, #tpu.memory_space<vmem>>
    %dma_wait3A_376 = arith.constant 0 : i32
    %dma_wait3A_377 = tpu.memref_slice %arg19[%add3A_370, %dma_wait3A_376] : memref<10240x8xf32, #tpu.memory_space<vmem_shared>> -> memref<80x8xf32, #tpu.memory_space<vmem_shared>>
    %dma_wait3A_378 = arith.constant 0 : i32
    %dma_wait3A_379 = tpu.memref_slice %arg19[%add3A_370, %dma_wait3A_378] : memref<10240x8xf32, #tpu.memory_space<vmem_shared>> -> memref<80x8xf32, #tpu.memory_space<vmem_shared>>
    %dma_wait3A_380 = arith.constant 0 : i32
    %dma_wait3A_381 = arith.constant 0 : i32
    %dma_wait3A_382 = tpu.memref_slice %arg16[%dma_wait3A_371, %dma_wait3A_380, %dma_wait3A_381] : memref<3x80x8xf32, #tpu.memory_space<vmem>> -> memref<1x80x8xf32, #tpu.memory_space<vmem>>
    %dma_wait3A_383 = tpu.memref_squeeze %dma_wait3A_382 : memref<1x80x8xf32, #tpu.memory_space<vmem>> -> memref<80x8xf32, #tpu.memory_space<vmem>>
    tpu.wait_dma2 semaphore(%arg24 : memref<!tpu.dma_semaphore, #tpu.memory_space<semaphore_mem>>) src(%dma_wait3A_383 : memref<80x8xf32, #tpu.memory_space<vmem>>) dst(%dma_wait3A_379 : memref<80x8xf32, #tpu.memory_space<vmem_shared>>)
    %add3A_384 = arith.constant 320 : i32
    %add3A_385 = arith.addi %mul3A_25, %add3A_384 : i32
    %dma_wait3A_386 = arith.constant 0 : i32
    %dma_wait3A_387 = arith.constant 0 : i32
    %dma_wait3A_388 = arith.constant 0 : i32
    %dma_wait3A_389 = tpu.memref_slice %arg15[%dma_wait3A_386, %dma_wait3A_387, %dma_wait3A_388] : memref<3x80x128xf32, #tpu.memory_space<vmem>> -> memref<1x80x128xf32, #tpu.memory_space<vmem>>
    %dma_wait3A_390 = tpu.memref_squeeze %dma_wait3A_389 : memref<1x80x128xf32, #tpu.memory_space<vmem>> -> memref<80x128xf32, #tpu.memory_space<vmem>>
    %dma_wait3A_391 = arith.constant 0 : i32
    %dma_wait3A_392 = tpu.memref_slice %arg18[%add3A_385, %dma_wait3A_391] : memref<10240x128xf32, #tpu.memory_space<vmem_shared>> -> memref<80x128xf32, #tpu.memory_space<vmem_shared>>
    %dma_wait3A_393 = arith.constant 0 : i32
    %dma_wait3A_394 = tpu.memref_slice %arg18[%add3A_385, %dma_wait3A_393] : memref<10240x128xf32, #tpu.memory_space<vmem_shared>> -> memref<80x128xf32, #tpu.memory_space<vmem_shared>>
    %dma_wait3A_395 = arith.constant 0 : i32
    %dma_wait3A_396 = arith.constant 0 : i32
    %dma_wait3A_397 = tpu.memref_slice %arg15[%dma_wait3A_386, %dma_wait3A_395, %dma_wait3A_396] : memref<3x80x128xf32, #tpu.memory_space<vmem>> -> memref<1x80x128xf32, #tpu.memory_space<vmem>>
    %dma_wait3A_398 = tpu.memref_squeeze %dma_wait3A_397 : memref<1x80x128xf32, #tpu.memory_space<vmem>> -> memref<80x128xf32, #tpu.memory_space<vmem>>
    tpu.wait_dma2 semaphore(%arg23 : memref<!tpu.dma_semaphore, #tpu.memory_space<semaphore_mem>>) src(%dma_wait3A_398 : memref<80x128xf32, #tpu.memory_space<vmem>>) dst(%dma_wait3A_394 : memref<80x128xf32, #tpu.memory_space<vmem_shared>>)
    %add3A_399 = arith.constant 320 : i32
    %add3A_400 = arith.addi %mul3A_25, %add3A_399 : i32
    %dma_wait3A_401 = arith.constant 0 : i32
    %dma_wait3A_402 = arith.constant 0 : i32
    %dma_wait3A_403 = arith.constant 0 : i32
    %dma_wait3A_404 = tpu.memref_slice %arg16[%dma_wait3A_401, %dma_wait3A_402, %dma_wait3A_403] : memref<3x80x8xf32, #tpu.memory_space<vmem>> -> memref<1x80x8xf32, #tpu.memory_space<vmem>>
    %dma_wait3A_405 = tpu.memref_squeeze %dma_wait3A_404 : memref<1x80x8xf32, #tpu.memory_space<vmem>> -> memref<80x8xf32, #tpu.memory_space<vmem>>
    %dma_wait3A_406 = arith.constant 0 : i32
    %dma_wait3A_407 = tpu.memref_slice %arg19[%add3A_400, %dma_wait3A_406] : memref<10240x8xf32, #tpu.memory_space<vmem_shared>> -> memref<80x8xf32, #tpu.memory_space<vmem_shared>>
    %dma_wait3A_408 = arith.constant 0 : i32
    %dma_wait3A_409 = tpu.memref_slice %arg19[%add3A_400, %dma_wait3A_408] : memref<10240x8xf32, #tpu.memory_space<vmem_shared>> -> memref<80x8xf32, #tpu.memory_space<vmem_shared>>
    %dma_wait3A_410 = arith.constant 0 : i32
    %dma_wait3A_411 = arith.constant 0 : i32
    %dma_wait3A_412 = tpu.memref_slice %arg16[%dma_wait3A_401, %dma_wait3A_410, %dma_wait3A_411] : memref<3x80x8xf32, #tpu.memory_space<vmem>> -> memref<1x80x8xf32, #tpu.memory_space<vmem>>
    %dma_wait3A_413 = tpu.memref_squeeze %dma_wait3A_412 : memref<1x80x8xf32, #tpu.memory_space<vmem>> -> memref<80x8xf32, #tpu.memory_space<vmem>>
    tpu.wait_dma2 semaphore(%arg24 : memref<!tpu.dma_semaphore, #tpu.memory_space<semaphore_mem>>) src(%dma_wait3A_413 : memref<80x8xf32, #tpu.memory_space<vmem>>) dst(%dma_wait3A_409 : memref<80x8xf32, #tpu.memory_space<vmem_shared>>)
    %add3A_414 = arith.constant 400 : i32
    %add3A_415 = arith.addi %mul3A_25, %add3A_414 : i32
    %dma_wait3A_416 = arith.constant 0 : i32
    %dma_wait3A_417 = arith.constant 0 : i32
    %dma_wait3A_418 = arith.constant 0 : i32
    %dma_wait3A_419 = tpu.memref_slice %arg15[%dma_wait3A_416, %dma_wait3A_417, %dma_wait3A_418] : memref<3x80x128xf32, #tpu.memory_space<vmem>> -> memref<1x80x128xf32, #tpu.memory_space<vmem>>
    %dma_wait3A_420 = tpu.memref_squeeze %dma_wait3A_419 : memref<1x80x128xf32, #tpu.memory_space<vmem>> -> memref<80x128xf32, #tpu.memory_space<vmem>>
    %dma_wait3A_421 = arith.constant 0 : i32
    %dma_wait3A_422 = tpu.memref_slice %arg18[%add3A_415, %dma_wait3A_421] : memref<10240x128xf32, #tpu.memory_space<vmem_shared>> -> memref<80x128xf32, #tpu.memory_space<vmem_shared>>
    %dma_wait3A_423 = arith.constant 0 : i32
    %dma_wait3A_424 = tpu.memref_slice %arg18[%add3A_415, %dma_wait3A_423] : memref<10240x128xf32, #tpu.memory_space<vmem_shared>> -> memref<80x128xf32, #tpu.memory_space<vmem_shared>>
    %dma_wait3A_425 = arith.constant 0 : i32
    %dma_wait3A_426 = arith.constant 0 : i32
    %dma_wait3A_427 = tpu.memref_slice %arg15[%dma_wait3A_416, %dma_wait3A_425, %dma_wait3A_426] : memref<3x80x128xf32, #tpu.memory_space<vmem>> -> memref<1x80x128xf32, #tpu.memory_space<vmem>>
    %dma_wait3A_428 = tpu.memref_squeeze %dma_wait3A_427 : memref<1x80x128xf32, #tpu.memory_space<vmem>> -> memref<80x128xf32, #tpu.memory_space<vmem>>
    tpu.wait_dma2 semaphore(%arg23 : memref<!tpu.dma_semaphore, #tpu.memory_space<semaphore_mem>>) src(%dma_wait3A_428 : memref<80x128xf32, #tpu.memory_space<vmem>>) dst(%dma_wait3A_424 : memref<80x128xf32, #tpu.memory_space<vmem_shared>>)
    %add3A_429 = arith.constant 400 : i32
    %add3A_430 = arith.addi %mul3A_25, %add3A_429 : i32
    %dma_wait3A_431 = arith.constant 0 : i32
    %dma_wait3A_432 = arith.constant 0 : i32
    %dma_wait3A_433 = arith.constant 0 : i32
    %dma_wait3A_434 = tpu.memref_slice %arg16[%dma_wait3A_431, %dma_wait3A_432, %dma_wait3A_433] : memref<3x80x8xf32, #tpu.memory_space<vmem>> -> memref<1x80x8xf32, #tpu.memory_space<vmem>>
    %dma_wait3A_435 = tpu.memref_squeeze %dma_wait3A_434 : memref<1x80x8xf32, #tpu.memory_space<vmem>> -> memref<80x8xf32, #tpu.memory_space<vmem>>
    %dma_wait3A_436 = arith.constant 0 : i32
    %dma_wait3A_437 = tpu.memref_slice %arg19[%add3A_430, %dma_wait3A_436] : memref<10240x8xf32, #tpu.memory_space<vmem_shared>> -> memref<80x8xf32, #tpu.memory_space<vmem_shared>>
    %dma_wait3A_438 = arith.constant 0 : i32
    %dma_wait3A_439 = tpu.memref_slice %arg19[%add3A_430, %dma_wait3A_438] : memref<10240x8xf32, #tpu.memory_space<vmem_shared>> -> memref<80x8xf32, #tpu.memory_space<vmem_shared>>
    %dma_wait3A_440 = arith.constant 0 : i32
    %dma_wait3A_441 = arith.constant 0 : i32
    %dma_wait3A_442 = tpu.memref_slice %arg16[%dma_wait3A_431, %dma_wait3A_440, %dma_wait3A_441] : memref<3x80x8xf32, #tpu.memory_space<vmem>> -> memref<1x80x8xf32, #tpu.memory_space<vmem>>
    %dma_wait3A_443 = tpu.memref_squeeze %dma_wait3A_442 : memref<1x80x8xf32, #tpu.memory_space<vmem>> -> memref<80x8xf32, #tpu.memory_space<vmem>>
    tpu.wait_dma2 semaphore(%arg24 : memref<!tpu.dma_semaphore, #tpu.memory_space<semaphore_mem>>) src(%dma_wait3A_443 : memref<80x8xf32, #tpu.memory_space<vmem>>) dst(%dma_wait3A_439 : memref<80x8xf32, #tpu.memory_space<vmem_shared>>)
    %add3A_444 = arith.constant 480 : i32
    %add3A_445 = arith.addi %mul3A_25, %add3A_444 : i32
    %dma_wait3A_446 = arith.constant 0 : i32
    %dma_wait3A_447 = arith.constant 0 : i32
    %dma_wait3A_448 = arith.constant 0 : i32
    %dma_wait3A_449 = tpu.memref_slice %arg15[%dma_wait3A_446, %dma_wait3A_447, %dma_wait3A_448] : memref<3x80x128xf32, #tpu.memory_space<vmem>> -> memref<1x80x128xf32, #tpu.memory_space<vmem>>
    %dma_wait3A_450 = tpu.memref_squeeze %dma_wait3A_449 : memref<1x80x128xf32, #tpu.memory_space<vmem>> -> memref<80x128xf32, #tpu.memory_space<vmem>>
    %dma_wait3A_451 = arith.constant 0 : i32
    %dma_wait3A_452 = tpu.memref_slice %arg18[%add3A_445, %dma_wait3A_451] : memref<10240x128xf32, #tpu.memory_space<vmem_shared>> -> memref<80x128xf32, #tpu.memory_space<vmem_shared>>
    %dma_wait3A_453 = arith.constant 0 : i32
    %dma_wait3A_454 = tpu.memref_slice %arg18[%add3A_445, %dma_wait3A_453] : memref<10240x128xf32, #tpu.memory_space<vmem_shared>> -> memref<80x128xf32, #tpu.memory_space<vmem_shared>>
    %dma_wait3A_455 = arith.constant 0 : i32
    %dma_wait3A_456 = arith.constant 0 : i32
    %dma_wait3A_457 = tpu.memref_slice %arg15[%dma_wait3A_446, %dma_wait3A_455, %dma_wait3A_456] : memref<3x80x128xf32, #tpu.memory_space<vmem>> -> memref<1x80x128xf32, #tpu.memory_space<vmem>>
    %dma_wait3A_458 = tpu.memref_squeeze %dma_wait3A_457 : memref<1x80x128xf32, #tpu.memory_space<vmem>> -> memref<80x128xf32, #tpu.memory_space<vmem>>
    tpu.wait_dma2 semaphore(%arg23 : memref<!tpu.dma_semaphore, #tpu.memory_space<semaphore_mem>>) src(%dma_wait3A_458 : memref<80x128xf32, #tpu.memory_space<vmem>>) dst(%dma_wait3A_454 : memref<80x128xf32, #tpu.memory_space<vmem_shared>>)
    %add3A_459 = arith.constant 480 : i32
    %add3A_460 = arith.addi %mul3A_25, %add3A_459 : i32
    %dma_wait3A_461 = arith.constant 0 : i32
    %dma_wait3A_462 = arith.constant 0 : i32
    %dma_wait3A_463 = arith.constant 0 : i32
    %dma_wait3A_464 = tpu.memref_slice %arg16[%dma_wait3A_461, %dma_wait3A_462, %dma_wait3A_463] : memref<3x80x8xf32, #tpu.memory_space<vmem>> -> memref<1x80x8xf32, #tpu.memory_space<vmem>>
    %dma_wait3A_465 = tpu.memref_squeeze %dma_wait3A_464 : memref<1x80x8xf32, #tpu.memory_space<vmem>> -> memref<80x8xf32, #tpu.memory_space<vmem>>
    %dma_wait3A_466 = arith.constant 0 : i32
    %dma_wait3A_467 = tpu.memref_slice %arg19[%add3A_460, %dma_wait3A_466] : memref<10240x8xf32, #tpu.memory_space<vmem_shared>> -> memref<80x8xf32, #tpu.memory_space<vmem_shared>>
    %dma_wait3A_468 = arith.constant 0 : i32
    %dma_wait3A_469 = tpu.memref_slice %arg19[%add3A_460, %dma_wait3A_468] : memref<10240x8xf32, #tpu.memory_space<vmem_shared>> -> memref<80x8xf32, #tpu.memory_space<vmem_shared>>
    %dma_wait3A_470 = arith.constant 0 : i32
    %dma_wait3A_471 = arith.constant 0 : i32
    %dma_wait3A_472 = tpu.memref_slice %arg16[%dma_wait3A_461, %dma_wait3A_470, %dma_wait3A_471] : memref<3x80x8xf32, #tpu.memory_space<vmem>> -> memref<1x80x8xf32, #tpu.memory_space<vmem>>
    %dma_wait3A_473 = tpu.memref_squeeze %dma_wait3A_472 : memref<1x80x8xf32, #tpu.memory_space<vmem>> -> memref<80x8xf32, #tpu.memory_space<vmem>>
    tpu.wait_dma2 semaphore(%arg24 : memref<!tpu.dma_semaphore, #tpu.memory_space<semaphore_mem>>) src(%dma_wait3A_473 : memref<80x8xf32, #tpu.memory_space<vmem>>) dst(%dma_wait3A_469 : memref<80x8xf32, #tpu.memory_space<vmem_shared>>)
    %add3A_474 = arith.constant 560 : i32
    %add3A_475 = arith.addi %mul3A_25, %add3A_474 : i32
    %dma_wait3A_476 = arith.constant 0 : i32
    %dma_wait3A_477 = arith.constant 0 : i32
    %dma_wait3A_478 = arith.constant 0 : i32
    %dma_wait3A_479 = tpu.memref_slice %arg15[%dma_wait3A_476, %dma_wait3A_477, %dma_wait3A_478] : memref<3x80x128xf32, #tpu.memory_space<vmem>> -> memref<1x80x128xf32, #tpu.memory_space<vmem>>
    %dma_wait3A_480 = tpu.memref_squeeze %dma_wait3A_479 : memref<1x80x128xf32, #tpu.memory_space<vmem>> -> memref<80x128xf32, #tpu.memory_space<vmem>>
    %dma_wait3A_481 = arith.constant 0 : i32
    %dma_wait3A_482 = tpu.memref_slice %arg18[%add3A_475, %dma_wait3A_481] : memref<10240x128xf32, #tpu.memory_space<vmem_shared>> -> memref<80x128xf32, #tpu.memory_space<vmem_shared>>
    %dma_wait3A_483 = arith.constant 0 : i32
    %dma_wait3A_484 = tpu.memref_slice %arg18[%add3A_475, %dma_wait3A_483] : memref<10240x128xf32, #tpu.memory_space<vmem_shared>> -> memref<80x128xf32, #tpu.memory_space<vmem_shared>>
    %dma_wait3A_485 = arith.constant 0 : i32
    %dma_wait3A_486 = arith.constant 0 : i32
    %dma_wait3A_487 = tpu.memref_slice %arg15[%dma_wait3A_476, %dma_wait3A_485, %dma_wait3A_486] : memref<3x80x128xf32, #tpu.memory_space<vmem>> -> memref<1x80x128xf32, #tpu.memory_space<vmem>>
    %dma_wait3A_488 = tpu.memref_squeeze %dma_wait3A_487 : memref<1x80x128xf32, #tpu.memory_space<vmem>> -> memref<80x128xf32, #tpu.memory_space<vmem>>
    tpu.wait_dma2 semaphore(%arg23 : memref<!tpu.dma_semaphore, #tpu.memory_space<semaphore_mem>>) src(%dma_wait3A_488 : memref<80x128xf32, #tpu.memory_space<vmem>>) dst(%dma_wait3A_484 : memref<80x128xf32, #tpu.memory_space<vmem_shared>>)
    %add3A_489 = arith.constant 560 : i32
    %add3A_490 = arith.addi %mul3A_25, %add3A_489 : i32
    %dma_wait3A_491 = arith.constant 0 : i32
    %dma_wait3A_492 = arith.constant 0 : i32
    %dma_wait3A_493 = arith.constant 0 : i32
    %dma_wait3A_494 = tpu.memref_slice %arg16[%dma_wait3A_491, %dma_wait3A_492, %dma_wait3A_493] : memref<3x80x8xf32, #tpu.memory_space<vmem>> -> memref<1x80x8xf32, #tpu.memory_space<vmem>>
    %dma_wait3A_495 = tpu.memref_squeeze %dma_wait3A_494 : memref<1x80x8xf32, #tpu.memory_space<vmem>> -> memref<80x8xf32, #tpu.memory_space<vmem>>
    %dma_wait3A_496 = arith.constant 0 : i32
    %dma_wait3A_497 = tpu.memref_slice %arg19[%add3A_490, %dma_wait3A_496] : memref<10240x8xf32, #tpu.memory_space<vmem_shared>> -> memref<80x8xf32, #tpu.memory_space<vmem_shared>>
    %dma_wait3A_498 = arith.constant 0 : i32
    %dma_wait3A_499 = tpu.memref_slice %arg19[%add3A_490, %dma_wait3A_498] : memref<10240x8xf32, #tpu.memory_space<vmem_shared>> -> memref<80x8xf32, #tpu.memory_space<vmem_shared>>
    %dma_wait3A_500 = arith.constant 0 : i32
    %dma_wait3A_501 = arith.constant 0 : i32
    %dma_wait3A_502 = tpu.memref_slice %arg16[%dma_wait3A_491, %dma_wait3A_500, %dma_wait3A_501] : memref<3x80x8xf32, #tpu.memory_space<vmem>> -> memref<1x80x8xf32, #tpu.memory_space<vmem>>
    %dma_wait3A_503 = tpu.memref_squeeze %dma_wait3A_502 : memref<1x80x8xf32, #tpu.memory_space<vmem>> -> memref<80x8xf32, #tpu.memory_space<vmem>>
    tpu.wait_dma2 semaphore(%arg24 : memref<!tpu.dma_semaphore, #tpu.memory_space<semaphore_mem>>) src(%dma_wait3A_503 : memref<80x8xf32, #tpu.memory_space<vmem>>) dst(%dma_wait3A_499 : memref<80x8xf32, #tpu.memory_space<vmem_shared>>)
    %barrier3A = arith.constant 0 : index
    tpu.barrier barrier_id(%barrier3A)
    %get3A = arith.constant 0 : index
    %get3A_504 = tpu.vector_load %arg14[%get3A] {strides = array<i32>} : memref<16xf32, #tpu.memory_space<vmem>>, vector<16xf32>,
    %div3A = arith.constant 0 : i32
    %div3A_505 = arith.constant 25 : i32
    %div3A_506 = arith.divsi %div3A, %div3A_505 : i32
    %rem3A = arith.constant 2 : i32
    %rem3A_507 = arith.remsi %div3A_506, %rem3A : i32
    %rem3A_508 = arith.constant 0 : i32
    %rem3A_509 = arith.constant 25 : i32
    %rem3A_510 = arith.remsi %rem3A_508, %rem3A_509 : i32
    %dma_start3A_511 = arith.constant 0 : i32
    %dma_start3A_512 = arith.constant 0 : i32
    %dma_start3A_513 = arith.constant 0 : i32
    %dma_start3A_514 = tpu.memref_slice %arg15[%dma_start3A_511, %dma_start3A_512, %dma_start3A_513] : memref<3x80x128xf32, #tpu.memory_space<vmem>> -> memref<1x80x128xf32, #tpu.memory_space<vmem>>
    %dma_start3A_515 = tpu.memref_squeeze %dma_start3A_514 : memref<1x80x128xf32, #tpu.memory_space<vmem>> -> memref<80x128xf32, #tpu.memory_space<vmem>>
    %dma_start3A_516 = arith.constant 0 : i32
    %dma_start3A_517 = tpu.memref_slice %arg10[%rem3A_507, %rem3A_510, %dma_start3A_516] : memref<2x25x80xi32, #tpu.memory_space<vmem>> -> memref<1x1x80xi32, #tpu.memory_space<vmem>>
    %dma_start3A_518 = tpu.memref_squeeze %dma_start3A_517 : memref<1x1x80xi32, #tpu.memory_space<vmem>> -> memref<80xi32, #tpu.memory_space<vmem>>
    %dma_start3A_519 = arith.constant 0 : i32
    %dma_start3A_520 = arith.constant 0 : i32
    %dma_start3A_521 = tpu.memref_slice %arg2[%dma_start3A_519, %dma_start3A_520] : memref<10000x128xf32, #tpu.memory_space<hbm>> -> memref<10000x128xf32, #tpu.memory_space<hbm>>
    tpu.enqueue_indirect_dma source(%dma_start3A_521 : memref<10000x128xf32, #tpu.memory_space<hbm>>) target(%dma_start3A_515 : memref<80x128xf32, #tpu.memory_space<vmem>>) offsets(%dma_start3A_518 : memref<80xi32, #tpu.memory_space<vmem>>) semaphore(%arg20 : memref<!tpu.dma_semaphore, #tpu.memory_space<semaphore_mem>>)
    %div3A_522 = arith.constant 0 : i32
    %div3A_523 = arith.constant 25 : i32
    %div3A_524 = arith.divsi %div3A_522, %div3A_523 : i32
    %rem3A_525 = arith.constant 2 : i32
    %rem3A_526 = arith.remsi %div3A_524, %rem3A_525 : i32
    %rem3A_527 = arith.constant 0 : i32
    %rem3A_528 = arith.constant 25 : i32
    %rem3A_529 = arith.remsi %rem3A_527, %rem3A_528 : i32
    %dma_start3A_530 = arith.constant 0 : i32
    %dma_start3A_531 = arith.constant 0 : i32
    %dma_start3A_532 = tpu.memref_slice %arg12[%dma_start3A_530, %dma_start3A_531] : memref<3x80xf32, #tpu.memory_space<vmem>> -> memref<1x80xf32, #tpu.memory_space<vmem>>
    %dma_start3A_533 = tpu.memref_squeeze %dma_start3A_532 : memref<1x80xf32, #tpu.memory_space<vmem>> -> memref<80xf32, #tpu.memory_space<vmem>>
    %dma_start3A_534 = arith.constant 0 : i32
    %dma_start3A_535 = tpu.memref_slice %arg10[%rem3A_526, %rem3A_529, %dma_start3A_534] : memref<2x25x80xi32, #tpu.memory_space<vmem>> -> memref<1x1x80xi32, #tpu.memory_space<vmem>>
    %dma_start3A_536 = tpu.memref_squeeze %dma_start3A_535 : memref<1x1x80xi32, #tpu.memory_space<vmem>> -> memref<80xi32, #tpu.memory_space<vmem>>
    %dma_start3A_537 = arith.constant 0 : i32
    %dma_start3A_538 = tpu.memref_slice %arg3[%dma_start3A_537] : memref<10000xf32, #tpu.memory_space<hbm>> -> memref<10000xf32, #tpu.memory_space<hbm>>
    tpu.enqueue_indirect_dma source(%dma_start3A_538 : memref<10000xf32, #tpu.memory_space<hbm>>) target(%dma_start3A_533 : memref<80xf32, #tpu.memory_space<vmem>>) offsets(%dma_start3A_536 : memref<80xi32, #tpu.memory_space<vmem>>) semaphore(%arg20 : memref<!tpu.dma_semaphore, #tpu.memory_space<semaphore_mem>>)
    %div3A_539 = arith.constant 0 : i32
    %div3A_540 = arith.constant 25 : i32
    %div3A_541 = arith.divsi %div3A_539, %div3A_540 : i32
    %rem3A_542 = arith.constant 2 : i32
    %rem3A_543 = arith.remsi %div3A_541, %rem3A_542 : i32
    %rem3A_544 = arith.constant 0 : i32
    %rem3A_545 = arith.constant 25 : i32
    %rem3A_546 = arith.remsi %rem3A_544, %rem3A_545 : i32
    %dma_start3A_547 = arith.constant 0 : i32
    %dma_start3A_548 = arith.constant 0 : i32
    %dma_start3A_549 = tpu.memref_slice %arg13[%dma_start3A_547, %dma_start3A_548] : memref<3x80xf32, #tpu.memory_space<vmem>> -> memref<1x80xf32, #tpu.memory_space<vmem>>
    %dma_start3A_550 = tpu.memref_squeeze %dma_start3A_549 : memref<1x80xf32, #tpu.memory_space<vmem>> -> memref<80xf32, #tpu.memory_space<vmem>>
    %dma_start3A_551 = arith.constant 0 : i32
    %dma_start3A_552 = tpu.memref_slice %arg11[%rem3A_543, %rem3A_546, %dma_start3A_551] : memref<2x25x80xi32, #tpu.memory_space<vmem>> -> memref<1x1x80xi32, #tpu.memory_space<vmem>>
    %dma_start3A_553 = tpu.memref_squeeze %dma_start3A_552 : memref<1x1x80xi32, #tpu.memory_space<vmem>> -> memref<80xi32, #tpu.memory_space<vmem>>
    %dma_start3A_554 = arith.constant 0 : i32
    %dma_start3A_555 = tpu.memref_slice %arg4[%dma_start3A_554] : memref<10000xf32, #tpu.memory_space<hbm>> -> memref<10000xf32, #tpu.memory_space<hbm>>
    tpu.enqueue_indirect_dma source(%dma_start3A_555 : memref<10000xf32, #tpu.memory_space<hbm>>) target(%dma_start3A_550 : memref<80xf32, #tpu.memory_space<vmem>>) offsets(%dma_start3A_553 : memref<80xi32, #tpu.memory_space<vmem>>) semaphore(%arg20 : memref<!tpu.dma_semaphore, #tpu.memory_space<semaphore_mem>>)
    %div3A_556 = arith.constant 1 : i32
    %div3A_557 = arith.constant 25 : i32
    %div3A_558 = arith.divsi %div3A_556, %div3A_557 : i32
    %rem3A_559 = arith.constant 2 : i32
    %rem3A_560 = arith.remsi %div3A_558, %rem3A_559 : i32
    %rem3A_561 = arith.constant 1 : i32
    %rem3A_562 = arith.constant 25 : i32
    %rem3A_563 = arith.remsi %rem3A_561, %rem3A_562 : i32
    %dma_start3A_564 = arith.constant 1 : i32
    %dma_start3A_565 = arith.constant 0 : i32
    %dma_start3A_566 = arith.constant 0 : i32
    %dma_start3A_567 = tpu.memref_slice %arg15[%dma_start3A_564, %dma_start3A_565, %dma_start3A_566] : memref<3x80x128xf32, #tpu.memory_space<vmem>> -> memref<1x80x128xf32, #tpu.memory_space<vmem>>
    %dma_start3A_568 = tpu.memref_squeeze %dma_start3A_567 : memref<1x80x128xf32, #tpu.memory_space<vmem>> -> memref<80x128xf32, #tpu.memory_space<vmem>>
    %dma_start3A_569 = arith.constant 0 : i32
    %dma_start3A_570 = tpu.memref_slice %arg10[%rem3A_560, %rem3A_563, %dma_start3A_569] : memref<2x25x80xi32, #tpu.memory_space<vmem>> -> memref<1x1x80xi32, #tpu.memory_space<vmem>>
    %dma_start3A_571 = tpu.memref_squeeze %dma_start3A_570 : memref<1x1x80xi32, #tpu.memory_space<vmem>> -> memref<80xi32, #tpu.memory_space<vmem>>
    %dma_start3A_572 = arith.constant 0 : i32
    %dma_start3A_573 = arith.constant 0 : i32
    %dma_start3A_574 = tpu.memref_slice %arg2[%dma_start3A_572, %dma_start3A_573] : memref<10000x128xf32, #tpu.memory_space<hbm>> -> memref<10000x128xf32, #tpu.memory_space<hbm>>
    tpu.enqueue_indirect_dma source(%dma_start3A_574 : memref<10000x128xf32, #tpu.memory_space<hbm>>) target(%dma_start3A_568 : memref<80x128xf32, #tpu.memory_space<vmem>>) offsets(%dma_start3A_571 : memref<80xi32, #tpu.memory_space<vmem>>) semaphore(%arg21 : memref<!tpu.dma_semaphore, #tpu.memory_space<semaphore_mem>>)
    %div3A_575 = arith.constant 1 : i32
    %div3A_576 = arith.constant 25 : i32
    %div3A_577 = arith.divsi %div3A_575, %div3A_576 : i32
    %rem3A_578 = arith.constant 2 : i32
    %rem3A_579 = arith.remsi %div3A_577, %rem3A_578 : i32
    %rem3A_580 = arith.constant 1 : i32
    %rem3A_581 = arith.constant 25 : i32
    %rem3A_582 = arith.remsi %rem3A_580, %rem3A_581 : i32
    %dma_start3A_583 = arith.constant 1 : i32
    %dma_start3A_584 = arith.constant 0 : i32
    %dma_start3A_585 = tpu.memref_slice %arg12[%dma_start3A_583, %dma_start3A_584] : memref<3x80xf32, #tpu.memory_space<vmem>> -> memref<1x80xf32, #tpu.memory_space<vmem>>
    %dma_start3A_586 = tpu.memref_squeeze %dma_start3A_585 : memref<1x80xf32, #tpu.memory_space<vmem>> -> memref<80xf32, #tpu.memory_space<vmem>>
    %dma_start3A_587 = arith.constant 0 : i32
    %dma_start3A_588 = tpu.memref_slice %arg10[%rem3A_579, %rem3A_582, %dma_start3A_587] : memref<2x25x80xi32, #tpu.memory_space<vmem>> -> memref<1x1x80xi32, #tpu.memory_space<vmem>>
    %dma_start3A_589 = tpu.memref_squeeze %dma_start3A_588 : memref<1x1x80xi32, #tpu.memory_space<vmem>> -> memref<80xi32, #tpu.memory_space<vmem>>
    %dma_start3A_590 = arith.constant 0 : i32
    %dma_start3A_591 = tpu.memref_slice %arg3[%dma_start3A_590] : memref<10000xf32, #tpu.memory_space<hbm>> -> memref<10000xf32, #tpu.memory_space<hbm>>
    tpu.enqueue_indirect_dma source(%dma_start3A_591 : memref<10000xf32, #tpu.memory_space<hbm>>) target(%dma_start3A_586 : memref<80xf32, #tpu.memory_space<vmem>>) offsets(%dma_start3A_589 : memref<80xi32, #tpu.memory_space<vmem>>) semaphore(%arg21 : memref<!tpu.dma_semaphore, #tpu.memory_space<semaphore_mem>>)
    %div3A_592 = arith.constant 1 : i32
    %div3A_593 = arith.constant 25 : i32
    %div3A_594 = arith.divsi %div3A_592, %div3A_593 : i32
    %rem3A_595 = arith.constant 2 : i32
    %rem3A_596 = arith.remsi %div3A_594, %rem3A_595 : i32
    %rem3A_597 = arith.constant 1 : i32
    %rem3A_598 = arith.constant 25 : i32
    %rem3A_599 = arith.remsi %rem3A_597, %rem3A_598 : i32
    %dma_start3A_600 = arith.constant 1 : i32
    %dma_start3A_601 = arith.constant 0 : i32
    %dma_start3A_602 = tpu.memref_slice %arg13[%dma_start3A_600, %dma_start3A_601] : memref<3x80xf32, #tpu.memory_space<vmem>> -> memref<1x80xf32, #tpu.memory_space<vmem>>
    %dma_start3A_603 = tpu.memref_squeeze %dma_start3A_602 : memref<1x80xf32, #tpu.memory_space<vmem>> -> memref<80xf32, #tpu.memory_space<vmem>>
    %dma_start3A_604 = arith.constant 0 : i32
    %dma_start3A_605 = tpu.memref_slice %arg11[%rem3A_596, %rem3A_599, %dma_start3A_604] : memref<2x25x80xi32, #tpu.memory_space<vmem>> -> memref<1x1x80xi32, #tpu.memory_space<vmem>>
    %dma_start3A_606 = tpu.memref_squeeze %dma_start3A_605 : memref<1x1x80xi32, #tpu.memory_space<vmem>> -> memref<80xi32, #tpu.memory_space<vmem>>
    %dma_start3A_607 = arith.constant 0 : i32
    %dma_start3A_608 = tpu.memref_slice %arg4[%dma_start3A_607] : memref<10000xf32, #tpu.memory_space<hbm>> -> memref<10000xf32, #tpu.memory_space<hbm>>
    tpu.enqueue_indirect_dma source(%dma_start3A_608 : memref<10000xf32, #tpu.memory_space<hbm>>) target(%dma_start3A_603 : memref<80xf32, #tpu.memory_space<vmem>>) offsets(%dma_start3A_606 : memref<80xi32, #tpu.memory_space<vmem>>) semaphore(%arg21 : memref<!tpu.dma_semaphore, #tpu.memory_space<semaphore_mem>>)
    %scan3A_609 = arith.constant 0 : i32
    %scan3A_610 = arith.constant 0 : i32
    %scan3A_611 = arith.constant 42 : i32
    %scan3A_612 = arith.addi %scan3A_610, %scan3A_611 : i32
    %scan3A_613 = arith.constant 1 : i32
    scf.for %scan3A_666 = %scan3A_610 to %scan3A_612 step %scan3A_613  : i32 {
      %mul3A_667 = arith.constant 3 : i32
      %mul3A_668 = arith.muli %scan3A_666, %mul3A_667 : i32
      %add3A_669 = arith.constant 0 : i32
      %add3A_670 = arith.addi %mul3A_668, %add3A_669 : i32
      %lt3A = arith.constant 125 : i32
      %lt3A_671 = arith.cmpi slt, %add3A_670, %lt3A : i32
      %convert_element_type3A = arith.extui %lt3A_671 : i1 to i32
      %cond3A = arith.constant 0 : i32
      %cond3A_672 = arith.cmpi ne, %convert_element_type3A, %cond3A : i32
      scf.if %cond3A_672 {
        %div3A_691 = arith.constant 25 : i32
        %div3A_692 = arith.divsi %add3A_670, %div3A_691 : i32
        %rem3A_693 = arith.constant 2 : i32
        %rem3A_694 = arith.remsi %div3A_692, %rem3A_693 : i32
        %rem3A_695 = arith.constant 25 : i32
        %rem3A_696 = arith.remsi %add3A_670, %rem3A_695 : i32
        %dma_wait3A_697 = arith.constant 0 : i32
        %dma_wait3A_698 = arith.constant 0 : i32
        %dma_wait3A_699 = arith.constant 0 : i32
        %dma_wait3A_700 = tpu.memref_slice %arg15[%dma_wait3A_697, %dma_wait3A_698, %dma_wait3A_699] : memref<3x80x128xf32, #tpu.memory_space<vmem>> -> memref<1x80x128xf32, #tpu.memory_space<vmem>>
        %dma_wait3A_701 = tpu.memref_squeeze %dma_wait3A_700 : memref<1x80x128xf32, #tpu.memory_space<vmem>> -> memref<80x128xf32, #tpu.memory_space<vmem>>
        %dma_wait3A_702 = arith.constant 0 : i32
        %dma_wait3A_703 = tpu.memref_slice %arg10[%rem3A_694, %rem3A_696, %dma_wait3A_702] : memref<2x25x80xi32, #tpu.memory_space<vmem>> -> memref<1x1x80xi32, #tpu.memory_space<vmem>>
        %dma_wait3A_704 = tpu.memref_squeeze %dma_wait3A_703 : memref<1x1x80xi32, #tpu.memory_space<vmem>> -> memref<80xi32, #tpu.memory_space<vmem>>
        %dma_wait3A_705 = arith.constant 0 : i32
        %dma_wait3A_706 = arith.constant 0 : i32
        %dma_wait3A_707 = tpu.memref_slice %arg2[%dma_wait3A_705, %dma_wait3A_706] : memref<10000x128xf32, #tpu.memory_space<hbm>> -> memref<10000x128xf32, #tpu.memory_space<hbm>>
        tpu.wait_indirect_dma semaphore(%arg20 : memref<!tpu.dma_semaphore, #tpu.memory_space<semaphore_mem>>) src(%dma_wait3A_707 : memref<10000x128xf32, #tpu.memory_space<hbm>>) dst(%dma_wait3A_701 : memref<80x128xf32, #tpu.memory_space<vmem>>)
        %div3A_708 = arith.constant 25 : i32
        %div3A_709 = arith.divsi %add3A_670, %div3A_708 : i32
        %rem3A_710 = arith.constant 2 : i32
        %rem3A_711 = arith.remsi %div3A_709, %rem3A_710 : i32
        %rem3A_712 = arith.constant 25 : i32
        %rem3A_713 = arith.remsi %add3A_670, %rem3A_712 : i32
        %dma_wait3A_714 = arith.constant 0 : i32
        %dma_wait3A_715 = arith.constant 0 : i32
        %dma_wait3A_716 = tpu.memref_slice %arg12[%dma_wait3A_714, %dma_wait3A_715] : memref<3x80xf32, #tpu.memory_space<vmem>> -> memref<1x80xf32, #tpu.memory_space<vmem>>
        %dma_wait3A_717 = tpu.memref_squeeze %dma_wait3A_716 : memref<1x80xf32, #tpu.memory_space<vmem>> -> memref<80xf32, #tpu.memory_space<vmem>>
        %dma_wait3A_718 = arith.constant 0 : i32
        %dma_wait3A_719 = tpu.memref_slice %arg10[%rem3A_711, %rem3A_713, %dma_wait3A_718] : memref<2x25x80xi32, #tpu.memory_space<vmem>> -> memref<1x1x80xi32, #tpu.memory_space<vmem>>
        %dma_wait3A_720 = tpu.memref_squeeze %dma_wait3A_719 : memref<1x1x80xi32, #tpu.memory_space<vmem>> -> memref<80xi32, #tpu.memory_space<vmem>>
        %dma_wait3A_721 = arith.constant 0 : i32
        %dma_wait3A_722 = tpu.memref_slice %arg3[%dma_wait3A_721] : memref<10000xf32, #tpu.memory_space<hbm>> -> memref<10000xf32, #tpu.memory_space<hbm>>
        tpu.wait_indirect_dma semaphore(%arg20 : memref<!tpu.dma_semaphore, #tpu.memory_space<semaphore_mem>>) src(%dma_wait3A_722 : memref<10000xf32, #tpu.memory_space<hbm>>) dst(%dma_wait3A_717 : memref<80xf32, #tpu.memory_space<vmem>>)
        %div3A_723 = arith.constant 25 : i32
        %div3A_724 = arith.divsi %add3A_670, %div3A_723 : i32
        %rem3A_725 = arith.constant 2 : i32
        %rem3A_726 = arith.remsi %div3A_724, %rem3A_725 : i32
        %rem3A_727 = arith.constant 25 : i32
        %rem3A_728 = arith.remsi %add3A_670, %rem3A_727 : i32
        %dma_wait3A_729 = arith.constant 0 : i32
        %dma_wait3A_730 = arith.constant 0 : i32
        %dma_wait3A_731 = tpu.memref_slice %arg13[%dma_wait3A_729, %dma_wait3A_730] : memref<3x80xf32, #tpu.memory_space<vmem>> -> memref<1x80xf32, #tpu.memory_space<vmem>>
        %dma_wait3A_732 = tpu.memref_squeeze %dma_wait3A_731 : memref<1x80xf32, #tpu.memory_space<vmem>> -> memref<80xf32, #tpu.memory_space<vmem>>
        %dma_wait3A_733 = arith.constant 0 : i32
        %dma_wait3A_734 = tpu.memref_slice %arg11[%rem3A_726, %rem3A_728, %dma_wait3A_733] : memref<2x25x80xi32, #tpu.memory_space<vmem>> -> memref<1x1x80xi32, #tpu.memory_space<vmem>>
        %dma_wait3A_735 = tpu.memref_squeeze %dma_wait3A_734 : memref<1x1x80xi32, #tpu.memory_space<vmem>> -> memref<80xi32, #tpu.memory_space<vmem>>
        %dma_wait3A_736 = arith.constant 0 : i32
        %dma_wait3A_737 = tpu.memref_slice %arg4[%dma_wait3A_736] : memref<10000xf32, #tpu.memory_space<hbm>> -> memref<10000xf32, #tpu.memory_space<hbm>>
        tpu.wait_indirect_dma semaphore(%arg20 : memref<!tpu.dma_semaphore, #tpu.memory_space<semaphore_mem>>) src(%dma_wait3A_737 : memref<10000xf32, #tpu.memory_space<hbm>>) dst(%dma_wait3A_732 : memref<80xf32, #tpu.memory_space<vmem>>)
        %scan3A_738 = arith.constant 0 : i32
        %scan3A_739 = arith.constant 0 : i32
        %scan3A_740 = arith.constant 5 : i32
        %scan3A_741 = arith.addi %scan3A_739, %scan3A_740 : i32
        %scan3A_742 = arith.constant 1 : i32
        scf.for %scan3A_806 = %scan3A_739 to %scan3A_741 step %scan3A_742  : i32 {
          %mul3A_807 = arith.constant 16 : i32
          %mul3A_808 = arith.muli %scan3A_806, %mul3A_807 : i32
          %get3A_809 = arith.constant 0 : i32
          %get3A_810 = arith.index_cast %get3A_809 : i32 to index
          %get3A_811 = arith.index_cast %mul3A_808 : i32 to index
          %get3A_812 = tpu.vector_load %arg12[%get3A_810, %get3A_811] {strides = array<i32>} : memref<3x80xf32, #tpu.memory_space<vmem>>, vector<16xf32>,
          %get3A_813 = arith.constant 0 : i32
          %get3A_814 = arith.index_cast %get3A_813 : i32 to index
          %get3A_815 = arith.index_cast %mul3A_808 : i32 to index
          %get3A_816 = tpu.vector_load %arg13[%get3A_814, %get3A_815] {strides = array<i32>} : memref<3x80xf32, #tpu.memory_space<vmem>>, vector<16xf32>,
          %add3A_817 = arith.addf %get3A_812, %get3A_816 : vector<16xf32>
          %gt3A = arith.constant 0.000000e+00 : f32
          %gt3A_818 = vector.broadcast %gt3A : f32 to vector<16xf32>
          %gt3A_819 = arith.cmpf ogt, %add3A_817, %gt3A_818 : vector<16xf32>
          %mul3A_820 = arith.constant 2.000000e-01 : f32
          %mul3A_821 = vector.broadcast %mul3A_820 : f32 to vector<16xf32>
          %mul3A_822 = arith.mulf %mul3A_821, %add3A_817 : vector<16xf32>
          %select_n3A = arith.select %gt3A_819, %add3A_817, %mul3A_822 : vector<16xi1>, vector<16xf32>
          %sub3A = arith.subf %select_n3A, %get3A_504 : vector<16xf32>
          %exp3A = math.exp %sub3A : vector<16xf32>
          %swap3A = arith.index_cast %mul3A_808 : i32 to index
          %swap3A_823 = tpu.vector_load %arg17[%swap3A] {strides = array<i32>} : memref<80xf32, #tpu.memory_space<vmem>>, vector<16xf32>,
          tpu.vector_store %arg17[%swap3A], %exp3A {strides = array<i32>} : memref<80xf32, #tpu.memory_space<vmem>>, vector<16xf32>,
          %add3A_824 = arith.constant 0 : i32
          %add3A_825 = vector.broadcast %add3A_824 : i32 to vector<16xi32>
          %add3A_826 = arith.addi %broadcast_in_dim3A_8, %add3A_825 : vector<16xi32>
          %mul3A_827 = arith.constant 16 : i32
          %mul3A_828 = arith.muli %scan3A_806, %mul3A_827 : i32
          %add3A_829 = vector.broadcast %mul3A_828 : i32 to vector<16xi32>
          %add3A_830 = arith.addi %iota3A, %add3A_829 : vector<16xi32>
          tpu.vector_store_idx %arg16[%add3A_826, %add3A_830, %broadcast_in_dim3A_8], %exp3A : memref<3x80x8xf32, #tpu.memory_space<vmem>>[vector<16xi32>, vector<16xi32>, vector<16xi32>], vector<16xf32>,
        }
        %scan3A_743 = arith.constant 5 : i32
        %scan3A_744 = arith.constant 0 : i32
        %scan3A_745 = arith.constant 0 : i32
        %scan3A_746 = arith.constant 40 : i32
        %scan3A_747 = arith.addi %scan3A_745, %scan3A_746 : i32
        %scan3A_748 = arith.constant 1 : i32
        scf.for %scan3A_806 = %scan3A_745 to %scan3A_747 step %scan3A_748  : i32 {
          %mul3A_807 = arith.constant 2 : i32
          %mul3A_808 = arith.muli %scan3A_806, %mul3A_807 : i32
          %add3A_809 = arith.constant 0 : i32
          %add3A_810 = arith.addi %mul3A_808, %add3A_809 : i32
          %add3A_811 = vector.broadcast %add3A_810 : i32 to vector<16xi32>
          %add3A_812 = arith.addi %broadcast_in_dim3A_8, %add3A_811 : vector<16xi32>
          %gather3A = tpu.vector_load_idx %arg17[%add3A_812] : memref<80xf32, #tpu.memory_space<vmem>>[vector<16xi32>], vector<16xf32>,
          %get3A_813 = arith.constant 0 : i32
          %get3A_814 = arith.index_cast %get3A_813 : i32 to index
          %get3A_815 = arith.index_cast %add3A_810 : i32 to index
          %get3A_816 = arith.constant 0 : index
          %get3A_817 = tpu.vector_load %arg15[%get3A_814, %get3A_815, %get3A_816] {strides = array<i32>} : memref<3x80x128xf32, #tpu.memory_space<vmem>>, vector<16xf32>,
          %mul3A_818 = arith.mulf %get3A_817, %gather3A : vector<16xf32>
          %swap3A = arith.constant 0 : i32
          %swap3A_819 = arith.index_cast %swap3A : i32 to index
          %swap3A_820 = arith.index_cast %add3A_810 : i32 to index
          %swap3A_821 = arith.constant 0 : index
          %swap3A_822 = tpu.vector_load %arg15[%swap3A_819, %swap3A_820, %swap3A_821] {strides = array<i32>} : memref<3x80x128xf32, #tpu.memory_space<vmem>>, vector<16xf32>,
          tpu.vector_store %arg15[%swap3A_819, %swap3A_820, %swap3A_821], %mul3A_818 {strides = array<i32>} : memref<3x80x128xf32, #tpu.memory_space<vmem>>, vector<16xf32>,
          %get3A_823 = arith.constant 0 : i32
          %get3A_824 = arith.index_cast %get3A_823 : i32 to index
          %get3A_825 = arith.index_cast %add3A_810 : i32 to index
          %get3A_826 = arith.constant 16 : index
          %get3A_827 = tpu.vector_load %arg15[%get3A_824, %get3A_825, %get3A_826] {strides = array<i32>} : memref<3x80x128xf32, #tpu.memory_space<vmem>>, vector<16xf32>,
          %mul3A_828 = arith.mulf %get3A_827, %gather3A : vector<16xf32>
          %swap3A_829 = arith.constant 0 : i32
          %swap3A_830 = arith.index_cast %swap3A_829 : i32 to index
          %swap3A_831 = arith.index_cast %add3A_810 : i32 to index
          %swap3A_832 = arith.constant 16 : index
          %swap3A_833 = tpu.vector_load %arg15[%swap3A_830, %swap3A_831, %swap3A_832] {strides = array<i32>} : memref<3x80x128xf32, #tpu.memory_space<vmem>>, vector<16xf32>,
          tpu.vector_store %arg15[%swap3A_830, %swap3A_831, %swap3A_832], %mul3A_828 {strides = array<i32>} : memref<3x80x128xf32, #tpu.memory_space<vmem>>, vector<16xf32>,
          %get3A_834 = arith.constant 0 : i32
          %get3A_835 = arith.index_cast %get3A_834 : i32 to index
          %get3A_836 = arith.index_cast %add3A_810 : i32 to index
          %get3A_837 = arith.constant 32 : index
          %get3A_838 = tpu.vector_load %arg15[%get3A_835, %get3A_836, %get3A_837] {strides = array<i32>} : memref<3x80x128xf32, #tpu.memory_space<vmem>>, vector<16xf32>,
          %mul3A_839 = arith.mulf %get3A_838, %gather3A : vector<16xf32>
          %swap3A_840 = arith.constant 0 : i32
          %swap3A_841 = arith.index_cast %swap3A_840 : i32 to index
          %swap3A_842 = arith.index_cast %add3A_810 : i32 to index
          %swap3A_843 = arith.constant 32 : index
          %swap3A_844 = tpu.vector_load %arg15[%swap3A_841, %swap3A_842, %swap3A_843] {strides = array<i32>} : memref<3x80x128xf32, #tpu.memory_space<vmem>>, vector<16xf32>,
          tpu.vector_store %arg15[%swap3A_841, %swap3A_842, %swap3A_843], %mul3A_839 {strides = array<i32>} : memref<3x80x128xf32, #tpu.memory_space<vmem>>, vector<16xf32>,
          %get3A_845 = arith.constant 0 : i32
          %get3A_846 = arith.index_cast %get3A_845 : i32 to index
          %get3A_847 = arith.index_cast %add3A_810 : i32 to index
          %get3A_848 = arith.constant 48 : index
          %get3A_849 = tpu.vector_load %arg15[%get3A_846, %get3A_847, %get3A_848] {strides = array<i32>} : memref<3x80x128xf32, #tpu.memory_space<vmem>>, vector<16xf32>,
          %mul3A_850 = arith.mulf %get3A_849, %gather3A : vector<16xf32>
          %swap3A_851 = arith.constant 0 : i32
          %swap3A_852 = arith.index_cast %swap3A_851 : i32 to index
          %swap3A_853 = arith.index_cast %add3A_810 : i32 to index
          %swap3A_854 = arith.constant 48 : index
          %swap3A_855 = tpu.vector_load %arg15[%swap3A_852, %swap3A_853, %swap3A_854] {strides = array<i32>} : memref<3x80x128xf32, #tpu.memory_space<vmem>>, vector<16xf32>,
          tpu.vector_store %arg15[%swap3A_852, %swap3A_853, %swap3A_854], %mul3A_850 {strides = array<i32>} : memref<3x80x128xf32, #tpu.memory_space<vmem>>, vector<16xf32>,
          %get3A_856 = arith.constant 0 : i32
          %get3A_857 = arith.index_cast %get3A_856 : i32 to index
          %get3A_858 = arith.index_cast %add3A_810 : i32 to index
          %get3A_859 = arith.constant 64 : index
          %get3A_860 = tpu.vector_load %arg15[%get3A_857, %get3A_858, %get3A_859] {strides = array<i32>} : memref<3x80x128xf32, #tpu.memory_space<vmem>>, vector<16xf32>,
          %mul3A_861 = arith.mulf %get3A_860, %gather3A : vector<16xf32>
          %swap3A_862 = arith.constant 0 : i32
          %swap3A_863 = arith.index_cast %swap3A_862 : i32 to index
          %swap3A_864 = arith.index_cast %add3A_810 : i32 to index
          %swap3A_865 = arith.constant 64 : index
          %swap3A_866 = tpu.vector_load %arg15[%swap3A_863, %swap3A_864, %swap3A_865] {strides = array<i32>} : memref<3x80x128xf32, #tpu.memory_space<vmem>>, vector<16xf32>,
          tpu.vector_store %arg15[%swap3A_863, %swap3A_864, %swap3A_865], %mul3A_861 {strides = array<i32>} : memref<3x80x128xf32, #tpu.memory_space<vmem>>, vector<16xf32>,
          %get3A_867 = arith.constant 0 : i32
          %get3A_868 = arith.index_cast %get3A_867 : i32 to index
          %get3A_869 = arith.index_cast %add3A_810 : i32 to index
          %get3A_870 = arith.constant 80 : index
          %get3A_871 = tpu.vector_load %arg15[%get3A_868, %get3A_869, %get3A_870] {strides = array<i32>} : memref<3x80x128xf32, #tpu.memory_space<vmem>>, vector<16xf32>,
          %mul3A_872 = arith.mulf %get3A_871, %gather3A : vector<16xf32>
          %swap3A_873 = arith.constant 0 : i32
          %swap3A_874 = arith.index_cast %swap3A_873 : i32 to index
          %swap3A_875 = arith.index_cast %add3A_810 : i32 to index
          %swap3A_876 = arith.constant 80 : index
          %swap3A_877 = tpu.vector_load %arg15[%swap3A_874, %swap3A_875, %swap3A_876] {strides = array<i32>} : memref<3x80x128xf32, #tpu.memory_space<vmem>>, vector<16xf32>,
          tpu.vector_store %arg15[%swap3A_874, %swap3A_875, %swap3A_876], %mul3A_872 {strides = array<i32>} : memref<3x80x128xf32, #tpu.memory_space<vmem>>, vector<16xf32>,
          %get3A_878 = arith.constant 0 : i32
          %get3A_879 = arith.index_cast %get3A_878 : i32 to index
          %get3A_880 = arith.index_cast %add3A_810 : i32 to index
          %get3A_881 = arith.constant 96 : index
          %get3A_882 = tpu.vector_load %arg15[%get3A_879, %get3A_880, %get3A_881] {strides = array<i32>} : memref<3x80x128xf32, #tpu.memory_space<vmem>>, vector<16xf32>,
          %mul3A_883 = arith.mulf %get3A_882, %gather3A : vector<16xf32>
          %swap3A_884 = arith.constant 0 : i32
          %swap3A_885 = arith.index_cast %swap3A_884 : i32 to index
          %swap3A_886 = arith.index_cast %add3A_810 : i32 to index
          %swap3A_887 = arith.constant 96 : index
          %swap3A_888 = tpu.vector_load %arg15[%swap3A_885, %swap3A_886, %swap3A_887] {strides = array<i32>} : memref<3x80x128xf32, #tpu.memory_space<vmem>>, vector<16xf32>,
          tpu.vector_store %arg15[%swap3A_885, %swap3A_886, %swap3A_887], %mul3A_883 {strides = array<i32>} : memref<3x80x128xf32, #tpu.memory_space<vmem>>, vector<16xf32>,
          %get3A_889 = arith.constant 0 : i32
          %get3A_890 = arith.index_cast %get3A_889 : i32 to index
          %get3A_891 = arith.index_cast %add3A_810 : i32 to index
          %get3A_892 = arith.constant 112 : index
          %get3A_893 = tpu.vector_load %arg15[%get3A_890, %get3A_891, %get3A_892] {strides = array<i32>} : memref<3x80x128xf32, #tpu.memory_space<vmem>>, vector<16xf32>,
          %mul3A_894 = arith.mulf %get3A_893, %gather3A : vector<16xf32>
          %swap3A_895 = arith.constant 0 : i32
          %swap3A_896 = arith.index_cast %swap3A_895 : i32 to index
          %swap3A_897 = arith.index_cast %add3A_810 : i32 to index
          %swap3A_898 = arith.constant 112 : index
          %swap3A_899 = tpu.vector_load %arg15[%swap3A_896, %swap3A_897, %swap3A_898] {strides = array<i32>} : memref<3x80x128xf32, #tpu.memory_space<vmem>>, vector<16xf32>,
          tpu.vector_store %arg15[%swap3A_896, %swap3A_897, %swap3A_898], %mul3A_894 {strides = array<i32>} : memref<3x80x128xf32, #tpu.memory_space<vmem>>, vector<16xf32>,
          %mul3A_900 = arith.constant 2 : i32
          %mul3A_901 = arith.muli %scan3A_806, %mul3A_900 : i32
          %add3A_902 = arith.constant 1 : i32
          %add3A_903 = arith.addi %mul3A_901, %add3A_902 : i32
          %add3A_904 = vector.broadcast %add3A_903 : i32 to vector<16xi32>
          %add3A_905 = arith.addi %broadcast_in_dim3A_8, %add3A_904 : vector<16xi32>
          %gather3A_906 = tpu.vector_load_idx %arg17[%add3A_905] : memref<80xf32, #tpu.memory_space<vmem>>[vector<16xi32>], vector<16xf32>,
          %get3A_907 = arith.constant 0 : i32
          %get3A_908 = arith.index_cast %get3A_907 : i32 to index
          %get3A_909 = arith.index_cast %add3A_903 : i32 to index
          %get3A_910 = arith.constant 0 : index
          %get3A_911 = tpu.vector_load %arg15[%get3A_908, %get3A_909, %get3A_910] {strides = array<i32>} : memref<3x80x128xf32, #tpu.memory_space<vmem>>, vector<16xf32>,
          %mul3A_912 = arith.mulf %get3A_911, %gather3A_906 : vector<16xf32>
          %swap3A_913 = arith.constant 0 : i32
          %swap3A_914 = arith.index_cast %swap3A_913 : i32 to index
          %swap3A_915 = arith.index_cast %add3A_903 : i32 to index
          %swap3A_916 = arith.constant 0 : index
          %swap3A_917 = tpu.vector_load %arg15[%swap3A_914, %swap3A_915, %swap3A_916] {strides = array<i32>} : memref<3x80x128xf32, #tpu.memory_space<vmem>>, vector<16xf32>,
          tpu.vector_store %arg15[%swap3A_914, %swap3A_915, %swap3A_916], %mul3A_912 {strides = array<i32>} : memref<3x80x128xf32, #tpu.memory_space<vmem>>, vector<16xf32>,
          %get3A_918 = arith.constant 0 : i32
          %get3A_919 = arith.index_cast %get3A_918 : i32 to index
          %get3A_920 = arith.index_cast %add3A_903 : i32 to index
          %get3A_921 = arith.constant 16 : index
          %get3A_922 = tpu.vector_load %arg15[%get3A_919, %get3A_920, %get3A_921] {strides = array<i32>} : memref<3x80x128xf32, #tpu.memory_space<vmem>>, vector<16xf32>,
          %mul3A_923 = arith.mulf %get3A_922, %gather3A_906 : vector<16xf32>
          %swap3A_924 = arith.constant 0 : i32
          %swap3A_925 = arith.index_cast %swap3A_924 : i32 to index
          %swap3A_926 = arith.index_cast %add3A_903 : i32 to index
          %swap3A_927 = arith.constant 16 : index
          %swap3A_928 = tpu.vector_load %arg15[%swap3A_925, %swap3A_926, %swap3A_927] {strides = array<i32>} : memref<3x80x128xf32, #tpu.memory_space<vmem>>, vector<16xf32>,
          tpu.vector_store %arg15[%swap3A_925, %swap3A_926, %swap3A_927], %mul3A_923 {strides = array<i32>} : memref<3x80x128xf32, #tpu.memory_space<vmem>>, vector<16xf32>,
          %get3A_929 = arith.constant 0 : i32
          %get3A_930 = arith.index_cast %get3A_929 : i32 to index
          %get3A_931 = arith.index_cast %add3A_903 : i32 to index
          %get3A_932 = arith.constant 32 : index
          %get3A_933 = tpu.vector_load %arg15[%get3A_930, %get3A_931, %get3A_932] {strides = array<i32>} : memref<3x80x128xf32, #tpu.memory_space<vmem>>, vector<16xf32>,
          %mul3A_934 = arith.mulf %get3A_933, %gather3A_906 : vector<16xf32>
          %swap3A_935 = arith.constant 0 : i32
          %swap3A_936 = arith.index_cast %swap3A_935 : i32 to index
          %swap3A_937 = arith.index_cast %add3A_903 : i32 to index
          %swap3A_938 = arith.constant 32 : index
          %swap3A_939 = tpu.vector_load %arg15[%swap3A_936, %swap3A_937, %swap3A_938] {strides = array<i32>} : memref<3x80x128xf32, #tpu.memory_space<vmem>>, vector<16xf32>,
          tpu.vector_store %arg15[%swap3A_936, %swap3A_937, %swap3A_938], %mul3A_934 {strides = array<i32>} : memref<3x80x128xf32, #tpu.memory_space<vmem>>, vector<16xf32>,
          %get3A_940 = arith.constant 0 : i32
          %get3A_941 = arith.index_cast %get3A_940 : i32 to index
          %get3A_942 = arith.index_cast %add3A_903 : i32 to index
          %get3A_943 = arith.constant 48 : index
          %get3A_944 = tpu.vector_load %arg15[%get3A_941, %get3A_942, %get3A_943] {strides = array<i32>} : memref<3x80x128xf32, #tpu.memory_space<vmem>>, vector<16xf32>,
          %mul3A_945 = arith.mulf %get3A_944, %gather3A_906 : vector<16xf32>
          %swap3A_946 = arith.constant 0 : i32
          %swap3A_947 = arith.index_cast %swap3A_946 : i32 to index
          %swap3A_948 = arith.index_cast %add3A_903 : i32 to index
          %swap3A_949 = arith.constant 48 : index
          %swap3A_950 = tpu.vector_load %arg15[%swap3A_947, %swap3A_948, %swap3A_949] {strides = array<i32>} : memref<3x80x128xf32, #tpu.memory_space<vmem>>, vector<16xf32>,
          tpu.vector_store %arg15[%swap3A_947, %swap3A_948, %swap3A_949], %mul3A_945 {strides = array<i32>} : memref<3x80x128xf32, #tpu.memory_space<vmem>>, vector<16xf32>,
          %get3A_951 = arith.constant 0 : i32
          %get3A_952 = arith.index_cast %get3A_951 : i32 to index
          %get3A_953 = arith.index_cast %add3A_903 : i32 to index
          %get3A_954 = arith.constant 64 : index
          %get3A_955 = tpu.vector_load %arg15[%get3A_952, %get3A_953, %get3A_954] {strides = array<i32>} : memref<3x80x128xf32, #tpu.memory_space<vmem>>, vector<16xf32>,
          %mul3A_956 = arith.mulf %get3A_955, %gather3A_906 : vector<16xf32>
          %swap3A_957 = arith.constant 0 : i32
          %swap3A_958 = arith.index_cast %swap3A_957 : i32 to index
          %swap3A_959 = arith.index_cast %add3A_903 : i32 to index
          %swap3A_960 = arith.constant 64 : index
          %swap3A_961 = tpu.vector_load %arg15[%swap3A_958, %swap3A_959, %swap3A_960] {strides = array<i32>} : memref<3x80x128xf32, #tpu.memory_space<vmem>>, vector<16xf32>,
          tpu.vector_store %arg15[%swap3A_958, %swap3A_959, %swap3A_960], %mul3A_956 {strides = array<i32>} : memref<3x80x128xf32, #tpu.memory_space<vmem>>, vector<16xf32>,
          %get3A_962 = arith.constant 0 : i32
          %get3A_963 = arith.index_cast %get3A_962 : i32 to index
          %get3A_964 = arith.index_cast %add3A_903 : i32 to index
          %get3A_965 = arith.constant 80 : index
          %get3A_966 = tpu.vector_load %arg15[%get3A_963, %get3A_964, %get3A_965] {strides = array<i32>} : memref<3x80x128xf32, #tpu.memory_space<vmem>>, vector<16xf32>,
          %mul3A_967 = arith.mulf %get3A_966, %gather3A_906 : vector<16xf32>
          %swap3A_968 = arith.constant 0 : i32
          %swap3A_969 = arith.index_cast %swap3A_968 : i32 to index
          %swap3A_970 = arith.index_cast %add3A_903 : i32 to index
          %swap3A_971 = arith.constant 80 : index
          %swap3A_972 = tpu.vector_load %arg15[%swap3A_969, %swap3A_970, %swap3A_971] {strides = array<i32>} : memref<3x80x128xf32, #tpu.memory_space<vmem>>, vector<16xf32>,
          tpu.vector_store %arg15[%swap3A_969, %swap3A_970, %swap3A_971], %mul3A_967 {strides = array<i32>} : memref<3x80x128xf32, #tpu.memory_space<vmem>>, vector<16xf32>,
          %get3A_973 = arith.constant 0 : i32
          %get3A_974 = arith.index_cast %get3A_973 : i32 to index
          %get3A_975 = arith.index_cast %add3A_903 : i32 to index
          %get3A_976 = arith.constant 96 : index
          %get3A_977 = tpu.vector_load %arg15[%get3A_974, %get3A_975, %get3A_976] {strides = array<i32>} : memref<3x80x128xf32, #tpu.memory_space<vmem>>, vector<16xf32>,
          %mul3A_978 = arith.mulf %get3A_977, %gather3A_906 : vector<16xf32>
          %swap3A_979 = arith.constant 0 : i32
          %swap3A_980 = arith.index_cast %swap3A_979 : i32 to index
          %swap3A_981 = arith.index_cast %add3A_903 : i32 to index
          %swap3A_982 = arith.constant 96 : index
          %swap3A_983 = tpu.vector_load %arg15[%swap3A_980, %swap3A_981, %swap3A_982] {strides = array<i32>} : memref<3x80x128xf32, #tpu.memory_space<vmem>>, vector<16xf32>,
          tpu.vector_store %arg15[%swap3A_980, %swap3A_981, %swap3A_982], %mul3A_978 {strides = array<i32>} : memref<3x80x128xf32, #tpu.memory_space<vmem>>, vector<16xf32>,
          %get3A_984 = arith.constant 0 : i32
          %get3A_985 = arith.index_cast %get3A_984 : i32 to index
          %get3A_986 = arith.index_cast %add3A_903 : i32 to index
          %get3A_987 = arith.constant 112 : index
          %get3A_988 = tpu.vector_load %arg15[%get3A_985, %get3A_986, %get3A_987] {strides = array<i32>} : memref<3x80x128xf32, #tpu.memory_space<vmem>>, vector<16xf32>,
          %mul3A_989 = arith.mulf %get3A_988, %gather3A_906 : vector<16xf32>
          %swap3A_990 = arith.constant 0 : i32
          %swap3A_991 = arith.index_cast %swap3A_990 : i32 to index
          %swap3A_992 = arith.index_cast %add3A_903 : i32 to index
          %swap3A_993 = arith.constant 112 : index
          %swap3A_994 = tpu.vector_load %arg15[%swap3A_991, %swap3A_992, %swap3A_993] {strides = array<i32>} : memref<3x80x128xf32, #tpu.memory_space<vmem>>, vector<16xf32>,
          tpu.vector_store %arg15[%swap3A_991, %swap3A_992, %swap3A_993], %mul3A_989 {strides = array<i32>} : memref<3x80x128xf32, #tpu.memory_space<vmem>>, vector<16xf32>,
        }
        %scan3A_749 = arith.constant 40 : i32
        %div3A_750 = arith.constant 25 : i32
        %div3A_751 = arith.divsi %add3A_670, %div3A_750 : i32
        %rem3A_752 = arith.constant 2 : i32
        %rem3A_753 = arith.remsi %div3A_751, %rem3A_752 : i32
        %rem3A_754 = arith.constant 25 : i32
        %rem3A_755 = arith.remsi %add3A_670, %rem3A_754 : i32
        %dma_start3A_756 = arith.constant 0 : i32
        %dma_start3A_757 = arith.constant 0 : i32
        %dma_start3A_758 = arith.constant 0 : i32
        %dma_start3A_759 = tpu.memref_slice %arg15[%dma_start3A_756, %dma_start3A_757, %dma_start3A_758] : memref<3x80x128xf32, #tpu.memory_space<vmem>> -> memref<1x80x128xf32, #tpu.memory_space<vmem>>
        %dma_start3A_760 = tpu.memref_squeeze %dma_start3A_759 : memref<1x80x128xf32, #tpu.memory_space<vmem>> -> memref<80x128xf32, #tpu.memory_space<vmem>>
        %dma_start3A_761 = arith.constant 0 : i32
        %dma_start3A_762 = tpu.memref_slice %arg11[%rem3A_753, %rem3A_755, %dma_start3A_761] : memref<2x25x80xi32, #tpu.memory_space<vmem>> -> memref<1x1x80xi32, #tpu.memory_space<vmem>>
        %dma_start3A_763 = tpu.memref_squeeze %dma_start3A_762 : memref<1x1x80xi32, #tpu.memory_space<vmem>> -> memref<80xi32, #tpu.memory_space<vmem>>
        %dma_start3A_764 = arith.constant 0 : i32
        %dma_start3A_765 = arith.constant 0 : i32
        %dma_start3A_766 = tpu.memref_slice %arg18[%dma_start3A_764, %dma_start3A_765] : memref<10240x128xf32, #tpu.memory_space<vmem_shared>> -> memref<10240x128xf32, #tpu.memory_space<vmem_shared>>
        tpu.enqueue_indirect_dma source(%dma_start3A_760 : memref<80x128xf32, #tpu.memory_space<vmem>>) target(%dma_start3A_766 : memref<10240x128xf32, #tpu.memory_space<vmem_shared>>) offsets(%dma_start3A_763 : memref<80xi32, #tpu.memory_space<vmem>>) semaphore(%arg23 : memref<!tpu.dma_semaphore, #tpu.memory_space<semaphore_mem>>) {add = true}
        %div3A_767 = arith.constant 25 : i32
        %div3A_768 = arith.divsi %add3A_670, %div3A_767 : i32
        %rem3A_769 = arith.constant 2 : i32
        %rem3A_770 = arith.remsi %div3A_768, %rem3A_769 : i32
        %rem3A_771 = arith.constant 25 : i32
        %rem3A_772 = arith.remsi %add3A_670, %rem3A_771 : i32
        %dma_start3A_773 = arith.constant 0 : i32
        %dma_start3A_774 = arith.constant 0 : i32
        %dma_start3A_775 = arith.constant 0 : i32
        %dma_start3A_776 = tpu.memref_slice %arg16[%dma_start3A_773, %dma_start3A_774, %dma_start3A_775] : memref<3x80x8xf32, #tpu.memory_space<vmem>> -> memref<1x80x8xf32, #tpu.memory_space<vmem>>
        %dma_start3A_777 = tpu.memref_squeeze %dma_start3A_776 : memref<1x80x8xf32, #tpu.memory_space<vmem>> -> memref<80x8xf32, #tpu.memory_space<vmem>>
        %dma_start3A_778 = arith.constant 0 : i32
        %dma_start3A_779 = tpu.memref_slice %arg11[%rem3A_770, %rem3A_772, %dma_start3A_778] : memref<2x25x80xi32, #tpu.memory_space<vmem>> -> memref<1x1x80xi32, #tpu.memory_space<vmem>>
        %dma_start3A_780 = tpu.memref_squeeze %dma_start3A_779 : memref<1x1x80xi32, #tpu.memory_space<vmem>> -> memref<80xi32, #tpu.memory_space<vmem>>
        %dma_start3A_781 = arith.constant 0 : i32
        %dma_start3A_782 = arith.constant 0 : i32
        %dma_start3A_783 = tpu.memref_slice %arg19[%dma_start3A_781, %dma_start3A_782] : memref<10240x8xf32, #tpu.memory_space<vmem_shared>> -> memref<10240x8xf32, #tpu.memory_space<vmem_shared>>
        tpu.enqueue_indirect_dma source(%dma_start3A_777 : memref<80x8xf32, #tpu.memory_space<vmem>>) target(%dma_start3A_783 : memref<10240x8xf32, #tpu.memory_space<vmem_shared>>) offsets(%dma_start3A_780 : memref<80xi32, #tpu.memory_space<vmem>>) semaphore(%arg23 : memref<!tpu.dma_semaphore, #tpu.memory_space<semaphore_mem>>) {add = true}
        %ge3A = arith.constant 1 : i32
        %ge3A_784 = arith.cmpi sge, %add3A_670, %ge3A : i32
        %convert_element_type3A_785 = arith.extui %ge3A_784 : i1 to i32
        %cond3A_786 = arith.constant 0 : i32
        %cond3A_787 = arith.cmpi ne, %convert_element_type3A_785, %cond3A_786 : i32
        scf.if %cond3A_787 {
          %dma_wait3A_806 = arith.constant 2 : i32
          %dma_wait3A_807 = arith.constant 0 : i32
          %dma_wait3A_808 = arith.constant 0 : i32
          %dma_wait3A_809 = tpu.memref_slice %arg15[%dma_wait3A_806, %dma_wait3A_807, %dma_wait3A_808] : memref<3x80x128xf32, #tpu.memory_space<vmem>> -> memref<1x80x128xf32, #tpu.memory_space<vmem>>
          %dma_wait3A_810 = tpu.memref_squeeze %dma_wait3A_809 : memref<1x80x128xf32, #tpu.memory_space<vmem>> -> memref<80x128xf32, #tpu.memory_space<vmem>>
          %dma_wait3A_811 = arith.constant 0 : i32
          %dma_wait3A_812 = arith.constant 0 : i32
          %dma_wait3A_813 = tpu.memref_slice %arg18[%dma_wait3A_811, %dma_wait3A_812] : memref<10240x128xf32, #tpu.memory_space<vmem_shared>> -> memref<80x128xf32, #tpu.memory_space<vmem_shared>>
          %dma_wait3A_814 = arith.constant 0 : i32
          %dma_wait3A_815 = arith.constant 0 : i32
          %dma_wait3A_816 = tpu.memref_slice %arg18[%dma_wait3A_814, %dma_wait3A_815] : memref<10240x128xf32, #tpu.memory_space<vmem_shared>> -> memref<80x128xf32, #tpu.memory_space<vmem_shared>>
          %dma_wait3A_817 = arith.constant 0 : i32
          %dma_wait3A_818 = arith.constant 0 : i32
          %dma_wait3A_819 = tpu.memref_slice %arg15[%dma_wait3A_806, %dma_wait3A_817, %dma_wait3A_818] : memref<3x80x128xf32, #tpu.memory_space<vmem>> -> memref<1x80x128xf32, #tpu.memory_space<vmem>>
          %dma_wait3A_820 = tpu.memref_squeeze %dma_wait3A_819 : memref<1x80x128xf32, #tpu.memory_space<vmem>> -> memref<80x128xf32, #tpu.memory_space<vmem>>
          tpu.wait_dma2 semaphore(%arg25 : memref<!tpu.dma_semaphore, #tpu.memory_space<semaphore_mem>>) src(%dma_wait3A_820 : memref<80x128xf32, #tpu.memory_space<vmem>>) dst(%dma_wait3A_816 : memref<80x128xf32, #tpu.memory_space<vmem_shared>>)
          %dma_wait3A_821 = arith.constant 2 : i32
          %dma_wait3A_822 = arith.constant 0 : i32
          %dma_wait3A_823 = arith.constant 0 : i32
          %dma_wait3A_824 = tpu.memref_slice %arg16[%dma_wait3A_821, %dma_wait3A_822, %dma_wait3A_823] : memref<3x80x8xf32, #tpu.memory_space<vmem>> -> memref<1x80x8xf32, #tpu.memory_space<vmem>>
          %dma_wait3A_825 = tpu.memref_squeeze %dma_wait3A_824 : memref<1x80x8xf32, #tpu.memory_space<vmem>> -> memref<80x8xf32, #tpu.memory_space<vmem>>
          %dma_wait3A_826 = arith.constant 0 : i32
          %dma_wait3A_827 = arith.constant 0 : i32
          %dma_wait3A_828 = tpu.memref_slice %arg19[%dma_wait3A_826, %dma_wait3A_827] : memref<10240x8xf32, #tpu.memory_space<vmem_shared>> -> memref<80x8xf32, #tpu.memory_space<vmem_shared>>
          %dma_wait3A_829 = arith.constant 0 : i32
          %dma_wait3A_830 = arith.constant 0 : i32
          %dma_wait3A_831 = tpu.memref_slice %arg19[%dma_wait3A_829, %dma_wait3A_830] : memref<10240x8xf32, #tpu.memory_space<vmem_shared>> -> memref<80x8xf32, #tpu.memory_space<vmem_shared>>
          %dma_wait3A_832 = arith.constant 0 : i32
          %dma_wait3A_833 = arith.constant 0 : i32
          %dma_wait3A_834 = tpu.memref_slice %arg16[%dma_wait3A_821, %dma_wait3A_832, %dma_wait3A_833] : memref<3x80x8xf32, #tpu.memory_space<vmem>> -> memref<1x80x8xf32, #tpu.memory_space<vmem>>
          %dma_wait3A_835 = tpu.memref_squeeze %dma_wait3A_834 : memref<1x80x8xf32, #tpu.memory_space<vmem>> -> memref<80x8xf32, #tpu.memory_space<vmem>>
          tpu.wait_dma2 semaphore(%arg25 : memref<!tpu.dma_semaphore, #tpu.memory_space<semaphore_mem>>) src(%dma_wait3A_835 : memref<80x8xf32, #tpu.memory_space<vmem>>) dst(%dma_wait3A_831 : memref<80x8xf32, #tpu.memory_space<vmem_shared>>)
        } else {
        }
        %rem3A_788 = arith.constant 25 : i32
        %rem3A_789 = arith.remsi %add3A_670, %rem3A_788 : i32
        %eq3A = arith.constant 0 : i32
        %eq3A_790 = arith.cmpi eq, %rem3A_789, %eq3A : i32
        %add3A_791 = arith.constant 25 : i32
        %add3A_792 = arith.addi %add3A_670, %add3A_791 : i32
        %lt3A_793 = arith.constant 125 : i32
        %lt3A_794 = arith.cmpi slt, %add3A_792, %lt3A_793 : i32
        %and3A_795 = arith.andi %eq3A_790, %lt3A_794 : i1
        %convert_element_type3A_796 = arith.extui %and3A_795 : i1 to i32
        %cond3A_797 = arith.constant 0 : i32
        %cond3A_798 = arith.cmpi ne, %convert_element_type3A_796, %cond3A_797 : i32
        scf.if %cond3A_798 {
          %div3A_806 = arith.constant 25 : i32
          %div3A_807 = arith.divsi %add3A_670, %div3A_806 : i32
          %add3A_808 = arith.constant 1 : i32
          %add3A_809 = arith.addi %div3A_807, %add3A_808 : i32
          %rem3A_810 = arith.constant 2 : i32
          %rem3A_811 = arith.remsi %add3A_809, %rem3A_810 : i32
          %mul3A_812 = arith.constant 125 : i32
          %mul3A_813 = arith.muli %add3A, %mul3A_812 : i32
          %mul3A_814 = arith.constant 25 : i32
          %mul3A_815 = arith.muli %add3A_809, %mul3A_814 : i32
          %add3A_816 = arith.addi %mul3A_813, %mul3A_815 : i32
          %dma_start3A_817 = arith.constant 0 : i32
          %dma_start3A_818 = arith.constant 0 : i32
          %dma_start3A_819 = tpu.memref_slice %arg10[%rem3A_811, %dma_start3A_817, %dma_start3A_818] : memref<2x25x80xi32, #tpu.memory_space<vmem>> -> memref<1x25x80xi32, #tpu.memory_space<vmem>>
          %dma_start3A_820 = tpu.memref_squeeze %dma_start3A_819 : memref<1x25x80xi32, #tpu.memory_space<vmem>> -> memref<25x80xi32, #tpu.memory_space<vmem>>
          %dma_start3A_821 = arith.constant 0 : i32
          %dma_start3A_822 = tpu.memref_slice %arg6[%add3A_816, %dma_start3A_821] : memref<4000x80xi32, #tpu.memory_space<hbm>> -> memref<25x80xi32, #tpu.memory_space<hbm>>
          %dma_start3A_823 = arith.constant 0 : i32
          %dma_start3A_824 = arith.constant 0 : i32
          %dma_start3A_825 = tpu.memref_slice %arg10[%rem3A_811, %dma_start3A_823, %dma_start3A_824] : memref<2x25x80xi32, #tpu.memory_space<vmem>> -> memref<1x25x80xi32, #tpu.memory_space<vmem>>
          %dma_start3A_826 = tpu.memref_squeeze %dma_start3A_825 : memref<1x25x80xi32, #tpu.memory_space<vmem>> -> memref<25x80xi32, #tpu.memory_space<vmem>>
          %dma_start3A_827 = arith.constant 0 : i32
          %dma_start3A_828 = tpu.memref_slice %arg6[%add3A_816, %dma_start3A_827] : memref<4000x80xi32, #tpu.memory_space<hbm>> -> memref<25x80xi32, #tpu.memory_space<hbm>>
          tpu.enqueue_dma source(%dma_start3A_828 : memref<25x80xi32, #tpu.memory_space<hbm>>) target(%dma_start3A_826 : memref<25x80xi32, #tpu.memory_space<vmem>>) target_semaphore(%arg26 : memref<!tpu.dma_semaphore, #tpu.memory_space<semaphore_mem>>)
          %dma_start3A_829 = arith.constant 0 : i32
          %dma_start3A_830 = arith.constant 0 : i32
          %dma_start3A_831 = tpu.memref_slice %arg11[%rem3A_811, %dma_start3A_829, %dma_start3A_830] : memref<2x25x80xi32, #tpu.memory_space<vmem>> -> memref<1x25x80xi32, #tpu.memory_space<vmem>>
          %dma_start3A_832 = tpu.memref_squeeze %dma_start3A_831 : memref<1x25x80xi32, #tpu.memory_space<vmem>> -> memref<25x80xi32, #tpu.memory_space<vmem>>
          %dma_start3A_833 = arith.constant 0 : i32
          %dma_start3A_834 = tpu.memref_slice %arg7[%add3A_816, %dma_start3A_833] : memref<4000x80xi32, #tpu.memory_space<hbm>> -> memref<25x80xi32, #tpu.memory_space<hbm>>
          %dma_start3A_835 = arith.constant 0 : i32
          %dma_start3A_836 = arith.constant 0 : i32
          %dma_start3A_837 = tpu.memref_slice %arg11[%rem3A_811, %dma_start3A_835, %dma_start3A_836] : memref<2x25x80xi32, #tpu.memory_space<vmem>> -> memref<1x25x80xi32, #tpu.memory_space<vmem>>
          %dma_start3A_838 = tpu.memref_squeeze %dma_start3A_837 : memref<1x25x80xi32, #tpu.memory_space<vmem>> -> memref<25x80xi32, #tpu.memory_space<vmem>>
          %dma_start3A_839 = arith.constant 0 : i32
          %dma_start3A_840 = tpu.memref_slice %arg7[%add3A_816, %dma_start3A_839] : memref<4000x80xi32, #tpu.memory_space<hbm>> -> memref<25x80xi32, #tpu.memory_space<hbm>>
          tpu.enqueue_dma source(%dma_start3A_840 : memref<25x80xi32, #tpu.memory_space<hbm>>) target(%dma_start3A_838 : memref<25x80xi32, #tpu.memory_space<vmem>>) target_semaphore(%arg27 : memref<!tpu.dma_semaphore, #tpu.memory_space<semaphore_mem>>)
        } else {
        }
        %add3A_799 = arith.constant 2 : i32
        %add3A_800 = arith.addi %add3A_670, %add3A_799 : i32
        %lt3A_801 = arith.constant 125 : i32
        %lt3A_802 = arith.cmpi slt, %add3A_800, %lt3A_801 : i32
        %convert_element_type3A_803 = arith.extui %lt3A_802 : i1 to i32
        %cond3A_804 = arith.constant 0 : i32
        %cond3A_805 = arith.cmpi ne, %convert_element_type3A_803, %cond3A_804 : i32
        scf.if %cond3A_805 {
          %add3A_806 = arith.constant 2 : i32
          %add3A_807 = arith.addi %add3A_670, %add3A_806 : i32
          %rem3A_808 = arith.constant 25 : i32
          %rem3A_809 = arith.remsi %add3A_807, %rem3A_808 : i32
          %eq3A_810 = arith.constant 0 : i32
          %eq3A_811 = arith.cmpi eq, %rem3A_809, %eq3A_810 : i32
          %add3A_812 = arith.constant 2 : i32
          %add3A_813 = arith.addi %add3A_670, %add3A_812 : i32
          %gt3A = arith.constant 0 : i32
          %gt3A_814 = arith.cmpi sgt, %add3A_813, %gt3A : i32
          %and3A_815 = arith.andi %eq3A_811, %gt3A_814 : i1
          %convert_element_type3A_816 = arith.extui %and3A_815 : i1 to i32
          %cond3A_817 = arith.constant 0 : i32
          %cond3A_818 = arith.cmpi ne, %convert_element_type3A_816, %cond3A_817 : i32
          scf.if %cond3A_818 {
            %add3A_868 = arith.constant 2 : i32
            %add3A_869 = arith.addi %add3A_670, %add3A_868 : i32
            %div3A_870 = arith.constant 25 : i32
            %div3A_871 = arith.divsi %add3A_869, %div3A_870 : i32
            %rem3A_872 = arith.constant 2 : i32
            %rem3A_873 = arith.remsi %div3A_871, %rem3A_872 : i32
            %mul3A_874 = arith.constant 125 : i32
            %mul3A_875 = arith.muli %add3A, %mul3A_874 : i32
            %mul3A_876 = arith.constant 25 : i32
            %mul3A_877 = arith.muli %div3A_871, %mul3A_876 : i32
            %add3A_878 = arith.addi %mul3A_875, %mul3A_877 : i32
            %dma_wait3A_879 = arith.constant 0 : i32
            %dma_wait3A_880 = arith.constant 0 : i32
            %dma_wait3A_881 = tpu.memref_slice %arg10[%rem3A_873, %dma_wait3A_879, %dma_wait3A_880] : memref<2x25x80xi32, #tpu.memory_space<vmem>> -> memref<1x25x80xi32, #tpu.memory_space<vmem>>
            %dma_wait3A_882 = tpu.memref_squeeze %dma_wait3A_881 : memref<1x25x80xi32, #tpu.memory_space<vmem>> -> memref<25x80xi32, #tpu.memory_space<vmem>>
            %dma_wait3A_883 = arith.constant 0 : i32
            %dma_wait3A_884 = tpu.memref_slice %arg6[%add3A_878, %dma_wait3A_883] : memref<4000x80xi32, #tpu.memory_space<hbm>> -> memref<25x80xi32, #tpu.memory_space<hbm>>
            %dma_wait3A_885 = arith.constant 0 : i32
            %dma_wait3A_886 = arith.constant 0 : i32
            %dma_wait3A_887 = tpu.memref_slice %arg10[%rem3A_873, %dma_wait3A_885, %dma_wait3A_886] : memref<2x25x80xi32, #tpu.memory_space<vmem>> -> memref<1x25x80xi32, #tpu.memory_space<vmem>>
            %dma_wait3A_888 = tpu.memref_squeeze %dma_wait3A_887 : memref<1x25x80xi32, #tpu.memory_space<vmem>> -> memref<25x80xi32, #tpu.memory_space<vmem>>
            %dma_wait3A_889 = arith.constant 0 : i32
            %dma_wait3A_890 = tpu.memref_slice %arg6[%add3A_878, %dma_wait3A_889] : memref<4000x80xi32, #tpu.memory_space<hbm>> -> memref<25x80xi32, #tpu.memory_space<hbm>>
            tpu.wait_dma2 semaphore(%arg26 : memref<!tpu.dma_semaphore, #tpu.memory_space<semaphore_mem>>) src(%dma_wait3A_890 : memref<25x80xi32, #tpu.memory_space<hbm>>) dst(%dma_wait3A_888 : memref<25x80xi32, #tpu.memory_space<vmem>>)
            %dma_wait3A_891 = arith.constant 0 : i32
            %dma_wait3A_892 = arith.constant 0 : i32
            %dma_wait3A_893 = tpu.memref_slice %arg11[%rem3A_873, %dma_wait3A_891, %dma_wait3A_892] : memref<2x25x80xi32, #tpu.memory_space<vmem>> -> memref<1x25x80xi32, #tpu.memory_space<vmem>>
            %dma_wait3A_894 = tpu.memref_squeeze %dma_wait3A_893 : memref<1x25x80xi32, #tpu.memory_space<vmem>> -> memref<25x80xi32, #tpu.memory_space<vmem>>
            %dma_wait3A_895 = arith.constant 0 : i32
            %dma_wait3A_896 = tpu.memref_slice %arg7[%add3A_878, %dma_wait3A_895] : memref<4000x80xi32, #tpu.memory_space<hbm>> -> memref<25x80xi32, #tpu.memory_space<hbm>>
            %dma_wait3A_897 = arith.constant 0 : i32
            %dma_wait3A_898 = arith.constant 0 : i32
            %dma_wait3A_899 = tpu.memref_slice %arg11[%rem3A_873, %dma_wait3A_897, %dma_wait3A_898] : memref<2x25x80xi32, #tpu.memory_space<vmem>> -> memref<1x25x80xi32, #tpu.memory_space<vmem>>
            %dma_wait3A_900 = tpu.memref_squeeze %dma_wait3A_899 : memref<1x25x80xi32, #tpu.memory_space<vmem>> -> memref<25x80xi32, #tpu.memory_space<vmem>>
            %dma_wait3A_901 = arith.constant 0 : i32
            %dma_wait3A_902 = tpu.memref_slice %arg7[%add3A_878, %dma_wait3A_901] : memref<4000x80xi32, #tpu.memory_space<hbm>> -> memref<25x80xi32, #tpu.memory_space<hbm>>
            tpu.wait_dma2 semaphore(%arg27 : memref<!tpu.dma_semaphore, #tpu.memory_space<semaphore_mem>>) src(%dma_wait3A_902 : memref<25x80xi32, #tpu.memory_space<hbm>>) dst(%dma_wait3A_900 : memref<25x80xi32, #tpu.memory_space<vmem>>)
          } else {
          }
          %add3A_819 = arith.constant 2 : i32
          %add3A_820 = arith.addi %add3A_670, %add3A_819 : i32
          %div3A_821 = arith.constant 25 : i32
          %div3A_822 = arith.divsi %add3A_820, %div3A_821 : i32
          %rem3A_823 = arith.constant 2 : i32
          %rem3A_824 = arith.remsi %div3A_822, %rem3A_823 : i32
          %rem3A_825 = arith.constant 25 : i32
          %rem3A_826 = arith.remsi %add3A_820, %rem3A_825 : i32
          %dma_start3A_827 = arith.constant 2 : i32
          %dma_start3A_828 = arith.constant 0 : i32
          %dma_start3A_829 = arith.constant 0 : i32
          %dma_start3A_830 = tpu.memref_slice %arg15[%dma_start3A_827, %dma_start3A_828, %dma_start3A_829] : memref<3x80x128xf32, #tpu.memory_space<vmem>> -> memref<1x80x128xf32, #tpu.memory_space<vmem>>
          %dma_start3A_831 = tpu.memref_squeeze %dma_start3A_830 : memref<1x80x128xf32, #tpu.memory_space<vmem>> -> memref<80x128xf32, #tpu.memory_space<vmem>>
          %dma_start3A_832 = arith.constant 0 : i32
          %dma_start3A_833 = tpu.memref_slice %arg10[%rem3A_824, %rem3A_826, %dma_start3A_832] : memref<2x25x80xi32, #tpu.memory_space<vmem>> -> memref<1x1x80xi32, #tpu.memory_space<vmem>>
          %dma_start3A_834 = tpu.memref_squeeze %dma_start3A_833 : memref<1x1x80xi32, #tpu.memory_space<vmem>> -> memref<80xi32, #tpu.memory_space<vmem>>
          %dma_start3A_835 = arith.constant 0 : i32
          %dma_start3A_836 = arith.constant 0 : i32
          %dma_start3A_837 = tpu.memref_slice %arg2[%dma_start3A_835, %dma_start3A_836] : memref<10000x128xf32, #tpu.memory_space<hbm>> -> memref<10000x128xf32, #tpu.memory_space<hbm>>
          tpu.enqueue_indirect_dma source(%dma_start3A_837 : memref<10000x128xf32, #tpu.memory_space<hbm>>) target(%dma_start3A_831 : memref<80x128xf32, #tpu.memory_space<vmem>>) offsets(%dma_start3A_834 : memref<80xi32, #tpu.memory_space<vmem>>) semaphore(%arg22 : memref<!tpu.dma_semaphore, #tpu.memory_space<semaphore_mem>>)
          %div3A_838 = arith.constant 25 : i32
          %div3A_839 = arith.divsi %add3A_820, %div3A_838 : i32
          %rem3A_840 = arith.constant 2 : i32
          %rem3A_841 = arith.remsi %div3A_839, %rem3A_840 : i32
          %rem3A_842 = arith.constant 25 : i32
          %rem3A_843 = arith.remsi %add3A_820, %rem3A_842 : i32
          %dma_start3A_844 = arith.constant 2 : i32
          %dma_start3A_845 = arith.constant 0 : i32
          %dma_start3A_846 = tpu.memref_slice %arg12[%dma_start3A_844, %dma_start3A_845] : memref<3x80xf32, #tpu.memory_space<vmem>> -> memref<1x80xf32, #tpu.memory_space<vmem>>
          %dma_start3A_847 = tpu.memref_squeeze %dma_start3A_846 : memref<1x80xf32, #tpu.memory_space<vmem>> -> memref<80xf32, #tpu.memory_space<vmem>>
          %dma_start3A_848 = arith.constant 0 : i32
          %dma_start3A_849 = tpu.memref_slice %arg10[%rem3A_841, %rem3A_843, %dma_start3A_848] : memref<2x25x80xi32, #tpu.memory_space<vmem>> -> memref<1x1x80xi32, #tpu.memory_space<vmem>>
          %dma_start3A_850 = tpu.memref_squeeze %dma_start3A_849 : memref<1x1x80xi32, #tpu.memory_space<vmem>> -> memref<80xi32, #tpu.memory_space<vmem>>
          %dma_start3A_851 = arith.constant 0 : i32
          %dma_start3A_852 = tpu.memref_slice %arg3[%dma_start3A_851] : memref<10000xf32, #tpu.memory_space<hbm>> -> memref<10000xf32, #tpu.memory_space<hbm>>
          tpu.enqueue_indirect_dma source(%dma_start3A_852 : memref<10000xf32, #tpu.memory_space<hbm>>) target(%dma_start3A_847 : memref<80xf32, #tpu.memory_space<vmem>>) offsets(%dma_start3A_850 : memref<80xi32, #tpu.memory_space<vmem>>) semaphore(%arg22 : memref<!tpu.dma_semaphore, #tpu.memory_space<semaphore_mem>>)
          %div3A_853 = arith.constant 25 : i32
          %div3A_854 = arith.divsi %add3A_820, %div3A_853 : i32
          %rem3A_855 = arith.constant 2 : i32
          %rem3A_856 = arith.remsi %div3A_854, %rem3A_855 : i32
          %rem3A_857 = arith.constant 25 : i32
          %rem3A_858 = arith.remsi %add3A_820, %rem3A_857 : i32
          %dma_start3A_859 = arith.constant 2 : i32
          %dma_start3A_860 = arith.constant 0 : i32
          %dma_start3A_861 = tpu.memref_slice %arg13[%dma_start3A_859, %dma_start3A_860] : memref<3x80xf32, #tpu.memory_space<vmem>> -> memref<1x80xf32, #tpu.memory_space<vmem>>
          %dma_start3A_862 = tpu.memref_squeeze %dma_start3A_861 : memref<1x80xf32, #tpu.memory_space<vmem>> -> memref<80xf32, #tpu.memory_space<vmem>>
          %dma_start3A_863 = arith.constant 0 : i32
          %dma_start3A_864 = tpu.memref_slice %arg11[%rem3A_856, %rem3A_858, %dma_start3A_863] : memref<2x25x80xi32, #tpu.memory_space<vmem>> -> memref<1x1x80xi32, #tpu.memory_space<vmem>>
          %dma_start3A_865 = tpu.memref_squeeze %dma_start3A_864 : memref<1x1x80xi32, #tpu.memory_space<vmem>> -> memref<80xi32, #tpu.memory_space<vmem>>
          %dma_start3A_866 = arith.constant 0 : i32
          %dma_start3A_867 = tpu.memref_slice %arg4[%dma_start3A_866] : memref<10000xf32, #tpu.memory_space<hbm>> -> memref<10000xf32, #tpu.memory_space<hbm>>
          tpu.enqueue_indirect_dma source(%dma_start3A_867 : memref<10000xf32, #tpu.memory_space<hbm>>) target(%dma_start3A_862 : memref<80xf32, #tpu.memory_space<vmem>>) offsets(%dma_start3A_865 : memref<80xi32, #tpu.memory_space<vmem>>) semaphore(%arg22 : memref<!tpu.dma_semaphore, #tpu.memory_space<semaphore_mem>>)
        } else {
        }
      } else {
      }
      %mul3A_673 = arith.constant 3 : i32
      %mul3A_674 = arith.muli %scan3A_666, %mul3A_673 : i32
      %add3A_675 = arith.constant 1 : i32
      %add3A_676 = arith.addi %mul3A_674, %add3A_675 : i32
      %lt3A_677 = arith.constant 125 : i32
      %lt3A_678 = arith.cmpi slt, %add3A_676, %lt3A_677 : i32
      %convert_element_type3A_679 = arith.extui %lt3A_678 : i1 to i32
      %cond3A_680 = arith.constant 0 : i32
      %cond3A_681 = arith.cmpi ne, %convert_element_type3A_679, %cond3A_680 : i32
      scf.if %cond3A_681 {
        %div3A_691 = arith.constant 25 : i32
        %div3A_692 = arith.divsi %add3A_676, %div3A_691 : i32
        %rem3A_693 = arith.constant 2 : i32
        %rem3A_694 = arith.remsi %div3A_692, %rem3A_693 : i32
        %rem3A_695 = arith.constant 25 : i32
        %rem3A_696 = arith.remsi %add3A_676, %rem3A_695 : i32
        %dma_wait3A_697 = arith.constant 1 : i32
        %dma_wait3A_698 = arith.constant 0 : i32
        %dma_wait3A_699 = arith.constant 0 : i32
        %dma_wait3A_700 = tpu.memref_slice %arg15[%dma_wait3A_697, %dma_wait3A_698, %dma_wait3A_699] : memref<3x80x128xf32, #tpu.memory_space<vmem>> -> memref<1x80x128xf32, #tpu.memory_space<vmem>>
        %dma_wait3A_701 = tpu.memref_squeeze %dma_wait3A_700 : memref<1x80x128xf32, #tpu.memory_space<vmem>> -> memref<80x128xf32, #tpu.memory_space<vmem>>
        %dma_wait3A_702 = arith.constant 0 : i32
        %dma_wait3A_703 = tpu.memref_slice %arg10[%rem3A_694, %rem3A_696, %dma_wait3A_702] : memref<2x25x80xi32, #tpu.memory_space<vmem>> -> memref<1x1x80xi32, #tpu.memory_space<vmem>>
        %dma_wait3A_704 = tpu.memref_squeeze %dma_wait3A_703 : memref<1x1x80xi32, #tpu.memory_space<vmem>> -> memref<80xi32, #tpu.memory_space<vmem>>
        %dma_wait3A_705 = arith.constant 0 : i32
        %dma_wait3A_706 = arith.constant 0 : i32
        %dma_wait3A_707 = tpu.memref_slice %arg2[%dma_wait3A_705, %dma_wait3A_706] : memref<10000x128xf32, #tpu.memory_space<hbm>> -> memref<10000x128xf32, #tpu.memory_space<hbm>>
        tpu.wait_indirect_dma semaphore(%arg21 : memref<!tpu.dma_semaphore, #tpu.memory_space<semaphore_mem>>) src(%dma_wait3A_707 : memref<10000x128xf32, #tpu.memory_space<hbm>>) dst(%dma_wait3A_701 : memref<80x128xf32, #tpu.memory_space<vmem>>)
        %div3A_708 = arith.constant 25 : i32
        %div3A_709 = arith.divsi %add3A_676, %div3A_708 : i32
        %rem3A_710 = arith.constant 2 : i32
        %rem3A_711 = arith.remsi %div3A_709, %rem3A_710 : i32
        %rem3A_712 = arith.constant 25 : i32
        %rem3A_713 = arith.remsi %add3A_676, %rem3A_712 : i32
        %dma_wait3A_714 = arith.constant 1 : i32
        %dma_wait3A_715 = arith.constant 0 : i32
        %dma_wait3A_716 = tpu.memref_slice %arg12[%dma_wait3A_714, %dma_wait3A_715] : memref<3x80xf32, #tpu.memory_space<vmem>> -> memref<1x80xf32, #tpu.memory_space<vmem>>
        %dma_wait3A_717 = tpu.memref_squeeze %dma_wait3A_716 : memref<1x80xf32, #tpu.memory_space<vmem>> -> memref<80xf32, #tpu.memory_space<vmem>>
        %dma_wait3A_718 = arith.constant 0 : i32
        %dma_wait3A_719 = tpu.memref_slice %arg10[%rem3A_711, %rem3A_713, %dma_wait3A_718] : memref<2x25x80xi32, #tpu.memory_space<vmem>> -> memref<1x1x80xi32, #tpu.memory_space<vmem>>
        %dma_wait3A_720 = tpu.memref_squeeze %dma_wait3A_719 : memref<1x1x80xi32, #tpu.memory_space<vmem>> -> memref<80xi32, #tpu.memory_space<vmem>>
        %dma_wait3A_721 = arith.constant 0 : i32
        %dma_wait3A_722 = tpu.memref_slice %arg3[%dma_wait3A_721] : memref<10000xf32, #tpu.memory_space<hbm>> -> memref<10000xf32, #tpu.memory_space<hbm>>
        tpu.wait_indirect_dma semaphore(%arg21 : memref<!tpu.dma_semaphore, #tpu.memory_space<semaphore_mem>>) src(%dma_wait3A_722 : memref<10000xf32, #tpu.memory_space<hbm>>) dst(%dma_wait3A_717 : memref<80xf32, #tpu.memory_space<vmem>>)
        %div3A_723 = arith.constant 25 : i32
        %div3A_724 = arith.divsi %add3A_676, %div3A_723 : i32
        %rem3A_725 = arith.constant 2 : i32
        %rem3A_726 = arith.remsi %div3A_724, %rem3A_725 : i32
        %rem3A_727 = arith.constant 25 : i32
        %rem3A_728 = arith.remsi %add3A_676, %rem3A_727 : i32
        %dma_wait3A_729 = arith.constant 1 : i32
        %dma_wait3A_730 = arith.constant 0 : i32
        %dma_wait3A_731 = tpu.memref_slice %arg13[%dma_wait3A_729, %dma_wait3A_730] : memref<3x80xf32, #tpu.memory_space<vmem>> -> memref<1x80xf32, #tpu.memory_space<vmem>>
        %dma_wait3A_732 = tpu.memref_squeeze %dma_wait3A_731 : memref<1x80xf32, #tpu.memory_space<vmem>> -> memref<80xf32, #tpu.memory_space<vmem>>
        %dma_wait3A_733 = arith.constant 0 : i32
        %dma_wait3A_734 = tpu.memref_slice %arg11[%rem3A_726, %rem3A_728, %dma_wait3A_733] : memref<2x25x80xi32, #tpu.memory_space<vmem>> -> memref<1x1x80xi32, #tpu.memory_space<vmem>>
        %dma_wait3A_735 = tpu.memref_squeeze %dma_wait3A_734 : memref<1x1x80xi32, #tpu.memory_space<vmem>> -> memref<80xi32, #tpu.memory_space<vmem>>
        %dma_wait3A_736 = arith.constant 0 : i32
        %dma_wait3A_737 = tpu.memref_slice %arg4[%dma_wait3A_736] : memref<10000xf32, #tpu.memory_space<hbm>> -> memref<10000xf32, #tpu.memory_space<hbm>>
        tpu.wait_indirect_dma semaphore(%arg21 : memref<!tpu.dma_semaphore, #tpu.memory_space<semaphore_mem>>) src(%dma_wait3A_737 : memref<10000xf32, #tpu.memory_space<hbm>>) dst(%dma_wait3A_732 : memref<80xf32, #tpu.memory_space<vmem>>)
        %scan3A_738 = arith.constant 0 : i32
        %scan3A_739 = arith.constant 0 : i32
        %scan3A_740 = arith.constant 5 : i32
        %scan3A_741 = arith.addi %scan3A_739, %scan3A_740 : i32
        %scan3A_742 = arith.constant 1 : i32
        scf.for %scan3A_806 = %scan3A_739 to %scan3A_741 step %scan3A_742  : i32 {
          %mul3A_807 = arith.constant 16 : i32
          %mul3A_808 = arith.muli %scan3A_806, %mul3A_807 : i32
          %get3A_809 = arith.constant 1 : i32
          %get3A_810 = arith.index_cast %get3A_809 : i32 to index
          %get3A_811 = arith.index_cast %mul3A_808 : i32 to index
          %get3A_812 = tpu.vector_load %arg12[%get3A_810, %get3A_811] {strides = array<i32>} : memref<3x80xf32, #tpu.memory_space<vmem>>, vector<16xf32>,
          %get3A_813 = arith.constant 1 : i32
          %get3A_814 = arith.index_cast %get3A_813 : i32 to index
          %get3A_815 = arith.index_cast %mul3A_808 : i32 to index
          %get3A_816 = tpu.vector_load %arg13[%get3A_814, %get3A_815] {strides = array<i32>} : memref<3x80xf32, #tpu.memory_space<vmem>>, vector<16xf32>,
          %add3A_817 = arith.addf %get3A_812, %get3A_816 : vector<16xf32>
          %gt3A = arith.constant 0.000000e+00 : f32
          %gt3A_818 = vector.broadcast %gt3A : f32 to vector<16xf32>
          %gt3A_819 = arith.cmpf ogt, %add3A_817, %gt3A_818 : vector<16xf32>
          %mul3A_820 = arith.constant 2.000000e-01 : f32
          %mul3A_821 = vector.broadcast %mul3A_820 : f32 to vector<16xf32>
          %mul3A_822 = arith.mulf %mul3A_821, %add3A_817 : vector<16xf32>
          %select_n3A = arith.select %gt3A_819, %add3A_817, %mul3A_822 : vector<16xi1>, vector<16xf32>
          %sub3A = arith.subf %select_n3A, %get3A_504 : vector<16xf32>
          %exp3A = math.exp %sub3A : vector<16xf32>
          %swap3A = arith.index_cast %mul3A_808 : i32 to index
          %swap3A_823 = tpu.vector_load %arg17[%swap3A] {strides = array<i32>} : memref<80xf32, #tpu.memory_space<vmem>>, vector<16xf32>,
          tpu.vector_store %arg17[%swap3A], %exp3A {strides = array<i32>} : memref<80xf32, #tpu.memory_space<vmem>>, vector<16xf32>,
          %add3A_824 = arith.constant 1 : i32
          %add3A_825 = vector.broadcast %add3A_824 : i32 to vector<16xi32>
          %add3A_826 = arith.addi %broadcast_in_dim3A_8, %add3A_825 : vector<16xi32>
          %mul3A_827 = arith.constant 16 : i32
          %mul3A_828 = arith.muli %scan3A_806, %mul3A_827 : i32
          %add3A_829 = vector.broadcast %mul3A_828 : i32 to vector<16xi32>
          %add3A_830 = arith.addi %iota3A, %add3A_829 : vector<16xi32>
          tpu.vector_store_idx %arg16[%add3A_826, %add3A_830, %broadcast_in_dim3A_8], %exp3A : memref<3x80x8xf32, #tpu.memory_space<vmem>>[vector<16xi32>, vector<16xi32>, vector<16xi32>], vector<16xf32>,
        }
        %scan3A_743 = arith.constant 5 : i32
        %scan3A_744 = arith.constant 0 : i32
        %scan3A_745 = arith.constant 0 : i32
        %scan3A_746 = arith.constant 40 : i32
        %scan3A_747 = arith.addi %scan3A_745, %scan3A_746 : i32
        %scan3A_748 = arith.constant 1 : i32
        scf.for %scan3A_806 = %scan3A_745 to %scan3A_747 step %scan3A_748  : i32 {
          %mul3A_807 = arith.constant 2 : i32
          %mul3A_808 = arith.muli %scan3A_806, %mul3A_807 : i32
          %add3A_809 = arith.constant 0 : i32
          %add3A_810 = arith.addi %mul3A_808, %add3A_809 : i32
          %add3A_811 = vector.broadcast %add3A_810 : i32 to vector<16xi32>
          %add3A_812 = arith.addi %broadcast_in_dim3A_8, %add3A_811 : vector<16xi32>
          %gather3A = tpu.vector_load_idx %arg17[%add3A_812] : memref<80xf32, #tpu.memory_space<vmem>>[vector<16xi32>], vector<16xf32>,
          %get3A_813 = arith.constant 1 : i32
          %get3A_814 = arith.index_cast %get3A_813 : i32 to index
          %get3A_815 = arith.index_cast %add3A_810 : i32 to index
          %get3A_816 = arith.constant 0 : index
          %get3A_817 = tpu.vector_load %arg15[%get3A_814, %get3A_815, %get3A_816] {strides = array<i32>} : memref<3x80x128xf32, #tpu.memory_space<vmem>>, vector<16xf32>,
          %mul3A_818 = arith.mulf %get3A_817, %gather3A : vector<16xf32>
          %swap3A = arith.constant 1 : i32
          %swap3A_819 = arith.index_cast %swap3A : i32 to index
          %swap3A_820 = arith.index_cast %add3A_810 : i32 to index
          %swap3A_821 = arith.constant 0 : index
          %swap3A_822 = tpu.vector_load %arg15[%swap3A_819, %swap3A_820, %swap3A_821] {strides = array<i32>} : memref<3x80x128xf32, #tpu.memory_space<vmem>>, vector<16xf32>,
          tpu.vector_store %arg15[%swap3A_819, %swap3A_820, %swap3A_821], %mul3A_818 {strides = array<i32>} : memref<3x80x128xf32, #tpu.memory_space<vmem>>, vector<16xf32>,
          %get3A_823 = arith.constant 1 : i32
          %get3A_824 = arith.index_cast %get3A_823 : i32 to index
          %get3A_825 = arith.index_cast %add3A_810 : i32 to index
          %get3A_826 = arith.constant 16 : index
          %get3A_827 = tpu.vector_load %arg15[%get3A_824, %get3A_825, %get3A_826] {strides = array<i32>} : memref<3x80x128xf32, #tpu.memory_space<vmem>>, vector<16xf32>,
          %mul3A_828 = arith.mulf %get3A_827, %gather3A : vector<16xf32>
          %swap3A_829 = arith.constant 1 : i32
          %swap3A_830 = arith.index_cast %swap3A_829 : i32 to index
          %swap3A_831 = arith.index_cast %add3A_810 : i32 to index
          %swap3A_832 = arith.constant 16 : index
          %swap3A_833 = tpu.vector_load %arg15[%swap3A_830, %swap3A_831, %swap3A_832] {strides = array<i32>} : memref<3x80x128xf32, #tpu.memory_space<vmem>>, vector<16xf32>,
          tpu.vector_store %arg15[%swap3A_830, %swap3A_831, %swap3A_832], %mul3A_828 {strides = array<i32>} : memref<3x80x128xf32, #tpu.memory_space<vmem>>, vector<16xf32>,
          %get3A_834 = arith.constant 1 : i32
          %get3A_835 = arith.index_cast %get3A_834 : i32 to index
          %get3A_836 = arith.index_cast %add3A_810 : i32 to index
          %get3A_837 = arith.constant 32 : index
          %get3A_838 = tpu.vector_load %arg15[%get3A_835, %get3A_836, %get3A_837] {strides = array<i32>} : memref<3x80x128xf32, #tpu.memory_space<vmem>>, vector<16xf32>,
          %mul3A_839 = arith.mulf %get3A_838, %gather3A : vector<16xf32>
          %swap3A_840 = arith.constant 1 : i32
          %swap3A_841 = arith.index_cast %swap3A_840 : i32 to index
          %swap3A_842 = arith.index_cast %add3A_810 : i32 to index
          %swap3A_843 = arith.constant 32 : index
          %swap3A_844 = tpu.vector_load %arg15[%swap3A_841, %swap3A_842, %swap3A_843] {strides = array<i32>} : memref<3x80x128xf32, #tpu.memory_space<vmem>>, vector<16xf32>,
          tpu.vector_store %arg15[%swap3A_841, %swap3A_842, %swap3A_843], %mul3A_839 {strides = array<i32>} : memref<3x80x128xf32, #tpu.memory_space<vmem>>, vector<16xf32>,
          %get3A_845 = arith.constant 1 : i32
          %get3A_846 = arith.index_cast %get3A_845 : i32 to index
          %get3A_847 = arith.index_cast %add3A_810 : i32 to index
          %get3A_848 = arith.constant 48 : index
          %get3A_849 = tpu.vector_load %arg15[%get3A_846, %get3A_847, %get3A_848] {strides = array<i32>} : memref<3x80x128xf32, #tpu.memory_space<vmem>>, vector<16xf32>,
          %mul3A_850 = arith.mulf %get3A_849, %gather3A : vector<16xf32>
          %swap3A_851 = arith.constant 1 : i32
          %swap3A_852 = arith.index_cast %swap3A_851 : i32 to index
          %swap3A_853 = arith.index_cast %add3A_810 : i32 to index
          %swap3A_854 = arith.constant 48 : index
          %swap3A_855 = tpu.vector_load %arg15[%swap3A_852, %swap3A_853, %swap3A_854] {strides = array<i32>} : memref<3x80x128xf32, #tpu.memory_space<vmem>>, vector<16xf32>,
          tpu.vector_store %arg15[%swap3A_852, %swap3A_853, %swap3A_854], %mul3A_850 {strides = array<i32>} : memref<3x80x128xf32, #tpu.memory_space<vmem>>, vector<16xf32>,
          %get3A_856 = arith.constant 1 : i32
          %get3A_857 = arith.index_cast %get3A_856 : i32 to index
          %get3A_858 = arith.index_cast %add3A_810 : i32 to index
          %get3A_859 = arith.constant 64 : index
          %get3A_860 = tpu.vector_load %arg15[%get3A_857, %get3A_858, %get3A_859] {strides = array<i32>} : memref<3x80x128xf32, #tpu.memory_space<vmem>>, vector<16xf32>,
          %mul3A_861 = arith.mulf %get3A_860, %gather3A : vector<16xf32>
          %swap3A_862 = arith.constant 1 : i32
          %swap3A_863 = arith.index_cast %swap3A_862 : i32 to index
          %swap3A_864 = arith.index_cast %add3A_810 : i32 to index
          %swap3A_865 = arith.constant 64 : index
          %swap3A_866 = tpu.vector_load %arg15[%swap3A_863, %swap3A_864, %swap3A_865] {strides = array<i32>} : memref<3x80x128xf32, #tpu.memory_space<vmem>>, vector<16xf32>,
          tpu.vector_store %arg15[%swap3A_863, %swap3A_864, %swap3A_865], %mul3A_861 {strides = array<i32>} : memref<3x80x128xf32, #tpu.memory_space<vmem>>, vector<16xf32>,
          %get3A_867 = arith.constant 1 : i32
          %get3A_868 = arith.index_cast %get3A_867 : i32 to index
          %get3A_869 = arith.index_cast %add3A_810 : i32 to index
          %get3A_870 = arith.constant 80 : index
          %get3A_871 = tpu.vector_load %arg15[%get3A_868, %get3A_869, %get3A_870] {strides = array<i32>} : memref<3x80x128xf32, #tpu.memory_space<vmem>>, vector<16xf32>,
          %mul3A_872 = arith.mulf %get3A_871, %gather3A : vector<16xf32>
          %swap3A_873 = arith.constant 1 : i32
          %swap3A_874 = arith.index_cast %swap3A_873 : i32 to index
          %swap3A_875 = arith.index_cast %add3A_810 : i32 to index
          %swap3A_876 = arith.constant 80 : index
          %swap3A_877 = tpu.vector_load %arg15[%swap3A_874, %swap3A_875, %swap3A_876] {strides = array<i32>} : memref<3x80x128xf32, #tpu.memory_space<vmem>>, vector<16xf32>,
          tpu.vector_store %arg15[%swap3A_874, %swap3A_875, %swap3A_876], %mul3A_872 {strides = array<i32>} : memref<3x80x128xf32, #tpu.memory_space<vmem>>, vector<16xf32>,
          %get3A_878 = arith.constant 1 : i32
          %get3A_879 = arith.index_cast %get3A_878 : i32 to index
          %get3A_880 = arith.index_cast %add3A_810 : i32 to index
          %get3A_881 = arith.constant 96 : index
          %get3A_882 = tpu.vector_load %arg15[%get3A_879, %get3A_880, %get3A_881] {strides = array<i32>} : memref<3x80x128xf32, #tpu.memory_space<vmem>>, vector<16xf32>,
          %mul3A_883 = arith.mulf %get3A_882, %gather3A : vector<16xf32>
          %swap3A_884 = arith.constant 1 : i32
          %swap3A_885 = arith.index_cast %swap3A_884 : i32 to index
          %swap3A_886 = arith.index_cast %add3A_810 : i32 to index
          %swap3A_887 = arith.constant 96 : index
          %swap3A_888 = tpu.vector_load %arg15[%swap3A_885, %swap3A_886, %swap3A_887] {strides = array<i32>} : memref<3x80x128xf32, #tpu.memory_space<vmem>>, vector<16xf32>,
          tpu.vector_store %arg15[%swap3A_885, %swap3A_886, %swap3A_887], %mul3A_883 {strides = array<i32>} : memref<3x80x128xf32, #tpu.memory_space<vmem>>, vector<16xf32>,
          %get3A_889 = arith.constant 1 : i32
          %get3A_890 = arith.index_cast %get3A_889 : i32 to index
          %get3A_891 = arith.index_cast %add3A_810 : i32 to index
          %get3A_892 = arith.constant 112 : index
          %get3A_893 = tpu.vector_load %arg15[%get3A_890, %get3A_891, %get3A_892] {strides = array<i32>} : memref<3x80x128xf32, #tpu.memory_space<vmem>>, vector<16xf32>,
          %mul3A_894 = arith.mulf %get3A_893, %gather3A : vector<16xf32>
          %swap3A_895 = arith.constant 1 : i32
          %swap3A_896 = arith.index_cast %swap3A_895 : i32 to index
          %swap3A_897 = arith.index_cast %add3A_810 : i32 to index
          %swap3A_898 = arith.constant 112 : index
          %swap3A_899 = tpu.vector_load %arg15[%swap3A_896, %swap3A_897, %swap3A_898] {strides = array<i32>} : memref<3x80x128xf32, #tpu.memory_space<vmem>>, vector<16xf32>,
          tpu.vector_store %arg15[%swap3A_896, %swap3A_897, %swap3A_898], %mul3A_894 {strides = array<i32>} : memref<3x80x128xf32, #tpu.memory_space<vmem>>, vector<16xf32>,
          %mul3A_900 = arith.constant 2 : i32
          %mul3A_901 = arith.muli %scan3A_806, %mul3A_900 : i32
          %add3A_902 = arith.constant 1 : i32
          %add3A_903 = arith.addi %mul3A_901, %add3A_902 : i32
          %add3A_904 = vector.broadcast %add3A_903 : i32 to vector<16xi32>
          %add3A_905 = arith.addi %broadcast_in_dim3A_8, %add3A_904 : vector<16xi32>
          %gather3A_906 = tpu.vector_load_idx %arg17[%add3A_905] : memref<80xf32, #tpu.memory_space<vmem>>[vector<16xi32>], vector<16xf32>,
          %get3A_907 = arith.constant 1 : i32
          %get3A_908 = arith.index_cast %get3A_907 : i32 to index
          %get3A_909 = arith.index_cast %add3A_903 : i32 to index
          %get3A_910 = arith.constant 0 : index
          %get3A_911 = tpu.vector_load %arg15[%get3A_908, %get3A_909, %get3A_910] {strides = array<i32>} : memref<3x80x128xf32, #tpu.memory_space<vmem>>, vector<16xf32>,
          %mul3A_912 = arith.mulf %get3A_911, %gather3A_906 : vector<16xf32>
          %swap3A_913 = arith.constant 1 : i32
          %swap3A_914 = arith.index_cast %swap3A_913 : i32 to index
          %swap3A_915 = arith.index_cast %add3A_903 : i32 to index
          %swap3A_916 = arith.constant 0 : index
          %swap3A_917 = tpu.vector_load %arg15[%swap3A_914, %swap3A_915, %swap3A_916] {strides = array<i32>} : memref<3x80x128xf32, #tpu.memory_space<vmem>>, vector<16xf32>,
          tpu.vector_store %arg15[%swap3A_914, %swap3A_915, %swap3A_916], %mul3A_912 {strides = array<i32>} : memref<3x80x128xf32, #tpu.memory_space<vmem>>, vector<16xf32>,
          %get3A_918 = arith.constant 1 : i32
          %get3A_919 = arith.index_cast %get3A_918 : i32 to index
          %get3A_920 = arith.index_cast %add3A_903 : i32 to index
          %get3A_921 = arith.constant 16 : index
          %get3A_922 = tpu.vector_load %arg15[%get3A_919, %get3A_920, %get3A_921] {strides = array<i32>} : memref<3x80x128xf32, #tpu.memory_space<vmem>>, vector<16xf32>,
          %mul3A_923 = arith.mulf %get3A_922, %gather3A_906 : vector<16xf32>
          %swap3A_924 = arith.constant 1 : i32
          %swap3A_925 = arith.index_cast %swap3A_924 : i32 to index
          %swap3A_926 = arith.index_cast %add3A_903 : i32 to index
          %swap3A_927 = arith.constant 16 : index
          %swap3A_928 = tpu.vector_load %arg15[%swap3A_925, %swap3A_926, %swap3A_927] {strides = array<i32>} : memref<3x80x128xf32, #tpu.memory_space<vmem>>, vector<16xf32>,
          tpu.vector_store %arg15[%swap3A_925, %swap3A_926, %swap3A_927], %mul3A_923 {strides = array<i32>} : memref<3x80x128xf32, #tpu.memory_space<vmem>>, vector<16xf32>,
          %get3A_929 = arith.constant 1 : i32
          %get3A_930 = arith.index_cast %get3A_929 : i32 to index
          %get3A_931 = arith.index_cast %add3A_903 : i32 to index
          %get3A_932 = arith.constant 32 : index
          %get3A_933 = tpu.vector_load %arg15[%get3A_930, %get3A_931, %get3A_932] {strides = array<i32>} : memref<3x80x128xf32, #tpu.memory_space<vmem>>, vector<16xf32>,
          %mul3A_934 = arith.mulf %get3A_933, %gather3A_906 : vector<16xf32>
          %swap3A_935 = arith.constant 1 : i32
          %swap3A_936 = arith.index_cast %swap3A_935 : i32 to index
          %swap3A_937 = arith.index_cast %add3A_903 : i32 to index
          %swap3A_938 = arith.constant 32 : index
          %swap3A_939 = tpu.vector_load %arg15[%swap3A_936, %swap3A_937, %swap3A_938] {strides = array<i32>} : memref<3x80x128xf32, #tpu.memory_space<vmem>>, vector<16xf32>,
          tpu.vector_store %arg15[%swap3A_936, %swap3A_937, %swap3A_938], %mul3A_934 {strides = array<i32>} : memref<3x80x128xf32, #tpu.memory_space<vmem>>, vector<16xf32>,
          %get3A_940 = arith.constant 1 : i32
          %get3A_941 = arith.index_cast %get3A_940 : i32 to index
          %get3A_942 = arith.index_cast %add3A_903 : i32 to index
          %get3A_943 = arith.constant 48 : index
          %get3A_944 = tpu.vector_load %arg15[%get3A_941, %get3A_942, %get3A_943] {strides = array<i32>} : memref<3x80x128xf32, #tpu.memory_space<vmem>>, vector<16xf32>,
          %mul3A_945 = arith.mulf %get3A_944, %gather3A_906 : vector<16xf32>
          %swap3A_946 = arith.constant 1 : i32
          %swap3A_947 = arith.index_cast %swap3A_946 : i32 to index
          %swap3A_948 = arith.index_cast %add3A_903 : i32 to index
          %swap3A_949 = arith.constant 48 : index
          %swap3A_950 = tpu.vector_load %arg15[%swap3A_947, %swap3A_948, %swap3A_949] {strides = array<i32>} : memref<3x80x128xf32, #tpu.memory_space<vmem>>, vector<16xf32>,
          tpu.vector_store %arg15[%swap3A_947, %swap3A_948, %swap3A_949], %mul3A_945 {strides = array<i32>} : memref<3x80x128xf32, #tpu.memory_space<vmem>>, vector<16xf32>,
          %get3A_951 = arith.constant 1 : i32
          %get3A_952 = arith.index_cast %get3A_951 : i32 to index
          %get3A_953 = arith.index_cast %add3A_903 : i32 to index
          %get3A_954 = arith.constant 64 : index
          %get3A_955 = tpu.vector_load %arg15[%get3A_952, %get3A_953, %get3A_954] {strides = array<i32>} : memref<3x80x128xf32, #tpu.memory_space<vmem>>, vector<16xf32>,
          %mul3A_956 = arith.mulf %get3A_955, %gather3A_906 : vector<16xf32>
          %swap3A_957 = arith.constant 1 : i32
          %swap3A_958 = arith.index_cast %swap3A_957 : i32 to index
          %swap3A_959 = arith.index_cast %add3A_903 : i32 to index
          %swap3A_960 = arith.constant 64 : index
          %swap3A_961 = tpu.vector_load %arg15[%swap3A_958, %swap3A_959, %swap3A_960] {strides = array<i32>} : memref<3x80x128xf32, #tpu.memory_space<vmem>>, vector<16xf32>,
          tpu.vector_store %arg15[%swap3A_958, %swap3A_959, %swap3A_960], %mul3A_956 {strides = array<i32>} : memref<3x80x128xf32, #tpu.memory_space<vmem>>, vector<16xf32>,
          %get3A_962 = arith.constant 1 : i32
          %get3A_963 = arith.index_cast %get3A_962 : i32 to index
          %get3A_964 = arith.index_cast %add3A_903 : i32 to index
          %get3A_965 = arith.constant 80 : index
          %get3A_966 = tpu.vector_load %arg15[%get3A_963, %get3A_964, %get3A_965] {strides = array<i32>} : memref<3x80x128xf32, #tpu.memory_space<vmem>>, vector<16xf32>,
          %mul3A_967 = arith.mulf %get3A_966, %gather3A_906 : vector<16xf32>
          %swap3A_968 = arith.constant 1 : i32
          %swap3A_969 = arith.index_cast %swap3A_968 : i32 to index
          %swap3A_970 = arith.index_cast %add3A_903 : i32 to index
          %swap3A_971 = arith.constant 80 : index
          %swap3A_972 = tpu.vector_load %arg15[%swap3A_969, %swap3A_970, %swap3A_971] {strides = array<i32>} : memref<3x80x128xf32, #tpu.memory_space<vmem>>, vector<16xf32>,
          tpu.vector_store %arg15[%swap3A_969, %swap3A_970, %swap3A_971], %mul3A_967 {strides = array<i32>} : memref<3x80x128xf32, #tpu.memory_space<vmem>>, vector<16xf32>,
          %get3A_973 = arith.constant 1 : i32
          %get3A_974 = arith.index_cast %get3A_973 : i32 to index
          %get3A_975 = arith.index_cast %add3A_903 : i32 to index
          %get3A_976 = arith.constant 96 : index
          %get3A_977 = tpu.vector_load %arg15[%get3A_974, %get3A_975, %get3A_976] {strides = array<i32>} : memref<3x80x128xf32, #tpu.memory_space<vmem>>, vector<16xf32>,
          %mul3A_978 = arith.mulf %get3A_977, %gather3A_906 : vector<16xf32>
          %swap3A_979 = arith.constant 1 : i32
          %swap3A_980 = arith.index_cast %swap3A_979 : i32 to index
          %swap3A_981 = arith.index_cast %add3A_903 : i32 to index
          %swap3A_982 = arith.constant 96 : index
          %swap3A_983 = tpu.vector_load %arg15[%swap3A_980, %swap3A_981, %swap3A_982] {strides = array<i32>} : memref<3x80x128xf32, #tpu.memory_space<vmem>>, vector<16xf32>,
          tpu.vector_store %arg15[%swap3A_980, %swap3A_981, %swap3A_982], %mul3A_978 {strides = array<i32>} : memref<3x80x128xf32, #tpu.memory_space<vmem>>, vector<16xf32>,
          %get3A_984 = arith.constant 1 : i32
          %get3A_985 = arith.index_cast %get3A_984 : i32 to index
          %get3A_986 = arith.index_cast %add3A_903 : i32 to index
          %get3A_987 = arith.constant 112 : index
          %get3A_988 = tpu.vector_load %arg15[%get3A_985, %get3A_986, %get3A_987] {strides = array<i32>} : memref<3x80x128xf32, #tpu.memory_space<vmem>>, vector<16xf32>,
          %mul3A_989 = arith.mulf %get3A_988, %gather3A_906 : vector<16xf32>
          %swap3A_990 = arith.constant 1 : i32
          %swap3A_991 = arith.index_cast %swap3A_990 : i32 to index
          %swap3A_992 = arith.index_cast %add3A_903 : i32 to index
          %swap3A_993 = arith.constant 112 : index
          %swap3A_994 = tpu.vector_load %arg15[%swap3A_991, %swap3A_992, %swap3A_993] {strides = array<i32>} : memref<3x80x128xf32, #tpu.memory_space<vmem>>, vector<16xf32>,
          tpu.vector_store %arg15[%swap3A_991, %swap3A_992, %swap3A_993], %mul3A_989 {strides = array<i32>} : memref<3x80x128xf32, #tpu.memory_space<vmem>>, vector<16xf32>,
        }
        %scan3A_749 = arith.constant 40 : i32
        %div3A_750 = arith.constant 25 : i32
        %div3A_751 = arith.divsi %add3A_676, %div3A_750 : i32
        %rem3A_752 = arith.constant 2 : i32
        %rem3A_753 = arith.remsi %div3A_751, %rem3A_752 : i32
        %rem3A_754 = arith.constant 25 : i32
        %rem3A_755 = arith.remsi %add3A_676, %rem3A_754 : i32
        %dma_start3A_756 = arith.constant 1 : i32
        %dma_start3A_757 = arith.constant 0 : i32
        %dma_start3A_758 = arith.constant 0 : i32
        %dma_start3A_759 = tpu.memref_slice %arg15[%dma_start3A_756, %dma_start3A_757, %dma_start3A_758] : memref<3x80x128xf32, #tpu.memory_space<vmem>> -> memref<1x80x128xf32, #tpu.memory_space<vmem>>
        %dma_start3A_760 = tpu.memref_squeeze %dma_start3A_759 : memref<1x80x128xf32, #tpu.memory_space<vmem>> -> memref<80x128xf32, #tpu.memory_space<vmem>>
        %dma_start3A_761 = arith.constant 0 : i32
        %dma_start3A_762 = tpu.memref_slice %arg11[%rem3A_753, %rem3A_755, %dma_start3A_761] : memref<2x25x80xi32, #tpu.memory_space<vmem>> -> memref<1x1x80xi32, #tpu.memory_space<vmem>>
        %dma_start3A_763 = tpu.memref_squeeze %dma_start3A_762 : memref<1x1x80xi32, #tpu.memory_space<vmem>> -> memref<80xi32, #tpu.memory_space<vmem>>
        %dma_start3A_764 = arith.constant 0 : i32
        %dma_start3A_765 = arith.constant 0 : i32
        %dma_start3A_766 = tpu.memref_slice %arg18[%dma_start3A_764, %dma_start3A_765] : memref<10240x128xf32, #tpu.memory_space<vmem_shared>> -> memref<10240x128xf32, #tpu.memory_space<vmem_shared>>
        tpu.enqueue_indirect_dma source(%dma_start3A_760 : memref<80x128xf32, #tpu.memory_space<vmem>>) target(%dma_start3A_766 : memref<10240x128xf32, #tpu.memory_space<vmem_shared>>) offsets(%dma_start3A_763 : memref<80xi32, #tpu.memory_space<vmem>>) semaphore(%arg24 : memref<!tpu.dma_semaphore, #tpu.memory_space<semaphore_mem>>) {add = true}
        %div3A_767 = arith.constant 25 : i32
        %div3A_768 = arith.divsi %add3A_676, %div3A_767 : i32
        %rem3A_769 = arith.constant 2 : i32
        %rem3A_770 = arith.remsi %div3A_768, %rem3A_769 : i32
        %rem3A_771 = arith.constant 25 : i32
        %rem3A_772 = arith.remsi %add3A_676, %rem3A_771 : i32
        %dma_start3A_773 = arith.constant 1 : i32
        %dma_start3A_774 = arith.constant 0 : i32
        %dma_start3A_775 = arith.constant 0 : i32
        %dma_start3A_776 = tpu.memref_slice %arg16[%dma_start3A_773, %dma_start3A_774, %dma_start3A_775] : memref<3x80x8xf32, #tpu.memory_space<vmem>> -> memref<1x80x8xf32, #tpu.memory_space<vmem>>
        %dma_start3A_777 = tpu.memref_squeeze %dma_start3A_776 : memref<1x80x8xf32, #tpu.memory_space<vmem>> -> memref<80x8xf32, #tpu.memory_space<vmem>>
        %dma_start3A_778 = arith.constant 0 : i32
        %dma_start3A_779 = tpu.memref_slice %arg11[%rem3A_770, %rem3A_772, %dma_start3A_778] : memref<2x25x80xi32, #tpu.memory_space<vmem>> -> memref<1x1x80xi32, #tpu.memory_space<vmem>>
        %dma_start3A_780 = tpu.memref_squeeze %dma_start3A_779 : memref<1x1x80xi32, #tpu.memory_space<vmem>> -> memref<80xi32, #tpu.memory_space<vmem>>
        %dma_start3A_781 = arith.constant 0 : i32
        %dma_start3A_782 = arith.constant 0 : i32
        %dma_start3A_783 = tpu.memref_slice %arg19[%dma_start3A_781, %dma_start3A_782] : memref<10240x8xf32, #tpu.memory_space<vmem_shared>> -> memref<10240x8xf32, #tpu.memory_space<vmem_shared>>
        tpu.enqueue_indirect_dma source(%dma_start3A_777 : memref<80x8xf32, #tpu.memory_space<vmem>>) target(%dma_start3A_783 : memref<10240x8xf32, #tpu.memory_space<vmem_shared>>) offsets(%dma_start3A_780 : memref<80xi32, #tpu.memory_space<vmem>>) semaphore(%arg24 : memref<!tpu.dma_semaphore, #tpu.memory_space<semaphore_mem>>) {add = true}
        %ge3A = arith.constant 1 : i32
        %ge3A_784 = arith.cmpi sge, %add3A_676, %ge3A : i32
        %convert_element_type3A_785 = arith.extui %ge3A_784 : i1 to i32
        %cond3A_786 = arith.constant 0 : i32
        %cond3A_787 = arith.cmpi ne, %convert_element_type3A_785, %cond3A_786 : i32
        scf.if %cond3A_787 {
          %dma_wait3A_806 = arith.constant 0 : i32
          %dma_wait3A_807 = arith.constant 0 : i32
          %dma_wait3A_808 = arith.constant 0 : i32
          %dma_wait3A_809 = tpu.memref_slice %arg15[%dma_wait3A_806, %dma_wait3A_807, %dma_wait3A_808] : memref<3x80x128xf32, #tpu.memory_space<vmem>> -> memref<1x80x128xf32, #tpu.memory_space<vmem>>
          %dma_wait3A_810 = tpu.memref_squeeze %dma_wait3A_809 : memref<1x80x128xf32, #tpu.memory_space<vmem>> -> memref<80x128xf32, #tpu.memory_space<vmem>>
          %dma_wait3A_811 = arith.constant 0 : i32
          %dma_wait3A_812 = arith.constant 0 : i32
          %dma_wait3A_813 = tpu.memref_slice %arg18[%dma_wait3A_811, %dma_wait3A_812] : memref<10240x128xf32, #tpu.memory_space<vmem_shared>> -> memref<80x128xf32, #tpu.memory_space<vmem_shared>>
          %dma_wait3A_814 = arith.constant 0 : i32
          %dma_wait3A_815 = arith.constant 0 : i32
          %dma_wait3A_816 = tpu.memref_slice %arg18[%dma_wait3A_814, %dma_wait3A_815] : memref<10240x128xf32, #tpu.memory_space<vmem_shared>> -> memref<80x128xf32, #tpu.memory_space<vmem_shared>>
          %dma_wait3A_817 = arith.constant 0 : i32
          %dma_wait3A_818 = arith.constant 0 : i32
          %dma_wait3A_819 = tpu.memref_slice %arg15[%dma_wait3A_806, %dma_wait3A_817, %dma_wait3A_818] : memref<3x80x128xf32, #tpu.memory_space<vmem>> -> memref<1x80x128xf32, #tpu.memory_space<vmem>>
          %dma_wait3A_820 = tpu.memref_squeeze %dma_wait3A_819 : memref<1x80x128xf32, #tpu.memory_space<vmem>> -> memref<80x128xf32, #tpu.memory_space<vmem>>
          tpu.wait_dma2 semaphore(%arg23 : memref<!tpu.dma_semaphore, #tpu.memory_space<semaphore_mem>>) src(%dma_wait3A_820 : memref<80x128xf32, #tpu.memory_space<vmem>>) dst(%dma_wait3A_816 : memref<80x128xf32, #tpu.memory_space<vmem_shared>>)
          %dma_wait3A_821 = arith.constant 0 : i32
          %dma_wait3A_822 = arith.constant 0 : i32
          %dma_wait3A_823 = arith.constant 0 : i32
          %dma_wait3A_824 = tpu.memref_slice %arg16[%dma_wait3A_821, %dma_wait3A_822, %dma_wait3A_823] : memref<3x80x8xf32, #tpu.memory_space<vmem>> -> memref<1x80x8xf32, #tpu.memory_space<vmem>>
          %dma_wait3A_825 = tpu.memref_squeeze %dma_wait3A_824 : memref<1x80x8xf32, #tpu.memory_space<vmem>> -> memref<80x8xf32, #tpu.memory_space<vmem>>
          %dma_wait3A_826 = arith.constant 0 : i32
          %dma_wait3A_827 = arith.constant 0 : i32
          %dma_wait3A_828 = tpu.memref_slice %arg19[%dma_wait3A_826, %dma_wait3A_827] : memref<10240x8xf32, #tpu.memory_space<vmem_shared>> -> memref<80x8xf32, #tpu.memory_space<vmem_shared>>
          %dma_wait3A_829 = arith.constant 0 : i32
          %dma_wait3A_830 = arith.constant 0 : i32
          %dma_wait3A_831 = tpu.memref_slice %arg19[%dma_wait3A_829, %dma_wait3A_830] : memref<10240x8xf32, #tpu.memory_space<vmem_shared>> -> memref<80x8xf32, #tpu.memory_space<vmem_shared>>
          %dma_wait3A_832 = arith.constant 0 : i32
          %dma_wait3A_833 = arith.constant 0 : i32
          %dma_wait3A_834 = tpu.memref_slice %arg16[%dma_wait3A_821, %dma_wait3A_832, %dma_wait3A_833] : memref<3x80x8xf32, #tpu.memory_space<vmem>> -> memref<1x80x8xf32, #tpu.memory_space<vmem>>
          %dma_wait3A_835 = tpu.memref_squeeze %dma_wait3A_834 : memref<1x80x8xf32, #tpu.memory_space<vmem>> -> memref<80x8xf32, #tpu.memory_space<vmem>>
          tpu.wait_dma2 semaphore(%arg23 : memref<!tpu.dma_semaphore, #tpu.memory_space<semaphore_mem>>) src(%dma_wait3A_835 : memref<80x8xf32, #tpu.memory_space<vmem>>) dst(%dma_wait3A_831 : memref<80x8xf32, #tpu.memory_space<vmem_shared>>)
        } else {
        }
        %rem3A_788 = arith.constant 25 : i32
        %rem3A_789 = arith.remsi %add3A_676, %rem3A_788 : i32
        %eq3A = arith.constant 0 : i32
        %eq3A_790 = arith.cmpi eq, %rem3A_789, %eq3A : i32
        %add3A_791 = arith.constant 25 : i32
        %add3A_792 = arith.addi %add3A_676, %add3A_791 : i32
        %lt3A_793 = arith.constant 125 : i32
        %lt3A_794 = arith.cmpi slt, %add3A_792, %lt3A_793 : i32
        %and3A_795 = arith.andi %eq3A_790, %lt3A_794 : i1
        %convert_element_type3A_796 = arith.extui %and3A_795 : i1 to i32
        %cond3A_797 = arith.constant 0 : i32
        %cond3A_798 = arith.cmpi ne, %convert_element_type3A_796, %cond3A_797 : i32
        scf.if %cond3A_798 {
          %div3A_806 = arith.constant 25 : i32
          %div3A_807 = arith.divsi %add3A_676, %div3A_806 : i32
          %add3A_808 = arith.constant 1 : i32
          %add3A_809 = arith.addi %div3A_807, %add3A_808 : i32
          %rem3A_810 = arith.constant 2 : i32
          %rem3A_811 = arith.remsi %add3A_809, %rem3A_810 : i32
          %mul3A_812 = arith.constant 125 : i32
          %mul3A_813 = arith.muli %add3A, %mul3A_812 : i32
          %mul3A_814 = arith.constant 25 : i32
          %mul3A_815 = arith.muli %add3A_809, %mul3A_814 : i32
          %add3A_816 = arith.addi %mul3A_813, %mul3A_815 : i32
          %dma_start3A_817 = arith.constant 0 : i32
          %dma_start3A_818 = arith.constant 0 : i32
          %dma_start3A_819 = tpu.memref_slice %arg10[%rem3A_811, %dma_start3A_817, %dma_start3A_818] : memref<2x25x80xi32, #tpu.memory_space<vmem>> -> memref<1x25x80xi32, #tpu.memory_space<vmem>>
          %dma_start3A_820 = tpu.memref_squeeze %dma_start3A_819 : memref<1x25x80xi32, #tpu.memory_space<vmem>> -> memref<25x80xi32, #tpu.memory_space<vmem>>
          %dma_start3A_821 = arith.constant 0 : i32
          %dma_start3A_822 = tpu.memref_slice %arg6[%add3A_816, %dma_start3A_821] : memref<4000x80xi32, #tpu.memory_space<hbm>> -> memref<25x80xi32, #tpu.memory_space<hbm>>
          %dma_start3A_823 = arith.constant 0 : i32
          %dma_start3A_824 = arith.constant 0 : i32
          %dma_start3A_825 = tpu.memref_slice %arg10[%rem3A_811, %dma_start3A_823, %dma_start3A_824] : memref<2x25x80xi32, #tpu.memory_space<vmem>> -> memref<1x25x80xi32, #tpu.memory_space<vmem>>
          %dma_start3A_826 = tpu.memref_squeeze %dma_start3A_825 : memref<1x25x80xi32, #tpu.memory_space<vmem>> -> memref<25x80xi32, #tpu.memory_space<vmem>>
          %dma_start3A_827 = arith.constant 0 : i32
          %dma_start3A_828 = tpu.memref_slice %arg6[%add3A_816, %dma_start3A_827] : memref<4000x80xi32, #tpu.memory_space<hbm>> -> memref<25x80xi32, #tpu.memory_space<hbm>>
          tpu.enqueue_dma source(%dma_start3A_828 : memref<25x80xi32, #tpu.memory_space<hbm>>) target(%dma_start3A_826 : memref<25x80xi32, #tpu.memory_space<vmem>>) target_semaphore(%arg26 : memref<!tpu.dma_semaphore, #tpu.memory_space<semaphore_mem>>)
          %dma_start3A_829 = arith.constant 0 : i32
          %dma_start3A_830 = arith.constant 0 : i32
          %dma_start3A_831 = tpu.memref_slice %arg11[%rem3A_811, %dma_start3A_829, %dma_start3A_830] : memref<2x25x80xi32, #tpu.memory_space<vmem>> -> memref<1x25x80xi32, #tpu.memory_space<vmem>>
          %dma_start3A_832 = tpu.memref_squeeze %dma_start3A_831 : memref<1x25x80xi32, #tpu.memory_space<vmem>> -> memref<25x80xi32, #tpu.memory_space<vmem>>
          %dma_start3A_833 = arith.constant 0 : i32
          %dma_start3A_834 = tpu.memref_slice %arg7[%add3A_816, %dma_start3A_833] : memref<4000x80xi32, #tpu.memory_space<hbm>> -> memref<25x80xi32, #tpu.memory_space<hbm>>
          %dma_start3A_835 = arith.constant 0 : i32
          %dma_start3A_836 = arith.constant 0 : i32
          %dma_start3A_837 = tpu.memref_slice %arg11[%rem3A_811, %dma_start3A_835, %dma_start3A_836] : memref<2x25x80xi32, #tpu.memory_space<vmem>> -> memref<1x25x80xi32, #tpu.memory_space<vmem>>
          %dma_start3A_838 = tpu.memref_squeeze %dma_start3A_837 : memref<1x25x80xi32, #tpu.memory_space<vmem>> -> memref<25x80xi32, #tpu.memory_space<vmem>>
          %dma_start3A_839 = arith.constant 0 : i32
          %dma_start3A_840 = tpu.memref_slice %arg7[%add3A_816, %dma_start3A_839] : memref<4000x80xi32, #tpu.memory_space<hbm>> -> memref<25x80xi32, #tpu.memory_space<hbm>>
          tpu.enqueue_dma source(%dma_start3A_840 : memref<25x80xi32, #tpu.memory_space<hbm>>) target(%dma_start3A_838 : memref<25x80xi32, #tpu.memory_space<vmem>>) target_semaphore(%arg27 : memref<!tpu.dma_semaphore, #tpu.memory_space<semaphore_mem>>)
        } else {
        }
        %add3A_799 = arith.constant 2 : i32
        %add3A_800 = arith.addi %add3A_676, %add3A_799 : i32
        %lt3A_801 = arith.constant 125 : i32
        %lt3A_802 = arith.cmpi slt, %add3A_800, %lt3A_801 : i32
        %convert_element_type3A_803 = arith.extui %lt3A_802 : i1 to i32
        %cond3A_804 = arith.constant 0 : i32
        %cond3A_805 = arith.cmpi ne, %convert_element_type3A_803, %cond3A_804 : i32
        scf.if %cond3A_805 {
          %add3A_806 = arith.constant 2 : i32
          %add3A_807 = arith.addi %add3A_676, %add3A_806 : i32
          %rem3A_808 = arith.constant 25 : i32
          %rem3A_809 = arith.remsi %add3A_807, %rem3A_808 : i32
          %eq3A_810 = arith.constant 0 : i32
          %eq3A_811 = arith.cmpi eq, %rem3A_809, %eq3A_810 : i32
          %add3A_812 = arith.constant 2 : i32
          %add3A_813 = arith.addi %add3A_676, %add3A_812 : i32
          %gt3A = arith.constant 0 : i32
          %gt3A_814 = arith.cmpi sgt, %add3A_813, %gt3A : i32
          %and3A_815 = arith.andi %eq3A_811, %gt3A_814 : i1
          %convert_element_type3A_816 = arith.extui %and3A_815 : i1 to i32
          %cond3A_817 = arith.constant 0 : i32
          %cond3A_818 = arith.cmpi ne, %convert_element_type3A_816, %cond3A_817 : i32
          scf.if %cond3A_818 {
            %add3A_868 = arith.constant 2 : i32
            %add3A_869 = arith.addi %add3A_676, %add3A_868 : i32
            %div3A_870 = arith.constant 25 : i32
            %div3A_871 = arith.divsi %add3A_869, %div3A_870 : i32
            %rem3A_872 = arith.constant 2 : i32
            %rem3A_873 = arith.remsi %div3A_871, %rem3A_872 : i32
            %mul3A_874 = arith.constant 125 : i32
            %mul3A_875 = arith.muli %add3A, %mul3A_874 : i32
            %mul3A_876 = arith.constant 25 : i32
            %mul3A_877 = arith.muli %div3A_871, %mul3A_876 : i32
            %add3A_878 = arith.addi %mul3A_875, %mul3A_877 : i32
            %dma_wait3A_879 = arith.constant 0 : i32
            %dma_wait3A_880 = arith.constant 0 : i32
            %dma_wait3A_881 = tpu.memref_slice %arg10[%rem3A_873, %dma_wait3A_879, %dma_wait3A_880] : memref<2x25x80xi32, #tpu.memory_space<vmem>> -> memref<1x25x80xi32, #tpu.memory_space<vmem>>
            %dma_wait3A_882 = tpu.memref_squeeze %dma_wait3A_881 : memref<1x25x80xi32, #tpu.memory_space<vmem>> -> memref<25x80xi32, #tpu.memory_space<vmem>>
            %dma_wait3A_883 = arith.constant 0 : i32
            %dma_wait3A_884 = tpu.memref_slice %arg6[%add3A_878, %dma_wait3A_883] : memref<4000x80xi32, #tpu.memory_space<hbm>> -> memref<25x80xi32, #tpu.memory_space<hbm>>
            %dma_wait3A_885 = arith.constant 0 : i32
            %dma_wait3A_886 = arith.constant 0 : i32
            %dma_wait3A_887 = tpu.memref_slice %arg10[%rem3A_873, %dma_wait3A_885, %dma_wait3A_886] : memref<2x25x80xi32, #tpu.memory_space<vmem>> -> memref<1x25x80xi32, #tpu.memory_space<vmem>>
            %dma_wait3A_888 = tpu.memref_squeeze %dma_wait3A_887 : memref<1x25x80xi32, #tpu.memory_space<vmem>> -> memref<25x80xi32, #tpu.memory_space<vmem>>
            %dma_wait3A_889 = arith.constant 0 : i32
            %dma_wait3A_890 = tpu.memref_slice %arg6[%add3A_878, %dma_wait3A_889] : memref<4000x80xi32, #tpu.memory_space<hbm>> -> memref<25x80xi32, #tpu.memory_space<hbm>>
            tpu.wait_dma2 semaphore(%arg26 : memref<!tpu.dma_semaphore, #tpu.memory_space<semaphore_mem>>) src(%dma_wait3A_890 : memref<25x80xi32, #tpu.memory_space<hbm>>) dst(%dma_wait3A_888 : memref<25x80xi32, #tpu.memory_space<vmem>>)
            %dma_wait3A_891 = arith.constant 0 : i32
            %dma_wait3A_892 = arith.constant 0 : i32
            %dma_wait3A_893 = tpu.memref_slice %arg11[%rem3A_873, %dma_wait3A_891, %dma_wait3A_892] : memref<2x25x80xi32, #tpu.memory_space<vmem>> -> memref<1x25x80xi32, #tpu.memory_space<vmem>>
            %dma_wait3A_894 = tpu.memref_squeeze %dma_wait3A_893 : memref<1x25x80xi32, #tpu.memory_space<vmem>> -> memref<25x80xi32, #tpu.memory_space<vmem>>
            %dma_wait3A_895 = arith.constant 0 : i32
            %dma_wait3A_896 = tpu.memref_slice %arg7[%add3A_878, %dma_wait3A_895] : memref<4000x80xi32, #tpu.memory_space<hbm>> -> memref<25x80xi32, #tpu.memory_space<hbm>>
            %dma_wait3A_897 = arith.constant 0 : i32
            %dma_wait3A_898 = arith.constant 0 : i32
            %dma_wait3A_899 = tpu.memref_slice %arg11[%rem3A_873, %dma_wait3A_897, %dma_wait3A_898] : memref<2x25x80xi32, #tpu.memory_space<vmem>> -> memref<1x25x80xi32, #tpu.memory_space<vmem>>
            %dma_wait3A_900 = tpu.memref_squeeze %dma_wait3A_899 : memref<1x25x80xi32, #tpu.memory_space<vmem>> -> memref<25x80xi32, #tpu.memory_space<vmem>>
            %dma_wait3A_901 = arith.constant 0 : i32
            %dma_wait3A_902 = tpu.memref_slice %arg7[%add3A_878, %dma_wait3A_901] : memref<4000x80xi32, #tpu.memory_space<hbm>> -> memref<25x80xi32, #tpu.memory_space<hbm>>
            tpu.wait_dma2 semaphore(%arg27 : memref<!tpu.dma_semaphore, #tpu.memory_space<semaphore_mem>>) src(%dma_wait3A_902 : memref<25x80xi32, #tpu.memory_space<hbm>>) dst(%dma_wait3A_900 : memref<25x80xi32, #tpu.memory_space<vmem>>)
          } else {
          }
          %add3A_819 = arith.constant 2 : i32
          %add3A_820 = arith.addi %add3A_676, %add3A_819 : i32
          %div3A_821 = arith.constant 25 : i32
          %div3A_822 = arith.divsi %add3A_820, %div3A_821 : i32
          %rem3A_823 = arith.constant 2 : i32
          %rem3A_824 = arith.remsi %div3A_822, %rem3A_823 : i32
          %rem3A_825 = arith.constant 25 : i32
          %rem3A_826 = arith.remsi %add3A_820, %rem3A_825 : i32
          %dma_start3A_827 = arith.constant 0 : i32
          %dma_start3A_828 = arith.constant 0 : i32
          %dma_start3A_829 = arith.constant 0 : i32
          %dma_start3A_830 = tpu.memref_slice %arg15[%dma_start3A_827, %dma_start3A_828, %dma_start3A_829] : memref<3x80x128xf32, #tpu.memory_space<vmem>> -> memref<1x80x128xf32, #tpu.memory_space<vmem>>
          %dma_start3A_831 = tpu.memref_squeeze %dma_start3A_830 : memref<1x80x128xf32, #tpu.memory_space<vmem>> -> memref<80x128xf32, #tpu.memory_space<vmem>>
          %dma_start3A_832 = arith.constant 0 : i32
          %dma_start3A_833 = tpu.memref_slice %arg10[%rem3A_824, %rem3A_826, %dma_start3A_832] : memref<2x25x80xi32, #tpu.memory_space<vmem>> -> memref<1x1x80xi32, #tpu.memory_space<vmem>>
          %dma_start3A_834 = tpu.memref_squeeze %dma_start3A_833 : memref<1x1x80xi32, #tpu.memory_space<vmem>> -> memref<80xi32, #tpu.memory_space<vmem>>
          %dma_start3A_835 = arith.constant 0 : i32
          %dma_start3A_836 = arith.constant 0 : i32
          %dma_start3A_837 = tpu.memref_slice %arg2[%dma_start3A_835, %dma_start3A_836] : memref<10000x128xf32, #tpu.memory_space<hbm>> -> memref<10000x128xf32, #tpu.memory_space<hbm>>
          tpu.enqueue_indirect_dma source(%dma_start3A_837 : memref<10000x128xf32, #tpu.memory_space<hbm>>) target(%dma_start3A_831 : memref<80x128xf32, #tpu.memory_space<vmem>>) offsets(%dma_start3A_834 : memref<80xi32, #tpu.memory_space<vmem>>) semaphore(%arg20 : memref<!tpu.dma_semaphore, #tpu.memory_space<semaphore_mem>>)
          %div3A_838 = arith.constant 25 : i32
          %div3A_839 = arith.divsi %add3A_820, %div3A_838 : i32
          %rem3A_840 = arith.constant 2 : i32
          %rem3A_841 = arith.remsi %div3A_839, %rem3A_840 : i32
          %rem3A_842 = arith.constant 25 : i32
          %rem3A_843 = arith.remsi %add3A_820, %rem3A_842 : i32
          %dma_start3A_844 = arith.constant 0 : i32
          %dma_start3A_845 = arith.constant 0 : i32
          %dma_start3A_846 = tpu.memref_slice %arg12[%dma_start3A_844, %dma_start3A_845] : memref<3x80xf32, #tpu.memory_space<vmem>> -> memref<1x80xf32, #tpu.memory_space<vmem>>
          %dma_start3A_847 = tpu.memref_squeeze %dma_start3A_846 : memref<1x80xf32, #tpu.memory_space<vmem>> -> memref<80xf32, #tpu.memory_space<vmem>>
          %dma_start3A_848 = arith.constant 0 : i32
          %dma_start3A_849 = tpu.memref_slice %arg10[%rem3A_841, %rem3A_843, %dma_start3A_848] : memref<2x25x80xi32, #tpu.memory_space<vmem>> -> memref<1x1x80xi32, #tpu.memory_space<vmem>>
          %dma_start3A_850 = tpu.memref_squeeze %dma_start3A_849 : memref<1x1x80xi32, #tpu.memory_space<vmem>> -> memref<80xi32, #tpu.memory_space<vmem>>
          %dma_start3A_851 = arith.constant 0 : i32
          %dma_start3A_852 = tpu.memref_slice %arg3[%dma_start3A_851] : memref<10000xf32, #tpu.memory_space<hbm>> -> memref<10000xf32, #tpu.memory_space<hbm>>
          tpu.enqueue_indirect_dma source(%dma_start3A_852 : memref<10000xf32, #tpu.memory_space<hbm>>) target(%dma_start3A_847 : memref<80xf32, #tpu.memory_space<vmem>>) offsets(%dma_start3A_850 : memref<80xi32, #tpu.memory_space<vmem>>) semaphore(%arg20 : memref<!tpu.dma_semaphore, #tpu.memory_space<semaphore_mem>>)
          %div3A_853 = arith.constant 25 : i32
          %div3A_854 = arith.divsi %add3A_820, %div3A_853 : i32
          %rem3A_855 = arith.constant 2 : i32
          %rem3A_856 = arith.remsi %div3A_854, %rem3A_855 : i32
          %rem3A_857 = arith.constant 25 : i32
          %rem3A_858 = arith.remsi %add3A_820, %rem3A_857 : i32
          %dma_start3A_859 = arith.constant 0 : i32
          %dma_start3A_860 = arith.constant 0 : i32
          %dma_start3A_861 = tpu.memref_slice %arg13[%dma_start3A_859, %dma_start3A_860] : memref<3x80xf32, #tpu.memory_space<vmem>> -> memref<1x80xf32, #tpu.memory_space<vmem>>
          %dma_start3A_862 = tpu.memref_squeeze %dma_start3A_861 : memref<1x80xf32, #tpu.memory_space<vmem>> -> memref<80xf32, #tpu.memory_space<vmem>>
          %dma_start3A_863 = arith.constant 0 : i32
          %dma_start3A_864 = tpu.memref_slice %arg11[%rem3A_856, %rem3A_858, %dma_start3A_863] : memref<2x25x80xi32, #tpu.memory_space<vmem>> -> memref<1x1x80xi32, #tpu.memory_space<vmem>>
          %dma_start3A_865 = tpu.memref_squeeze %dma_start3A_864 : memref<1x1x80xi32, #tpu.memory_space<vmem>> -> memref<80xi32, #tpu.memory_space<vmem>>
          %dma_start3A_866 = arith.constant 0 : i32
          %dma_start3A_867 = tpu.memref_slice %arg4[%dma_start3A_866] : memref<10000xf32, #tpu.memory_space<hbm>> -> memref<10000xf32, #tpu.memory_space<hbm>>
          tpu.enqueue_indirect_dma source(%dma_start3A_867 : memref<10000xf32, #tpu.memory_space<hbm>>) target(%dma_start3A_862 : memref<80xf32, #tpu.memory_space<vmem>>) offsets(%dma_start3A_865 : memref<80xi32, #tpu.memory_space<vmem>>) semaphore(%arg20 : memref<!tpu.dma_semaphore, #tpu.memory_space<semaphore_mem>>)
        } else {
        }
      } else {
      }
      %mul3A_682 = arith.constant 3 : i32
      %mul3A_683 = arith.muli %scan3A_666, %mul3A_682 : i32
      %add3A_684 = arith.constant 2 : i32
      %add3A_685 = arith.addi %mul3A_683, %add3A_684 : i32
      %lt3A_686 = arith.constant 125 : i32
      %lt3A_687 = arith.cmpi slt, %add3A_685, %lt3A_686 : i32
      %convert_element_type3A_688 = arith.extui %lt3A_687 : i1 to i32
      %cond3A_689 = arith.constant 0 : i32
      %cond3A_690 = arith.cmpi ne, %convert_element_type3A_688, %cond3A_689 : i32
      scf.if %cond3A_690 {
        %div3A_691 = arith.constant 25 : i32
        %div3A_692 = arith.divsi %add3A_685, %div3A_691 : i32
        %rem3A_693 = arith.constant 2 : i32
        %rem3A_694 = arith.remsi %div3A_692, %rem3A_693 : i32
        %rem3A_695 = arith.constant 25 : i32
        %rem3A_696 = arith.remsi %add3A_685, %rem3A_695 : i32
        %dma_wait3A_697 = arith.constant 2 : i32
        %dma_wait3A_698 = arith.constant 0 : i32
        %dma_wait3A_699 = arith.constant 0 : i32
        %dma_wait3A_700 = tpu.memref_slice %arg15[%dma_wait3A_697, %dma_wait3A_698, %dma_wait3A_699] : memref<3x80x128xf32, #tpu.memory_space<vmem>> -> memref<1x80x128xf32, #tpu.memory_space<vmem>>
        %dma_wait3A_701 = tpu.memref_squeeze %dma_wait3A_700 : memref<1x80x128xf32, #tpu.memory_space<vmem>> -> memref<80x128xf32, #tpu.memory_space<vmem>>
        %dma_wait3A_702 = arith.constant 0 : i32
        %dma_wait3A_703 = tpu.memref_slice %arg10[%rem3A_694, %rem3A_696, %dma_wait3A_702] : memref<2x25x80xi32, #tpu.memory_space<vmem>> -> memref<1x1x80xi32, #tpu.memory_space<vmem>>
        %dma_wait3A_704 = tpu.memref_squeeze %dma_wait3A_703 : memref<1x1x80xi32, #tpu.memory_space<vmem>> -> memref<80xi32, #tpu.memory_space<vmem>>
        %dma_wait3A_705 = arith.constant 0 : i32
        %dma_wait3A_706 = arith.constant 0 : i32
        %dma_wait3A_707 = tpu.memref_slice %arg2[%dma_wait3A_705, %dma_wait3A_706] : memref<10000x128xf32, #tpu.memory_space<hbm>> -> memref<10000x128xf32, #tpu.memory_space<hbm>>
        tpu.wait_indirect_dma semaphore(%arg22 : memref<!tpu.dma_semaphore, #tpu.memory_space<semaphore_mem>>) src(%dma_wait3A_707 : memref<10000x128xf32, #tpu.memory_space<hbm>>) dst(%dma_wait3A_701 : memref<80x128xf32, #tpu.memory_space<vmem>>)
        %div3A_708 = arith.constant 25 : i32
        %div3A_709 = arith.divsi %add3A_685, %div3A_708 : i32
        %rem3A_710 = arith.constant 2 : i32
        %rem3A_711 = arith.remsi %div3A_709, %rem3A_710 : i32
        %rem3A_712 = arith.constant 25 : i32
        %rem3A_713 = arith.remsi %add3A_685, %rem3A_712 : i32
        %dma_wait3A_714 = arith.constant 2 : i32
        %dma_wait3A_715 = arith.constant 0 : i32
        %dma_wait3A_716 = tpu.memref_slice %arg12[%dma_wait3A_714, %dma_wait3A_715] : memref<3x80xf32, #tpu.memory_space<vmem>> -> memref<1x80xf32, #tpu.memory_space<vmem>>
        %dma_wait3A_717 = tpu.memref_squeeze %dma_wait3A_716 : memref<1x80xf32, #tpu.memory_space<vmem>> -> memref<80xf32, #tpu.memory_space<vmem>>
        %dma_wait3A_718 = arith.constant 0 : i32
        %dma_wait3A_719 = tpu.memref_slice %arg10[%rem3A_711, %rem3A_713, %dma_wait3A_718] : memref<2x25x80xi32, #tpu.memory_space<vmem>> -> memref<1x1x80xi32, #tpu.memory_space<vmem>>
        %dma_wait3A_720 = tpu.memref_squeeze %dma_wait3A_719 : memref<1x1x80xi32, #tpu.memory_space<vmem>> -> memref<80xi32, #tpu.memory_space<vmem>>
        %dma_wait3A_721 = arith.constant 0 : i32
        %dma_wait3A_722 = tpu.memref_slice %arg3[%dma_wait3A_721] : memref<10000xf32, #tpu.memory_space<hbm>> -> memref<10000xf32, #tpu.memory_space<hbm>>
        tpu.wait_indirect_dma semaphore(%arg22 : memref<!tpu.dma_semaphore, #tpu.memory_space<semaphore_mem>>) src(%dma_wait3A_722 : memref<10000xf32, #tpu.memory_space<hbm>>) dst(%dma_wait3A_717 : memref<80xf32, #tpu.memory_space<vmem>>)
        %div3A_723 = arith.constant 25 : i32
        %div3A_724 = arith.divsi %add3A_685, %div3A_723 : i32
        %rem3A_725 = arith.constant 2 : i32
        %rem3A_726 = arith.remsi %div3A_724, %rem3A_725 : i32
        %rem3A_727 = arith.constant 25 : i32
        %rem3A_728 = arith.remsi %add3A_685, %rem3A_727 : i32
        %dma_wait3A_729 = arith.constant 2 : i32
        %dma_wait3A_730 = arith.constant 0 : i32
        %dma_wait3A_731 = tpu.memref_slice %arg13[%dma_wait3A_729, %dma_wait3A_730] : memref<3x80xf32, #tpu.memory_space<vmem>> -> memref<1x80xf32, #tpu.memory_space<vmem>>
        %dma_wait3A_732 = tpu.memref_squeeze %dma_wait3A_731 : memref<1x80xf32, #tpu.memory_space<vmem>> -> memref<80xf32, #tpu.memory_space<vmem>>
        %dma_wait3A_733 = arith.constant 0 : i32
        %dma_wait3A_734 = tpu.memref_slice %arg11[%rem3A_726, %rem3A_728, %dma_wait3A_733] : memref<2x25x80xi32, #tpu.memory_space<vmem>> -> memref<1x1x80xi32, #tpu.memory_space<vmem>>
        %dma_wait3A_735 = tpu.memref_squeeze %dma_wait3A_734 : memref<1x1x80xi32, #tpu.memory_space<vmem>> -> memref<80xi32, #tpu.memory_space<vmem>>
        %dma_wait3A_736 = arith.constant 0 : i32
        %dma_wait3A_737 = tpu.memref_slice %arg4[%dma_wait3A_736] : memref<10000xf32, #tpu.memory_space<hbm>> -> memref<10000xf32, #tpu.memory_space<hbm>>
        tpu.wait_indirect_dma semaphore(%arg22 : memref<!tpu.dma_semaphore, #tpu.memory_space<semaphore_mem>>) src(%dma_wait3A_737 : memref<10000xf32, #tpu.memory_space<hbm>>) dst(%dma_wait3A_732 : memref<80xf32, #tpu.memory_space<vmem>>)
        %scan3A_738 = arith.constant 0 : i32
        %scan3A_739 = arith.constant 0 : i32
        %scan3A_740 = arith.constant 5 : i32
        %scan3A_741 = arith.addi %scan3A_739, %scan3A_740 : i32
        %scan3A_742 = arith.constant 1 : i32
        scf.for %scan3A_806 = %scan3A_739 to %scan3A_741 step %scan3A_742  : i32 {
          %mul3A_807 = arith.constant 16 : i32
          %mul3A_808 = arith.muli %scan3A_806, %mul3A_807 : i32
          %get3A_809 = arith.constant 2 : i32
          %get3A_810 = arith.index_cast %get3A_809 : i32 to index
          %get3A_811 = arith.index_cast %mul3A_808 : i32 to index
          %get3A_812 = tpu.vector_load %arg12[%get3A_810, %get3A_811] {strides = array<i32>} : memref<3x80xf32, #tpu.memory_space<vmem>>, vector<16xf32>,
          %get3A_813 = arith.constant 2 : i32
          %get3A_814 = arith.index_cast %get3A_813 : i32 to index
          %get3A_815 = arith.index_cast %mul3A_808 : i32 to index
          %get3A_816 = tpu.vector_load %arg13[%get3A_814, %get3A_815] {strides = array<i32>} : memref<3x80xf32, #tpu.memory_space<vmem>>, vector<16xf32>,
          %add3A_817 = arith.addf %get3A_812, %get3A_816 : vector<16xf32>
          %gt3A = arith.constant 0.000000e+00 : f32
          %gt3A_818 = vector.broadcast %gt3A : f32 to vector<16xf32>
          %gt3A_819 = arith.cmpf ogt, %add3A_817, %gt3A_818 : vector<16xf32>
          %mul3A_820 = arith.constant 2.000000e-01 : f32
          %mul3A_821 = vector.broadcast %mul3A_820 : f32 to vector<16xf32>
          %mul3A_822 = arith.mulf %mul3A_821, %add3A_817 : vector<16xf32>
          %select_n3A = arith.select %gt3A_819, %add3A_817, %mul3A_822 : vector<16xi1>, vector<16xf32>
          %sub3A = arith.subf %select_n3A, %get3A_504 : vector<16xf32>
          %exp3A = math.exp %sub3A : vector<16xf32>
          %swap3A = arith.index_cast %mul3A_808 : i32 to index
          %swap3A_823 = tpu.vector_load %arg17[%swap3A] {strides = array<i32>} : memref<80xf32, #tpu.memory_space<vmem>>, vector<16xf32>,
          tpu.vector_store %arg17[%swap3A], %exp3A {strides = array<i32>} : memref<80xf32, #tpu.memory_space<vmem>>, vector<16xf32>,
          %add3A_824 = arith.constant 2 : i32
          %add3A_825 = vector.broadcast %add3A_824 : i32 to vector<16xi32>
          %add3A_826 = arith.addi %broadcast_in_dim3A_8, %add3A_825 : vector<16xi32>
          %mul3A_827 = arith.constant 16 : i32
          %mul3A_828 = arith.muli %scan3A_806, %mul3A_827 : i32
          %add3A_829 = vector.broadcast %mul3A_828 : i32 to vector<16xi32>
          %add3A_830 = arith.addi %iota3A, %add3A_829 : vector<16xi32>
          tpu.vector_store_idx %arg16[%add3A_826, %add3A_830, %broadcast_in_dim3A_8], %exp3A : memref<3x80x8xf32, #tpu.memory_space<vmem>>[vector<16xi32>, vector<16xi32>, vector<16xi32>], vector<16xf32>,
        }
        %scan3A_743 = arith.constant 5 : i32
        %scan3A_744 = arith.constant 0 : i32
        %scan3A_745 = arith.constant 0 : i32
        %scan3A_746 = arith.constant 40 : i32
        %scan3A_747 = arith.addi %scan3A_745, %scan3A_746 : i32
        %scan3A_748 = arith.constant 1 : i32
        scf.for %scan3A_806 = %scan3A_745 to %scan3A_747 step %scan3A_748  : i32 {
          %mul3A_807 = arith.constant 2 : i32
          %mul3A_808 = arith.muli %scan3A_806, %mul3A_807 : i32
          %add3A_809 = arith.constant 0 : i32
          %add3A_810 = arith.addi %mul3A_808, %add3A_809 : i32
          %add3A_811 = vector.broadcast %add3A_810 : i32 to vector<16xi32>
          %add3A_812 = arith.addi %broadcast_in_dim3A_8, %add3A_811 : vector<16xi32>
          %gather3A = tpu.vector_load_idx %arg17[%add3A_812] : memref<80xf32, #tpu.memory_space<vmem>>[vector<16xi32>], vector<16xf32>,
          %get3A_813 = arith.constant 2 : i32
          %get3A_814 = arith.index_cast %get3A_813 : i32 to index
          %get3A_815 = arith.index_cast %add3A_810 : i32 to index
          %get3A_816 = arith.constant 0 : index
          %get3A_817 = tpu.vector_load %arg15[%get3A_814, %get3A_815, %get3A_816] {strides = array<i32>} : memref<3x80x128xf32, #tpu.memory_space<vmem>>, vector<16xf32>,
          %mul3A_818 = arith.mulf %get3A_817, %gather3A : vector<16xf32>
          %swap3A = arith.constant 2 : i32
          %swap3A_819 = arith.index_cast %swap3A : i32 to index
          %swap3A_820 = arith.index_cast %add3A_810 : i32 to index
          %swap3A_821 = arith.constant 0 : index
          %swap3A_822 = tpu.vector_load %arg15[%swap3A_819, %swap3A_820, %swap3A_821] {strides = array<i32>} : memref<3x80x128xf32, #tpu.memory_space<vmem>>, vector<16xf32>,
          tpu.vector_store %arg15[%swap3A_819, %swap3A_820, %swap3A_821], %mul3A_818 {strides = array<i32>} : memref<3x80x128xf32, #tpu.memory_space<vmem>>, vector<16xf32>,
          %get3A_823 = arith.constant 2 : i32
          %get3A_824 = arith.index_cast %get3A_823 : i32 to index
          %get3A_825 = arith.index_cast %add3A_810 : i32 to index
          %get3A_826 = arith.constant 16 : index
          %get3A_827 = tpu.vector_load %arg15[%get3A_824, %get3A_825, %get3A_826] {strides = array<i32>} : memref<3x80x128xf32, #tpu.memory_space<vmem>>, vector<16xf32>,
          %mul3A_828 = arith.mulf %get3A_827, %gather3A : vector<16xf32>
          %swap3A_829 = arith.constant 2 : i32
          %swap3A_830 = arith.index_cast %swap3A_829 : i32 to index
          %swap3A_831 = arith.index_cast %add3A_810 : i32 to index
          %swap3A_832 = arith.constant 16 : index
          %swap3A_833 = tpu.vector_load %arg15[%swap3A_830, %swap3A_831, %swap3A_832] {strides = array<i32>} : memref<3x80x128xf32, #tpu.memory_space<vmem>>, vector<16xf32>,
          tpu.vector_store %arg15[%swap3A_830, %swap3A_831, %swap3A_832], %mul3A_828 {strides = array<i32>} : memref<3x80x128xf32, #tpu.memory_space<vmem>>, vector<16xf32>,
          %get3A_834 = arith.constant 2 : i32
          %get3A_835 = arith.index_cast %get3A_834 : i32 to index
          %get3A_836 = arith.index_cast %add3A_810 : i32 to index
          %get3A_837 = arith.constant 32 : index
          %get3A_838 = tpu.vector_load %arg15[%get3A_835, %get3A_836, %get3A_837] {strides = array<i32>} : memref<3x80x128xf32, #tpu.memory_space<vmem>>, vector<16xf32>,
          %mul3A_839 = arith.mulf %get3A_838, %gather3A : vector<16xf32>
          %swap3A_840 = arith.constant 2 : i32
          %swap3A_841 = arith.index_cast %swap3A_840 : i32 to index
          %swap3A_842 = arith.index_cast %add3A_810 : i32 to index
          %swap3A_843 = arith.constant 32 : index
          %swap3A_844 = tpu.vector_load %arg15[%swap3A_841, %swap3A_842, %swap3A_843] {strides = array<i32>} : memref<3x80x128xf32, #tpu.memory_space<vmem>>, vector<16xf32>,
          tpu.vector_store %arg15[%swap3A_841, %swap3A_842, %swap3A_843], %mul3A_839 {strides = array<i32>} : memref<3x80x128xf32, #tpu.memory_space<vmem>>, vector<16xf32>,
          %get3A_845 = arith.constant 2 : i32
          %get3A_846 = arith.index_cast %get3A_845 : i32 to index
          %get3A_847 = arith.index_cast %add3A_810 : i32 to index
          %get3A_848 = arith.constant 48 : index
          %get3A_849 = tpu.vector_load %arg15[%get3A_846, %get3A_847, %get3A_848] {strides = array<i32>} : memref<3x80x128xf32, #tpu.memory_space<vmem>>, vector<16xf32>,
          %mul3A_850 = arith.mulf %get3A_849, %gather3A : vector<16xf32>
          %swap3A_851 = arith.constant 2 : i32
          %swap3A_852 = arith.index_cast %swap3A_851 : i32 to index
          %swap3A_853 = arith.index_cast %add3A_810 : i32 to index
          %swap3A_854 = arith.constant 48 : index
          %swap3A_855 = tpu.vector_load %arg15[%swap3A_852, %swap3A_853, %swap3A_854] {strides = array<i32>} : memref<3x80x128xf32, #tpu.memory_space<vmem>>, vector<16xf32>,
          tpu.vector_store %arg15[%swap3A_852, %swap3A_853, %swap3A_854], %mul3A_850 {strides = array<i32>} : memref<3x80x128xf32, #tpu.memory_space<vmem>>, vector<16xf32>,
          %get3A_856 = arith.constant 2 : i32
          %get3A_857 = arith.index_cast %get3A_856 : i32 to index
          %get3A_858 = arith.index_cast %add3A_810 : i32 to index
          %get3A_859 = arith.constant 64 : index
          %get3A_860 = tpu.vector_load %arg15[%get3A_857, %get3A_858, %get3A_859] {strides = array<i32>} : memref<3x80x128xf32, #tpu.memory_space<vmem>>, vector<16xf32>,
          %mul3A_861 = arith.mulf %get3A_860, %gather3A : vector<16xf32>
          %swap3A_862 = arith.constant 2 : i32
          %swap3A_863 = arith.index_cast %swap3A_862 : i32 to index
          %swap3A_864 = arith.index_cast %add3A_810 : i32 to index
          %swap3A_865 = arith.constant 64 : index
          %swap3A_866 = tpu.vector_load %arg15[%swap3A_863, %swap3A_864, %swap3A_865] {strides = array<i32>} : memref<3x80x128xf32, #tpu.memory_space<vmem>>, vector<16xf32>,
          tpu.vector_store %arg15[%swap3A_863, %swap3A_864, %swap3A_865], %mul3A_861 {strides = array<i32>} : memref<3x80x128xf32, #tpu.memory_space<vmem>>, vector<16xf32>,
          %get3A_867 = arith.constant 2 : i32
          %get3A_868 = arith.index_cast %get3A_867 : i32 to index
          %get3A_869 = arith.index_cast %add3A_810 : i32 to index
          %get3A_870 = arith.constant 80 : index
          %get3A_871 = tpu.vector_load %arg15[%get3A_868, %get3A_869, %get3A_870] {strides = array<i32>} : memref<3x80x128xf32, #tpu.memory_space<vmem>>, vector<16xf32>,
          %mul3A_872 = arith.mulf %get3A_871, %gather3A : vector<16xf32>
          %swap3A_873 = arith.constant 2 : i32
          %swap3A_874 = arith.index_cast %swap3A_873 : i32 to index
          %swap3A_875 = arith.index_cast %add3A_810 : i32 to index
          %swap3A_876 = arith.constant 80 : index
          %swap3A_877 = tpu.vector_load %arg15[%swap3A_874, %swap3A_875, %swap3A_876] {strides = array<i32>} : memref<3x80x128xf32, #tpu.memory_space<vmem>>, vector<16xf32>,
          tpu.vector_store %arg15[%swap3A_874, %swap3A_875, %swap3A_876], %mul3A_872 {strides = array<i32>} : memref<3x80x128xf32, #tpu.memory_space<vmem>>, vector<16xf32>,
          %get3A_878 = arith.constant 2 : i32
          %get3A_879 = arith.index_cast %get3A_878 : i32 to index
          %get3A_880 = arith.index_cast %add3A_810 : i32 to index
          %get3A_881 = arith.constant 96 : index
          %get3A_882 = tpu.vector_load %arg15[%get3A_879, %get3A_880, %get3A_881] {strides = array<i32>} : memref<3x80x128xf32, #tpu.memory_space<vmem>>, vector<16xf32>,
          %mul3A_883 = arith.mulf %get3A_882, %gather3A : vector<16xf32>
          %swap3A_884 = arith.constant 2 : i32
          %swap3A_885 = arith.index_cast %swap3A_884 : i32 to index
          %swap3A_886 = arith.index_cast %add3A_810 : i32 to index
          %swap3A_887 = arith.constant 96 : index
          %swap3A_888 = tpu.vector_load %arg15[%swap3A_885, %swap3A_886, %swap3A_887] {strides = array<i32>} : memref<3x80x128xf32, #tpu.memory_space<vmem>>, vector<16xf32>,
          tpu.vector_store %arg15[%swap3A_885, %swap3A_886, %swap3A_887], %mul3A_883 {strides = array<i32>} : memref<3x80x128xf32, #tpu.memory_space<vmem>>, vector<16xf32>,
          %get3A_889 = arith.constant 2 : i32
          %get3A_890 = arith.index_cast %get3A_889 : i32 to index
          %get3A_891 = arith.index_cast %add3A_810 : i32 to index
          %get3A_892 = arith.constant 112 : index
          %get3A_893 = tpu.vector_load %arg15[%get3A_890, %get3A_891, %get3A_892] {strides = array<i32>} : memref<3x80x128xf32, #tpu.memory_space<vmem>>, vector<16xf32>,
          %mul3A_894 = arith.mulf %get3A_893, %gather3A : vector<16xf32>
          %swap3A_895 = arith.constant 2 : i32
          %swap3A_896 = arith.index_cast %swap3A_895 : i32 to index
          %swap3A_897 = arith.index_cast %add3A_810 : i32 to index
          %swap3A_898 = arith.constant 112 : index
          %swap3A_899 = tpu.vector_load %arg15[%swap3A_896, %swap3A_897, %swap3A_898] {strides = array<i32>} : memref<3x80x128xf32, #tpu.memory_space<vmem>>, vector<16xf32>,
          tpu.vector_store %arg15[%swap3A_896, %swap3A_897, %swap3A_898], %mul3A_894 {strides = array<i32>} : memref<3x80x128xf32, #tpu.memory_space<vmem>>, vector<16xf32>,
          %mul3A_900 = arith.constant 2 : i32
          %mul3A_901 = arith.muli %scan3A_806, %mul3A_900 : i32
          %add3A_902 = arith.constant 1 : i32
          %add3A_903 = arith.addi %mul3A_901, %add3A_902 : i32
          %add3A_904 = vector.broadcast %add3A_903 : i32 to vector<16xi32>
          %add3A_905 = arith.addi %broadcast_in_dim3A_8, %add3A_904 : vector<16xi32>
          %gather3A_906 = tpu.vector_load_idx %arg17[%add3A_905] : memref<80xf32, #tpu.memory_space<vmem>>[vector<16xi32>], vector<16xf32>,
          %get3A_907 = arith.constant 2 : i32
          %get3A_908 = arith.index_cast %get3A_907 : i32 to index
          %get3A_909 = arith.index_cast %add3A_903 : i32 to index
          %get3A_910 = arith.constant 0 : index
          %get3A_911 = tpu.vector_load %arg15[%get3A_908, %get3A_909, %get3A_910] {strides = array<i32>} : memref<3x80x128xf32, #tpu.memory_space<vmem>>, vector<16xf32>,
          %mul3A_912 = arith.mulf %get3A_911, %gather3A_906 : vector<16xf32>
          %swap3A_913 = arith.constant 2 : i32
          %swap3A_914 = arith.index_cast %swap3A_913 : i32 to index
          %swap3A_915 = arith.index_cast %add3A_903 : i32 to index
          %swap3A_916 = arith.constant 0 : index
          %swap3A_917 = tpu.vector_load %arg15[%swap3A_914, %swap3A_915, %swap3A_916] {strides = array<i32>} : memref<3x80x128xf32, #tpu.memory_space<vmem>>, vector<16xf32>,
          tpu.vector_store %arg15[%swap3A_914, %swap3A_915, %swap3A_916], %mul3A_912 {strides = array<i32>} : memref<3x80x128xf32, #tpu.memory_space<vmem>>, vector<16xf32>,
          %get3A_918 = arith.constant 2 : i32
          %get3A_919 = arith.index_cast %get3A_918 : i32 to index
          %get3A_920 = arith.index_cast %add3A_903 : i32 to index
          %get3A_921 = arith.constant 16 : index
          %get3A_922 = tpu.vector_load %arg15[%get3A_919, %get3A_920, %get3A_921] {strides = array<i32>} : memref<3x80x128xf32, #tpu.memory_space<vmem>>, vector<16xf32>,
          %mul3A_923 = arith.mulf %get3A_922, %gather3A_906 : vector<16xf32>
          %swap3A_924 = arith.constant 2 : i32
          %swap3A_925 = arith.index_cast %swap3A_924 : i32 to index
          %swap3A_926 = arith.index_cast %add3A_903 : i32 to index
          %swap3A_927 = arith.constant 16 : index
          %swap3A_928 = tpu.vector_load %arg15[%swap3A_925, %swap3A_926, %swap3A_927] {strides = array<i32>} : memref<3x80x128xf32, #tpu.memory_space<vmem>>, vector<16xf32>,
          tpu.vector_store %arg15[%swap3A_925, %swap3A_926, %swap3A_927], %mul3A_923 {strides = array<i32>} : memref<3x80x128xf32, #tpu.memory_space<vmem>>, vector<16xf32>,
          %get3A_929 = arith.constant 2 : i32
          %get3A_930 = arith.index_cast %get3A_929 : i32 to index
          %get3A_931 = arith.index_cast %add3A_903 : i32 to index
          %get3A_932 = arith.constant 32 : index
          %get3A_933 = tpu.vector_load %arg15[%get3A_930, %get3A_931, %get3A_932] {strides = array<i32>} : memref<3x80x128xf32, #tpu.memory_space<vmem>>, vector<16xf32>,
          %mul3A_934 = arith.mulf %get3A_933, %gather3A_906 : vector<16xf32>
          %swap3A_935 = arith.constant 2 : i32
          %swap3A_936 = arith.index_cast %swap3A_935 : i32 to index
          %swap3A_937 = arith.index_cast %add3A_903 : i32 to index
          %swap3A_938 = arith.constant 32 : index
          %swap3A_939 = tpu.vector_load %arg15[%swap3A_936, %swap3A_937, %swap3A_938] {strides = array<i32>} : memref<3x80x128xf32, #tpu.memory_space<vmem>>, vector<16xf32>,
          tpu.vector_store %arg15[%swap3A_936, %swap3A_937, %swap3A_938], %mul3A_934 {strides = array<i32>} : memref<3x80x128xf32, #tpu.memory_space<vmem>>, vector<16xf32>,
          %get3A_940 = arith.constant 2 : i32
          %get3A_941 = arith.index_cast %get3A_940 : i32 to index
          %get3A_942 = arith.index_cast %add3A_903 : i32 to index
          %get3A_943 = arith.constant 48 : index
          %get3A_944 = tpu.vector_load %arg15[%get3A_941, %get3A_942, %get3A_943] {strides = array<i32>} : memref<3x80x128xf32, #tpu.memory_space<vmem>>, vector<16xf32>,
          %mul3A_945 = arith.mulf %get3A_944, %gather3A_906 : vector<16xf32>
          %swap3A_946 = arith.constant 2 : i32
          %swap3A_947 = arith.index_cast %swap3A_946 : i32 to index
          %swap3A_948 = arith.index_cast %add3A_903 : i32 to index
          %swap3A_949 = arith.constant 48 : index
          %swap3A_950 = tpu.vector_load %arg15[%swap3A_947, %swap3A_948, %swap3A_949] {strides = array<i32>} : memref<3x80x128xf32, #tpu.memory_space<vmem>>, vector<16xf32>,
          tpu.vector_store %arg15[%swap3A_947, %swap3A_948, %swap3A_949], %mul3A_945 {strides = array<i32>} : memref<3x80x128xf32, #tpu.memory_space<vmem>>, vector<16xf32>,
          %get3A_951 = arith.constant 2 : i32
          %get3A_952 = arith.index_cast %get3A_951 : i32 to index
          %get3A_953 = arith.index_cast %add3A_903 : i32 to index
          %get3A_954 = arith.constant 64 : index
          %get3A_955 = tpu.vector_load %arg15[%get3A_952, %get3A_953, %get3A_954] {strides = array<i32>} : memref<3x80x128xf32, #tpu.memory_space<vmem>>, vector<16xf32>,
          %mul3A_956 = arith.mulf %get3A_955, %gather3A_906 : vector<16xf32>
          %swap3A_957 = arith.constant 2 : i32
          %swap3A_958 = arith.index_cast %swap3A_957 : i32 to index
          %swap3A_959 = arith.index_cast %add3A_903 : i32 to index
          %swap3A_960 = arith.constant 64 : index
          %swap3A_961 = tpu.vector_load %arg15[%swap3A_958, %swap3A_959, %swap3A_960] {strides = array<i32>} : memref<3x80x128xf32, #tpu.memory_space<vmem>>, vector<16xf32>,
          tpu.vector_store %arg15[%swap3A_958, %swap3A_959, %swap3A_960], %mul3A_956 {strides = array<i32>} : memref<3x80x128xf32, #tpu.memory_space<vmem>>, vector<16xf32>,
          %get3A_962 = arith.constant 2 : i32
          %get3A_963 = arith.index_cast %get3A_962 : i32 to index
          %get3A_964 = arith.index_cast %add3A_903 : i32 to index
          %get3A_965 = arith.constant 80 : index
          %get3A_966 = tpu.vector_load %arg15[%get3A_963, %get3A_964, %get3A_965] {strides = array<i32>} : memref<3x80x128xf32, #tpu.memory_space<vmem>>, vector<16xf32>,
          %mul3A_967 = arith.mulf %get3A_966, %gather3A_906 : vector<16xf32>
          %swap3A_968 = arith.constant 2 : i32
          %swap3A_969 = arith.index_cast %swap3A_968 : i32 to index
          %swap3A_970 = arith.index_cast %add3A_903 : i32 to index
          %swap3A_971 = arith.constant 80 : index
          %swap3A_972 = tpu.vector_load %arg15[%swap3A_969, %swap3A_970, %swap3A_971] {strides = array<i32>} : memref<3x80x128xf32, #tpu.memory_space<vmem>>, vector<16xf32>,
          tpu.vector_store %arg15[%swap3A_969, %swap3A_970, %swap3A_971], %mul3A_967 {strides = array<i32>} : memref<3x80x128xf32, #tpu.memory_space<vmem>>, vector<16xf32>,
          %get3A_973 = arith.constant 2 : i32
          %get3A_974 = arith.index_cast %get3A_973 : i32 to index
          %get3A_975 = arith.index_cast %add3A_903 : i32 to index
          %get3A_976 = arith.constant 96 : index
          %get3A_977 = tpu.vector_load %arg15[%get3A_974, %get3A_975, %get3A_976] {strides = array<i32>} : memref<3x80x128xf32, #tpu.memory_space<vmem>>, vector<16xf32>,
          %mul3A_978 = arith.mulf %get3A_977, %gather3A_906 : vector<16xf32>
          %swap3A_979 = arith.constant 2 : i32
          %swap3A_980 = arith.index_cast %swap3A_979 : i32 to index
          %swap3A_981 = arith.index_cast %add3A_903 : i32 to index
          %swap3A_982 = arith.constant 96 : index
          %swap3A_983 = tpu.vector_load %arg15[%swap3A_980, %swap3A_981, %swap3A_982] {strides = array<i32>} : memref<3x80x128xf32, #tpu.memory_space<vmem>>, vector<16xf32>,
          tpu.vector_store %arg15[%swap3A_980, %swap3A_981, %swap3A_982], %mul3A_978 {strides = array<i32>} : memref<3x80x128xf32, #tpu.memory_space<vmem>>, vector<16xf32>,
          %get3A_984 = arith.constant 2 : i32
          %get3A_985 = arith.index_cast %get3A_984 : i32 to index
          %get3A_986 = arith.index_cast %add3A_903 : i32 to index
          %get3A_987 = arith.constant 112 : index
          %get3A_988 = tpu.vector_load %arg15[%get3A_985, %get3A_986, %get3A_987] {strides = array<i32>} : memref<3x80x128xf32, #tpu.memory_space<vmem>>, vector<16xf32>,
          %mul3A_989 = arith.mulf %get3A_988, %gather3A_906 : vector<16xf32>
          %swap3A_990 = arith.constant 2 : i32
          %swap3A_991 = arith.index_cast %swap3A_990 : i32 to index
          %swap3A_992 = arith.index_cast %add3A_903 : i32 to index
          %swap3A_993 = arith.constant 112 : index
          %swap3A_994 = tpu.vector_load %arg15[%swap3A_991, %swap3A_992, %swap3A_993] {strides = array<i32>} : memref<3x80x128xf32, #tpu.memory_space<vmem>>, vector<16xf32>,
          tpu.vector_store %arg15[%swap3A_991, %swap3A_992, %swap3A_993], %mul3A_989 {strides = array<i32>} : memref<3x80x128xf32, #tpu.memory_space<vmem>>, vector<16xf32>,
        }
        %scan3A_749 = arith.constant 40 : i32
        %div3A_750 = arith.constant 25 : i32
        %div3A_751 = arith.divsi %add3A_685, %div3A_750 : i32
        %rem3A_752 = arith.constant 2 : i32
        %rem3A_753 = arith.remsi %div3A_751, %rem3A_752 : i32
        %rem3A_754 = arith.constant 25 : i32
        %rem3A_755 = arith.remsi %add3A_685, %rem3A_754 : i32
        %dma_start3A_756 = arith.constant 2 : i32
        %dma_start3A_757 = arith.constant 0 : i32
        %dma_start3A_758 = arith.constant 0 : i32
        %dma_start3A_759 = tpu.memref_slice %arg15[%dma_start3A_756, %dma_start3A_757, %dma_start3A_758] : memref<3x80x128xf32, #tpu.memory_space<vmem>> -> memref<1x80x128xf32, #tpu.memory_space<vmem>>
        %dma_start3A_760 = tpu.memref_squeeze %dma_start3A_759 : memref<1x80x128xf32, #tpu.memory_space<vmem>> -> memref<80x128xf32, #tpu.memory_space<vmem>>
        %dma_start3A_761 = arith.constant 0 : i32
        %dma_start3A_762 = tpu.memref_slice %arg11[%rem3A_753, %rem3A_755, %dma_start3A_761] : memref<2x25x80xi32, #tpu.memory_space<vmem>> -> memref<1x1x80xi32, #tpu.memory_space<vmem>>
        %dma_start3A_763 = tpu.memref_squeeze %dma_start3A_762 : memref<1x1x80xi32, #tpu.memory_space<vmem>> -> memref<80xi32, #tpu.memory_space<vmem>>
        %dma_start3A_764 = arith.constant 0 : i32
        %dma_start3A_765 = arith.constant 0 : i32
        %dma_start3A_766 = tpu.memref_slice %arg18[%dma_start3A_764, %dma_start3A_765] : memref<10240x128xf32, #tpu.memory_space<vmem_shared>> -> memref<10240x128xf32, #tpu.memory_space<vmem_shared>>
        tpu.enqueue_indirect_dma source(%dma_start3A_760 : memref<80x128xf32, #tpu.memory_space<vmem>>) target(%dma_start3A_766 : memref<10240x128xf32, #tpu.memory_space<vmem_shared>>) offsets(%dma_start3A_763 : memref<80xi32, #tpu.memory_space<vmem>>) semaphore(%arg25 : memref<!tpu.dma_semaphore, #tpu.memory_space<semaphore_mem>>) {add = true}
        %div3A_767 = arith.constant 25 : i32
        %div3A_768 = arith.divsi %add3A_685, %div3A_767 : i32
        %rem3A_769 = arith.constant 2 : i32
        %rem3A_770 = arith.remsi %div3A_768, %rem3A_769 : i32
        %rem3A_771 = arith.constant 25 : i32
        %rem3A_772 = arith.remsi %add3A_685, %rem3A_771 : i32
        %dma_start3A_773 = arith.constant 2 : i32
        %dma_start3A_774 = arith.constant 0 : i32
        %dma_start3A_775 = arith.constant 0 : i32
        %dma_start3A_776 = tpu.memref_slice %arg16[%dma_start3A_773, %dma_start3A_774, %dma_start3A_775] : memref<3x80x8xf32, #tpu.memory_space<vmem>> -> memref<1x80x8xf32, #tpu.memory_space<vmem>>
        %dma_start3A_777 = tpu.memref_squeeze %dma_start3A_776 : memref<1x80x8xf32, #tpu.memory_space<vmem>> -> memref<80x8xf32, #tpu.memory_space<vmem>>
        %dma_start3A_778 = arith.constant 0 : i32
        %dma_start3A_779 = tpu.memref_slice %arg11[%rem3A_770, %rem3A_772, %dma_start3A_778] : memref<2x25x80xi32, #tpu.memory_space<vmem>> -> memref<1x1x80xi32, #tpu.memory_space<vmem>>
        %dma_start3A_780 = tpu.memref_squeeze %dma_start3A_779 : memref<1x1x80xi32, #tpu.memory_space<vmem>> -> memref<80xi32, #tpu.memory_space<vmem>>
        %dma_start3A_781 = arith.constant 0 : i32
        %dma_start3A_782 = arith.constant 0 : i32
        %dma_start3A_783 = tpu.memref_slice %arg19[%dma_start3A_781, %dma_start3A_782] : memref<10240x8xf32, #tpu.memory_space<vmem_shared>> -> memref<10240x8xf32, #tpu.memory_space<vmem_shared>>
        tpu.enqueue_indirect_dma source(%dma_start3A_777 : memref<80x8xf32, #tpu.memory_space<vmem>>) target(%dma_start3A_783 : memref<10240x8xf32, #tpu.memory_space<vmem_shared>>) offsets(%dma_start3A_780 : memref<80xi32, #tpu.memory_space<vmem>>) semaphore(%arg25 : memref<!tpu.dma_semaphore, #tpu.memory_space<semaphore_mem>>) {add = true}
        %ge3A = arith.constant 1 : i32
        %ge3A_784 = arith.cmpi sge, %add3A_685, %ge3A : i32
        %convert_element_type3A_785 = arith.extui %ge3A_784 : i1 to i32
        %cond3A_786 = arith.constant 0 : i32
        %cond3A_787 = arith.cmpi ne, %convert_element_type3A_785, %cond3A_786 : i32
        scf.if %cond3A_787 {
          %dma_wait3A_806 = arith.constant 1 : i32
          %dma_wait3A_807 = arith.constant 0 : i32
          %dma_wait3A_808 = arith.constant 0 : i32
          %dma_wait3A_809 = tpu.memref_slice %arg15[%dma_wait3A_806, %dma_wait3A_807, %dma_wait3A_808] : memref<3x80x128xf32, #tpu.memory_space<vmem>> -> memref<1x80x128xf32, #tpu.memory_space<vmem>>
          %dma_wait3A_810 = tpu.memref_squeeze %dma_wait3A_809 : memref<1x80x128xf32, #tpu.memory_space<vmem>> -> memref<80x128xf32, #tpu.memory_space<vmem>>
          %dma_wait3A_811 = arith.constant 0 : i32
          %dma_wait3A_812 = arith.constant 0 : i32
          %dma_wait3A_813 = tpu.memref_slice %arg18[%dma_wait3A_811, %dma_wait3A_812] : memref<10240x128xf32, #tpu.memory_space<vmem_shared>> -> memref<80x128xf32, #tpu.memory_space<vmem_shared>>
          %dma_wait3A_814 = arith.constant 0 : i32
          %dma_wait3A_815 = arith.constant 0 : i32
          %dma_wait3A_816 = tpu.memref_slice %arg18[%dma_wait3A_814, %dma_wait3A_815] : memref<10240x128xf32, #tpu.memory_space<vmem_shared>> -> memref<80x128xf32, #tpu.memory_space<vmem_shared>>
          %dma_wait3A_817 = arith.constant 0 : i32
          %dma_wait3A_818 = arith.constant 0 : i32
          %dma_wait3A_819 = tpu.memref_slice %arg15[%dma_wait3A_806, %dma_wait3A_817, %dma_wait3A_818] : memref<3x80x128xf32, #tpu.memory_space<vmem>> -> memref<1x80x128xf32, #tpu.memory_space<vmem>>
          %dma_wait3A_820 = tpu.memref_squeeze %dma_wait3A_819 : memref<1x80x128xf32, #tpu.memory_space<vmem>> -> memref<80x128xf32, #tpu.memory_space<vmem>>
          tpu.wait_dma2 semaphore(%arg24 : memref<!tpu.dma_semaphore, #tpu.memory_space<semaphore_mem>>) src(%dma_wait3A_820 : memref<80x128xf32, #tpu.memory_space<vmem>>) dst(%dma_wait3A_816 : memref<80x128xf32, #tpu.memory_space<vmem_shared>>)
          %dma_wait3A_821 = arith.constant 1 : i32
          %dma_wait3A_822 = arith.constant 0 : i32
          %dma_wait3A_823 = arith.constant 0 : i32
          %dma_wait3A_824 = tpu.memref_slice %arg16[%dma_wait3A_821, %dma_wait3A_822, %dma_wait3A_823] : memref<3x80x8xf32, #tpu.memory_space<vmem>> -> memref<1x80x8xf32, #tpu.memory_space<vmem>>
          %dma_wait3A_825 = tpu.memref_squeeze %dma_wait3A_824 : memref<1x80x8xf32, #tpu.memory_space<vmem>> -> memref<80x8xf32, #tpu.memory_space<vmem>>
          %dma_wait3A_826 = arith.constant 0 : i32
          %dma_wait3A_827 = arith.constant 0 : i32
          %dma_wait3A_828 = tpu.memref_slice %arg19[%dma_wait3A_826, %dma_wait3A_827] : memref<10240x8xf32, #tpu.memory_space<vmem_shared>> -> memref<80x8xf32, #tpu.memory_space<vmem_shared>>
          %dma_wait3A_829 = arith.constant 0 : i32
          %dma_wait3A_830 = arith.constant 0 : i32
          %dma_wait3A_831 = tpu.memref_slice %arg19[%dma_wait3A_829, %dma_wait3A_830] : memref<10240x8xf32, #tpu.memory_space<vmem_shared>> -> memref<80x8xf32, #tpu.memory_space<vmem_shared>>
          %dma_wait3A_832 = arith.constant 0 : i32
          %dma_wait3A_833 = arith.constant 0 : i32
          %dma_wait3A_834 = tpu.memref_slice %arg16[%dma_wait3A_821, %dma_wait3A_832, %dma_wait3A_833] : memref<3x80x8xf32, #tpu.memory_space<vmem>> -> memref<1x80x8xf32, #tpu.memory_space<vmem>>
          %dma_wait3A_835 = tpu.memref_squeeze %dma_wait3A_834 : memref<1x80x8xf32, #tpu.memory_space<vmem>> -> memref<80x8xf32, #tpu.memory_space<vmem>>
          tpu.wait_dma2 semaphore(%arg24 : memref<!tpu.dma_semaphore, #tpu.memory_space<semaphore_mem>>) src(%dma_wait3A_835 : memref<80x8xf32, #tpu.memory_space<vmem>>) dst(%dma_wait3A_831 : memref<80x8xf32, #tpu.memory_space<vmem_shared>>)
        } else {
        }
        %rem3A_788 = arith.constant 25 : i32
        %rem3A_789 = arith.remsi %add3A_685, %rem3A_788 : i32
        %eq3A = arith.constant 0 : i32
        %eq3A_790 = arith.cmpi eq, %rem3A_789, %eq3A : i32
        %add3A_791 = arith.constant 25 : i32
        %add3A_792 = arith.addi %add3A_685, %add3A_791 : i32
        %lt3A_793 = arith.constant 125 : i32
        %lt3A_794 = arith.cmpi slt, %add3A_792, %lt3A_793 : i32
        %and3A_795 = arith.andi %eq3A_790, %lt3A_794 : i1
        %convert_element_type3A_796 = arith.extui %and3A_795 : i1 to i32
        %cond3A_797 = arith.constant 0 : i32
        %cond3A_798 = arith.cmpi ne, %convert_element_type3A_796, %cond3A_797 : i32
        scf.if %cond3A_798 {
          %div3A_806 = arith.constant 25 : i32
          %div3A_807 = arith.divsi %add3A_685, %div3A_806 : i32
          %add3A_808 = arith.constant 1 : i32
          %add3A_809 = arith.addi %div3A_807, %add3A_808 : i32
          %rem3A_810 = arith.constant 2 : i32
          %rem3A_811 = arith.remsi %add3A_809, %rem3A_810 : i32
          %mul3A_812 = arith.constant 125 : i32
          %mul3A_813 = arith.muli %add3A, %mul3A_812 : i32
          %mul3A_814 = arith.constant 25 : i32
          %mul3A_815 = arith.muli %add3A_809, %mul3A_814 : i32
          %add3A_816 = arith.addi %mul3A_813, %mul3A_815 : i32
          %dma_start3A_817 = arith.constant 0 : i32
          %dma_start3A_818 = arith.constant 0 : i32
          %dma_start3A_819 = tpu.memref_slice %arg10[%rem3A_811, %dma_start3A_817, %dma_start3A_818] : memref<2x25x80xi32, #tpu.memory_space<vmem>> -> memref<1x25x80xi32, #tpu.memory_space<vmem>>
          %dma_start3A_820 = tpu.memref_squeeze %dma_start3A_819 : memref<1x25x80xi32, #tpu.memory_space<vmem>> -> memref<25x80xi32, #tpu.memory_space<vmem>>
          %dma_start3A_821 = arith.constant 0 : i32
          %dma_start3A_822 = tpu.memref_slice %arg6[%add3A_816, %dma_start3A_821] : memref<4000x80xi32, #tpu.memory_space<hbm>> -> memref<25x80xi32, #tpu.memory_space<hbm>>
          %dma_start3A_823 = arith.constant 0 : i32
          %dma_start3A_824 = arith.constant 0 : i32
          %dma_start3A_825 = tpu.memref_slice %arg10[%rem3A_811, %dma_start3A_823, %dma_start3A_824] : memref<2x25x80xi32, #tpu.memory_space<vmem>> -> memref<1x25x80xi32, #tpu.memory_space<vmem>>
          %dma_start3A_826 = tpu.memref_squeeze %dma_start3A_825 : memref<1x25x80xi32, #tpu.memory_space<vmem>> -> memref<25x80xi32, #tpu.memory_space<vmem>>
          %dma_start3A_827 = arith.constant 0 : i32
          %dma_start3A_828 = tpu.memref_slice %arg6[%add3A_816, %dma_start3A_827] : memref<4000x80xi32, #tpu.memory_space<hbm>> -> memref<25x80xi32, #tpu.memory_space<hbm>>
          tpu.enqueue_dma source(%dma_start3A_828 : memref<25x80xi32, #tpu.memory_space<hbm>>) target(%dma_start3A_826 : memref<25x80xi32, #tpu.memory_space<vmem>>) target_semaphore(%arg26 : memref<!tpu.dma_semaphore, #tpu.memory_space<semaphore_mem>>)
          %dma_start3A_829 = arith.constant 0 : i32
          %dma_start3A_830 = arith.constant 0 : i32
          %dma_start3A_831 = tpu.memref_slice %arg11[%rem3A_811, %dma_start3A_829, %dma_start3A_830] : memref<2x25x80xi32, #tpu.memory_space<vmem>> -> memref<1x25x80xi32, #tpu.memory_space<vmem>>
          %dma_start3A_832 = tpu.memref_squeeze %dma_start3A_831 : memref<1x25x80xi32, #tpu.memory_space<vmem>> -> memref<25x80xi32, #tpu.memory_space<vmem>>
          %dma_start3A_833 = arith.constant 0 : i32
          %dma_start3A_834 = tpu.memref_slice %arg7[%add3A_816, %dma_start3A_833] : memref<4000x80xi32, #tpu.memory_space<hbm>> -> memref<25x80xi32, #tpu.memory_space<hbm>>
          %dma_start3A_835 = arith.constant 0 : i32
          %dma_start3A_836 = arith.constant 0 : i32
          %dma_start3A_837 = tpu.memref_slice %arg11[%rem3A_811, %dma_start3A_835, %dma_start3A_836] : memref<2x25x80xi32, #tpu.memory_space<vmem>> -> memref<1x25x80xi32, #tpu.memory_space<vmem>>
          %dma_start3A_838 = tpu.memref_squeeze %dma_start3A_837 : memref<1x25x80xi32, #tpu.memory_space<vmem>> -> memref<25x80xi32, #tpu.memory_space<vmem>>
          %dma_start3A_839 = arith.constant 0 : i32
          %dma_start3A_840 = tpu.memref_slice %arg7[%add3A_816, %dma_start3A_839] : memref<4000x80xi32, #tpu.memory_space<hbm>> -> memref<25x80xi32, #tpu.memory_space<hbm>>
          tpu.enqueue_dma source(%dma_start3A_840 : memref<25x80xi32, #tpu.memory_space<hbm>>) target(%dma_start3A_838 : memref<25x80xi32, #tpu.memory_space<vmem>>) target_semaphore(%arg27 : memref<!tpu.dma_semaphore, #tpu.memory_space<semaphore_mem>>)
        } else {
        }
        %add3A_799 = arith.constant 2 : i32
        %add3A_800 = arith.addi %add3A_685, %add3A_799 : i32
        %lt3A_801 = arith.constant 125 : i32
        %lt3A_802 = arith.cmpi slt, %add3A_800, %lt3A_801 : i32
        %convert_element_type3A_803 = arith.extui %lt3A_802 : i1 to i32
        %cond3A_804 = arith.constant 0 : i32
        %cond3A_805 = arith.cmpi ne, %convert_element_type3A_803, %cond3A_804 : i32
        scf.if %cond3A_805 {
          %add3A_806 = arith.constant 2 : i32
          %add3A_807 = arith.addi %add3A_685, %add3A_806 : i32
          %rem3A_808 = arith.constant 25 : i32
          %rem3A_809 = arith.remsi %add3A_807, %rem3A_808 : i32
          %eq3A_810 = arith.constant 0 : i32
          %eq3A_811 = arith.cmpi eq, %rem3A_809, %eq3A_810 : i32
          %add3A_812 = arith.constant 2 : i32
          %add3A_813 = arith.addi %add3A_685, %add3A_812 : i32
          %gt3A = arith.constant 0 : i32
          %gt3A_814 = arith.cmpi sgt, %add3A_813, %gt3A : i32
          %and3A_815 = arith.andi %eq3A_811, %gt3A_814 : i1
          %convert_element_type3A_816 = arith.extui %and3A_815 : i1 to i32
          %cond3A_817 = arith.constant 0 : i32
          %cond3A_818 = arith.cmpi ne, %convert_element_type3A_816, %cond3A_817 : i32
          scf.if %cond3A_818 {
            %add3A_868 = arith.constant 2 : i32
            %add3A_869 = arith.addi %add3A_685, %add3A_868 : i32
            %div3A_870 = arith.constant 25 : i32
            %div3A_871 = arith.divsi %add3A_869, %div3A_870 : i32
            %rem3A_872 = arith.constant 2 : i32
            %rem3A_873 = arith.remsi %div3A_871, %rem3A_872 : i32
            %mul3A_874 = arith.constant 125 : i32
            %mul3A_875 = arith.muli %add3A, %mul3A_874 : i32
            %mul3A_876 = arith.constant 25 : i32
            %mul3A_877 = arith.muli %div3A_871, %mul3A_876 : i32
            %add3A_878 = arith.addi %mul3A_875, %mul3A_877 : i32
            %dma_wait3A_879 = arith.constant 0 : i32
            %dma_wait3A_880 = arith.constant 0 : i32
            %dma_wait3A_881 = tpu.memref_slice %arg10[%rem3A_873, %dma_wait3A_879, %dma_wait3A_880] : memref<2x25x80xi32, #tpu.memory_space<vmem>> -> memref<1x25x80xi32, #tpu.memory_space<vmem>>
            %dma_wait3A_882 = tpu.memref_squeeze %dma_wait3A_881 : memref<1x25x80xi32, #tpu.memory_space<vmem>> -> memref<25x80xi32, #tpu.memory_space<vmem>>
            %dma_wait3A_883 = arith.constant 0 : i32
            %dma_wait3A_884 = tpu.memref_slice %arg6[%add3A_878, %dma_wait3A_883] : memref<4000x80xi32, #tpu.memory_space<hbm>> -> memref<25x80xi32, #tpu.memory_space<hbm>>
            %dma_wait3A_885 = arith.constant 0 : i32
            %dma_wait3A_886 = arith.constant 0 : i32
            %dma_wait3A_887 = tpu.memref_slice %arg10[%rem3A_873, %dma_wait3A_885, %dma_wait3A_886] : memref<2x25x80xi32, #tpu.memory_space<vmem>> -> memref<1x25x80xi32, #tpu.memory_space<vmem>>
            %dma_wait3A_888 = tpu.memref_squeeze %dma_wait3A_887 : memref<1x25x80xi32, #tpu.memory_space<vmem>> -> memref<25x80xi32, #tpu.memory_space<vmem>>
            %dma_wait3A_889 = arith.constant 0 : i32
            %dma_wait3A_890 = tpu.memref_slice %arg6[%add3A_878, %dma_wait3A_889] : memref<4000x80xi32, #tpu.memory_space<hbm>> -> memref<25x80xi32, #tpu.memory_space<hbm>>
            tpu.wait_dma2 semaphore(%arg26 : memref<!tpu.dma_semaphore, #tpu.memory_space<semaphore_mem>>) src(%dma_wait3A_890 : memref<25x80xi32, #tpu.memory_space<hbm>>) dst(%dma_wait3A_888 : memref<25x80xi32, #tpu.memory_space<vmem>>)
            %dma_wait3A_891 = arith.constant 0 : i32
            %dma_wait3A_892 = arith.constant 0 : i32
            %dma_wait3A_893 = tpu.memref_slice %arg11[%rem3A_873, %dma_wait3A_891, %dma_wait3A_892] : memref<2x25x80xi32, #tpu.memory_space<vmem>> -> memref<1x25x80xi32, #tpu.memory_space<vmem>>
            %dma_wait3A_894 = tpu.memref_squeeze %dma_wait3A_893 : memref<1x25x80xi32, #tpu.memory_space<vmem>> -> memref<25x80xi32, #tpu.memory_space<vmem>>
            %dma_wait3A_895 = arith.constant 0 : i32
            %dma_wait3A_896 = tpu.memref_slice %arg7[%add3A_878, %dma_wait3A_895] : memref<4000x80xi32, #tpu.memory_space<hbm>> -> memref<25x80xi32, #tpu.memory_space<hbm>>
            %dma_wait3A_897 = arith.constant 0 : i32
            %dma_wait3A_898 = arith.constant 0 : i32
            %dma_wait3A_899 = tpu.memref_slice %arg11[%rem3A_873, %dma_wait3A_897, %dma_wait3A_898] : memref<2x25x80xi32, #tpu.memory_space<vmem>> -> memref<1x25x80xi32, #tpu.memory_space<vmem>>
            %dma_wait3A_900 = tpu.memref_squeeze %dma_wait3A_899 : memref<1x25x80xi32, #tpu.memory_space<vmem>> -> memref<25x80xi32, #tpu.memory_space<vmem>>
            %dma_wait3A_901 = arith.constant 0 : i32
            %dma_wait3A_902 = tpu.memref_slice %arg7[%add3A_878, %dma_wait3A_901] : memref<4000x80xi32, #tpu.memory_space<hbm>> -> memref<25x80xi32, #tpu.memory_space<hbm>>
            tpu.wait_dma2 semaphore(%arg27 : memref<!tpu.dma_semaphore, #tpu.memory_space<semaphore_mem>>) src(%dma_wait3A_902 : memref<25x80xi32, #tpu.memory_space<hbm>>) dst(%dma_wait3A_900 : memref<25x80xi32, #tpu.memory_space<vmem>>)
          } else {
          }
          %add3A_819 = arith.constant 2 : i32
          %add3A_820 = arith.addi %add3A_685, %add3A_819 : i32
          %div3A_821 = arith.constant 25 : i32
          %div3A_822 = arith.divsi %add3A_820, %div3A_821 : i32
          %rem3A_823 = arith.constant 2 : i32
          %rem3A_824 = arith.remsi %div3A_822, %rem3A_823 : i32
          %rem3A_825 = arith.constant 25 : i32
          %rem3A_826 = arith.remsi %add3A_820, %rem3A_825 : i32
          %dma_start3A_827 = arith.constant 1 : i32
          %dma_start3A_828 = arith.constant 0 : i32
          %dma_start3A_829 = arith.constant 0 : i32
          %dma_start3A_830 = tpu.memref_slice %arg15[%dma_start3A_827, %dma_start3A_828, %dma_start3A_829] : memref<3x80x128xf32, #tpu.memory_space<vmem>> -> memref<1x80x128xf32, #tpu.memory_space<vmem>>
          %dma_start3A_831 = tpu.memref_squeeze %dma_start3A_830 : memref<1x80x128xf32, #tpu.memory_space<vmem>> -> memref<80x128xf32, #tpu.memory_space<vmem>>
          %dma_start3A_832 = arith.constant 0 : i32
          %dma_start3A_833 = tpu.memref_slice %arg10[%rem3A_824, %rem3A_826, %dma_start3A_832] : memref<2x25x80xi32, #tpu.memory_space<vmem>> -> memref<1x1x80xi32, #tpu.memory_space<vmem>>
          %dma_start3A_834 = tpu.memref_squeeze %dma_start3A_833 : memref<1x1x80xi32, #tpu.memory_space<vmem>> -> memref<80xi32, #tpu.memory_space<vmem>>
          %dma_start3A_835 = arith.constant 0 : i32
          %dma_start3A_836 = arith.constant 0 : i32
          %dma_start3A_837 = tpu.memref_slice %arg2[%dma_start3A_835, %dma_start3A_836] : memref<10000x128xf32, #tpu.memory_space<hbm>> -> memref<10000x128xf32, #tpu.memory_space<hbm>>
          tpu.enqueue_indirect_dma source(%dma_start3A_837 : memref<10000x128xf32, #tpu.memory_space<hbm>>) target(%dma_start3A_831 : memref<80x128xf32, #tpu.memory_space<vmem>>) offsets(%dma_start3A_834 : memref<80xi32, #tpu.memory_space<vmem>>) semaphore(%arg21 : memref<!tpu.dma_semaphore, #tpu.memory_space<semaphore_mem>>)
          %div3A_838 = arith.constant 25 : i32
          %div3A_839 = arith.divsi %add3A_820, %div3A_838 : i32
          %rem3A_840 = arith.constant 2 : i32
          %rem3A_841 = arith.remsi %div3A_839, %rem3A_840 : i32
          %rem3A_842 = arith.constant 25 : i32
          %rem3A_843 = arith.remsi %add3A_820, %rem3A_842 : i32
          %dma_start3A_844 = arith.constant 1 : i32
          %dma_start3A_845 = arith.constant 0 : i32
          %dma_start3A_846 = tpu.memref_slice %arg12[%dma_start3A_844, %dma_start3A_845] : memref<3x80xf32, #tpu.memory_space<vmem>> -> memref<1x80xf32, #tpu.memory_space<vmem>>
          %dma_start3A_847 = tpu.memref_squeeze %dma_start3A_846 : memref<1x80xf32, #tpu.memory_space<vmem>> -> memref<80xf32, #tpu.memory_space<vmem>>
          %dma_start3A_848 = arith.constant 0 : i32
          %dma_start3A_849 = tpu.memref_slice %arg10[%rem3A_841, %rem3A_843, %dma_start3A_848] : memref<2x25x80xi32, #tpu.memory_space<vmem>> -> memref<1x1x80xi32, #tpu.memory_space<vmem>>
          %dma_start3A_850 = tpu.memref_squeeze %dma_start3A_849 : memref<1x1x80xi32, #tpu.memory_space<vmem>> -> memref<80xi32, #tpu.memory_space<vmem>>
          %dma_start3A_851 = arith.constant 0 : i32
          %dma_start3A_852 = tpu.memref_slice %arg3[%dma_start3A_851] : memref<10000xf32, #tpu.memory_space<hbm>> -> memref<10000xf32, #tpu.memory_space<hbm>>
          tpu.enqueue_indirect_dma source(%dma_start3A_852 : memref<10000xf32, #tpu.memory_space<hbm>>) target(%dma_start3A_847 : memref<80xf32, #tpu.memory_space<vmem>>) offsets(%dma_start3A_850 : memref<80xi32, #tpu.memory_space<vmem>>) semaphore(%arg21 : memref<!tpu.dma_semaphore, #tpu.memory_space<semaphore_mem>>)
          %div3A_853 = arith.constant 25 : i32
          %div3A_854 = arith.divsi %add3A_820, %div3A_853 : i32
          %rem3A_855 = arith.constant 2 : i32
          %rem3A_856 = arith.remsi %div3A_854, %rem3A_855 : i32
          %rem3A_857 = arith.constant 25 : i32
          %rem3A_858 = arith.remsi %add3A_820, %rem3A_857 : i32
          %dma_start3A_859 = arith.constant 1 : i32
          %dma_start3A_860 = arith.constant 0 : i32
          %dma_start3A_861 = tpu.memref_slice %arg13[%dma_start3A_859, %dma_start3A_860] : memref<3x80xf32, #tpu.memory_space<vmem>> -> memref<1x80xf32, #tpu.memory_space<vmem>>
          %dma_start3A_862 = tpu.memref_squeeze %dma_start3A_861 : memref<1x80xf32, #tpu.memory_space<vmem>> -> memref<80xf32, #tpu.memory_space<vmem>>
          %dma_start3A_863 = arith.constant 0 : i32
          %dma_start3A_864 = tpu.memref_slice %arg11[%rem3A_856, %rem3A_858, %dma_start3A_863] : memref<2x25x80xi32, #tpu.memory_space<vmem>> -> memref<1x1x80xi32, #tpu.memory_space<vmem>>
          %dma_start3A_865 = tpu.memref_squeeze %dma_start3A_864 : memref<1x1x80xi32, #tpu.memory_space<vmem>> -> memref<80xi32, #tpu.memory_space<vmem>>
          %dma_start3A_866 = arith.constant 0 : i32
          %dma_start3A_867 = tpu.memref_slice %arg4[%dma_start3A_866] : memref<10000xf32, #tpu.memory_space<hbm>> -> memref<10000xf32, #tpu.memory_space<hbm>>
          tpu.enqueue_indirect_dma source(%dma_start3A_867 : memref<10000xf32, #tpu.memory_space<hbm>>) target(%dma_start3A_862 : memref<80xf32, #tpu.memory_space<vmem>>) offsets(%dma_start3A_865 : memref<80xi32, #tpu.memory_space<vmem>>) semaphore(%arg21 : memref<!tpu.dma_semaphore, #tpu.memory_space<semaphore_mem>>)
        } else {
        }
      } else {
      }
    }
    %scan3A_614 = arith.constant 42 : i32
    %dma_wait3A_615 = arith.constant 1 : i32
    %dma_wait3A_616 = arith.constant 0 : i32
    %dma_wait3A_617 = arith.constant 0 : i32
    %dma_wait3A_618 = tpu.memref_slice %arg15[%dma_wait3A_615, %dma_wait3A_616, %dma_wait3A_617] : memref<3x80x128xf32, #tpu.memory_space<vmem>> -> memref<1x80x128xf32, #tpu.memory_space<vmem>>
    %dma_wait3A_619 = tpu.memref_squeeze %dma_wait3A_618 : memref<1x80x128xf32, #tpu.memory_space<vmem>> -> memref<80x128xf32, #tpu.memory_space<vmem>>
    %dma_wait3A_620 = arith.constant 0 : i32
    %dma_wait3A_621 = arith.constant 0 : i32
    %dma_wait3A_622 = tpu.memref_slice %arg18[%dma_wait3A_620, %dma_wait3A_621] : memref<10240x128xf32, #tpu.memory_space<vmem_shared>> -> memref<80x128xf32, #tpu.memory_space<vmem_shared>>
    %dma_wait3A_623 = arith.constant 0 : i32
    %dma_wait3A_624 = arith.constant 0 : i32
    %dma_wait3A_625 = tpu.memref_slice %arg18[%dma_wait3A_623, %dma_wait3A_624] : memref<10240x128xf32, #tpu.memory_space<vmem_shared>> -> memref<80x128xf32, #tpu.memory_space<vmem_shared>>
    %dma_wait3A_626 = arith.constant 0 : i32
    %dma_wait3A_627 = arith.constant 0 : i32
    %dma_wait3A_628 = tpu.memref_slice %arg15[%dma_wait3A_615, %dma_wait3A_626, %dma_wait3A_627] : memref<3x80x128xf32, #tpu.memory_space<vmem>> -> memref<1x80x128xf32, #tpu.memory_space<vmem>>
    %dma_wait3A_629 = tpu.memref_squeeze %dma_wait3A_628 : memref<1x80x128xf32, #tpu.memory_space<vmem>> -> memref<80x128xf32, #tpu.memory_space<vmem>>
    tpu.wait_dma2 semaphore(%arg24 : memref<!tpu.dma_semaphore, #tpu.memory_space<semaphore_mem>>) src(%dma_wait3A_629 : memref<80x128xf32, #tpu.memory_space<vmem>>) dst(%dma_wait3A_625 : memref<80x128xf32, #tpu.memory_space<vmem_shared>>)
    %dma_wait3A_630 = arith.constant 1 : i32
    %dma_wait3A_631 = arith.constant 0 : i32
    %dma_wait3A_632 = arith.constant 0 : i32
    %dma_wait3A_633 = tpu.memref_slice %arg16[%dma_wait3A_630, %dma_wait3A_631, %dma_wait3A_632] : memref<3x80x8xf32, #tpu.memory_space<vmem>> -> memref<1x80x8xf32, #tpu.memory_space<vmem>>
    %dma_wait3A_634 = tpu.memref_squeeze %dma_wait3A_633 : memref<1x80x8xf32, #tpu.memory_space<vmem>> -> memref<80x8xf32, #tpu.memory_space<vmem>>
    %dma_wait3A_635 = arith.constant 0 : i32
    %dma_wait3A_636 = arith.constant 0 : i32
    %dma_wait3A_637 = tpu.memref_slice %arg19[%dma_wait3A_635, %dma_wait3A_636] : memref<10240x8xf32, #tpu.memory_space<vmem_shared>> -> memref<80x8xf32, #tpu.memory_space<vmem_shared>>
    %dma_wait3A_638 = arith.constant 0 : i32
    %dma_wait3A_639 = arith.constant 0 : i32
    %dma_wait3A_640 = tpu.memref_slice %arg19[%dma_wait3A_638, %dma_wait3A_639] : memref<10240x8xf32, #tpu.memory_space<vmem_shared>> -> memref<80x8xf32, #tpu.memory_space<vmem_shared>>
    %dma_wait3A_641 = arith.constant 0 : i32
    %dma_wait3A_642 = arith.constant 0 : i32
    %dma_wait3A_643 = tpu.memref_slice %arg16[%dma_wait3A_630, %dma_wait3A_641, %dma_wait3A_642] : memref<3x80x8xf32, #tpu.memory_space<vmem>> -> memref<1x80x8xf32, #tpu.memory_space<vmem>>
    %dma_wait3A_644 = tpu.memref_squeeze %dma_wait3A_643 : memref<1x80x8xf32, #tpu.memory_space<vmem>> -> memref<80x8xf32, #tpu.memory_space<vmem>>
    tpu.wait_dma2 semaphore(%arg24 : memref<!tpu.dma_semaphore, #tpu.memory_space<semaphore_mem>>) src(%dma_wait3A_644 : memref<80x8xf32, #tpu.memory_space<vmem>>) dst(%dma_wait3A_640 : memref<80x8xf32, #tpu.memory_space<vmem_shared>>)
    %barrier3A_645 = arith.constant 0 : index
    tpu.barrier barrier_id(%barrier3A_645)
    %dma_start3A_646 = arith.constant 0 : i32
    %dma_start3A_647 = tpu.memref_slice %arg8[%arg0, %mul3A_25, %dma_start3A_646] : memref<2x10240x128xf32, #tpu.memory_space<hbm>> -> memref<1x640x128xf32, #tpu.memory_space<hbm>>
    %dma_start3A_648 = tpu.memref_squeeze %dma_start3A_647 : memref<1x640x128xf32, #tpu.memory_space<hbm>> -> memref<640x128xf32, #tpu.memory_space<hbm>>
    %dma_start3A_649 = arith.constant 0 : i32
    %dma_start3A_650 = tpu.memref_slice %arg18[%mul3A_25, %dma_start3A_649] : memref<10240x128xf32, #tpu.memory_space<vmem_shared>> -> memref<640x128xf32, #tpu.memory_space<vmem_shared>>
    tpu.enqueue_dma source(%dma_start3A_650 : memref<640x128xf32, #tpu.memory_space<vmem_shared>>) target(%dma_start3A_648 : memref<640x128xf32, #tpu.memory_space<hbm>>) target_semaphore(%arg23 : memref<!tpu.dma_semaphore, #tpu.memory_space<semaphore_mem>>)
    %dma_start3A_651 = arith.constant 0 : i32
    %dma_start3A_652 = tpu.memref_slice %arg9[%arg0, %mul3A_25, %dma_start3A_651] : memref<2x10240x8xf32, #tpu.memory_space<hbm>> -> memref<1x640x8xf32, #tpu.memory_space<hbm>>
    %dma_start3A_653 = tpu.memref_squeeze %dma_start3A_652 : memref<1x640x8xf32, #tpu.memory_space<hbm>> -> memref<640x8xf32, #tpu.memory_space<hbm>>
    %dma_start3A_654 = arith.constant 0 : i32
    %dma_start3A_655 = tpu.memref_slice %arg19[%mul3A_25, %dma_start3A_654] : memref<10240x8xf32, #tpu.memory_space<vmem_shared>> -> memref<640x8xf32, #tpu.memory_space<vmem_shared>>
    tpu.enqueue_dma source(%dma_start3A_655 : memref<640x8xf32, #tpu.memory_space<vmem_shared>>) target(%dma_start3A_653 : memref<640x8xf32, #tpu.memory_space<hbm>>) target_semaphore(%arg24 : memref<!tpu.dma_semaphore, #tpu.memory_space<semaphore_mem>>)
    %dma_wait3A_656 = arith.constant 0 : i32
    %dma_wait3A_657 = tpu.memref_slice %arg8[%arg0, %mul3A_25, %dma_wait3A_656] : memref<2x10240x128xf32, #tpu.memory_space<hbm>> -> memref<1x640x128xf32, #tpu.memory_space<hbm>>
    %dma_wait3A_658 = tpu.memref_squeeze %dma_wait3A_657 : memref<1x640x128xf32, #tpu.memory_space<hbm>> -> memref<640x128xf32, #tpu.memory_space<hbm>>
    %dma_wait3A_659 = arith.constant 0 : i32
    %dma_wait3A_660 = tpu.memref_slice %arg18[%mul3A_25, %dma_wait3A_659] : memref<10240x128xf32, #tpu.memory_space<vmem_shared>> -> memref<640x128xf32, #tpu.memory_space<vmem_shared>>
    tpu.wait_dma2 semaphore(%arg23 : memref<!tpu.dma_semaphore, #tpu.memory_space<semaphore_mem>>) src(%dma_wait3A_660 : memref<640x128xf32, #tpu.memory_space<vmem_shared>>) dst(%dma_wait3A_658 : memref<640x128xf32, #tpu.memory_space<hbm>>)
    %dma_wait3A_661 = arith.constant 0 : i32
    %dma_wait3A_662 = tpu.memref_slice %arg9[%arg0, %mul3A_25, %dma_wait3A_661] : memref<2x10240x8xf32, #tpu.memory_space<hbm>> -> memref<1x640x8xf32, #tpu.memory_space<hbm>>
    %dma_wait3A_663 = tpu.memref_squeeze %dma_wait3A_662 : memref<1x640x8xf32, #tpu.memory_space<hbm>> -> memref<640x8xf32, #tpu.memory_space<hbm>>
    %dma_wait3A_664 = arith.constant 0 : i32
    %dma_wait3A_665 = tpu.memref_slice %arg19[%mul3A_25, %dma_wait3A_664] : memref<10240x8xf32, #tpu.memory_space<vmem_shared>> -> memref<640x8xf32, #tpu.memory_space<vmem_shared>>
    tpu.wait_dma2 semaphore(%arg24 : memref<!tpu.dma_semaphore, #tpu.memory_space<semaphore_mem>>) src(%dma_wait3A_665 : memref<640x8xf32, #tpu.memory_space<vmem_shared>>) dst(%dma_wait3A_663 : memref<640x8xf32, #tpu.memory_space<hbm>>)
    return
  }
}

module attributes {stable_mosaic.version = 14 : i64} {
  func.func @_tc_prep(%arg0: memref<10000x128xf32, #tpu.memory_space<vmem>>, %arg1: memref<128x128xf32, #tpu.memory_space<vmem>>, %arg2: memref<1x128xf32, #tpu.memory_space<vmem>>, %arg3: memref<2x128xf32, #tpu.memory_space<vmem>>, %arg4: memref<1x1xf32, #tpu.memory_space<vmem>>, %arg5: memref<10000x128xf32, #tpu.memory_space<vmem>>, %arg6: memref<1x10000xf32, #tpu.memory_space<vmem>>, %arg7: memref<1x10000xf32, #tpu.memory_space<vmem>>, %arg8: memref<1x128xf32, #tpu.memory_space<vmem>>) attributes {dimension_semantics = [], scalar_prefetch = 0 : i64, scratch_operands = 0 : i64, tpu.core_type = #tpu.core_type<tc>} {
    %get3A = arith.constant 0 : index
    %get3A_0 = arith.constant 0 : index
    %get3A_1 = vector.load %arg0[%get3A, %get3A_0] : memref<10000x128xf32, #tpu.memory_space<vmem>>, vector<10000x128xf32>
    %get3A_2 = arith.constant 0 : index
    %get3A_3 = arith.constant 0 : index
    %get3A_4 = vector.load %arg1[%get3A_2, %get3A_3] : memref<128x128xf32, #tpu.memory_space<vmem>>, vector<128x128xf32>
    %dot_general3A = arith.constant dense<0.000000e+00> : vector<10000x128xf32>
    %dot_general3A_5 = tpu.matmul %get3A_1, %get3A_4, %dot_general3A {dimension_numbers = #tpu.dot_dimension_numbers<[1], [1], [0], [0], [0, 0, 1, 0], [], []>, transpose_lhs_hint = false} : vector<10000x128xf32>, vector<128x128xf32>, vector<10000x128xf32> -> vector<10000x128xf32>
    %get3A_6 = arith.constant 0 : index
    %get3A_7 = arith.constant 0 : index
    %get3A_8 = vector.load %arg2[%get3A_6, %get3A_7] : memref<1x128xf32, #tpu.memory_space<vmem>>, vector<1x128xf32>
    %add3A = vector.broadcast %get3A_8 : vector<1x128xf32> to vector<10000x128xf32>
    %add3A_9 = arith.addf %dot_general3A_5, %add3A : vector<10000x128xf32>
    %swap3A = arith.constant 0 : index
    %swap3A_10 = arith.constant 0 : index
    %swap3A_11 = vector.load %arg5[%swap3A, %swap3A_10] : memref<10000x128xf32, #tpu.memory_space<vmem>>, vector<10000x128xf32>
    tpu.vector_store %arg5[%swap3A, %swap3A_10], %add3A_9 {strides = array<i32>} : memref<10000x128xf32, #tpu.memory_space<vmem>>, vector<10000x128xf32>,
    %get3A_12 = arith.constant 0 : index
    %get3A_13 = arith.constant 0 : index
    %get3A_14 = vector.load %arg3[%get3A_12, %get3A_13] : memref<2x128xf32, #tpu.memory_space<vmem>>, vector<1x128xf32>
    %dot_general3A_15 = arith.constant dense<0.000000e+00> : vector<1x10000xf32>
    %dot_general3A_16 = tpu.matmul %get3A_14, %add3A_9, %dot_general3A_15 {dimension_numbers = #tpu.dot_dimension_numbers<[1], [1], [0], [0], [0, 0, 1, 0], [], []>, transpose_lhs_hint = false} : vector<1x128xf32>, vector<10000x128xf32>, vector<1x10000xf32> -> vector<1x10000xf32>
    %get3A_17 = arith.constant 0 : index
    %get3A_18 = arith.constant 0 : index
    %get3A_19 = vector.load %arg4[%get3A_17, %get3A_18] : memref<1x1xf32, #tpu.memory_space<vmem>>, vector<1x1xf32>
    %get3A_20 = vector.extract %get3A_19[0, 0] : f32 from vector<1x1xf32>
    %add3A_21 = vector.broadcast %get3A_20 : f32 to vector<1x10000xf32>
    %add3A_22 = arith.addf %dot_general3A_16, %add3A_21 : vector<1x10000xf32>
    %get3A_23 = arith.constant 1 : index
    %get3A_24 = arith.constant 0 : index
    %get3A_25 = vector.load %arg3[%get3A_23, %get3A_24] : memref<2x128xf32, #tpu.memory_space<vmem>>, vector<1x128xf32>
    %dot_general3A_26 = arith.constant dense<0.000000e+00> : vector<1x10000xf32>
    %dot_general3A_27 = tpu.matmul %get3A_25, %add3A_9, %dot_general3A_26 {dimension_numbers = #tpu.dot_dimension_numbers<[1], [1], [0], [0], [0, 0, 1, 0], [], []>, transpose_lhs_hint = false} : vector<1x128xf32>, vector<10000x128xf32>, vector<1x10000xf32> -> vector<1x10000xf32>
    %swap3A_28 = arith.constant 0 : index
    %swap3A_29 = arith.constant 0 : index
    %swap3A_30 = vector.load %arg6[%swap3A_28, %swap3A_29] : memref<1x10000xf32, #tpu.memory_space<vmem>>, vector<1x10000xf32>
    tpu.vector_store %arg6[%swap3A_28, %swap3A_29], %add3A_22 {strides = array<i32>} : memref<1x10000xf32, #tpu.memory_space<vmem>>, vector<1x10000xf32>,
    %swap3A_31 = arith.constant 0 : index
    %swap3A_32 = arith.constant 0 : index
    %swap3A_33 = vector.load %arg7[%swap3A_31, %swap3A_32] : memref<1x10000xf32, #tpu.memory_space<vmem>>, vector<1x10000xf32>
    tpu.vector_store %arg7[%swap3A_31, %swap3A_32], %dot_general3A_27 {strides = array<i32>} : memref<1x10000xf32, #tpu.memory_space<vmem>>, vector<1x10000xf32>,
    %reduce_max3A = vector.shape_cast %add3A_22 : vector<1x10000xf32> to vector<1x1x10000xf32>
    %reduce_max3A_34 = arith.constant dense<0xFF800000> : vector<1xf32>
    %reduce_max3A_35 = vector.multi_reduction <maximumf>, %reduce_max3A, %reduce_max3A_34 [1, 2] : vector<1x1x10000xf32> to vector<1xf32>
    %reduce_max3A_36 = vector.shape_cast %reduce_max3A_35 : vector<1xf32> to vector<1x1x1xf32>
    %reduce_max3A_37 = vector.extract %reduce_max3A_36[0, 0, 0] : f32 from vector<1x1x1xf32>
    %reduce_max3A_38 = vector.shape_cast %dot_general3A_27 : vector<1x10000xf32> to vector<1x1x10000xf32>
    %reduce_max3A_39 = arith.constant dense<0xFF800000> : vector<1xf32>
    %reduce_max3A_40 = vector.multi_reduction <maximumf>, %reduce_max3A_38, %reduce_max3A_39 [1, 2] : vector<1x1x10000xf32> to vector<1xf32>
    %reduce_max3A_41 = vector.shape_cast %reduce_max3A_40 : vector<1xf32> to vector<1x1x1xf32>
    %reduce_max3A_42 = vector.extract %reduce_max3A_41[0, 0, 0] : f32 from vector<1x1x1xf32>
    %add3A_43 = arith.addf %reduce_max3A_37, %reduce_max3A_42 : f32
    %gt3A = arith.constant 0.000000e+00 : f32
    %gt3A_44 = arith.cmpf ogt, %add3A_43, %gt3A : f32
    %mul3A = arith.constant 2.000000e-01 : f32
    %mul3A_45 = arith.mulf %mul3A, %add3A_43 : f32
    %select_n3A = arith.select %gt3A_44, %add3A_43, %mul3A_45 : f32
    %broadcast_in_dim3A = vector.broadcast %select_n3A : f32 to vector<1x128xf32>
    %swap3A_46 = arith.constant 0 : index
    %swap3A_47 = arith.constant 0 : index
    %swap3A_48 = vector.load %arg8[%swap3A_46, %swap3A_47] : memref<1x128xf32, #tpu.memory_space<vmem>>, vector<1x128xf32>
    tpu.vector_store %arg8[%swap3A_46, %swap3A_47], %broadcast_in_dim3A {strides = array<i32>} : memref<1x128xf32, #tpu.memory_space<vmem>>, vector<1x128xf32>,
    return
  }
}

module attributes {stable_mosaic.version = 14 : i64} {
  func.func @_tc_combine(%arg0: memref<2x10240x128xf32, #tpu.memory_space<vmem>>, %arg1: memref<2x10240x8xf32, #tpu.memory_space<vmem>>, %arg2: memref<10000x128xf32, #tpu.memory_space<vmem>>) attributes {dimension_semantics = [], scalar_prefetch = 0 : i64, scratch_operands = 0 : i64, tpu.core_type = #tpu.core_type<tc>} {
    %get3A = arith.constant 0 : index
    %get3A_0 = arith.constant 0 : index
    %get3A_1 = arith.constant 0 : index
    %get3A_2 = vector.load %arg0[%get3A, %get3A_0, %get3A_1] : memref<2x10240x128xf32, #tpu.memory_space<vmem>>, vector<1x10000x128xf32>
    %get3A_3 = vector.shape_cast %get3A_2 : vector<1x10000x128xf32> to vector<10000x128xf32>
    %get3A_4 = arith.constant 1 : index
    %get3A_5 = arith.constant 0 : index
    %get3A_6 = arith.constant 0 : index
    %get3A_7 = vector.load %arg0[%get3A_4, %get3A_5, %get3A_6] : memref<2x10240x128xf32, #tpu.memory_space<vmem>>, vector<1x10000x128xf32>
    %get3A_8 = vector.shape_cast %get3A_7 : vector<1x10000x128xf32> to vector<10000x128xf32>
    %add3A = arith.addf %get3A_3, %get3A_8 : vector<10000x128xf32>
    %get3A_9 = arith.constant 0 : index
    %get3A_10 = arith.constant 0 : index
    %get3A_11 = arith.constant 0 : index
    %get3A_12 = vector.load %arg1[%get3A_9, %get3A_10, %get3A_11] : memref<2x10240x8xf32, #tpu.memory_space<vmem>>, vector<1x10000x1xf32>
    %get3A_13 = vector.shape_cast %get3A_12 : vector<1x10000x1xf32> to vector<10000x1xf32>
    %get3A_14 = arith.constant 1 : index
    %get3A_15 = arith.constant 0 : index
    %get3A_16 = arith.constant 0 : index
    %get3A_17 = vector.load %arg1[%get3A_14, %get3A_15, %get3A_16] : memref<2x10240x8xf32, #tpu.memory_space<vmem>>, vector<1x10000x1xf32>
    %get3A_18 = vector.shape_cast %get3A_17 : vector<1x10000x1xf32> to vector<10000x1xf32>
    %add3A_19 = arith.addf %get3A_13, %get3A_18 : vector<10000x1xf32>
    %ne3A = arith.constant 0.000000e+00 : f32
    %ne3A_20 = vector.broadcast %ne3A : f32 to vector<10000x1xf32>
    %ne3A_21 = arith.cmpf one, %add3A_19, %ne3A_20 : vector<10000x1xf32>
    %div3A = vector.broadcast %add3A_19 : vector<10000x1xf32> to vector<10000x128xf32>
    %div3A_22 = arith.divf %add3A, %div3A : vector<10000x128xf32>
    %jit3A = arith.constant 0.000000e+00 : f32
    %broadcast_in_dim3A = vector.shape_cast %ne3A_21 : vector<10000x1xi1> to vector<10000x1xi1>
    %broadcast_in_dim3A_23 = vector.broadcast %broadcast_in_dim3A : vector<10000x1xi1> to vector<10000x128xi1>
    %broadcast_in_dim3A_24 = vector.broadcast %jit3A : f32 to vector<10000x128xf32>
    %select_n3A = arith.select %broadcast_in_dim3A_23, %div3A_22, %broadcast_in_dim3A_24 : vector<10000x128xi1>, vector<10000x128xf32>
    %swap3A = arith.constant 0 : index
    %swap3A_25 = arith.constant 0 : index
    %swap3A_26 = vector.load %arg2[%swap3A, %swap3A_25] : memref<10000x128xf32, #tpu.memory_space<vmem>>, vector<10000x128xf32>
    tpu.vector_store %arg2[%swap3A, %swap3A_25], %select_n3A {strides = array<i32>} : memref<10000x128xf32, #tpu.memory_space<vmem>>, vector<10000x128xf32>,
    return
  }
}

</mosaic_0001>

<sc_bundles>
// kernel: kernel.5.cloned.1.call-start
scs
__scs_entry_jumppad:
0x0: {  	(pc) =	sbr.rel $0x88, $3  }
0x1: {  	(tag) =	ssettag $0x0;
	lr =	simm.s32 $0x1  }
0x2: {  	[smem:$0x3F9B] =	sst lr;
	_ =	strace $0xD0000000  }
0x3: {  	_ = 	snop  }
0x4: {  	_ = 	snop  }
0x5: {  	_ = 	snop  }
0x6: {  	_ = 	snop  }
0x7: {  	_ = 	snop  }
__scs_overlays_trampoline_lowered:
0x8: {  	[smem:$0x3FAA] =	sst s0  }
0x9: {  	[smem:$0x3FAB] =	sst s1  }
0xa: {  	[smem:$0x3FAC] =	sst s2  }
0xb: {  	[smem:$0x3FAD] =	sst s3  }
0xc: {  	[smem:$0x3FAE] =	sst s4  }
0xd: {  	[smem:$0x3FAF] =	sst s5  }
0xe: {  	[smem:$0x3FB0] =	sst s6  }
0xf: {  	[smem:$0x3FB1] =	sst s7  }
0x10: {  	[smem:$0x3FB2] =	sst s8  }
0x11: {  	[smem:$0x3FB3] =	sst s9;
	s0 =	simm.s32 @!p0 $0x0  }
0x12: {  	s1 =	sld [smem:$0x3F99];
	s0 =	simm.s32 @p0 $0x1  }
0x13: {  	[smem:$0x3FB4] =	sst s0;
	s0 =	simm.s32 @!p1 $0x0  }
0x14: {  	s2 =	sld [smem:$0x3F98];
	s0 =	simm.s32 @p1 $0x1  }
0x15: {  	[smem:$0x3FB5] =	sst s0;
	s0 =	simm.s32 @!p2 $0x0  }
0x16: {  	s3 =	sld [smem:$0x3FDB];
	s0 =	simm.s32 @p2 $0x1  }
0x17: {  	s4 =	simm.s32 $0x1BF5;
	[smem:$0x3FB7] =	sst s0  }
0x18: {  	s0 =	sld [smem:$0x3F9A];
	_ =	swait.ge [sflag:s4], $0x0  }
0x19: {  	s7 =	sld [smem:$0x3F9B]  }
0x1a: {  	s8 =	sadd.s32 $0xFFFFE003, lr  }
0x1b: {  	s9 =	sadd.s32 $0xFFFFFEF7, lr;
	s5 =	simm.s32 $0xFFFFFFFF;
	p2 =	slt.u32 s8, $0xFFFFF086  }
0x1c: {  	p1 =	slt.u32 s9, $0xF7A;
	s5 =	simm.s32 @!p2 $0x0  }
0x1d: {  	s5 =	simm.s32 @p1 $0x1;
	p0 =	seq.s32 s7, s2  }
0x1e: {  	s7 =	smul.u32 @!p0 $0xF7A, s2;
	p2 =	seq.s32 @!p0 s5, $0x0  }
0x1f: {  	s9 =	smul.u32 $0xF7A, s1;
	s8 =	simm.s32 @!p0 $0x1BF5;
	p2 =	por !p2, p0  }
0x20: {  	[sflag:s8] =	ssyncset.s32 @!p0 $0xFFFFF086;
	s6 =	sadd.s32 @!p0 s3, s7;
	s7 =	simm.s32 @!p0 $0x108  }
0x21: {  	s3 =	sadd.s32 s3, s9;
	s6 =	sadd.s32 @!p0 $0x88, s6;
	s7 =	simm.s32 @p2 $0x1082  }
0x22: {  	[simem:s7], [sflag:s8] =	dma.local @!p0 [hbm:s6], $0xF7A  }
0x23: {  	s9 =	sor.u32 $0xD0000000, s2;
	s6 =	simm.s32 $0x108;
	_ =	swait.ge @!p0 [sflag:s8], $0x0  }
0x24: {  	s3 =	sadd.s32 $0x88, s3;
	s6 =	simm.s32 @!p1 $0x1082;
	[sflag:s4] =	ssyncset.s32 $0xFFFFF086  }
0x25: {  	[simem:s6], [sflag:s4] =	dma.local [hbm:s3], $0xF7A  }
0x26: {  	[smem:$0x3F9B] =	sst s1;
	(tag) =	ssettag s2;
	_ =	strace s9  }
0x27: {  	s1 =	sld [smem:$0x3FAB]  }
0x28: {  	s2 =	sld [smem:$0x3FAC]  }
0x29: {  	s4 =	sld [smem:$0x3FAE]  }
0x2a: {  	p0 =	seq.s32 s5, $0x0;
	s5 =	sld [smem:$0x3FAF]  }
0x2b: {  	s6 =	sld [smem:$0x3FB0]  }
0x2c: {  	s7 =	sld [smem:$0x3FB1]  }
0x2d: {  	s3 =	simm.s32 $0x108;
	s8 =	sld [smem:$0x3FB2]  }
0x2e: {  	s3 =	simm.s32 @!p0 $0x1082;
	s9 =	sld [smem:$0x3FB3]  }
0x2f: {  	lr =	sadd.s32 s0, s3;
	s0 =	sld [smem:$0x3FAA]  }
0x30: {  	s3 =	sld [smem:$0x3FAD]  }
0x31: {  	[smem:$0x3FB6] =	sst s10  }
0x32: {  	s10 =	sld [smem:$0x3FB4];
	_ =	sdelay $0x3  }
0x33: {  	p0 =	seq.s32 s10, $0x1;
	s10 =	sld [smem:$0x3FB6];
	_ =	sdelay $0x3  }
0x34: {  	[smem:$0x3FB6] =	sst s10  }
0x35: {  	s10 =	sld [smem:$0x3FB5];
	_ =	sdelay $0x3  }
0x36: {  	p1 =	seq.s32 s10, $0x1;
	s10 =	sld [smem:$0x3FB6];
	_ =	sdelay $0x3  }
0x37: {  	[smem:$0x3FB6] =	sst s10  }
0x38: {  	s10 =	sld [smem:$0x3FB7]  }
0x39: {  	_ = 	snop;
	(pc) =	sbr.ind lr, $3  }
0x3a: {  	_ = 	snop  }
0x3b: {  	_ = 	snop  }
0x3c: {  	p2 =	seq.s32 s10, $0x1;
	s10 =	sld [smem:$0x3FB6]  }
0x3d: {  	_ =	shalt  }
0x3e: {  	_ =	shalt  }
0x3f: {  	_ =	shalt  }
0x40: {  	_ =	shalt  }
0x41: {  	_ =	shalt  }
0x42: {  	_ =	shalt  }
0x43: {  	_ =	shalt  }
0x44: {  	_ =	shalt  }
0x45: {  	_ =	shalt  }
0x46: {  	_ =	shalt  }
0x47: {  	_ =	shalt  }
0x48: {  	_ =	shalt  }
0x49: {  	_ =	shalt  }
0x4a: {  	_ =	shalt  }
0x4b: {  	_ =	shalt  }
0x4c: {  	_ =	shalt  }
0x4d: {  	_ =	shalt  }
0x4e: {  	_ =	shalt  }
0x4f: {  	_ =	shalt  }
0x50: {  	_ =	shalt  }
0x51: {  	_ =	shalt  }
0x52: {  	_ =	shalt  }
0x53: {  	_ =	shalt  }
0x54: {  	_ =	shalt  }
0x55: {  	_ =	shalt  }
0x56: {  	_ =	shalt  }
0x57: {  	_ =	shalt  }
0x58: {  	_ =	shalt  }
0x59: {  	_ =	shalt  }
0x5a: {  	_ =	shalt  }
0x5b: {  	_ =	shalt  }
0x5c: {  	_ =	shalt  }
0x5d: {  	_ =	shalt  }
0x5e: {  	_ =	shalt  }
0x5f: {  	_ =	shalt  }
0x60: {  	_ =	shalt  }
0x61: {  	_ =	shalt  }
0x62: {  	_ =	shalt  }
0x63: {  	_ =	shalt  }
0x64: {  	_ =	shalt  }
0x65: {  	_ =	shalt  }
0x66: {  	_ =	shalt  }
0x67: {  	_ =	shalt  }
0x68: {  	_ =	shalt  }
0x69: {  	_ =	shalt  }
0x6a: {  	_ =	shalt  }
0x6b: {  	_ =	shalt  }
0x6c: {  	_ =	shalt  }
0x6d: {  	_ =	shalt  }
0x6e: {  	_ =	shalt  }
0x6f: {  	_ =	shalt  }
0x70: {  	_ =	shalt  }
0x71: {  	_ =	shalt  }
0x72: {  	_ =	shalt  }
0x73: {  	_ =	shalt  }
0x74: {  	_ =	shalt  }
0x75: {  	_ =	shalt  }
0x76: {  	_ =	shalt  }
0x77: {  	_ =	shalt  }
0x78: {  	_ =	shalt  }
0x79: {  	_ =	shalt  }
0x7a: {  	_ =	shalt  }
0x7b: {  	_ =	shalt  }
0x7c: {  	_ =	shalt  }
0x7d: {  	_ =	shalt  }
0x7e: {  	_ =	shalt  }
0x7f: {  	_ =	shalt  }
0x80: {  	_ =	shalt  }
0x81: {  	_ =	shalt  }
0x82: {  	_ =	shalt  }
0x83: {  	_ =	shalt  }
0x84: {  	_ =	shalt  }
0x85: {  	_ =	shalt  }
0x86: {  	_ =	shalt  }
0x87: {  	_ =	shalt  }
.Lfunc_end0:
.L_simem_size_0:
called_computation_lowered:
.L_overlay_start_0:
0x88: {  	s2 =	sld [smem:$0x3FD9]  }
0x89: {  	s3 =	sld [smem:$0x3FFE];
	_ =	sdelay $0x1  }
0x8a: {  	s1 =	srdreg.scid  }
0x8b: {  	s0 =	sand.u32 $0x1, s1  }
0x8c: {  	s17 =	sshll.u32 s0, $0xA;
	s2 =	sadd.s32 s3, s2  }
0x8d: {  	s2 =	sadd.s32 s2, s17  }
0x8e: {  	[smem:$0x3FC2] =	sst s2  }
0x8f: {  	_ = 	snop  }
0x90: {  	s2 =	sld [smem:$0x3FD0];
	(tm) =	ssettm $0x1  }
0x91: {  	s18 =	sld [smem:$0x3FFB];
	_ =	sdelay $0x3  }
0x92: {  	_ =	strace s18  }
0x93: {  	s3 =	sld [smem:$0x3FFC];
	_ =	sdelay $0x3  }
0x94: {  	_ =	strace s3  }
0x95: {  	s3 =	sld [smem:$0x3FFD];
	_ =	sdelay $0x3  }
0x96: {  	_ =	strace s3  }
0x97: {  	_ =	strace $0x8FFFFFFF  }
0x98: {  	s19 =	sld [smem:$0x3FDB];
	_ =	sdelay $0x1  }
0x99: {  	s4 =	simm.s32 $_scs_section_size  }
0x9a: {  	s5 =	simm.s32 $_size__tile_overlayer_lowered;
	s6 =	simm.s32 $_tile_overlayer_lowered  }
0x9b: {  	s22 =	simm.s32 $0x1BFF;
	s21 =	sshll.u32 s6, $0x1;
	s3 =	sadd.s32 s4, s19  }
0x9c: {  	s7 =	simm.s32 $0x0;
	s20 =	sshll.u32 s5, $0x1;
	s5 =	sadd.s32 s21, s3  }
0x9d: {  	[timem:s7], [sflag:s22] =	dma.local [hbm:s5], s20  }
0x9e: {  	_ =	swait.ge [sflag:s22], s20  }
0x9f: {  	s4 =	ssub.s32 $0x0, s20;
	[sflag:s22] =	ssyncset.done $0x0  }
0xa0: {  	[sflag:s22] =	ssyncadd.s32 s4;
	_ =	sdelay $0x1  }
0xa1: {  	s23 =	simm.s32 $0x1B8B  }
0xa2: {  	_ =	swait.ge [sflag:s23], $0x1  }
0xa3: {  	[sflag:s23] =	ssyncset.done $0x0  }
0xa4: {  	s25 =	simm.s32 $0x1B8E;
	s24 =	sld [smem:$0x3FFE];
	[sflag:s23] =	ssyncadd.s32 $0xFFFFFFFF  }
0xa5: {  	s26 =	simm.s32 $execute0_lowered;
	[smem:$0x3FD2] =	sst s25  }
0xa6: {  	s5 =	sshll.u32 s26, $0x1;
	_ =	strace $0x80000046;
	[dreg:$0x1] =	wrdreg $0xFFFFFFFF  }
0xa7: {  	s28 =	simm.s32 $_size_execute0_lowered;
	s3 =	sadd.s32 s3, s5;
	[dreg:$0x0] =	wrdreg $0x0  }
0xa8: {  	s5 =	sshll.u32 s28, $0x1;
	[dreg:$0x2] =	wrdreg s3  }
0xa9: {  	[dreg:$0x3] =	wrdreg s5  }
0xaa: {  	[dreg:$0x4] =	wrdreg $0xC0  }
0xab: {  	_ =	task [dreg:s7], $0x5FFFF  }
0xac: {  	[dreg:$0x1] =	wrdreg $0xFFFFFFFF  }
0xad: {  	[dreg:$0x0] =	wrdreg $0x60  }
0xae: {  	[dreg:$0x2] =	wrdreg s2  }
0xaf: {  	[dreg:$0x3] =	wrdreg s24  }
0xb0: {  	[dreg:$0x4] =	wrdreg $0xA1000  }
0xb1: {  	[dreg:$0x5] =	wrdreg $0x1E1000  }
0xb2: {  	[dreg:$0x6] =	wrdreg $0x9  }
0xb3: {  	_ =	task.clear_ibuf [dreg:s7], $0x7FFFF;
	_ =	strace $0x90000046  }
0xb4: {  	s29 =	simm.s32 $0x9;
	_ =	strace $0x80000048  }
0xb5: {  	_ =	swait.ge [sflag:s29], $0x1  }
0xb6: {  	[sflag:s29] =	ssyncadd.s32 $0xFFFFFFFF  }
0xb7: {  	_ =	strace $0x90000048  }
0xb8: {  	_ =	sfence  }
0xb9: {  	s30 =	sld [smem:$0x0];
	_ =	sdelay $0x2  }
0xba: {  	s31 =	sshll.u32 s1, $0xD;
	s1 =	sshrl.u32 s1, $0x2  }
0xbb: {  	s3 =	sand.u32 $0x4000, s31;
	s1 =	sadd.s32 s1, s30  }
0xbc: {  	s0 =	sor.u32 s3, s0;
	s1 =	sshll.u32 s1, $0x11  }
0xbd: {  	s0 =	sor.u32 s1, s0  }
0xbe: {  	s0 =	sadd.s32 $0x8F2B, s0  }
0xbf: {  	[sflag:s0] =	ssyncadd.remote.s32 $0x1  }
0xc0: {  	_ =	sfence.sel $0xFFFF  }
0xc1: {  	[dreg:$0x0] =	wrdreg $0xFFFFFFFF;
	(pc) =	sbr.abs _section_cstart, $3  }
0xc2: {  	[dreg:$0x1] =	wrdreg $0xFFFFFFFF  }
0xc3: {  	_ =	task.clear_ibuf [dreg:s7], $0x2FFFF;
	_ =	strace $0x9FFFFFFF  }
0xc4: {  	(tm) =	ssettm $0x7FFFFFFF  }
0xc5: {  	_ =	shalt  }
tec
execute0_lowered:
.L_overlay_start_1:
0x0: {  	(tag) =	ssettag $0x1  }
0x1: {  	s1 =	rddreg [dreg:$0x0]  }
0x2: {  	s0 =	rddreg [dreg:$0x1]  }
0x3: {  	s2 =	rddreg [dreg:$0x2]  }
0x4: {  	s4 =	rddreg [dreg:$0x3];
	s5 =	simm.s32 $0x0  }
0x5: {  	s3 =	srdreg.scid;
	s17 =	stileid.u32;
	s28 =	simm.s32 $0x20D0  }
0x6: {  	s29 =	simm.s32 $0x2;
	s30 =	simm.s32 $0x9BB0;
	s31 =	simm.s32 $0x3  }
0x7: {  	[smem:$0x7FF] =	sst s5;
	s3 =	sand.u32 $0x1, s3;
	s8 =	smul.u32 $0x14000, s17  }
0x8: {  	s6 =	sadd.s32 $0x14200, s0;
	s7 =	sadd.s32 $0x14800, s0;
	s12 =	smul.u32 $0x1400, s17  }
0x9: {  	s9 =	sadd.s32 $0x14000, s0;
	s14 =	sshll.u32 s17, $0x1;
	s17 =	smul.u32 $0x280, s17  }
0xa: {  	_ =	strace $0x80000047;
	s10 =	smul.u32 $0x140000, s3;
	[dreg:$0x5] =	wrdreg s9  }
0xb: {  	s13 =	smul.u32 $0x14000, s3;
	s20 =	sor.u32 s3, s14;
	s3 =	ssub.s32 $0x2, s3  }
0xc: {  	s9 =	sadd.s32 $0xA200, s0;
	s14 =	smul.u32 $0x4E2, s20;
	s16 =	sshrl.u32 s3, $0x1  }
0xd: {  	s23 =	sor.u32 $0x50, s17;
	s26 =	sadd.s32 $0xA0, s17;
	s18 =	sadd.s32 $0xF0, s17  }
0xe: {  	s10 =	sadd.s32 s8, s10;
	s13 =	sadd.s32 s12, s13;
	s3 =	ssub.s32 s3, s16  }
0xf: {  	s24 =	sshll.u32 s23, $0x7;
	s25 =	sshll.u32 s23, $0x3;
	s19 =	sshll.u32 s18, $0x7  }
0x10: {  	s11 =	sshrl.u32 s10, $0x3;
	s10 =	sadd.s32 $0x400, s0;
	s13 =	sshrl.u32 s13, $0x3  }
0x11: {  	s21 =	sadd.s32 s9, s14;
	s15 =	sadd.s32 s11, s0;
	s0 =	sadd.s32 s13, s0  }
0x12: {  	s11 =	smul.u32 $0x7D, s20;
	[dreg:$0x6] =	wrdreg s21;
	s22 =	sadd.s32 s10, s14  }
0x13: {  	s20 =	sadd.s32 s8, s2;
	s14 =	sadd.s32 s12, s4;
	s8 =	sadd.s32 s24, s2  }
0x14: {  	s13 =	sshll.u32 s26, $0x7;
	s12 =	sshll.u32 s26, $0x3;
	[dreg:$0x7] =	wrdreg s22  }
0x15: {  	s21 =	sadd.s32 $0x140, s17;
	s24 =	sadd.s32 $0x190, s17;
	[dreg:$0xa] =	wrdreg s8  }
0x16: {  	s26 =	sadd.s32 $0x1E0, s17;
	s8 =	sadd.s32 s25, s4;
	[dreg:$0x8] =	wrdreg s20  }
0x17: {  	s16 =	sadd.s32 s12, s4;
	s12 =	sadd.s32 s19, s2;
	[dreg:$0x9] =	wrdreg s14  }
0x18: {  	s22 =	sshll.u32 s21, $0x7;
	s23 =	sshll.u32 s21, $0x3;
	[dreg:$0xb] =	wrdreg s8  }
0x19: {  	s25 =	sshll.u32 s24, $0x7;
	s21 =	sadd.s32 $0x230, s17;
	[dreg:$0xd] =	wrdreg s16  }
0x1a: {  	s0 =	sadd.s32 $0x14E00, s0;
	s8 =	sadd.s32 s13, s2;
	[dreg:$0xe] =	wrdreg s12  }
0x1b: {  	s17 =	simm.s32 $0x4;
	[dreg:$0xc] =	wrdreg s8;
	s8 =	sshll.u32 s18, $0x3  }
0x1c: {  	[dreg:$0x19] =	wrdreg s0;
	s18 =	sshll.u32 s26, $0x7;
	s8 =	sadd.s32 s8, s4  }
0x1d: {  	s16 =	sshll.u32 s24, $0x3;
	s19 =	sadd.s32 s18, s2;
	[dreg:$0xf] =	wrdreg s8  }
0x1e: {  	s13 =	simm.s32 $0x9930;
	s8 =	sadd.s32 s22, s2;
	[dreg:$0x14] =	wrdreg s19  }
0x1f: {  	s22 =	sshll.u32 s26, $0x3;
	s26 =	smax.u32 s3, $0x1;
	[dreg:$0x10] =	wrdreg s8  }
0x20: {  	s18 =	simm.s32 $0x5;
	s8 =	sadd.s32 s23, s4;
	[dreg:$0x1a] =	wrdreg s26  }
0x21: {  	v1 =	vlaneseq.u32;
	s19 =	simm.s32 $0x50;
	s12 =	sadd.s32 s22, s4;
	[dreg:$0x11] =	wrdreg s8  }
0x22: {  	v3 =	vshrl.u32 v1, $0x3;
	v0 =	vand.u32 $0x7, v1;
	v1 =	vmul.u32 $0x8, v1;
	s23 =	sshll.u32 s21, $0x7;
	s8 =	sadd.s32 s25, s2;
	[dreg:$0x15] =	wrdreg s12  }
0x23: {  	v2 =	vimm.f32 $0.0e+00;
	v3 =	vmul.u32 $0x8, v3;
	v4 =	vor.u32 $0x280, v0;
	s3 =	simm.s32 $0x6;
	s24 =	sadd.s32 s23, s2;
	[dreg:$0x12] =	wrdreg s8  }
.Ltmp0:
0x24: {  	v5 =	vor.u32 $0x500, v0;
	v6 =	vor.u32 $0x80, v1;
	v7 =	vor.u32 $0x100, v1;
	s25 =	sadd.s32 $0x19E00, s15;
	[dreg:$0x16] =	wrdreg s24;
	(pc) =	sbr.rel .LBB2_1-.Ltmp0, $4  }
0x25: {  	v8 =	vor.u32 $0x180, v1;
	v9 =	vor.u32 $0x200, v1;
	v10 =	vor.u32 $0x280, v1;
	s22 =	simm.s32 $0x4930;
	s8 =	sadd.s32 s16, s4;
	[dreg:$0x18] =	wrdreg s25  }
0x26: {  	v11 =	vor.u32 $0x300, v1;
	v12 =	vor.u32 $0x380, v1;
	v13 =	vor.u32 $0x400, v1;
	s12 =	simm.s32 $0xA0B0;
	[dreg:$0x13] =	wrdreg s8;
	s8 =	sshll.u32 s21, $0x3  }
0x27: {  	v14 =	vor.u32 $0x480, v1;
	v15 =	vor.u32 $0x500, v1;
	v16 =	vor.u32 $0x580, v1;
	s16 =	simm.s32 $0x2130;
	s25 =	simm.s32 $0x7130;
	s8 =	sadd.s32 s8, s4  }
0x28: {  	v17 =	vor.u32 $0x600, v1;
	v18 =	vor.u32 $0x680, v1;
	v19 =	vor.u32 $0x700, v1;
	s21 =	simm.s32 $0xFA0;
	[dreg:$0x17] =	wrdreg s8;
	s8 =	simm.s32 $0x0  }
.LBB2_22:
0x29: {  	_ =	swait.ge [sflag:s18], $0x2800  }
0x2a: {  	[sflag:s18] =	ssyncset.done $0x0  }
0x2b: {  	[sflag:s18] =	ssyncadd.s32 $0xFFFFD800  }
0x2c: {  	_ =	swait.ge [sflag:s18], $0x280  }
0x2d: {  	[sflag:s18] =	ssyncset.done $0x0  }
0x2e: {  	[sflag:s18] =	ssyncadd.s32 $0xFFFFFD80  }
0x2f: {  	s0 =	stileid.u32;
	[bflag:$0x0] =	sbarrier.arrive $0xFFFF  }
0x30: {  	s0 =	sshll.u32 s0, $0x6;
	s20 =	rddreg [dreg:$0x8]  }
0x31: {  	s8 =	sor.u32 $0x1C04, s0;
	s15 =	rddreg [dreg:$0x18];
	s14 =	sshrl.u32 s20, $0x3  }
0x32: {  	[hbm:s15], [sflag:s8] =	dma.local [spmem:s14], $0x2800  }
0x33: {  	s14 =	rddreg [dreg:$0x9]  }
0x34: {  	s0 =	sor.u32 $0x1C05, s0;
	s15 =	rddreg [dreg:$0x19];
	s23 =	sshrl.u32 s14, $0x3  }
0x35: {  	[hbm:s15], [sflag:s0] =	dma.local [spmem:s23], $0x280  }
0x36: {  	_ =	swait.ge [sflag:s17], $0x2800  }
0x37: {  	[sflag:s17] =	ssyncset.done $0x0  }
0x38: {  	[sflag:s17] =	ssyncadd.s32 $0xFFFFD800  }
0x39: {  	_ =	swait.ge [sflag:s18], $0x280  }
0x3a: {  	s24 =	rddreg [dreg:$0x1b]  }
0x3b: {  	s26 =	rddreg [dreg:$0x1a];
	s8 =	sadd.s32 $0x1, s24  }
0x3c: {  	p0 =	sne.s32 s8, s26  }
.Ltmp1:
0x3d: {  	_ = 	snop;
	(pc) =	sbr.rel @!p0 .LBB2_23-.Ltmp1, $3  }
0x3e: {  	_ =	sdelay $0x1  }
0x3f: {  	[sflag:s18] =	ssyncset.done $0x0  }
0x40: {  	s21 =	simm.s32 $0xFA0;
	[sflag:s18] =	ssyncadd.s32 $0xFFFFFD80  }
.LBB2_1:
0x41: {  	[dreg:$0x1b] =	wrdreg s8  }
0x42: {  	s0 =	rddreg [dreg:$0x5];
	s15 =	simm.s32 $0x2120;
	s23 =	simm.s32 $0x9  }
0x43: {  	[tilespmem:s15], [sflag:$0x9] =	stream.linear.gather [hbm4b:s0+s5], $0x10, $0x38;
	[tilespmem:$0x1F500] =	vst v63  }
0x44: {  	_ =	swait.ge [sflag:s23], $0x10  }
0x45: {  	[sflag:s23] =	ssyncset.done $0x0  }
0x46: {  	s24 =	rddreg [dreg:$0x6];
	[sflag:s23] =	ssyncadd.s32 $0xFFFFFFF0  }
0x47: {  	[tilespmem:s5], [sflag:$0x9] =	stream.linear.gather [hbm4b:s24+s5], $0x7D0, $0x38;
	[tilespmem:$0x1F500] =	vst v63  }
0x48: {  	_ =	swait.ge [sflag:s23], $0x7D0  }
0x49: {  	[sflag:s23] =	ssyncset.done $0x0  }
0x4a: {  	s26 =	rddreg [dreg:$0x7];
	[sflag:s23] =	ssyncadd.s32 $0xFFFFF830  }
0x4b: {  	[tilespmem:s21], [sflag:$0x9] =	stream.linear.gather [hbm4b:s26+s5], $0x7D0, $0x38;
	[tilespmem:$0x1F500] =	vst v63  }
0x4c: {  	_ =	swait.ge [sflag:s23], $0x7D0  }
0x4d: {  	[sflag:s23] =	ssyncset.done $0x0  }
0x4e: {  	s8 =	simm.s32 $0x200;
	s0 =	simm.s32 $0x0;
	[sflag:s23] =	ssyncadd.s32 $0xFFFFF830  }
.LBB2_2:
0x4f: {  	p0 =	sne.s32 s8, $0x9E00;
	[tilespmem:s0+$0x21A0] =	vst v2  }
0x50: {  	[tilespmem:s0+$0x2130] =	vst v2  }
0x51: {  	[tilespmem:s0+$0x2140] =	vst v2  }
.Ltmp2:
0x52: {  	[tilespmem:s0+$0x2150] =	vst v2;
	(pc) =	sbr.rel @p0 .LBB2_2-.Ltmp2, $4  }
0x53: {  	[tilespmem:s0+$0x2160] =	vst v2  }
0x54: {  	[tilespmem:s0+$0x2170] =	vst v2  }
0x55: {  	[tilespmem:s0+$0x2180] =	vst v2  }
0x56: {  	[tilespmem:s0+$0x2190] =	vst v2;
	s0 =	sshra.s32 s8, $0x2;
	s8 =	sadd.s32 $0x200, s8  }
0x57: {  	[tilespmem:s0+$0x21A0] =	vst v2  }
0x58: {  	[tilespmem:s0+$0x2130] =	vst v2;
	s8 =	simm.s32 $0x0  }
0x59: {  	[tilespmem:s0+$0x2140] =	vst v2;
	v20 =	vmov s8  }
0x5a: {  	[tilespmem:s0+$0x2150] =	vst v2;
	v20 =	vshll.u32 v20, $0x3  }
0x5b: {  	[tilespmem:s0+$0x2160] =	vst v2;
	v22 =	vor.u32 v3, v20  }
0x5c: {  	[tilespmem:s0+$0x2170] =	vst v2;
	v20 =	vor.u32 v0, v22  }
0x5d: {  	[tilespmem:s0+$0x2180] =	vst v2;
	v21 =	vadd.s32 v4, v22  }
0x5e: {  	[tilespmem:s0+$0x2190] =	vst v2;
	s0 =	simm.s32 $0x2;
	v22 =	vadd.s32 v5, v22  }
.LBB2_4:
0x5f: {  	v23 =	vmov s0;
	p0 =	sne.s32 s0, $0x4E  }
.Ltmp3:
0x60: {  	v23 =	vshll.u32 v23, $0x3;
	(pc) =	sbr.rel @p0 .LBB2_4-.Ltmp3, $4  }
0x61: {  	s0 =	sadd.s32 $0x2, s0;
	v23 =	vor.u32 v3, v23;
	[tilespmem:v20+s13+$0x0] =	vst.idx.msk $0xffff, v2  }
0x62: {  	v20 =	vor.u32 v0, v23;
	[tilespmem:v21+s13+$0x0] =	vst.idx.msk $0xffff, v2  }
0x63: {  	v21 =	vadd.s32 v4, v23;
	[tilespmem:v22+s13+$0x0] =	vst.idx.msk $0xffff, v2  }
0x64: {  	v22 =	vadd.s32 v5, v23  }
0x65: {  	_ =	sdelay $0x3  }
0x66: {  	[tilespmem:v20+s13+$0x0] =	vst.idx.msk $0xffff, v2  }
0x67: {  	[tilespmem:v21+s13+$0x0] =	vst.idx.msk $0xffff, v2  }
0x68: {  	[tilespmem:v22+s13+$0x0] =	vst.idx.msk $0xffff, v2  }
0x69: {  	[spmem:s20] =	stream.linear.scatter [tilespmem:s16], [sflag:$0x4], $0x2800, $0x38;
	[tilespmem:$0x1F500] =	vst v63  }
0x6a: {  	_ = 	snop  }
0x6b: {  	[spmem:s14] =	stream.linear.scatter [tilespmem:s13], [sflag:$0x5], $0x280, $0x38;
	[tilespmem:$0x1F500] =	vst v63  }
0x6c: {  	s0 =	rddreg [dreg:$0xa]  }
0x6d: {  	[spmem:s0] =	stream.linear.scatter [tilespmem:s16], [sflag:$0x4], $0x2800, $0x38;
	[tilespmem:$0x1F500] =	vst v63  }
0x6e: {  	s23 =	rddreg [dreg:$0xb]  }
0x6f: {  	[spmem:s23] =	stream.linear.scatter [tilespmem:s13], [sflag:$0x5], $0x280, $0x38;
	[tilespmem:$0x1F500] =	vst v63  }
0x70: {  	s24 =	rddreg [dreg:$0xc]  }
0x71: {  	[spmem:s24] =	stream.linear.scatter [tilespmem:s16], [sflag:$0x4], $0x2800, $0x38;
	[tilespmem:$0x1F500] =	vst v63  }
0x72: {  	s26 =	rddreg [dreg:$0xd]  }
0x73: {  	[spmem:s26] =	stream.linear.scatter [tilespmem:s13], [sflag:$0x5], $0x280, $0x38;
	[tilespmem:$0x1F500] =	vst v63  }
0x74: {  	s8 =	rddreg [dreg:$0xe]  }
0x75: {  	[spmem:s8] =	stream.linear.scatter [tilespmem:s16], [sflag:$0x4], $0x2800, $0x38;
	[tilespmem:$0x1F500] =	vst v63  }
0x76: {  	s14 =	rddreg [dreg:$0xf]  }
0x77: {  	[spmem:s14] =	stream.linear.scatter [tilespmem:s13], [sflag:$0x5], $0x280, $0x38;
	[tilespmem:$0x1F500] =	vst v63  }
0x78: {  	s15 =	rddreg [dreg:$0x10]  }
0x79: {  	[spmem:s15] =	stream.linear.scatter [tilespmem:s16], [sflag:$0x4], $0x2800, $0x38;
	[tilespmem:$0x1F500] =	vst v63  }
0x7a: {  	s20 =	rddreg [dreg:$0x11]  }
0x7b: {  	[spmem:s20] =	stream.linear.scatter [tilespmem:s13], [sflag:$0x5], $0x280, $0x38;
	[tilespmem:$0x1F500] =	vst v63  }
0x7c: {  	s23 =	rddreg [dreg:$0x12]  }
0x7d: {  	[spmem:s23] =	stream.linear.scatter [tilespmem:s16], [sflag:$0x4], $0x2800, $0x38;
	[tilespmem:$0x1F500] =	vst v63  }
0x7e: {  	s24 =	rddreg [dreg:$0x13]  }
0x7f: {  	[spmem:s24] =	stream.linear.scatter [tilespmem:s13], [sflag:$0x5], $0x280, $0x38;
	[tilespmem:$0x1F500] =	vst v63  }
0x80: {  	s26 =	rddreg [dreg:$0x14]  }
0x81: {  	[spmem:s26] =	stream.linear.scatter [tilespmem:s16], [sflag:$0x4], $0x2800, $0x38;
	[tilespmem:$0x1F500] =	vst v63  }
0x82: {  	s8 =	rddreg [dreg:$0x15]  }
0x83: {  	[spmem:s8] =	stream.linear.scatter [tilespmem:s13], [sflag:$0x5], $0x280, $0x38;
	[tilespmem:$0x1F500] =	vst v63  }
0x84: {  	s14 =	rddreg [dreg:$0x16]  }
0x85: {  	[spmem:s14] =	stream.linear.scatter [tilespmem:s16], [sflag:$0x4], $0x2800, $0x38;
	[tilespmem:$0x1F500] =	vst v63  }
0x86: {  	s15 =	rddreg [dreg:$0x17]  }
0x87: {  	[spmem:s15] =	stream.linear.scatter [tilespmem:s13], [sflag:$0x5], $0x280, $0x38;
	[tilespmem:$0x1F500] =	vst v63  }
0x88: {  	_ =	swait.ge [sflag:s17], $0x2800  }
0x89: {  	[sflag:s17] =	ssyncset.done $0x0  }
0x8a: {  	[sflag:s17] =	ssyncadd.s32 $0xFFFFD800  }
0x8b: {  	_ =	swait.ge [sflag:s18], $0x280  }
0x8c: {  	[sflag:s18] =	ssyncset.done $0x0  }
0x8d: {  	[sflag:s18] =	ssyncadd.s32 $0xFFFFFD80  }
0x8e: {  	_ =	swait.ge [sflag:s17], $0x2800  }
0x8f: {  	[sflag:s17] =	ssyncset.done $0x0  }
0x90: {  	[sflag:s17] =	ssyncadd.s32 $0xFFFFD800  }
0x91: {  	_ =	swait.ge [sflag:s18], $0x280  }
0x92: {  	[sflag:s18] =	ssyncset.done $0x0  }
0x93: {  	[sflag:s18] =	ssyncadd.s32 $0xFFFFFD80  }
0x94: {  	_ =	swait.ge [sflag:s17], $0x2800  }
0x95: {  	[sflag:s17] =	ssyncset.done $0x0  }
0x96: {  	[sflag:s17] =	ssyncadd.s32 $0xFFFFD800  }
0x97: {  	_ =	swait.ge [sflag:s18], $0x280  }
0x98: {  	[sflag:s18] =	ssyncset.done $0x0  }
0x99: {  	[sflag:s18] =	ssyncadd.s32 $0xFFFFFD80  }
0x9a: {  	_ =	swait.ge [sflag:s17], $0x2800  }
0x9b: {  	[sflag:s17] =	ssyncset.done $0x0  }
0x9c: {  	[sflag:s17] =	ssyncadd.s32 $0xFFFFD800  }
0x9d: {  	_ =	swait.ge [sflag:s18], $0x280  }
0x9e: {  	[sflag:s18] =	ssyncset.done $0x0  }
0x9f: {  	[sflag:s18] =	ssyncadd.s32 $0xFFFFFD80  }
0xa0: {  	_ =	swait.ge [sflag:s17], $0x2800  }
0xa1: {  	[sflag:s17] =	ssyncset.done $0x0  }
0xa2: {  	[sflag:s17] =	ssyncadd.s32 $0xFFFFD800  }
0xa3: {  	_ =	swait.ge [sflag:s18], $0x280  }
0xa4: {  	[sflag:s18] =	ssyncset.done $0x0  }
0xa5: {  	[sflag:s18] =	ssyncadd.s32 $0xFFFFFD80  }
0xa6: {  	_ =	swait.ge [sflag:s17], $0x2800  }
0xa7: {  	[sflag:s17] =	ssyncset.done $0x0  }
0xa8: {  	[sflag:s17] =	ssyncadd.s32 $0xFFFFD800  }
0xa9: {  	_ =	swait.ge [sflag:s18], $0x280  }
0xaa: {  	[sflag:s18] =	ssyncset.done $0x0  }
0xab: {  	[sflag:s18] =	ssyncadd.s32 $0xFFFFFD80  }
0xac: {  	_ =	swait.ge [sflag:s17], $0x2800  }
0xad: {  	[sflag:s17] =	ssyncset.done $0x0  }
0xae: {  	[sflag:s17] =	ssyncadd.s32 $0xFFFFD800  }
0xaf: {  	_ =	swait.ge [sflag:s18], $0x280  }
0xb0: {  	[sflag:s18] =	ssyncset.done $0x0  }
0xb1: {  	[sflag:s18] =	ssyncadd.s32 $0xFFFFFD80  }
0xb2: {  	_ =	swait.ge [sflag:s17], $0x2800  }
0xb3: {  	[sflag:s17] =	ssyncset.done $0x0  }
0xb4: {  	[sflag:s17] =	ssyncadd.s32 $0xFFFFD800  }
0xb5: {  	_ =	swait.ge [sflag:s18], $0x280  }
0xb6: {  	[sflag:s18] =	ssyncset.done $0x0  }
0xb7: {  	[sflag:s18] =	ssyncadd.s32 $0xFFFFFD80  }
0xb8: {  	s15 =	simm.s32 $0x0;
	[bflag:$0x0] =	sbarrier.arrive $0xFFFF  }
0xb9: {  	v20 =	vld [tilespmem:$0x2120];
	[tilespmem:s16], [sflag:$0x1] =	stream.indirect.gather [hbm4b:s1+s19], $0x80, s15, s19, $0xb8  }
0xba: {  	s20 =	simm.s32 $0x1F40  }
0xbb: {  	[tilespmem:s20], [sflag:$0x1] =	stream.indirect.gather [hbm4b:s6+s19], $0x1, s15, s19, $0xb8;
	[tilespmem:$0x1F500] =	vst v63  }
0xbc: {  	s23 =	simm.s32 $0x2030  }
0xbd: {  	[tilespmem:s23], [sflag:$0x1] =	stream.indirect.gather [hbm4b:s7+s19], $0x1, s21, s19, $0xb8;
	[tilespmem:$0x1F500] =	vst v63  }
0xbe: {  	_ = 	snop  }
0xbf: {  	[tilespmem:s22], [sflag:$0x2] =	stream.indirect.gather [hbm4b:s1+s19], $0x80, s19, s19, $0xb8;
	[tilespmem:$0x1F500] =	vst v63  }
.Ltmp4:
0xc0: {  	_ = 	snop;
	(pc) =	sbr.rel .LBB2_6-.Ltmp4, $4  }
0xc1: {  	s24 =	simm.s32 $0x1F90  }
0xc2: {  	[tilespmem:s24], [sflag:$0x2] =	stream.indirect.gather [hbm4b:s6+s19], $0x1, s19, s19, $0xb8;
	[tilespmem:$0x1F500] =	vst v63  }
0xc3: {  	s26 =	simm.s32 $0xFF0;
	s8 =	simm.s32 $0x2080  }
0xc4: {  	[tilespmem:s8], [sflag:$0x2] =	stream.indirect.gather [hbm4b:s7+s19], $0x1, s26, s19, $0xb8;
	[tilespmem:$0x1F500] =	vst v63  }
.LBB2_21:
0xc5: {  	s15 =	sadd.s32 $0x1, s15  }
0xc6: {  	p0 =	sne.s32 s15, $0x2A  }
.Ltmp5:
0xc7: {  	_ = 	snop;
	(pc) =	sbr.rel @!p0 .LBB2_22-.Ltmp5, $1  }
0xc8: {  	_ =	sdelay $0x3  }
.LBB2_6:
0xc9: {  	s8 =	simm.s32 $0x1  }
0xca: {  	_ =	swait.ge [sflag:s8], $0x2800  }
0xcb: {  	[sflag:s8] =	ssyncset.done $0x0  }
0xcc: {  	[sflag:s8] =	ssyncadd.s32 $0xFFFFD800  }
0xcd: {  	_ =	swait.ge [sflag:s8], $0x50  }
0xce: {  	[sflag:s8] =	ssyncset.done $0x0  }
0xcf: {  	[sflag:s8] =	ssyncadd.s32 $0xFFFFFFB0  }
0xd0: {  	_ =	swait.ge [sflag:s8], $0x50  }
0xd1: {  	[sflag:s8] =	ssyncset.done $0x0  }
0xd2: {  	[sflag:s8] =	ssyncadd.s32 $0xFFFFFFB0  }
0xd3: {  	v21 =	vld [tilespmem:$0x1F40]  }
0xd4: {  	v22 =	vld [tilespmem:$0x2030];
	_ =	sdelay $0x4  }
0xd5: {  	v21 =	vadd.f32 v22, v21;
	_ =	sdelay $0x1  }
0xd6: {  	v22 =	vmul.f32 $2.000000030e-01, v21  }
0xd7: {  	vm0 =	vgt.f32 v21, $0.0e+00  }
0xd8: {  	v21 =	vsel vm0, v21, v22  }
0xd9: {  	v21 =	vsub.f32 v21, v20;
	_ =	sdelay $0x1  }
0xda: {  	v21 =	vmul.f32 $1.442695020e+00, v21;
	_ =	sdelay $0x1  }
0xdb: {  	(erf) = vpow2.f32 v21;
	_ =	sdelay $0x8  }
0xdc: {  	v21 =	vpop (erf)  }
0xdd: {  	[tilespmem:$0xA0B0] =	vst v21  }
0xde: {  	[tilespmem:v1+s13+$0x0] =	vst.idx.msk $0xffff, v21  }
0xdf: {  	v21 =	vld [tilespmem:$0x1F50]  }
0xe0: {  	v22 =	vld [tilespmem:$0x2040];
	_ =	sdelay $0x4  }
0xe1: {  	v21 =	vadd.f32 v22, v21;
	_ =	sdelay $0x1  }
0xe2: {  	v22 =	vmul.f32 $2.000000030e-01, v21  }
0xe3: {  	vm12 =	vgt.f32 v21, $0.0e+00  }
0xe4: {  	v21 =	vsel vm12, v21, v22  }
0xe5: {  	v21 =	vsub.f32 v21, v20;
	_ =	sdelay $0x1  }
0xe6: {  	v21 =	vmul.f32 $1.442695020e+00, v21;
	_ =	sdelay $0x1  }
0xe7: {  	(erf) = vpow2.f32 v21;
	_ =	sdelay $0x8  }
0xe8: {  	v21 =	vpop (erf)  }
0xe9: {  	[tilespmem:$0xA0C0] =	vst v21  }
0xea: {  	[tilespmem:v6+s13+$0x0] =	vst.idx.msk $0xffff, v21  }
0xeb: {  	v21 =	vld [tilespmem:$0x1F60]  }
0xec: {  	v22 =	vld [tilespmem:$0x2050];
	_ =	sdelay $0x4  }
0xed: {  	v21 =	vadd.f32 v22, v21;
	_ =	sdelay $0x1  }
0xee: {  	v22 =	vmul.f32 $2.000000030e-01, v21  }
0xef: {  	vm13 =	vgt.f32 v21, $0.0e+00  }
0xf0: {  	v21 =	vsel vm13, v21, v22  }
0xf1: {  	v21 =	vsub.f32 v21, v20;
	_ =	sdelay $0x1  }
0xf2: {  	v21 =	vmul.f32 $1.442695020e+00, v21;
	_ =	sdelay $0x1  }
0xf3: {  	(erf) = vpow2.f32 v21;
	_ =	sdelay $0x8  }
0xf4: {  	v21 =	vpop (erf)  }
0xf5: {  	[tilespmem:$0xA0D0] =	vst v21  }
0xf6: {  	[tilespmem:v7+s13+$0x0] =	vst.idx.msk $0xffff, v21  }
0xf7: {  	v21 =	vld [tilespmem:$0x1F70]  }
0xf8: {  	v22 =	vld [tilespmem:$0x2060];
	_ =	sdelay $0x4  }
0xf9: {  	v21 =	vadd.f32 v22, v21;
	_ =	sdelay $0x1  }
0xfa: {  	v22 =	vmul.f32 $2.000000030e-01, v21  }
0xfb: {  	vm14 =	vgt.f32 v21, $0.0e+00  }
0xfc: {  	v21 =	vsel vm14, v21, v22  }
0xfd: {  	v21 =	vsub.f32 v21, v20;
	_ =	sdelay $0x1  }
0xfe: {  	v21 =	vmul.f32 $1.442695020e+00, v21;
	_ =	sdelay $0x1  }
0xff: {  	(erf) = vpow2.f32 v21;
	_ =	sdelay $0x8  }
0x100: {  	v21 =	vpop (erf)  }
0x101: {  	[tilespmem:$0xA0E0] =	vst v21  }
0x102: {  	[tilespmem:v8+s13+$0x0] =	vst.idx.msk $0xffff, v21  }
0x103: {  	v21 =	vld [tilespmem:$0x1F80]  }
0x104: {  	v22 =	vld [tilespmem:$0x2070];
	_ =	sdelay $0x4  }
0x105: {  	v21 =	vadd.f32 v22, v21;
	_ =	sdelay $0x1  }
0x106: {  	v22 =	vmul.f32 $2.000000030e-01, v21  }
0x107: {  	vm15 =	vgt.f32 v21, $0.0e+00  }
0x108: {  	v21 =	vsel vm15, v21, v22  }
0x109: {  	v21 =	vsub.f32 v21, v20;
	_ =	sdelay $0x1  }
0x10a: {  	v21 =	vmul.f32 $1.442695020e+00, v21;
	_ =	sdelay $0x1  }
0x10b: {  	(erf) = vpow2.f32 v21;
	_ =	sdelay $0x3  }
0x10c: {  	s0 =	simm.s32 $0x0  }
0x10d: {  	v21 =	vmov s0  }
0x10e: {  	v21 =	vand.u32 $0xFFFFFFFE, v21  }
0x10f: {  	v23 =	vbroadcast v21, $0x0;
	_ =	sdelay $0x1  }
0x110: {  	v22 =	vpop (erf)  }
0x111: {  	[tilespmem:$0xA0F0] =	vst v22  }
0x112: {  	s0 =	simm.s32 $0x21B0;
	[tilespmem:v9+s13+$0x0] =	vst.idx.msk $0xffff, v22  }
0x113: {  	v22 =	vld [tilespmem:s0+$0xFFFFFFF0]  }
0x114: {  	v23 =	vld.idx.msk [tilespmem:v23+s12+$0x0], $0xffff  }
0x115: {  	v26 =	vld [tilespmem:s0+$0xFFFFFF80]  }
0x116: {  	v27 =	vld [tilespmem:s0+$0xFFFFFFA0]  }
0x117: {  	v25 =	vld [tilespmem:s0+$0xFFFFFFB0]  }
0x118: {  	v24 =	vld [tilespmem:s0+$0xFFFFFFD0]  }
0x119: {  	v28 =	vld [tilespmem:s0+$0xFFFFFFE0];
	v31 =	vmul.f32 v22, v23  }
0x11a: {  	v29 =	vld [tilespmem:s0+$0xFFFFFF90];
	v26 =	vmul.f32 v26, v23  }
0x11b: {  	v30 =	vld [tilespmem:s0+$0xFFFFFFC0];
	v27 =	vmul.f32 v27, v23;
	[tilespmem:s0+$0xFFFFFFF0] =	vst v31  }
0x11c: {  	v25 =	vmul.f32 v25, v23;
	[tilespmem:s0+$0xFFFFFF80] =	vst v26  }
0x11d: {  	v24 =	vmul.f32 v24, v23;
	[tilespmem:s0+$0xFFFFFFA0] =	vst v27  }
0x11e: {  	v26 =	vmul.f32 v28, v23;
	[tilespmem:s0+$0xFFFFFFB0] =	vst v25;
	v27 =	vmov s8  }
0x11f: {  	v21 =	vld [tilespmem:s0+$0x0];
	v25 =	vmul.f32 v29, v23;
	[tilespmem:s0+$0xFFFFFFD0] =	vst v24  }
0x120: {  	v22 =	vld [tilespmem:s0+$0x10];
	v23 =	vmul.f32 v30, v23;
	[tilespmem:s0+$0xFFFFFFE0] =	vst v26  }
0x121: {  	v24 =	vld [tilespmem:s0+$0x70];
	[tilespmem:s0+$0xFFFFFF90] =	vst v25  }
0x122: {  	v25 =	vld [tilespmem:s0+$0x20];
	[tilespmem:s0+$0xFFFFFFC0] =	vst v23  }
0x123: {  	s14 =	simm.s32 $0x21B0;
	s8 =	simm.s32 $0x3;
	v23 =	vld.idx.msk [tilespmem:v27+s12+$0x0], $0xffff  }
.LBB2_7:
0x124: {  	p0 =	sne.s32 s8, $0x4F  }
0x125: {  	v26 =	vld [tilespmem:s0+$0x50];
	s14 =	sadd.s32 $0x100, s14;
	s20 =	smov.u32 s8;
	s8 =	sadd.s32 $0x2, s8  }
0x126: {  	v27 =	vld [tilespmem:s0+$0x30]  }
0x127: {  	v28 =	vld [tilespmem:s0+$0x40]  }
0x128: {  	v29 =	vld [tilespmem:s0+$0x60];
	_ =	sdelay $0x1  }
0x129: {  	v21 =	vmul.f32 v21, v23;
	v22 =	vmul.f32 v22, v23  }
0x12a: {  	s21 =	sadd.s32 $0xFFFFFFFF, s20;
	v25 =	vmul.f32 v25, v23;
	v27 =	vmul.f32 v27, v23  }
0x12b: {  	v30 =	vmov s21;
	v26 =	vmul.f32 v26, v23;
	[tilespmem:s0+$0x0] =	vst v21;
	v28 =	vmul.f32 v28, v23  }
0x12c: {  	v30 =	vand.u32 $0xFFFFFFFE, v30;
	v21 =	vld [tilespmem:s14+$0x0];
	[tilespmem:s0+$0x20] =	vst v25;
	v25 =	vmul.f32 v29, v23;
	v23 =	vmul.f32 v24, v23  }
0x12d: {  	v24 =	vbroadcast v30, $0x0;
	[tilespmem:s0+$0x10] =	vst v22  }
0x12e: {  	[tilespmem:s0+$0x30] =	vst v27  }
0x12f: {  	v27 =	vld [tilespmem:s14+$0xFFFFFFD0];
	[tilespmem:s0+$0x70] =	vst v23  }
0x130: {  	v23 =	vld [tilespmem:s14+$0xFFFFFFB0];
	[tilespmem:s0+$0x50] =	vst v26  }
0x131: {  	v26 =	vld [tilespmem:s14+$0xFFFFFFE0];
	[tilespmem:s0+$0x60] =	vst v25  }
0x132: {  	v25 =	vld [tilespmem:s14+$0xFFFFFFF0];
	[tilespmem:s0+$0x40] =	vst v28;
	s0 =	smov.u32 s14  }
0x133: {  	v24 =	vld.idx.msk [tilespmem:v24+s12+$0x0], $0xffff  }
0x134: {  	v28 =	vld [tilespmem:s14+$0xFFFFFF80]  }
0x135: {  	v29 =	vld [tilespmem:s14+$0xFFFFFFA0]  }
0x136: {  	v30 =	vld [tilespmem:s14+$0xFFFFFF90]  }
0x137: {  	v31 =	vld [tilespmem:s14+$0xFFFFFFC0]  }
0x138: {  	v22 =	vld [tilespmem:s14+$0x10]  }
0x139: {  	v25 =	vmul.f32 v25, v24;
	v28 =	vmul.f32 v28, v24  }
0x13a: {  	v26 =	vmul.f32 v26, v24;
	v29 =	vmul.f32 v29, v24  }
0x13b: {  	v23 =	vmul.f32 v23, v24;
	v30 =	vmul.f32 v30, v24;
	[tilespmem:s14+$0xFFFFFFF0] =	vst v25  }
0x13c: {  	[tilespmem:s14+$0xFFFFFF80] =	vst v28;
	v28 =	vmul.f32 v31, v24;
	v24 =	vmul.f32 v27, v24  }
0x13d: {  	[tilespmem:s14+$0xFFFFFFA0] =	vst v29  }
0x13e: {  	[tilespmem:s14+$0xFFFFFFB0] =	vst v23;
	v23 =	vmov s20  }
.Ltmp6:
0x13f: {  	[tilespmem:s14+$0xFFFFFFD0] =	vst v24;
	(pc) =	sbr.rel @p0 .LBB2_7-.Ltmp6, $4  }
0x140: {  	[tilespmem:s14+$0xFFFFFFE0] =	vst v26  }
0x141: {  	[tilespmem:s14+$0xFFFFFF90] =	vst v30;
	v25 =	vld [tilespmem:s14+$0x20]  }
0x142: {  	[tilespmem:s14+$0xFFFFFFC0] =	vst v28;
	v24 =	vld [tilespmem:s14+$0x70]  }
0x143: {  	v23 =	vld.idx.msk [tilespmem:v23+s12+$0x0], $0xffff  }
0x144: {  	_ = 	snop  }
0x145: {  	s8 =	smul.u32 $0x3, s15;
	_ =	sdelay $0x1  }
0x146: {  	v26 =	vld [tilespmem:s0+$0x30];
	s14 =	smulhi.u32 $0x51EB851F, s8  }
0x147: {  	v27 =	vld [tilespmem:s0+$0x50];
	v21 =	vmul.f32 v21, v23  }
0x148: {  	v28 =	vld [tilespmem:s0+$0x60];
	v25 =	vmul.f32 v25, v23;
	s20 =	sshrl.u32 s14, $0x3  }
0x149: {  	v29 =	vld [tilespmem:s0+$0x40];
	v22 =	vmul.f32 v22, v23;
	s14 =	smul.u32 $0x19, s20;
	[tilespmem:s0+$0x0] =	vst v21  }
0x14a: {  	v24 =	vmul.f32 v24, v23;
	[tilespmem:s0+$0x20] =	vst v25  }
0x14b: {  	v21 =	vmul.f32 v26, v23;
	[tilespmem:s0+$0x10] =	vst v22;
	s14 =	ssub.s32 s8, s14  }
0x14c: {  	s21 =	sand.u32 $0x1, s20;
	v22 =	vmul.f32 v27, v23;
	[tilespmem:s0+$0x70] =	vst v24;
	s23 =	smul.u32 $0x140, s14  }
0x14d: {  	p0 =	seq.s32 s21, $0x1;
	s21 =	simm.s32 $0x7D0;
	[tilespmem:s0+$0x30] =	vst v21;
	v21 =	vmul.f32 v28, v23  }
0x14e: {  	s21 =	simm.s32 @!p0 $0x0;
	p0 =	seq.s32 s15, $0x0;
	v23 =	vmul.f32 v29, v23;
	[tilespmem:s0+$0x50] =	vst v22;
	s23 =	sshrl.u32 s23, $0x2  }
.Ltmp7:
0x14f: {  	[tilespmem:s0+$0x60] =	vst v21;
	s21 =	sadd.s32 s23, s21;
	(pc) =	sbr.rel @p0 .LBB2_11-.Ltmp7, $4  }
0x150: {  	[tilespmem:s0+$0x40] =	vst v23;
	s26 =	sadd.s32 $0xFA0, s21  }
0x151: {  	[spmem:s2] =	stream.indirect.scatter.add.f32 [tilespmem:s16], [sflag:$0x4], $0x80, s26, s19, $0xb8;
	[tilespmem:$0x1F500] =	vst v63  }
0x152: {  	_ = 	snop  }
0x153: {  	[spmem:s4] =	stream.indirect.scatter.add.f32 [tilespmem:s13], [sflag:$0x4], $0x8, s26, s19, $0xb8;
	[tilespmem:$0x1F500] =	vst v63  }
0x154: {  	p0 =	sgt.u32 s15, $0x21  }
0x155: {  	p1 =	seq.s32 @!p0 s14, $0x0  }
0x156: {  	_ =	swait.ge [sflag:s3], $0x2800;
	p0 =	por p0, !p1  }
.Ltmp8:
0x157: {  	[sflag:s3] =	ssyncset.done $0x0;
	(pc) =	sbr.rel @!p0 .LBB2_12-.Ltmp8, $4  }
0x158: {  	[sflag:s3] =	ssyncadd.s32 $0xFFFFD800  }
0x159: {  	_ =	swait.ge [sflag:s3], $0x280  }
0x15a: {  	[sflag:s3] =	ssyncset.done $0x0  }
0x15b: {  	[sflag:s3] =	ssyncadd.s32 $0xFFFFFD80  }
0x15c: {  	p0 =	seq.s32 s15, $0x29  }
.Ltmp9:
0x15d: {  	_ = 	snop;
	(pc) =	sbr.rel @p0 .LBB2_15-.Ltmp9, $4  }
.Ltmp10:
0x15e: {  	_ = 	snop;
	(pc) =	sbr.rel @!p0 .LBB2_13-.Ltmp10, $4  }
0x15f: {  	_ = 	snop  }
0x160: {  	_ = 	snop  }
0x161: {  	s14 =	sadd.s32 $0x2, s8;
	p1 =	por $0x1, $0x1  }
0x162: {  	_ = 	snop  }
.LBB2_11:
0x163: {  	p0 =	sne.s32 s14, $0x0  }
.Ltmp11:
0x164: {  	_ = 	snop;
	(pc) =	sbr.rel @p0 .LBB2_14-.Ltmp11, $2  }
0x165: {  	_ =	sdelay $0x2  }
0x166: {  	s0 =	simm.s32 $0x2;
	s14 =	simm.s32 $0x2  }
.LBB2_12:
0x167: {  	s0 =	sadd.s32 $0x1, s20  }
0x168: {  	s14 =	smul.u32 $0x19, s0;
	_ =	sdelay $0x1  }
0x169: {  	s14 =	sadd.s32 s11, s14  }
0x16a: {  	s0 =	sand.u32 $0x1, s0;
	s14 =	smul.u32 $0xA, s14  }
0x16b: {  	p0 =	seq.s32 s0, $0x1;
	s0 =	simm.s32 $0x7D0  }
0x16c: {  	s0 =	simm.s32 @!p0 $0x0;
	s26 =	sadd.s32 s9, s14  }
0x16d: {  	[tilespmem:s0], [sflag:$0x7] =	stream.linear.gather [hbm4b:s26+s5], $0x7D0, $0x38;
	[tilespmem:$0x1F500] =	vst v63  }
0x16e: {  	s14 =	sadd.s32 s10, s14;
	s0 =	sadd.s32 $0xFA0, s0  }
0x16f: {  	[tilespmem:s0], [sflag:$0x8] =	stream.linear.gather [hbm4b:s14+s5], $0x7D0, $0x38;
	[tilespmem:$0x1F500] =	vst v63  }
0x170: {  	s14 =	sadd.s32 $0x2, s8  }
.LBB2_13:
0x171: {  	s0 =	smulhi.u32 $0x51EB851F, s14;
	_ =	sdelay $0x1  }
0x172: {  	s0 =	sshrl.u32 s0, $0x3  }
0x173: {  	s0 =	smul.u32 $0x19, s0;
	_ =	sdelay $0x1  }
0x174: {  	s0 =	ssub.s32 s14, s0  }
0x175: {  	p0 =	sne.s32 s0, $0x0  }
0x176: {  	s20 =	simm.s32 @!p0 $0x7  }
0x177: {  	_ =	swait.ge @!p0 [sflag:s20], $0x7D0  }
0x178: {  	[sflag:s20] =	ssyncset.done @!p0 $0x0  }
0x179: {  	[sflag:s20] =	ssyncadd.s32 @!p0 $0xFFFFF830;
	s20 =	simm.s32 @!p0 $0x8  }
0x17a: {  	_ =	swait.ge @!p0 [sflag:s20], $0x7D0  }
0x17b: {  	[sflag:s20] =	ssyncset.done @!p0 $0x0  }
0x17c: {  	s0 =	simm.s32 @!p0 $0x0;
	[sflag:s20] =	ssyncadd.s32 @!p0 $0xFFFFF830  }
.LBB2_14:
0x17d: {  	s20 =	smulhi.u32 $0x51EB851F, s14;
	_ =	sdelay $0x1  }
0x17e: {  	s20 =	sshrl.u32 s20, $0x3  }
0x17f: {  	s20 =	sand.u32 $0x1, s20  }
0x180: {  	s0 =	smul.u32 $0x50, s0;
	p0 =	seq.s32 s20, $0x1;
	s20 =	simm.s32 $0x7D0  }
0x181: {  	s20 =	simm.s32 @!p0 $0x0  }
0x182: {  	s0 =	sadd.s32 s0, s20  }
0x183: {  	[tilespmem:s25], [sflag:$0x3] =	stream.indirect.gather [hbm4b:s1+s19], $0x80, s0, s19, $0xb8;
	[tilespmem:$0x1F500] =	vst v63  }
0x184: {  	s26 =	simm.s32 $0x1FE0  }
0x185: {  	[tilespmem:s26], [sflag:$0x3] =	stream.indirect.gather [hbm4b:s6+s19], $0x1, s0, s19, $0xb8;
	[tilespmem:$0x1F500] =	vst v63  }
0x186: {  	p1 =	por $0x0, $0x0;
	s0 =	sadd.s32 $0xFA0, s0  }
0x187: {  	[tilespmem:s28], [sflag:$0x3] =	stream.indirect.gather [hbm4b:s7+s19], $0x1, s0, s19, $0xb8;
	[tilespmem:$0x1F500] =	vst v63  }
.LBB2_15:
0x188: {  	_ =	swait.ge [sflag:s29], $0x2800  }
0x189: {  	[sflag:s29] =	ssyncset.done $0x0  }
0x18a: {  	[sflag:s29] =	ssyncadd.s32 $0xFFFFD800  }
0x18b: {  	_ =	swait.ge [sflag:s29], $0x50  }
0x18c: {  	[sflag:s29] =	ssyncset.done $0x0  }
0x18d: {  	[sflag:s29] =	ssyncadd.s32 $0xFFFFFFB0  }
0x18e: {  	_ =	swait.ge [sflag:s29], $0x50  }
0x18f: {  	[sflag:s29] =	ssyncset.done $0x0  }
0x190: {  	[sflag:s29] =	ssyncadd.s32 $0xFFFFFFB0  }
0x191: {  	v21 =	vld [tilespmem:$0x1F90]  }
0x192: {  	v22 =	vld [tilespmem:$0x2080];
	_ =	sdelay $0x4  }
0x193: {  	v21 =	vadd.f32 v22, v21;
	_ =	sdelay $0x1  }
0x194: {  	v22 =	vmul.f32 $2.000000030e-01, v21  }
0x195: {  	vm0 =	vgt.f32 v21, $0.0e+00  }
0x196: {  	v21 =	vsel vm0, v21, v22  }
0x197: {  	v21 =	vsub.f32 v21, v20;
	_ =	sdelay $0x1  }
0x198: {  	v21 =	vmul.f32 $1.442695020e+00, v21;
	_ =	sdelay $0x1  }
0x199: {  	(erf) = vpow2.f32 v21;
	_ =	sdelay $0x8  }
0x19a: {  	v21 =	vpop (erf)  }
0x19b: {  	[tilespmem:$0xA0B0] =	vst v21  }
0x19c: {  	[tilespmem:v10+s13+$0x0] =	vst.idx.msk $0xffff, v21  }
0x19d: {  	v21 =	vld [tilespmem:$0x1FA0]  }
0x19e: {  	v22 =	vld [tilespmem:$0x2090];
	_ =	sdelay $0x4  }
0x19f: {  	v21 =	vadd.f32 v22, v21;
	_ =	sdelay $0x1  }
0x1a0: {  	v22 =	vmul.f32 $2.000000030e-01, v21  }
0x1a1: {  	vm12 =	vgt.f32 v21, $0.0e+00  }
0x1a2: {  	v21 =	vsel vm12, v21, v22  }
0x1a3: {  	v21 =	vsub.f32 v21, v20;
	_ =	sdelay $0x1  }
0x1a4: {  	v21 =	vmul.f32 $1.442695020e+00, v21;
	_ =	sdelay $0x1  }
0x1a5: {  	(erf) = vpow2.f32 v21;
	_ =	sdelay $0x8  }
0x1a6: {  	v21 =	vpop (erf)  }
0x1a7: {  	[tilespmem:$0xA0C0] =	vst v21  }
0x1a8: {  	[tilespmem:v11+s13+$0x0] =	vst.idx.msk $0xffff, v21  }
0x1a9: {  	v21 =	vld [tilespmem:$0x1FB0]  }
0x1aa: {  	v22 =	vld [tilespmem:$0x20A0];
	_ =	sdelay $0x4  }
0x1ab: {  	v21 =	vadd.f32 v22, v21;
	_ =	sdelay $0x1  }
0x1ac: {  	v22 =	vmul.f32 $2.000000030e-01, v21  }
0x1ad: {  	vm13 =	vgt.f32 v21, $0.0e+00  }
0x1ae: {  	v21 =	vsel vm13, v21, v22  }
0x1af: {  	v21 =	vsub.f32 v21, v20;
	_ =	sdelay $0x1  }
0x1b0: {  	v21 =	vmul.f32 $1.442695020e+00, v21;
	_ =	sdelay $0x1  }
0x1b1: {  	(erf) = vpow2.f32 v21;
	_ =	sdelay $0x8  }
0x1b2: {  	v21 =	vpop (erf)  }
0x1b3: {  	[tilespmem:$0xA0D0] =	vst v21  }
0x1b4: {  	[tilespmem:v12+s13+$0x0] =	vst.idx.msk $0xffff, v21  }
0x1b5: {  	v21 =	vld [tilespmem:$0x1FC0]  }
0x1b6: {  	v22 =	vld [tilespmem:$0x20B0];
	_ =	sdelay $0x4  }
0x1b7: {  	v21 =	vadd.f32 v22, v21;
	_ =	sdelay $0x1  }
0x1b8: {  	v22 =	vmul.f32 $2.000000030e-01, v21  }
0x1b9: {  	vm14 =	vgt.f32 v21, $0.0e+00  }
0x1ba: {  	v21 =	vsel vm14, v21, v22  }
0x1bb: {  	v21 =	vsub.f32 v21, v20;
	_ =	sdelay $0x1  }
0x1bc: {  	v21 =	vmul.f32 $1.442695020e+00, v21;
	_ =	sdelay $0x1  }
0x1bd: {  	(erf) = vpow2.f32 v21;
	_ =	sdelay $0x8  }
0x1be: {  	v21 =	vpop (erf)  }
0x1bf: {  	[tilespmem:$0xA0E0] =	vst v21  }
0x1c0: {  	[tilespmem:v13+s13+$0x0] =	vst.idx.msk $0xffff, v21  }
0x1c1: {  	v21 =	vld [tilespmem:$0x1FD0]  }
0x1c2: {  	v22 =	vld [tilespmem:$0x20C0];
	_ =	sdelay $0x4  }
0x1c3: {  	v21 =	vadd.f32 v22, v21;
	_ =	sdelay $0x1  }
0x1c4: {  	v22 =	vmul.f32 $2.000000030e-01, v21  }
0x1c5: {  	vm15 =	vgt.f32 v21, $0.0e+00  }
0x1c6: {  	v21 =	vsel vm15, v21, v22  }
0x1c7: {  	v21 =	vsub.f32 v21, v20;
	_ =	sdelay $0x1  }
0x1c8: {  	v21 =	vmul.f32 $1.442695020e+00, v21;
	_ =	sdelay $0x1  }
0x1c9: {  	(erf) = vpow2.f32 v21;
	_ =	sdelay $0x3  }
0x1ca: {  	s0 =	simm.s32 $0x0  }
0x1cb: {  	v21 =	vmov s0  }
0x1cc: {  	v21 =	vand.u32 $0xFFFFFFFE, v21  }
0x1cd: {  	v23 =	vbroadcast v21, $0x0;
	_ =	sdelay $0x1  }
0x1ce: {  	v22 =	vpop (erf)  }
0x1cf: {  	[tilespmem:$0xA0F0] =	vst v22  }
0x1d0: {  	s0 =	simm.s32 $0x4A20;
	[tilespmem:v14+s13+$0x0] =	vst.idx.msk $0xffff, v22  }
0x1d1: {  	v22 =	vld [tilespmem:s0+$0xFFFFFF80]  }
0x1d2: {  	v23 =	vld.idx.msk [tilespmem:v23+s12+$0x0], $0xffff  }
0x1d3: {  	v26 =	vld [tilespmem:s0+$0xFFFFFF10]  }
0x1d4: {  	v27 =	vld [tilespmem:s0+$0xFFFFFF30]  }
0x1d5: {  	v25 =	vld [tilespmem:s0+$0xFFFFFF40]  }
0x1d6: {  	v24 =	vld [tilespmem:s0+$0xFFFFFF60]  }
0x1d7: {  	v28 =	vld [tilespmem:s0+$0xFFFFFF70];
	v31 =	vmul.f32 v22, v23  }
0x1d8: {  	v29 =	vld [tilespmem:s0+$0xFFFFFF20];
	v26 =	vmul.f32 v26, v23  }
0x1d9: {  	v30 =	vld [tilespmem:s0+$0xFFFFFF50];
	v27 =	vmul.f32 v27, v23;
	[tilespmem:s0+$0xFFFFFF80] =	vst v31  }
0x1da: {  	v25 =	vmul.f32 v25, v23;
	[tilespmem:s0+$0xFFFFFF10] =	vst v26  }
0x1db: {  	s20 =	simm.s32 $0x1;
	v24 =	vmul.f32 v24, v23;
	[tilespmem:s0+$0xFFFFFF30] =	vst v27  }
0x1dc: {  	v26 =	vmul.f32 v28, v23;
	[tilespmem:s0+$0xFFFFFF40] =	vst v25;
	v27 =	vmov s20  }
0x1dd: {  	v21 =	vld [tilespmem:s0+$0xFFFFFF90];
	v25 =	vmul.f32 v29, v23;
	[tilespmem:s0+$0xFFFFFF60] =	vst v24  }
0x1de: {  	v22 =	vld [tilespmem:s0+$0xFFFFFFA0];
	v24 =	vmul.f32 v30, v23;
	[tilespmem:s0+$0xFFFFFF70] =	vst v26  }
0x1df: {  	v23 =	vld [tilespmem:s0+$0xFFFFFFF0];
	[tilespmem:s0+$0xFFFFFF20] =	vst v25  }
0x1e0: {  	[tilespmem:s0+$0xFFFFFF50] =	vst v24;
	v25 =	vld [tilespmem:s0+$0xFFFFFFB0]  }
0x1e1: {  	s21 =	simm.s32 $0x4A20;
	s20 =	simm.s32 $0x3;
	v24 =	vld.idx.msk [tilespmem:v27+s12+$0x0], $0xffff  }
.LBB2_16:
0x1e2: {  	p0 =	sne.s32 s20, $0x4F  }
0x1e3: {  	v26 =	vld [tilespmem:s0+$0xFFFFFFE0];
	s21 =	sadd.s32 $0x100, s21;
	s23 =	smov.u32 s20;
	s20 =	sadd.s32 $0x2, s20  }
0x1e4: {  	v27 =	vld [tilespmem:s0+$0xFFFFFFC0]  }
0x1e5: {  	v28 =	vld [tilespmem:s0+$0xFFFFFFD0]  }
0x1e6: {  	v29 =	vld [tilespmem:s0+$0x0];
	_ =	sdelay $0x1  }
0x1e7: {  	v21 =	vmul.f32 v21, v24;
	v22 =	vmul.f32 v22, v24  }
0x1e8: {  	s24 =	sadd.s32 $0xFFFFFFFF, s23;
	v25 =	vmul.f32 v25, v24;
	v27 =	vmul.f32 v27, v24  }
0x1e9: {  	v30 =	vmov s24;
	v26 =	vmul.f32 v26, v24;
	[tilespmem:s0+$0xFFFFFF90] =	vst v21;
	v28 =	vmul.f32 v28, v24  }
0x1ea: {  	v30 =	vand.u32 $0xFFFFFFFE, v30;
	v23 =	vmul.f32 v23, v24;
	v21 =	vld [tilespmem:s21+$0xFFFFFF90];
	[tilespmem:s0+$0xFFFFFFB0] =	vst v25;
	v24 =	vmul.f32 v29, v24  }
0x1eb: {  	v25 =	vbroadcast v30, $0x0;
	[tilespmem:s0+$0xFFFFFFA0] =	vst v22  }
0x1ec: {  	[tilespmem:s0+$0xFFFFFFC0] =	vst v27  }
0x1ed: {  	v27 =	vld [tilespmem:s21+$0xFFFFFF60];
	[tilespmem:s0+$0x0] =	vst v24  }
0x1ee: {  	v24 =	vld [tilespmem:s21+$0xFFFFFF40];
	[tilespmem:s0+$0xFFFFFFE0] =	vst v26  }
0x1ef: {  	v26 =	vld [tilespmem:s21+$0xFFFFFF70];
	[tilespmem:s0+$0xFFFFFFF0] =	vst v23  }
0x1f0: {  	v23 =	vld [tilespmem:s21+$0xFFFFFF80];
	[tilespmem:s0+$0xFFFFFFD0] =	vst v28;
	s0 =	smov.u32 s21  }
0x1f1: {  	v25 =	vld.idx.msk [tilespmem:v25+s12+$0x0], $0xffff  }
0x1f2: {  	v28 =	vld [tilespmem:s21+$0xFFFFFF10]  }
0x1f3: {  	v29 =	vld [tilespmem:s21+$0xFFFFFF30]  }
0x1f4: {  	v30 =	vld [tilespmem:s21+$0xFFFFFF20]  }
0x1f5: {  	v31 =	vld [tilespmem:s21+$0xFFFFFF50]  }
0x1f6: {  	v22 =	vld [tilespmem:s21+$0xFFFFFFA0]  }
0x1f7: {  	v23 =	vmul.f32 v23, v25;
	v28 =	vmul.f32 v28, v25  }
0x1f8: {  	v26 =	vmul.f32 v26, v25;
	v29 =	vmul.f32 v29, v25  }
0x1f9: {  	v24 =	vmul.f32 v24, v25;
	v30 =	vmul.f32 v30, v25;
	[tilespmem:s21+$0xFFFFFF80] =	vst v23  }
0x1fa: {  	v23 =	vmul.f32 v27, v25;
	[tilespmem:s21+$0xFFFFFF10] =	vst v28;
	v28 =	vmul.f32 v31, v25  }
0x1fb: {  	[tilespmem:s21+$0xFFFFFF30] =	vst v29  }
0x1fc: {  	[tilespmem:s21+$0xFFFFFF40] =	vst v24;
	v24 =	vmov s23  }
.Ltmp12:
0x1fd: {  	[tilespmem:s21+$0xFFFFFF60] =	vst v23;
	(pc) =	sbr.rel @p0 .LBB2_16-.Ltmp12, $4  }
0x1fe: {  	[tilespmem:s21+$0xFFFFFF70] =	vst v26  }
0x1ff: {  	[tilespmem:s21+$0xFFFFFF20] =	vst v30;
	v23 =	vld [tilespmem:s21+$0xFFFFFFF0]  }
0x200: {  	[tilespmem:s21+$0xFFFFFF50] =	vst v28;
	v25 =	vld [tilespmem:s21+$0xFFFFFFB0]  }
0x201: {  	v24 =	vld.idx.msk [tilespmem:v24+s12+$0x0], $0xffff  }
0x202: {  	_ =	sdelay $0x1  }
0x203: {  	s20 =	sadd.s32 $0x1, s8;
	v27 =	vld [tilespmem:s0+$0x0]  }
0x204: {  	v26 =	vld [tilespmem:s0+$0xFFFFFFC0];
	s21 =	smulhi.u32 $0x51EB851F, s20  }
0x205: {  	v28 =	vld [tilespmem:s0+$0xFFFFFFE0];
	v21 =	vmul.f32 v21, v24  }
0x206: {  	s21 =	sshrl.u32 s21, $0x3;
	v25 =	vmul.f32 v25, v24  }
0x207: {  	v29 =	vld [tilespmem:s0+$0xFFFFFFD0];
	v22 =	vmul.f32 v22, v24;
	s23 =	smul.u32 $0x19, s21;
	[tilespmem:s0+$0xFFFFFF90] =	vst v21  }
0x208: {  	v63 =	vmul.f32 v27, v24;
	[tilespmem:s0+$0xFFFFFFB0] =	vst v25  }
0x209: {  	v21 =	vmul.f32 v26, v24;
	[tilespmem:s0+$0xFFFFFFA0] =	vst v22;
	s20 =	ssub.s32 s20, s23  }
0x20a: {  	s26 =	sand.u32 $0x1, s21;
	v22 =	vmul.f32 v28, v24;
	s24 =	smul.u32 $0x140, s20;
	[tilespmem:s0+$0x0] =	vst v63  }
0x20b: {  	p0 =	seq.s32 s26, $0x1;
	s23 =	simm.s32 $0x7D0;
	[tilespmem:s0+$0xFFFFFFC0] =	vst v21;
	v21 =	vmul.f32 v23, v24  }
0x20c: {  	s23 =	simm.s32 @!p0 $0x0;
	p0 =	sgt.u32 s15, $0x20;
	v23 =	vmul.f32 v29, v24;
	[tilespmem:s0+$0xFFFFFFE0] =	vst v22;
	s24 =	sshrl.u32 s24, $0x2  }
0x20d: {  	p3 =	sne.s32 @!p0 s20, $0x0;
	s23 =	sadd.s32 s24, s23;
	[tilespmem:s0+$0xFFFFFFF0] =	vst v21  }
0x20e: {  	p2 =	por p3, p0;
	[tilespmem:s0+$0xFFFFFFD0] =	vst v23;
	s26 =	sadd.s32 $0xFA0, s23  }
0x20f: {  	[spmem:s2] =	stream.indirect.scatter.add.f32 [tilespmem:s22], [sflag:$0x5], $0x80, s26, s19, $0xb8;
	[tilespmem:$0x1F500] =	vst v63  }
0x210: {  	s0 =	sadd.s32 @!p2 $0x1, s21  }
0x211: {  	[spmem:s4] =	stream.indirect.scatter.add.f32 [tilespmem:s30], [sflag:$0x5], $0x8, s26, s19, $0xb8;
	[tilespmem:$0x1F500] =	vst v63  }
0x212: {  	s20 =	smul.u32 @!p2 $0x19, s0;
	s0 =	sand.u32 @!p2 $0x1, s0;
	_ =	swait.ge [sflag:s17], $0x2800  }
0x213: {  	s23 =	simm.s32 @!p2 $0x0;
	p4 =	seq.s32 @!p2 s0, $0x1;
	[sflag:s17] =	ssyncset.done $0x0  }
0x214: {  	s20 =	sadd.s32 @!p2 s11, s20;
	p3 =	por @!p0 !p4, p3;
	[sflag:s17] =	ssyncadd.s32 $0xFFFFD800  }
0x215: {  	s0 =	smul.u32 @!p2 $0xA, s20;
	s20 =	simm.s32 @!p2 $0x7D0;
	_ =	swait.ge [sflag:s17], $0x280  }
.Ltmp13:
0x216: {  	p3 =	por !p3, p0;
	[sflag:s17] =	ssyncset.done $0x0;
	(pc) =	sbr.rel @p1 .LBB2_21-.Ltmp13, $4  }
0x217: {  	s20 =	simm.s32 @!p3 $0x0;
	s21 =	sadd.s32 @!p2 s9, s0;
	[sflag:s17] =	ssyncadd.s32 $0xFFFFFD80  }
0x218: {  	[tilespmem:s20], [sflag:$0x7] =	stream.linear.gather @!p2 [hbm4b:s21+s23], $0x7D0, $0x38;
	[tilespmem:$0x1F500] =	vst v63  }
0x219: {  	s0 =	sadd.s32 @!p2 s10, s0;
	s20 =	sadd.s32 @!p2 $0xFA0, s20  }
0x21a: {  	[tilespmem:s20], [sflag:$0x8] =	stream.linear.gather @!p2 [hbm4b:s0+s23], $0x7D0, $0x38;
	[tilespmem:$0x1F500] =	vst v63  }
0x21b: {  	s0 =	sadd.s32 $0x3, s8  }
0x21c: {  	s20 =	smulhi.u32 $0x51EB851F, s0;
	_ =	sdelay $0x1  }
0x21d: {  	s20 =	sshrl.u32 s20, $0x3  }
0x21e: {  	s21 =	smul.u32 $0x19, s20;
	_ =	sdelay $0x1  }
0x21f: {  	s0 =	ssub.s32 s0, s21  }
0x220: {  	p1 =	sne.s32 s0, $0x0  }
0x221: {  	s21 =	simm.s32 @!p1 $0x7  }
0x222: {  	_ =	swait.ge @!p1 [sflag:s21], $0x7D0  }
0x223: {  	s20 =	sand.u32 $0x1, s20;
	[sflag:s21] =	ssyncset.done @!p1 $0x0  }
0x224: {  	p2 =	seq.s32 s20, $0x1;
	[sflag:s21] =	ssyncadd.s32 @!p1 $0xFFFFF830;
	s21 =	simm.s32 @!p1 $0x8  }
0x225: {  	s20 =	simm.s32 $0x7D0;
	s0 =	smul.u32 $0x50, s0;
	_ =	swait.ge @!p1 [sflag:s21], $0x7D0  }
0x226: {  	s20 =	simm.s32 @!p2 $0x0;
	[sflag:s21] =	ssyncset.done @!p1 $0x0  }
0x227: {  	s0 =	sadd.s32 s0, s20;
	[sflag:s21] =	ssyncadd.s32 @!p1 $0xFFFFF830  }
0x228: {  	[tilespmem:s16], [sflag:$0x1] =	stream.indirect.gather [hbm4b:s1+s19], $0x80, s0, s19, $0xb8;
	[tilespmem:$0x1F500] =	vst v63  }
0x229: {  	s23 =	simm.s32 $0x1F40  }
0x22a: {  	[tilespmem:s23], [sflag:$0x1] =	stream.indirect.gather [hbm4b:s6+s19], $0x1, s0, s19, $0xb8;
	[tilespmem:$0x1F500] =	vst v63  }
0x22b: {  	s24 =	simm.s32 $0x2030;
	s0 =	sadd.s32 $0xFA0, s0  }
0x22c: {  	[tilespmem:s24], [sflag:$0x1] =	stream.indirect.gather [hbm4b:s7+s19], $0x1, s0, s19, $0xb8;
	[tilespmem:$0x1F500] =	vst v63  }
0x22d: {  	_ =	swait.ge [sflag:s31], $0x2800  }
0x22e: {  	[sflag:s31] =	ssyncset.done $0x0  }
0x22f: {  	[sflag:s31] =	ssyncadd.s32 $0xFFFFD800  }
0x230: {  	_ =	swait.ge [sflag:s31], $0x50  }
0x231: {  	[sflag:s31] =	ssyncset.done $0x0  }
0x232: {  	[sflag:s31] =	ssyncadd.s32 $0xFFFFFFB0  }
0x233: {  	_ =	swait.ge [sflag:s31], $0x50  }
0x234: {  	[sflag:s31] =	ssyncset.done $0x0  }
0x235: {  	[sflag:s31] =	ssyncadd.s32 $0xFFFFFFB0  }
0x236: {  	v21 =	vld [tilespmem:$0x1FE0]  }
0x237: {  	v22 =	vld [tilespmem:$0x20D0];
	_ =	sdelay $0x4  }
0x238: {  	v21 =	vadd.f32 v22, v21;
	_ =	sdelay $0x1  }
0x239: {  	v22 =	vmul.f32 $2.000000030e-01, v21  }
0x23a: {  	vm0 =	vgt.f32 v21, $0.0e+00  }
0x23b: {  	v21 =	vsel vm0, v21, v22  }
0x23c: {  	v21 =	vsub.f32 v21, v20;
	_ =	sdelay $0x1  }
0x23d: {  	v21 =	vmul.f32 $1.442695020e+00, v21;
	_ =	sdelay $0x1  }
0x23e: {  	(erf) = vpow2.f32 v21;
	_ =	sdelay $0x8  }
0x23f: {  	v21 =	vpop (erf)  }
0x240: {  	[tilespmem:$0xA0B0] =	vst v21  }
0x241: {  	[tilespmem:v15+s13+$0x0] =	vst.idx.msk $0xffff, v21  }
0x242: {  	v21 =	vld [tilespmem:$0x1FF0]  }
0x243: {  	v22 =	vld [tilespmem:$0x20E0];
	_ =	sdelay $0x4  }
0x244: {  	v21 =	vadd.f32 v22, v21;
	_ =	sdelay $0x1  }
0x245: {  	v22 =	vmul.f32 $2.000000030e-01, v21  }
0x246: {  	vm12 =	vgt.f32 v21, $0.0e+00  }
0x247: {  	v21 =	vsel vm12, v21, v22  }
0x248: {  	v21 =	vsub.f32 v21, v20;
	_ =	sdelay $0x1  }
0x249: {  	v21 =	vmul.f32 $1.442695020e+00, v21;
	_ =	sdelay $0x1  }
0x24a: {  	(erf) = vpow2.f32 v21;
	_ =	sdelay $0x8  }
0x24b: {  	v21 =	vpop (erf)  }
0x24c: {  	[tilespmem:$0xA0C0] =	vst v21  }
0x24d: {  	[tilespmem:v16+s13+$0x0] =	vst.idx.msk $0xffff, v21  }
0x24e: {  	v21 =	vld [tilespmem:$0x2000]  }
0x24f: {  	v22 =	vld [tilespmem:$0x20F0];
	_ =	sdelay $0x4  }
0x250: {  	v21 =	vadd.f32 v22, v21;
	_ =	sdelay $0x1  }
0x251: {  	v22 =	vmul.f32 $2.000000030e-01, v21  }
0x252: {  	vm13 =	vgt.f32 v21, $0.0e+00  }
0x253: {  	v21 =	vsel vm13, v21, v22  }
0x254: {  	v21 =	vsub.f32 v21, v20;
	_ =	sdelay $0x1  }
0x255: {  	v21 =	vmul.f32 $1.442695020e+00, v21;
	_ =	sdelay $0x1  }
0x256: {  	(erf) = vpow2.f32 v21;
	_ =	sdelay $0x8  }
0x257: {  	v21 =	vpop (erf)  }
0x258: {  	[tilespmem:$0xA0D0] =	vst v21  }
0x259: {  	[tilespmem:v17+s13+$0x0] =	vst.idx.msk $0xffff, v21  }
0x25a: {  	v21 =	vld [tilespmem:$0x2010]  }
0x25b: {  	v22 =	vld [tilespmem:$0x2100];
	_ =	sdelay $0x4  }
0x25c: {  	v21 =	vadd.f32 v22, v21;
	_ =	sdelay $0x1  }
0x25d: {  	v22 =	vmul.f32 $2.000000030e-01, v21  }
0x25e: {  	vm14 =	vgt.f32 v21, $0.0e+00  }
0x25f: {  	v21 =	vsel vm14, v21, v22  }
0x260: {  	v21 =	vsub.f32 v21, v20;
	_ =	sdelay $0x1  }
0x261: {  	v21 =	vmul.f32 $1.442695020e+00, v21;
	_ =	sdelay $0x1  }
0x262: {  	(erf) = vpow2.f32 v21;
	_ =	sdelay $0x8  }
0x263: {  	v21 =	vpop (erf)  }
0x264: {  	[tilespmem:$0xA0E0] =	vst v21  }
0x265: {  	[tilespmem:v18+s13+$0x0] =	vst.idx.msk $0xffff, v21  }
0x266: {  	v21 =	vld [tilespmem:$0x2020]  }
0x267: {  	v22 =	vld [tilespmem:$0x2110];
	_ =	sdelay $0x4  }
0x268: {  	v21 =	vadd.f32 v22, v21;
	_ =	sdelay $0x1  }
0x269: {  	v22 =	vmul.f32 $2.000000030e-01, v21  }
0x26a: {  	vm15 =	vgt.f32 v21, $0.0e+00  }
0x26b: {  	v21 =	vsel vm15, v21, v22  }
0x26c: {  	v21 =	vsub.f32 v21, v20;
	_ =	sdelay $0x1  }
0x26d: {  	v21 =	vmul.f32 $1.442695020e+00, v21;
	_ =	sdelay $0x1  }
0x26e: {  	(erf) = vpow2.f32 v21;
	_ =	sdelay $0x6  }
0x26f: {  	s26 =	simm.s32 $0x0  }
0x270: {  	v21 =	vmov s26  }
0x271: {  	v21 =	vand.u32 $0xFFFFFFFE, v21;
	v22 =	vpop (erf)  }
0x272: {  	v21 =	vbroadcast v21, $0x0;
	[tilespmem:$0xA0F0] =	vst v22  }
0x273: {  	s0 =	simm.s32 $0x0;
	[tilespmem:v19+s13+$0x0] =	vst.idx.msk $0xffff, v22  }
0x274: {  	v22 =	vld [tilespmem:s0+$0x7170]  }
0x275: {  	v25 =	vld [tilespmem:s0+$0x71A0]  }
0x276: {  	v23 =	vld [tilespmem:s0+$0x7160]  }
0x277: {  	v24 =	vld [tilespmem:s0+$0x7150]  }
0x278: {  	v27 =	vld.idx.msk [tilespmem:v21+s12+$0x0], $0xffff  }
0x279: {  	v21 =	vld [tilespmem:s0+$0x7140]  }
0x27a: {  	v26 =	vld [tilespmem:s0+$0x7130]  }
0x27b: {  	v29 =	vld [tilespmem:s0+$0x7190]  }
0x27c: {  	v28 =	vld [tilespmem:s0+$0x7180];
	_ =	sdelay $0x1  }
0x27d: {  	v30 =	vmul.f32 v21, v27;
	v21 =	vmul.f32 v24, v27  }
0x27e: {  	v24 =	vmul.f32 v26, v27;
	v23 =	vmul.f32 v23, v27  }
0x27f: {  	v22 =	vmul.f32 v22, v27;
	v26 =	vmul.f32 v29, v27;
	[tilespmem:s0+$0x7150] =	vst v21  }
0x280: {  	s20 =	simm.s32 $0x1;
	s21 =	simm.s32 $0x1;
	s23 =	simm.s32 $0x400;
	v25 =	vmul.f32 v25, v27;
	v21 =	vmul.f32 v28, v27;
	[tilespmem:s0+$0x7140] =	vst v30  }
.LBB2_19:
0x281: {  	p1 =	sne.s32 s23, $0x9C00  }
0x282: {  	[tilespmem:s0+$0x7130] =	vst v24;
	s20 =	sadd.s32 $0x2, s20;
	s24 =	smov.u32 s23;
	s23 =	sadd.s32 $0x400, s23  }
0x283: {  	[tilespmem:s0+$0x7160] =	vst v23;
	v23 =	vmov s21;
	s21 =	smov.u32 s20  }
0x284: {  	[tilespmem:s0+$0x7190] =	vst v26;
	v24 =	vld [tilespmem:s0+$0x71E0]  }
0x285: {  	[tilespmem:s0+$0x71A0] =	vst v25;
	v25 =	vld [tilespmem:s0+$0x7200]  }
0x286: {  	[tilespmem:s0+$0x7170] =	vst v22;
	v22 =	vld [tilespmem:s0+$0x7220]  }
0x287: {  	[tilespmem:s0+$0x7180] =	vst v21;
	v21 =	vld [tilespmem:s0+$0x71B0]  }
0x288: {  	s26 =	sadd.s32 $0xFFFFFFFF, s20;
	v23 =	vld.idx.msk [tilespmem:v23+s12+$0x0], $0xffff  }
0x289: {  	v26 =	vmov s26;
	v27 =	vld [tilespmem:s0+$0x71D0]  }
0x28a: {  	v26 =	vand.u32 $0xFFFFFFFE, v26;
	v28 =	vld [tilespmem:s0+$0x7210]  }
0x28b: {  	v26 =	vbroadcast v26, $0x0;
	v29 =	vld [tilespmem:s0+$0x71C0]  }
0x28c: {  	v30 =	vld [tilespmem:s0+$0x71F0];
	_ =	sdelay $0x1  }
0x28d: {  	v21 =	vmul.f32 v21, v23;
	v22 =	vmul.f32 v22, v23  }
0x28e: {  	v25 =	vmul.f32 v25, v23;
	v27 =	vmul.f32 v27, v23  }
0x28f: {  	v28 =	vmul.f32 v28, v23;
	v29 =	vmul.f32 v29, v23;
	[tilespmem:s0+$0x7220] =	vst v22  }
0x290: {  	s24 =	sshra.s32 s24, $0x2;
	[tilespmem:s0+$0x71B0] =	vst v21;
	v21 =	vmul.f32 v24, v23;
	v22 =	vmul.f32 v30, v23  }
0x291: {  	v30 =	vld [tilespmem:s24+$0x7170];
	[tilespmem:s0+$0x7200] =	vst v25  }
0x292: {  	[tilespmem:s0+$0x71D0] =	vst v27  }
0x293: {  	[tilespmem:s0+$0x71E0] =	vst v21  }
0x294: {  	v25 =	vld [tilespmem:s24+$0x71A0];
	[tilespmem:s0+$0x71F0] =	vst v22  }
0x295: {  	v21 =	vld [tilespmem:s24+$0x7160];
	[tilespmem:s0+$0x7210] =	vst v28  }
0x296: {  	v22 =	vld [tilespmem:s24+$0x7150];
	[tilespmem:s0+$0x71C0] =	vst v29;
	s0 =	smov.u32 s24  }
0x297: {  	v27 =	vld.idx.msk [tilespmem:v26+s12+$0x0], $0xffff  }
0x298: {  	v23 =	vld [tilespmem:s0+$0x7140]  }
0x299: {  	v24 =	vld [tilespmem:s0+$0x7130]  }
0x29a: {  	v26 =	vld [tilespmem:s0+$0x7180]  }
0x29b: {  	v28 =	vld [tilespmem:s0+$0x7190]  }
.Ltmp14:
0x29c: {  	(pc) =	sbr.rel @p1 .LBB2_19-.Ltmp14, $4  }
0x29d: {  	v22 =	vmul.f32 v22, v27;
	v29 =	vmul.f32 v23, v27  }
0x29e: {  	v23 =	vmul.f32 v21, v27;
	v24 =	vmul.f32 v24, v27  }
0x29f: {  	[tilespmem:s0+$0x7150] =	vst v22;
	v22 =	vmul.f32 v30, v27;
	v21 =	vmul.f32 v26, v27  }
0x2a0: {  	v25 =	vmul.f32 v25, v27;
	[tilespmem:s0+$0x7140] =	vst v29;
	v26 =	vmul.f32 v28, v27  }
0x2a1: {  	[tilespmem:s0+$0x7130] =	vst v24  }
0x2a2: {  	[tilespmem:s0+$0x7160] =	vst v23;
	v59 =	vmov s21  }
0x2a3: {  	[tilespmem:s0+$0x7170] =	vst v22  }
0x2a4: {  	[tilespmem:s0+$0x7180] =	vst v21  }
0x2a5: {  	[tilespmem:s0+$0x7190] =	vst v26  }
0x2a6: {  	v22 =	vld [tilespmem:s0+$0x7220];
	[tilespmem:s0+$0x71A0] =	vst v25  }
0x2a7: {  	v21 =	vld.idx.msk [tilespmem:v59+s12+$0x0], $0xffff  }
0x2a8: {  	v61 =	vld [tilespmem:s0+$0x71B0]  }
0x2a9: {  	v60 =	vld [tilespmem:s0+$0x7200]  }
0x2aa: {  	v23 =	vld [tilespmem:s0+$0x71E0]  }
0x2ab: {  	v62 =	vld [tilespmem:s0+$0x71D0];
	s20 =	smulhi.u32 $0x51EB851F, s14  }
0x2ac: {  	v28 =	vld [tilespmem:s0+$0x71F0];
	v22 =	vmul.f32 v22, v21  }
0x2ad: {  	v27 =	vld [tilespmem:s0+$0x7210];
	s20 =	sshrl.u32 s20, $0x3;
	v24 =	vmul.f32 v61, v21  }
0x2ae: {  	v29 =	vld [tilespmem:s0+$0x71C0];
	s24 =	smul.u32 $0x19, s20;
	v25 =	vmul.f32 v60, v21;
	[tilespmem:s0+$0x7220] =	vst v22  }
0x2af: {  	v23 =	vmul.f32 v23, v21;
	[tilespmem:s0+$0x71B0] =	vst v24  }
0x2b0: {  	s14 =	ssub.s32 s14, s24;
	v22 =	vmul.f32 v62, v21;
	[tilespmem:s0+$0x7200] =	vst v25  }
0x2b1: {  	s26 =	sand.u32 $0x1, s20;
	s23 =	smul.u32 $0x140, s14;
	v63 =	vmul.f32 v28, v21;
	[tilespmem:s0+$0x71E0] =	vst v23  }
0x2b2: {  	s21 =	simm.s32 $0x7D0;
	p1 =	seq.s32 s26, $0x1;
	[tilespmem:s0+$0x71D0] =	vst v22;
	v22 =	vmul.f32 v27, v21  }
0x2b3: {  	s21 =	simm.s32 @!p1 $0x0;
	s23 =	sshrl.u32 s23, $0x2;
	[tilespmem:s0+$0x71F0] =	vst v63;
	v21 =	vmul.f32 v29, v21  }
0x2b4: {  	p2 =	sne.s32 @!p0 s14, $0x0;
	s21 =	sadd.s32 s23, s21;
	[tilespmem:s0+$0x7210] =	vst v22  }
0x2b5: {  	s8 =	sadd.s32 $0x4, s8;
	p1 =	por p2, p0;
	s21 =	sadd.s32 $0xFA0, s21;
	[tilespmem:s0+$0x71C0] =	vst v21  }
0x2b6: {  	[spmem:s2] =	stream.indirect.scatter.add.f32 [tilespmem:s25], [sflag:$0x6], $0x80, s21, s19, $0xb8;
	[tilespmem:$0x1F500] =	vst v63  }
0x2b7: {  	s24 =	smulhi.u32 $0x51EB851F, s8;
	s23 =	simm.s32 $0x9E30;
	s0 =	sadd.s32 @!p1 $0x1, s20  }
0x2b8: {  	[spmem:s4] =	stream.indirect.scatter.add.f32 [tilespmem:s23], [sflag:$0x6], $0x8, s21, s19, $0xb8;
	[tilespmem:$0x1F500] =	vst v63  }
0x2b9: {  	s14 =	smul.u32 @!p1 $0x19, s0;
	s0 =	sand.u32 @!p1 $0x1, s0;
	_ =	swait.ge [sflag:s18], $0x2800  }
0x2ba: {  	s26 =	sshrl.u32 s24, $0x3;
	p3 =	seq.s32 @!p1 s0, $0x1;
	[sflag:s18] =	ssyncset.done $0x0  }
0x2bb: {  	s0 =	sadd.s32 @!p1 s11, s14;
	p2 =	por @!p0 !p3, p2;
	[sflag:s18] =	ssyncadd.s32 $0xFFFFD800  }
0x2bc: {  	s14 =	simm.s32 @!p1 $0x7D0;
	s0 =	smul.u32 @!p1 $0xA, s0;
	_ =	swait.ge [sflag:s18], $0x280  }
0x2bd: {  	s21 =	simm.s32 @!p1 $0x0;
	p0 =	por !p2, p0;
	[sflag:s18] =	ssyncset.done $0x0  }
0x2be: {  	s14 =	simm.s32 @!p0 $0x0;
	s20 =	sadd.s32 @!p1 s9, s0;
	[sflag:s18] =	ssyncadd.s32 $0xFFFFFD80  }
0x2bf: {  	[tilespmem:s14], [sflag:$0x7] =	stream.linear.gather @!p1 [hbm4b:s20+s21], $0x7D0, $0x38;
	[tilespmem:$0x1F500] =	vst v63  }
0x2c0: {  	s23 =	smul.u32 $0x19, s26;
	s0 =	sadd.s32 @!p1 s10, s0;
	s14 =	sadd.s32 @!p1 $0xFA0, s14  }
0x2c1: {  	[tilespmem:s14], [sflag:$0x8] =	stream.linear.gather @!p1 [hbm4b:s0+s21], $0x7D0, $0x38;
	[tilespmem:$0x1F500] =	vst v63  }
0x2c2: {  	s21 =	ssub.s32 s8, s23  }
0x2c3: {  	p0 =	sne.s32 s21, $0x0  }
0x2c4: {  	s8 =	simm.s32 @!p0 $0x7  }
0x2c5: {  	_ =	swait.ge @!p0 [sflag:s8], $0x7D0  }
0x2c6: {  	s23 =	sand.u32 $0x1, s26;
	[sflag:s8] =	ssyncset.done @!p0 $0x0  }
0x2c7: {  	s14 =	simm.s32 $0x7D0;
	[sflag:s8] =	ssyncadd.s32 @!p0 $0xFFFFF830;
	s8 =	simm.s32 @!p0 $0x8  }
0x2c8: {  	p1 =	seq.s32 s23, $0x1;
	s0 =	smul.u32 $0x50, s21;
	_ =	swait.ge @!p0 [sflag:s8], $0x7D0  }
0x2c9: {  	s14 =	simm.s32 @!p1 $0x0;
	[sflag:s8] =	ssyncset.done @!p0 $0x0  }
0x2ca: {  	s0 =	sadd.s32 s0, s14;
	[sflag:s8] =	ssyncadd.s32 @!p0 $0xFFFFF830  }
0x2cb: {  	[tilespmem:s22], [sflag:$0x2] =	stream.indirect.gather [hbm4b:s1+s19], $0x80, s0, s19, $0xb8;
	[tilespmem:$0x1F500] =	vst v63  }
.Ltmp15:
0x2cc: {  	_ = 	snop;
	(pc) =	sbr.rel .LBB2_21-.Ltmp15, $4  }
0x2cd: {  	s24 =	simm.s32 $0x1F90  }
0x2ce: {  	[tilespmem:s24], [sflag:$0x2] =	stream.indirect.gather [hbm4b:s6+s19], $0x1, s0, s19, $0xb8;
	[tilespmem:$0x1F500] =	vst v63  }
0x2cf: {  	s26 =	simm.s32 $0x2080;
	s0 =	sadd.s32 $0xFA0, s0  }
0x2d0: {  	[tilespmem:s26], [sflag:$0x2] =	stream.indirect.gather [hbm4b:s7+s19], $0x1, s0, s19, $0xb8;
	[tilespmem:$0x1F500] =	vst v63  }
.LBB2_23:
0x2d1: {  	_ =	sfence.sel $0x180000  }
0x2d2: {  	[bflag:$0x0] =	sbarrier.arrive $0xFFFF  }
0x2d3: {  	_ =	strace $0x90000047  }
0x2d4: {  	s0 =	stileid.u32;
	[bflag:$0x2] =	sbarrier.arrive $0xFFFF  }
0x2d5: {  	p0 =	sne.s32 s0, $0x0;
	s0 =	rddreg [dreg:$0x4]  }
0x2d6: {  	s0 =	sadd.s32 @!p0 $0x100000, s0  }
0x2d7: {  	[sflag:s0] =	ssyncadd.tile.s32 @!p0 $0x1;
	_ =	shalt  }
.Lfunc_end2:
_tile_overlayer_lowered:
.L_overlay_start_2:
0x2d8: {  	(tag) =	ssettag $0x2  }
0x2d9: {  	s0 =	rddreg [dreg:$0x0];
	s2 =	stileid.u32  }
0x2da: {  	s1 =	rddreg [dreg:$0x1];
	p0 =	sne.s32 s2, $0x0  }
0x2db: {  	s3 =	rddreg [dreg:$0x2];
	[bflag:$0x3] =	sbarrier.arrive $0xFFFF;
	s2 =	simm.s32 @!p0 $0x1C09  }
0x2dc: {  	[timem:s3], [sflag:s2] =	dma.local @!p0 [hbm:s0], s1  }
0x2dd: {  	s0 =	simm.s32 @!p0 $0x9  }
0x2de: {  	_ =	swait.ge @!p0 [sflag:s0], s1  }
0x2df: {  	s1 =	ssub.s32 @!p0 $0x0, s1;
	[sflag:s0] =	ssyncset.done @!p0 $0x0  }
0x2e0: {  	[sflag:s0] =	ssyncadd.s32 @!p0 s1  }
0x2e1: {  	[bflag:$0x3] =	sbarrier.arrive $0xFFFF  }
0x2e2: {  	_ =	shalt  }

</sc_bundles>
